<compile_context>
chip_gen: v7x
topology: tpu7x:2x2x1
jax: 0.10.2.dev20260603
libtpu: 0.0.44.dev20260713+nightly
codegen_flags: <defaults>
</compile_context>

<pallas_src>
import functools

import jax
import jax.numpy as jnp
from jax import lax
from jax.experimental import pallas as pl
from jax.experimental.pallas import tpu as pltpu
from jax.experimental.pallas import tpu_sc as plsc

S = 2048
H = 1024
E = 8
K = 2
CAP = 768
THRESH = 0.5
SB = 256
NS = 16
LANES = 16
TPB = S // NS
BIG = 1 << 20



KC = 256


def _cdot(a, b):
    nk = a.shape[1] // KC
    acc = jnp.dot(a[:, :KC], b[:KC, :], preferred_element_type=jnp.float32)
    for k in range(1, nk):
        acc = acc + jnp.dot(a[:, k * KC:(k + 1) * KC],
                            b[k * KC:(k + 1) * KC, :],
                            preferred_element_type=jnp.float32)
    return acc


def _tc1_body(h_ref, rw1_ref, rb1_ref, rw2_ref, rb2_ref,
              iw1_ref, ib1_ref, iw2_ref, ib2_ref,
              probs_ref, imp_ref, psum_ref, acc_ref):
    i = pl.program_id(0)
    nsteps = pl.num_programs(0)

    @pl.when(i == 0)
    def _init():
        acc_ref[...] = jnp.zeros_like(acc_ref)

    h = h_ref[...]
    rh = jnp.maximum(_cdot(h, rw1_ref[...]) + rb1_ref[...], 0.0)
    logits = _cdot(rh, rw2_ref[...]) + rb2_ref[...]
    m = jnp.max(logits, axis=1, keepdims=True)
    ex = jnp.exp(logits - m)
    probs = ex / jnp.sum(ex, axis=1, keepdims=True)
    probs_ref[...] = probs

    ih = jnp.maximum(_cdot(h, iw1_ref[...]) + ib1_ref[...], 0.0)
    il = _cdot(ih, iw2_ref[...]) + ib2_ref[...]
    imp_ref[...] = jax.nn.sigmoid(il)

    acc_ref[...] = acc_ref[...] + jnp.sum(probs, axis=0, keepdims=True)

    @pl.when(i == nsteps - 1)
    def _fin():
        psum_ref[...] = acc_ref[...]


def _run_tc1(h2, r_w1, r_b1, r_w2, r_b2, imp_w1, imp_b1, imp_w2, imp_b2):
    n = h2.shape[0]
    grid = n // SB
    full = lambda *shape: pl.BlockSpec(shape, lambda i: (0,) * len(shape))
    return pl.pallas_call(
        _tc1_body,
        grid=(grid,),
        in_specs=[
            pl.BlockSpec((SB, H), lambda i: (i, 0)),
            full(H, H), full(1, H), full(H, E), full(1, E),
            full(H, H // 2), full(1, H // 2), full(H // 2, 1), full(1, 1),
        ],
        out_specs=[
            pl.BlockSpec((SB, E), lambda i: (i, 0)),
            pl.BlockSpec((SB, 1), lambda i: (i, 0)),
            pl.BlockSpec((1, E), lambda i: (0, 0)),
        ],
        out_shape=(
            jax.ShapeDtypeStruct((n, E), jnp.float32),
            jax.ShapeDtypeStruct((n, 1), jnp.float32),
            jax.ShapeDtypeStruct((1, E), jnp.float32),
        ),
        scratch_shapes=[pltpu.VMEM((1, E), jnp.float32)],
    )(h2, r_w1, r_b1.reshape(1, H), r_w2, r_b2.reshape(1, E),
      imp_w1, imp_b1.reshape(1, H // 2), imp_w2, imp_b2.reshape(1, 1))



def _sc_route_body(probs_hbm, posk_hbm, pval_hbm, cnt_hbm,
                   probs_v, posk_v, pval_v, cnt_v):
    sid = lax.axis_index("s")
    base = sid * (TPB * E)
    pltpu.sync_copy(probs_hbm.at[pl.ds(base, TPB * E)], probs_v)
    lane = lax.iota(jnp.int32, LANES)

    cnt = [jnp.int32(0)] * E
    for g in range(TPB // LANES):
        idx0 = lane * E + g * LANES * E
        vs = [plsc.load_gather(probs_v, [idx0 + e]) for e in range(E)]
        m1 = vs[0]
        i1 = jnp.zeros((LANES,), jnp.int32)
        for e in range(1, E):
            b = vs[e] > m1
            i1 = jnp.where(b, jnp.int32(e), i1)
            m1 = jnp.where(b, vs[e], m1)
        m2 = jnp.full((LANES,), -1.0, jnp.float32)
        i2 = jnp.zeros((LANES,), jnp.int32)
        for e in range(E):
            valid = (i1 != e) & (vs[e] > m2)
            i2 = jnp.where(valid, jnp.int32(e), i2)
            m2 = jnp.where(valid, vs[e], m2)
        denom = m1 + m2 + 1e-8
        p1 = m1 / denom
        p2 = m2 / denom
        for e in range(E):
            s1 = i1 == e
            s2 = i2 == e
            sel = s1 | s2
            sel_i = sel.astype(jnp.int32)
            inc = plsc.cumsum(sel_i)
            pos = inc - sel_i + cnt[e]
            cnt[e] = cnt[e] + jnp.sum(sel_i)
            val = jnp.where(s1, p1, 0.0) + jnp.where(s2, p2, 0.0)
            poss = jnp.where(sel, pos, jnp.int32(BIG))
            plsc.store_scatter(posk_v, [idx0 + e], poss)
            plsc.store_scatter(pval_v, [idx0 + e], val)

    cv = jnp.zeros((LANES,), jnp.int32)
    for e in range(E):
        cv = jnp.where(lane == e, cnt[e], cv)
    cnt_v[...] = cv
    pltpu.sync_copy(cnt_v, cnt_hbm.at[sid])
    pltpu.sync_copy(posk_v, posk_hbm.at[pl.ds(base, TPB * E)])
    pltpu.sync_copy(pval_v, pval_hbm.at[pl.ds(base, TPB * E)])


def _run_sc_route(probs_flat):
    mesh = plsc.VectorSubcoreMesh(core_axis_name="c", subcore_axis_name="s",
                                  num_cores=1)
    k = pl.kernel(
        _sc_route_body,
        out_type=(
            jax.ShapeDtypeStruct((S * E,), jnp.int32),
            jax.ShapeDtypeStruct((S * E,), jnp.float32),
            jax.ShapeDtypeStruct((NS, LANES), jnp.int32),
        ),
        mesh=mesh,
        scratch_types=[
            pltpu.VMEM((TPB * E,), jnp.float32),
            pltpu.VMEM((TPB * E,), jnp.int32),
            pltpu.VMEM((TPB * E,), jnp.float32),
            pltpu.VMEM((LANES,), jnp.int32),
        ],
        compiler_params=pltpu.CompilerParams(needs_layout_passes=False),
    )
    return k(probs_flat)



def _tc2_body(posk_ref, pval_ref, imp_ref, psum_ref, cnt_ref,
              disp_ref, comb_ref, aux_ref):
    i = pl.program_id(0)
    nsteps = pl.num_programs(0)

    cnt_f = cnt_ref[...].astype(jnp.float32)
    off0 = jnp.zeros((1, LANES), jnp.float32)
    off1 = jnp.zeros((1, LANES), jnp.float32)
    for w in range(NS):
        rw = cnt_f[w:w + 1, :]
        off0 = off0 + rw * (w < 2 * i).astype(jnp.float32)
        off1 = off1 + rw * (w < 2 * i + 1).astype(jnp.float32)
    row = jax.lax.broadcasted_iota(jnp.int32, (SB, 1), 0)
    off_be = jnp.where(row < TPB, off0[:, 0:E], off1[:, 0:E])

    p = posk_ref[...] + off_be.astype(jnp.int32)
    posk = jnp.where(p < CAP, p, -1)
    factor = 1.0 + (imp_ref[...] > THRESH).astype(jnp.float32)
    cap_iota = jax.lax.broadcasted_iota(jnp.int32, (SB, E, CAP), 2)
    hit = (cap_iota == posk[:, :, None]).astype(jnp.float32)
    disp_ref[...] = hit
    comb_ref[...] = hit * (pval_ref[...] * factor)[:, :, None]

    @pl.when(i == nsteps - 1)
    def _fin():
        prob_mean = psum_ref[...] / S
        usage = jnp.sum(cnt_f, axis=0, keepdims=True)[0:1, 0:E] / (S * K)
        aux_ref[...] = jnp.sum(prob_mean * usage,
                               keepdims=True).reshape(1, 1) * E


def _run_tc2(posk, pval, imp, psum, cnt):
    n = posk.shape[0]
    grid = n // SB
    return pl.pallas_call(
        _tc2_body,
        grid=(grid,),
        in_specs=[
            pl.BlockSpec((SB, E), lambda i: (i, 0)),
            pl.BlockSpec((SB, E), lambda i: (i, 0)),
            pl.BlockSpec((SB, 1), lambda i: (i, 0)),
            pl.BlockSpec((1, E), lambda i: (0, 0)),
            pl.BlockSpec((NS, LANES), lambda i: (0, 0)),
        ],
        out_specs=[
            pl.BlockSpec((SB, E, CAP), lambda i: (i, 0, 0)),
            pl.BlockSpec((SB, E, CAP), lambda i: (i, 0, 0)),
            pl.BlockSpec((1, 1), lambda i: (0, 0)),
        ],
        out_shape=(
            jax.ShapeDtypeStruct((n, E, CAP), jnp.float32),
            jax.ShapeDtypeStruct((n, E, CAP), jnp.float32),
            jax.ShapeDtypeStruct((1, 1), jnp.float32),
        ),
    )(posk, pval, imp, psum, cnt)


def kernel(hidden_states, r_w1, r_b1, r_w2, r_b2,
           imp_w1, imp_b1, imp_w2, imp_b2):
    B = hidden_states.shape[0]
    h2 = hidden_states.reshape(B * S, H)

    probs, imp, psum = _run_tc1(h2, r_w1, r_b1, r_w2, r_b2,
                                imp_w1, imp_b1, imp_w2, imp_b2)
    posk_flat, pval_flat, cnt = _run_sc_route(probs.reshape(B * S * E))
    posk = posk_flat.reshape(B * S, E)
    pval = pval_flat.reshape(B * S, E)
    disp, comb, aux = _run_tc2(posk, pval, imp, psum, cnt)

    dispatch = disp.reshape(B, S, E, CAP)
    combine = comb.reshape(B, S, E, CAP)
    router_probs = probs.reshape(B, S, E)
    importance = imp.reshape(B, S)
    aux_loss = aux.reshape(())
    return (dispatch, combine, router_probs, aux_loss, importance)

# --- scband reference (transcript-rebuilt; emitter-appended) ---
"""Pipeline reference for scband-adaptive-router-22170621182524 (READ-ONLY COPY).

The authoritative reference and input builder live on the scoring server;
editing this copy changes nothing except your own understanding.
"""

import jax, jax.numpy as jnp
import numpy as np

B, S, H, E, K = 1, 2048, 1024, 8, 2
CF = 1.5
CAP = int(B * S * CF * K / E)  # 768
THRESH = 0.5


def setup_inputs(seed: int = 0) -> dict:
    key = jax.random.key(seed)
    ks = jax.random.split(key, 8)
    def xav(k, shape, fan):
        return jax.random.normal(k, shape, dtype=jnp.float32) * (1.0 / np.sqrt(fan))
    return {
        "hidden_states": jax.random.normal(ks[0], (B, S, H), dtype=jnp.float32),
        "r_w1": xav(ks[1], (H, H), H), "r_b1": jnp.zeros((H,), jnp.float32),
        "r_w2": xav(ks[2], (H, E), H), "r_b2": jnp.zeros((E,), jnp.float32),
        "imp_w1": xav(ks[3], (H, H // 2), H), "imp_b1": jnp.zeros((H // 2,), jnp.float32),
        "imp_w2": xav(ks[4], (H // 2, 1), H // 2), "imp_b2": jnp.zeros((1,), jnp.float32),
    }


def _forward(hidden_states, r_w1, r_b1, r_w2, r_b2, imp_w1, imp_b1, imp_w2, imp_b2):
    h = hidden_states
    # importance predictor: Linear -> ReLU -> Linear -> Sigmoid
    imp_h = jax.nn.relu(h @ imp_w1 + imp_b1)
    importance = jax.nn.sigmoid(imp_h @ imp_w2 + imp_b2)[..., 0]  # [B,S]
    # router: Linear -> ReLU -> Linear
    router_logits = jax.nn.relu(h @ r_w1 + r_b1) @ r_w2 + r_b2  # [B,S,E]
    router_probs = jax.nn.softmax(router_logits, axis=-1)
    top_k_probs, top_k_idx = jax.lax.top_k(router_probs, K)
    top_k_probs = top_k_probs / (jnp.sum(top_k_probs, axis=-1, keepdims=True) + 1e-8)
    # dispatch/combine with sequential per-expert capacity in (b, s, k) order
    flat_e = top_k_idx.reshape(-1)  # [B*S*K] int32
    flat_p = top_k_probs.reshape(-1)
    NK = B * S * K
    oh = jax.nn.one_hot(flat_e, E, dtype=jnp.int32)  # [NK, E]
    pos_all = jnp.cumsum(oh, axis=0) - oh  # exclusive running count per expert
    pos = jnp.take_along_axis(pos_all, flat_e[:, None], axis=1)[:, 0]
    keep = pos < CAP
    posc = jnp.minimum(pos, CAP - 1)
    t = jnp.arange(NK) // K
    b_idx = t // S
    s_idx = t % S
    maskf = keep.astype(h.dtype)
    dispatch = jnp.zeros((B, S, E, CAP), h.dtype).at[b_idx, s_idx, flat_e, posc].add(maskf)
    combine = jnp.zeros((B, S, E, CAP), h.dtype).at[b_idx, s_idx, flat_e, posc].add(maskf * flat_p)
    # load balancing aux loss
    prob_per_expert = router_probs.mean(axis=(0, 1))
    usage = jax.nn.one_hot(top_k_idx, E, dtype=h.dtype).mean(axis=(0, 1, 2))
    aux_loss = jnp.sum(prob_per_expert * usage) * E
    # adaptive importance re-weighting of combine tensor
    imp_w = (importance > THRESH).astype(h.dtype)
    combine = combine * (1.0 + imp_w[:, :, None, None])
    return (dispatch, combine, router_probs, aux_loss, importance)


def reference(hidden_states, r_w1, r_b1, r_w2, r_b2, imp_w1, imp_b1, imp_w2, imp_b2):
    return _forward(hidden_states, r_w1, r_b1, r_w2, r_b2, imp_w1, imp_b1, imp_w2, imp_b2)

if __name__ == "__main__":
    import jax
    _d = setup_inputs()
    print(jax.jit(kernel)(*tuple(_d.values())))

</pallas_src>

<mosaic_0001>
#map = affine_map<(d0, d1) -> (0)>
#map1 = affine_map<(d0, d1) -> (0, 0)>
module attributes {stable_mosaic.version = 14 : i64} {
  func.func @_sc_route_body(%arg0: i32, %arg1: i32, %arg2: memref<16384xf32, #tpu.memory_space<hbm>>, %arg3: memref<16384xi32, #tpu.memory_space<hbm>>, %arg4: memref<16384xf32, #tpu.memory_space<hbm>>, %arg5: memref<16x16xi32, #tpu.memory_space<hbm>>, %arg6: memref<1024xf32, #tpu.memory_space<vmem>>, %arg7: memref<1024xi32, #tpu.memory_space<vmem>>, %arg8: memref<1024xf32, #tpu.memory_space<vmem>>, %arg9: memref<16xi32, #tpu.memory_space<vmem>>) attributes {dimension_semantics = [#tpu.dimension_semantics<core_parallel>, #tpu.dimension_semantics<subcore_parallel>], iteration_bounds = array<i64: 1, 16>, scalar_prefetch = 0 : i64, scratch_operands = 4 : i64, tpu.core_type = #tpu.core_type<sc_vector_subcore>, window_params = [{transform_indices = #map}, {transform_indices = #map}, {transform_indices = #map}, {transform_indices = #map1}]} {
    %mul3A = arith.constant 1024 : i32
    %mul3A_0 = arith.muli %arg1, %mul3A : i32
    "tpu.region"() ({
      %run_scoped3A = tpu.sem_alloc : memref<!tpu.dma_semaphore, #tpu.memory_space<semaphore_mem>>
      %dma_start3A = tpu.memref_slice %arg2[%mul3A_0] : memref<16384xf32, #tpu.memory_space<hbm>> -> memref<1024xf32, #tpu.memory_space<hbm>>
      %dma_start3A_3541 = tpu.memref_slice %arg2[%mul3A_0] : memref<16384xf32, #tpu.memory_space<hbm>> -> memref<1024xf32, #tpu.memory_space<hbm>>
      tpu.enqueue_dma source(%dma_start3A_3541 : memref<1024xf32, #tpu.memory_space<hbm>>) target(%arg6 : memref<1024xf32, #tpu.memory_space<vmem>>) target_semaphore(%run_scoped3A : memref<!tpu.dma_semaphore, #tpu.memory_space<semaphore_mem>>)
      %dma_wait3A = tpu.memref_slice %arg2[%mul3A_0] : memref<16384xf32, #tpu.memory_space<hbm>> -> memref<1024xf32, #tpu.memory_space<hbm>>
      %dma_wait3A_3542 = tpu.memref_slice %arg2[%mul3A_0] : memref<16384xf32, #tpu.memory_space<hbm>> -> memref<1024xf32, #tpu.memory_space<hbm>>
      tpu.wait_dma2 semaphore(%run_scoped3A : memref<!tpu.dma_semaphore, #tpu.memory_space<semaphore_mem>>) src(%dma_wait3A_3542 : memref<1024xf32, #tpu.memory_space<hbm>>) dst(%arg6 : memref<1024xf32, #tpu.memory_space<vmem>>)
      tpu.yield
    }) : () -> ()
    %iota3A = tpu.iota {dimensions = array<i32: 0>} : vector<16xi32>
    %mul3A_1 = arith.constant 8 : i32
    %mul3A_2 = vector.broadcast %mul3A_1 : i32 to vector<16xi32>
    %mul3A_3 = arith.muli %iota3A, %mul3A_2 : vector<16xi32>
    %add3A = arith.constant 0 : i32
    %add3A_4 = vector.broadcast %add3A : i32 to vector<16xi32>
    %add3A_5 = arith.addi %mul3A_3, %add3A_4 : vector<16xi32>
    %add3A_6 = arith.constant 0 : i32
    %add3A_7 = vector.broadcast %add3A_6 : i32 to vector<16xi32>
    %add3A_8 = arith.addi %add3A_5, %add3A_7 : vector<16xi32>
    %gather3A = tpu.vector_load_idx %arg6[%add3A_8] : memref<1024xf32, #tpu.memory_space<vmem>>[vector<16xi32>], vector<16xf32>,
    %add3A_9 = arith.constant 1 : i32
    %add3A_10 = vector.broadcast %add3A_9 : i32 to vector<16xi32>
    %add3A_11 = arith.addi %add3A_5, %add3A_10 : vector<16xi32>
    %gather3A_12 = tpu.vector_load_idx %arg6[%add3A_11] : memref<1024xf32, #tpu.memory_space<vmem>>[vector<16xi32>], vector<16xf32>,
    %add3A_13 = arith.constant 2 : i32
    %add3A_14 = vector.broadcast %add3A_13 : i32 to vector<16xi32>
    %add3A_15 = arith.addi %add3A_5, %add3A_14 : vector<16xi32>
    %gather3A_16 = tpu.vector_load_idx %arg6[%add3A_15] : memref<1024xf32, #tpu.memory_space<vmem>>[vector<16xi32>], vector<16xf32>,
    %add3A_17 = arith.constant 3 : i32
    %add3A_18 = vector.broadcast %add3A_17 : i32 to vector<16xi32>
    %add3A_19 = arith.addi %add3A_5, %add3A_18 : vector<16xi32>
    %gather3A_20 = tpu.vector_load_idx %arg6[%add3A_19] : memref<1024xf32, #tpu.memory_space<vmem>>[vector<16xi32>], vector<16xf32>,
    %add3A_21 = arith.constant 4 : i32
    %add3A_22 = vector.broadcast %add3A_21 : i32 to vector<16xi32>
    %add3A_23 = arith.addi %add3A_5, %add3A_22 : vector<16xi32>
    %gather3A_24 = tpu.vector_load_idx %arg6[%add3A_23] : memref<1024xf32, #tpu.memory_space<vmem>>[vector<16xi32>], vector<16xf32>,
    %add3A_25 = arith.constant 5 : i32
    %add3A_26 = vector.broadcast %add3A_25 : i32 to vector<16xi32>
    %add3A_27 = arith.addi %add3A_5, %add3A_26 : vector<16xi32>
    %gather3A_28 = tpu.vector_load_idx %arg6[%add3A_27] : memref<1024xf32, #tpu.memory_space<vmem>>[vector<16xi32>], vector<16xf32>,
    %add3A_29 = arith.constant 6 : i32
    %add3A_30 = vector.broadcast %add3A_29 : i32 to vector<16xi32>
    %add3A_31 = arith.addi %add3A_5, %add3A_30 : vector<16xi32>
    %gather3A_32 = tpu.vector_load_idx %arg6[%add3A_31] : memref<1024xf32, #tpu.memory_space<vmem>>[vector<16xi32>], vector<16xf32>,
    %add3A_33 = arith.constant 7 : i32
    %add3A_34 = vector.broadcast %add3A_33 : i32 to vector<16xi32>
    %add3A_35 = arith.addi %add3A_5, %add3A_34 : vector<16xi32>
    %gather3A_36 = tpu.vector_load_idx %arg6[%add3A_35] : memref<1024xf32, #tpu.memory_space<vmem>>[vector<16xi32>], vector<16xf32>,
    %broadcast_in_dim3A = arith.constant 0 : i32
    %broadcast_in_dim3A_37 = vector.broadcast %broadcast_in_dim3A : i32 to vector<16xi32>
    %gt3A = arith.cmpf ogt, %gather3A_12, %gather3A : vector<16xf32>
    %jit3A = arith.constant 1 : i32
    %broadcast_in_dim3A_38 = vector.broadcast %jit3A : i32 to vector<16xi32>
    %select_n3A = arith.select %gt3A, %broadcast_in_dim3A_38, %broadcast_in_dim3A_37 : vector<16xi1>, vector<16xi32>
    %select_n3A_39 = arith.select %gt3A, %gather3A_12, %gather3A : vector<16xi1>, vector<16xf32>
    %gt3A_40 = arith.cmpf ogt, %gather3A_16, %select_n3A_39 : vector<16xf32>
    %jit3A_41 = arith.constant 2 : i32
    %broadcast_in_dim3A_42 = vector.broadcast %jit3A_41 : i32 to vector<16xi32>
    %select_n3A_43 = arith.select %gt3A_40, %broadcast_in_dim3A_42, %select_n3A : vector<16xi1>, vector<16xi32>
    %select_n3A_44 = arith.select %gt3A_40, %gather3A_16, %select_n3A_39 : vector<16xi1>, vector<16xf32>
    %gt3A_45 = arith.cmpf ogt, %gather3A_20, %select_n3A_44 : vector<16xf32>
    %jit3A_46 = arith.constant 3 : i32
    %broadcast_in_dim3A_47 = vector.broadcast %jit3A_46 : i32 to vector<16xi32>
    %select_n3A_48 = arith.select %gt3A_45, %broadcast_in_dim3A_47, %select_n3A_43 : vector<16xi1>, vector<16xi32>
    %select_n3A_49 = arith.select %gt3A_45, %gather3A_20, %select_n3A_44 : vector<16xi1>, vector<16xf32>
    %gt3A_50 = arith.cmpf ogt, %gather3A_24, %select_n3A_49 : vector<16xf32>
    %jit3A_51 = arith.constant 4 : i32
    %broadcast_in_dim3A_52 = vector.broadcast %jit3A_51 : i32 to vector<16xi32>
    %select_n3A_53 = arith.select %gt3A_50, %broadcast_in_dim3A_52, %select_n3A_48 : vector<16xi1>, vector<16xi32>
    %select_n3A_54 = arith.select %gt3A_50, %gather3A_24, %select_n3A_49 : vector<16xi1>, vector<16xf32>
    %gt3A_55 = arith.cmpf ogt, %gather3A_28, %select_n3A_54 : vector<16xf32>
    %jit3A_56 = arith.constant 5 : i32
    %broadcast_in_dim3A_57 = vector.broadcast %jit3A_56 : i32 to vector<16xi32>
    %select_n3A_58 = arith.select %gt3A_55, %broadcast_in_dim3A_57, %select_n3A_53 : vector<16xi1>, vector<16xi32>
    %select_n3A_59 = arith.select %gt3A_55, %gather3A_28, %select_n3A_54 : vector<16xi1>, vector<16xf32>
    %gt3A_60 = arith.cmpf ogt, %gather3A_32, %select_n3A_59 : vector<16xf32>
    %jit3A_61 = arith.constant 6 : i32
    %broadcast_in_dim3A_62 = vector.broadcast %jit3A_61 : i32 to vector<16xi32>
    %select_n3A_63 = arith.select %gt3A_60, %broadcast_in_dim3A_62, %select_n3A_58 : vector<16xi1>, vector<16xi32>
    %select_n3A_64 = arith.select %gt3A_60, %gather3A_32, %select_n3A_59 : vector<16xi1>, vector<16xf32>
    %gt3A_65 = arith.cmpf ogt, %gather3A_36, %select_n3A_64 : vector<16xf32>
    %jit3A_66 = arith.constant 7 : i32
    %broadcast_in_dim3A_67 = vector.broadcast %jit3A_66 : i32 to vector<16xi32>
    %select_n3A_68 = arith.select %gt3A_65, %broadcast_in_dim3A_67, %select_n3A_63 : vector<16xi1>, vector<16xi32>
    %select_n3A_69 = arith.select %gt3A_65, %gather3A_36, %select_n3A_64 : vector<16xi1>, vector<16xf32>
    %broadcast_in_dim3A_70 = arith.constant -1.000000e+00 : f32
    %broadcast_in_dim3A_71 = vector.broadcast %broadcast_in_dim3A_70 : f32 to vector<16xf32>
    %broadcast_in_dim3A_72 = arith.constant 0 : i32
    %broadcast_in_dim3A_73 = vector.broadcast %broadcast_in_dim3A_72 : i32 to vector<16xi32>
    %ne3A = arith.constant 0 : i32
    %ne3A_74 = vector.broadcast %ne3A : i32 to vector<16xi32>
    %ne3A_75 = arith.cmpi ne, %select_n3A_68, %ne3A_74 : vector<16xi32>
    %gt3A_76 = arith.cmpf ogt, %gather3A, %broadcast_in_dim3A_71 : vector<16xf32>
    %and3A = arith.andi %ne3A_75, %gt3A_76 : vector<16xi1>
    %jit3A_77 = arith.constant 0 : i32
    %broadcast_in_dim3A_78 = vector.broadcast %jit3A_77 : i32 to vector<16xi32>
    %select_n3A_79 = arith.select %and3A, %broadcast_in_dim3A_78, %broadcast_in_dim3A_73 : vector<16xi1>, vector<16xi32>
    %select_n3A_80 = arith.select %and3A, %gather3A, %broadcast_in_dim3A_71 : vector<16xi1>, vector<16xf32>
    %ne3A_81 = arith.constant 1 : i32
    %ne3A_82 = vector.broadcast %ne3A_81 : i32 to vector<16xi32>
    %ne3A_83 = arith.cmpi ne, %select_n3A_68, %ne3A_82 : vector<16xi32>
    %gt3A_84 = arith.cmpf ogt, %gather3A_12, %select_n3A_80 : vector<16xf32>
    %and3A_85 = arith.andi %ne3A_83, %gt3A_84 : vector<16xi1>
    %jit3A_86 = arith.constant 1 : i32
    %broadcast_in_dim3A_87 = vector.broadcast %jit3A_86 : i32 to vector<16xi32>
    %select_n3A_88 = arith.select %and3A_85, %broadcast_in_dim3A_87, %select_n3A_79 : vector<16xi1>, vector<16xi32>
    %select_n3A_89 = arith.select %and3A_85, %gather3A_12, %select_n3A_80 : vector<16xi1>, vector<16xf32>
    %ne3A_90 = arith.constant 2 : i32
    %ne3A_91 = vector.broadcast %ne3A_90 : i32 to vector<16xi32>
    %ne3A_92 = arith.cmpi ne, %select_n3A_68, %ne3A_91 : vector<16xi32>
    %gt3A_93 = arith.cmpf ogt, %gather3A_16, %select_n3A_89 : vector<16xf32>
    %and3A_94 = arith.andi %ne3A_92, %gt3A_93 : vector<16xi1>
    %jit3A_95 = arith.constant 2 : i32
    %broadcast_in_dim3A_96 = vector.broadcast %jit3A_95 : i32 to vector<16xi32>
    %select_n3A_97 = arith.select %and3A_94, %broadcast_in_dim3A_96, %select_n3A_88 : vector<16xi1>, vector<16xi32>
    %select_n3A_98 = arith.select %and3A_94, %gather3A_16, %select_n3A_89 : vector<16xi1>, vector<16xf32>
    %ne3A_99 = arith.constant 3 : i32
    %ne3A_100 = vector.broadcast %ne3A_99 : i32 to vector<16xi32>
    %ne3A_101 = arith.cmpi ne, %select_n3A_68, %ne3A_100 : vector<16xi32>
    %gt3A_102 = arith.cmpf ogt, %gather3A_20, %select_n3A_98 : vector<16xf32>
    %and3A_103 = arith.andi %ne3A_101, %gt3A_102 : vector<16xi1>
    %jit3A_104 = arith.constant 3 : i32
    %broadcast_in_dim3A_105 = vector.broadcast %jit3A_104 : i32 to vector<16xi32>
    %select_n3A_106 = arith.select %and3A_103, %broadcast_in_dim3A_105, %select_n3A_97 : vector<16xi1>, vector<16xi32>
    %select_n3A_107 = arith.select %and3A_103, %gather3A_20, %select_n3A_98 : vector<16xi1>, vector<16xf32>
    %ne3A_108 = arith.constant 4 : i32
    %ne3A_109 = vector.broadcast %ne3A_108 : i32 to vector<16xi32>
    %ne3A_110 = arith.cmpi ne, %select_n3A_68, %ne3A_109 : vector<16xi32>
    %gt3A_111 = arith.cmpf ogt, %gather3A_24, %select_n3A_107 : vector<16xf32>
    %and3A_112 = arith.andi %ne3A_110, %gt3A_111 : vector<16xi1>
    %jit3A_113 = arith.constant 4 : i32
    %broadcast_in_dim3A_114 = vector.broadcast %jit3A_113 : i32 to vector<16xi32>
    %select_n3A_115 = arith.select %and3A_112, %broadcast_in_dim3A_114, %select_n3A_106 : vector<16xi1>, vector<16xi32>
    %select_n3A_116 = arith.select %and3A_112, %gather3A_24, %select_n3A_107 : vector<16xi1>, vector<16xf32>
    %ne3A_117 = arith.constant 5 : i32
    %ne3A_118 = vector.broadcast %ne3A_117 : i32 to vector<16xi32>
    %ne3A_119 = arith.cmpi ne, %select_n3A_68, %ne3A_118 : vector<16xi32>
    %gt3A_120 = arith.cmpf ogt, %gather3A_28, %select_n3A_116 : vector<16xf32>
    %and3A_121 = arith.andi %ne3A_119, %gt3A_120 : vector<16xi1>
    %jit3A_122 = arith.constant 5 : i32
    %broadcast_in_dim3A_123 = vector.broadcast %jit3A_122 : i32 to vector<16xi32>
    %select_n3A_124 = arith.select %and3A_121, %broadcast_in_dim3A_123, %select_n3A_115 : vector<16xi1>, vector<16xi32>
    %select_n3A_125 = arith.select %and3A_121, %gather3A_28, %select_n3A_116 : vector<16xi1>, vector<16xf32>
    %ne3A_126 = arith.constant 6 : i32
    %ne3A_127 = vector.broadcast %ne3A_126 : i32 to vector<16xi32>
    %ne3A_128 = arith.cmpi ne, %select_n3A_68, %ne3A_127 : vector<16xi32>
    %gt3A_129 = arith.cmpf ogt, %gather3A_32, %select_n3A_125 : vector<16xf32>
    %and3A_130 = arith.andi %ne3A_128, %gt3A_129 : vector<16xi1>
    %jit3A_131 = arith.constant 6 : i32
    %broadcast_in_dim3A_132 = vector.broadcast %jit3A_131 : i32 to vector<16xi32>
    %select_n3A_133 = arith.select %and3A_130, %broadcast_in_dim3A_132, %select_n3A_124 : vector<16xi1>, vector<16xi32>
    %select_n3A_134 = arith.select %and3A_130, %gather3A_32, %select_n3A_125 : vector<16xi1>, vector<16xf32>
    %ne3A_135 = arith.constant 7 : i32
    %ne3A_136 = vector.broadcast %ne3A_135 : i32 to vector<16xi32>
    %ne3A_137 = arith.cmpi ne, %select_n3A_68, %ne3A_136 : vector<16xi32>
    %gt3A_138 = arith.cmpf ogt, %gather3A_36, %select_n3A_134 : vector<16xf32>
    %and3A_139 = arith.andi %ne3A_137, %gt3A_138 : vector<16xi1>
    %jit3A_140 = arith.constant 7 : i32
    %broadcast_in_dim3A_141 = vector.broadcast %jit3A_140 : i32 to vector<16xi32>
    %select_n3A_142 = arith.select %and3A_139, %broadcast_in_dim3A_141, %select_n3A_133 : vector<16xi1>, vector<16xi32>
    %select_n3A_143 = arith.select %and3A_139, %gather3A_36, %select_n3A_134 : vector<16xi1>, vector<16xf32>
    %add3A_144 = arith.addf %select_n3A_69, %select_n3A_143 : vector<16xf32>
    %add3A_145 = arith.constant 9.99999993E-9 : f32
    %add3A_146 = vector.broadcast %add3A_145 : f32 to vector<16xf32>
    %add3A_147 = arith.addf %add3A_144, %add3A_146 : vector<16xf32>
    %div3A = arith.divf %select_n3A_69, %add3A_147 : vector<16xf32>
    %div3A_148 = arith.divf %select_n3A_143, %add3A_147 : vector<16xf32>
    %eq3A = arith.constant 0 : i32
    %eq3A_149 = vector.broadcast %eq3A : i32 to vector<16xi32>
    %eq3A_150 = arith.cmpi eq, %select_n3A_68, %eq3A_149 : vector<16xi32>
    %eq3A_151 = arith.constant 0 : i32
    %eq3A_152 = vector.broadcast %eq3A_151 : i32 to vector<16xi32>
    %eq3A_153 = arith.cmpi eq, %select_n3A_142, %eq3A_152 : vector<16xi32>
    %or3A = arith.ori %eq3A_150, %eq3A_153 : vector<16xi1>
    %convert_element_type3A = arith.extui %or3A : vector<16xi1> to vector<16xi32>
    %broadcast_in_dim3A_154 = arith.constant true
    %broadcast_in_dim3A_155 = vector.broadcast %broadcast_in_dim3A_154 : i1 to vector<16xi1>
    %masked_cumsum3A = tpu.scan <sum>, %convert_element_type3A masked %broadcast_in_dim3A_155 : vector<16xi32>, vector<16xi1> -> vector<16xi32>
    %sub3A = arith.subi %masked_cumsum3A, %convert_element_type3A : vector<16xi32>
    %add3A_156 = arith.constant 0 : i32
    %add3A_157 = vector.broadcast %add3A_156 : i32 to vector<16xi32>
    %add3A_158 = arith.addi %sub3A, %add3A_157 : vector<16xi32>
    %reduce_sum3A = arith.constant true
    %reduce_sum3A_159 = vector.broadcast %reduce_sum3A : i1 to vector<16xi1>
    %reduce_sum3A_160 = tpu.scan <sum>, %convert_element_type3A masked %reduce_sum3A_159 : vector<16xi32>, vector<16xi1> -> vector<16xi32>
    %reduce_sum3A_161 = vector.extract %reduce_sum3A_160[15] : i32 from vector<16xi32>
    %add3A_162 = arith.constant 0 : i32
    %add3A_163 = arith.addi %add3A_162, %reduce_sum3A_161 : i32
    %jit3A_164 = arith.constant 0.000000e+00 : f32
    %broadcast_in_dim3A_165 = vector.broadcast %jit3A_164 : f32 to vector<16xf32>
    %select_n3A_166 = arith.select %eq3A_150, %div3A, %broadcast_in_dim3A_165 : vector<16xi1>, vector<16xf32>
    %jit3A_167 = arith.constant 0.000000e+00 : f32
    %broadcast_in_dim3A_168 = vector.broadcast %jit3A_167 : f32 to vector<16xf32>
    %select_n3A_169 = arith.select %eq3A_153, %div3A_148, %broadcast_in_dim3A_168 : vector<16xi1>, vector<16xf32>
    %add3A_170 = arith.addf %select_n3A_166, %select_n3A_169 : vector<16xf32>
    %jit3A_171 = arith.constant 1048576 : i32
    %broadcast_in_dim3A_172 = vector.broadcast %jit3A_171 : i32 to vector<16xi32>
    %select_n3A_173 = arith.select %or3A, %add3A_158, %broadcast_in_dim3A_172 : vector<16xi1>, vector<16xi32>
    %add3A_174 = arith.constant 0 : i32
    %add3A_175 = vector.broadcast %add3A_174 : i32 to vector<16xi32>
    %add3A_176 = arith.addi %add3A_5, %add3A_175 : vector<16xi32>
    tpu.vector_store_idx %arg7[%add3A_176], %select_n3A_173 : memref<1024xi32, #tpu.memory_space<vmem>>[vector<16xi32>], vector<16xi32>,
    %add3A_177 = arith.constant 0 : i32
    %add3A_178 = vector.broadcast %add3A_177 : i32 to vector<16xi32>
    %add3A_179 = arith.addi %add3A_5, %add3A_178 : vector<16xi32>
    tpu.vector_store_idx %arg8[%add3A_179], %add3A_170 : memref<1024xf32, #tpu.memory_space<vmem>>[vector<16xi32>], vector<16xf32>,
    %eq3A_180 = arith.constant 1 : i32
    %eq3A_181 = vector.broadcast %eq3A_180 : i32 to vector<16xi32>
    %eq3A_182 = arith.cmpi eq, %select_n3A_68, %eq3A_181 : vector<16xi32>
    %eq3A_183 = arith.constant 1 : i32
    %eq3A_184 = vector.broadcast %eq3A_183 : i32 to vector<16xi32>
    %eq3A_185 = arith.cmpi eq, %select_n3A_142, %eq3A_184 : vector<16xi32>
    %or3A_186 = arith.ori %eq3A_182, %eq3A_185 : vector<16xi1>
    %convert_element_type3A_187 = arith.extui %or3A_186 : vector<16xi1> to vector<16xi32>
    %broadcast_in_dim3A_188 = arith.constant true
    %broadcast_in_dim3A_189 = vector.broadcast %broadcast_in_dim3A_188 : i1 to vector<16xi1>
    %masked_cumsum3A_190 = tpu.scan <sum>, %convert_element_type3A_187 masked %broadcast_in_dim3A_189 : vector<16xi32>, vector<16xi1> -> vector<16xi32>
    %sub3A_191 = arith.subi %masked_cumsum3A_190, %convert_element_type3A_187 : vector<16xi32>
    %add3A_192 = arith.constant 0 : i32
    %add3A_193 = vector.broadcast %add3A_192 : i32 to vector<16xi32>
    %add3A_194 = arith.addi %sub3A_191, %add3A_193 : vector<16xi32>
    %reduce_sum3A_195 = arith.constant true
    %reduce_sum3A_196 = vector.broadcast %reduce_sum3A_195 : i1 to vector<16xi1>
    %reduce_sum3A_197 = tpu.scan <sum>, %convert_element_type3A_187 masked %reduce_sum3A_196 : vector<16xi32>, vector<16xi1> -> vector<16xi32>
    %reduce_sum3A_198 = vector.extract %reduce_sum3A_197[15] : i32 from vector<16xi32>
    %add3A_199 = arith.constant 0 : i32
    %add3A_200 = arith.addi %add3A_199, %reduce_sum3A_198 : i32
    %jit3A_201 = arith.constant 0.000000e+00 : f32
    %broadcast_in_dim3A_202 = vector.broadcast %jit3A_201 : f32 to vector<16xf32>
    %select_n3A_203 = arith.select %eq3A_182, %div3A, %broadcast_in_dim3A_202 : vector<16xi1>, vector<16xf32>
    %jit3A_204 = arith.constant 0.000000e+00 : f32
    %broadcast_in_dim3A_205 = vector.broadcast %jit3A_204 : f32 to vector<16xf32>
    %select_n3A_206 = arith.select %eq3A_185, %div3A_148, %broadcast_in_dim3A_205 : vector<16xi1>, vector<16xf32>
    %add3A_207 = arith.addf %select_n3A_203, %select_n3A_206 : vector<16xf32>
    %jit3A_208 = arith.constant 1048576 : i32
    %broadcast_in_dim3A_209 = vector.broadcast %jit3A_208 : i32 to vector<16xi32>
    %select_n3A_210 = arith.select %or3A_186, %add3A_194, %broadcast_in_dim3A_209 : vector<16xi1>, vector<16xi32>
    %add3A_211 = arith.constant 1 : i32
    %add3A_212 = vector.broadcast %add3A_211 : i32 to vector<16xi32>
    %add3A_213 = arith.addi %add3A_5, %add3A_212 : vector<16xi32>
    tpu.vector_store_idx %arg7[%add3A_213], %select_n3A_210 : memref<1024xi32, #tpu.memory_space<vmem>>[vector<16xi32>], vector<16xi32>,
    %add3A_214 = arith.constant 1 : i32
    %add3A_215 = vector.broadcast %add3A_214 : i32 to vector<16xi32>
    %add3A_216 = arith.addi %add3A_5, %add3A_215 : vector<16xi32>
    tpu.vector_store_idx %arg8[%add3A_216], %add3A_207 : memref<1024xf32, #tpu.memory_space<vmem>>[vector<16xi32>], vector<16xf32>,
    %eq3A_217 = arith.constant 2 : i32
    %eq3A_218 = vector.broadcast %eq3A_217 : i32 to vector<16xi32>
    %eq3A_219 = arith.cmpi eq, %select_n3A_68, %eq3A_218 : vector<16xi32>
    %eq3A_220 = arith.constant 2 : i32
    %eq3A_221 = vector.broadcast %eq3A_220 : i32 to vector<16xi32>
    %eq3A_222 = arith.cmpi eq, %select_n3A_142, %eq3A_221 : vector<16xi32>
    %or3A_223 = arith.ori %eq3A_219, %eq3A_222 : vector<16xi1>
    %convert_element_type3A_224 = arith.extui %or3A_223 : vector<16xi1> to vector<16xi32>
    %broadcast_in_dim3A_225 = arith.constant true
    %broadcast_in_dim3A_226 = vector.broadcast %broadcast_in_dim3A_225 : i1 to vector<16xi1>
    %masked_cumsum3A_227 = tpu.scan <sum>, %convert_element_type3A_224 masked %broadcast_in_dim3A_226 : vector<16xi32>, vector<16xi1> -> vector<16xi32>
    %sub3A_228 = arith.subi %masked_cumsum3A_227, %convert_element_type3A_224 : vector<16xi32>
    %add3A_229 = arith.constant 0 : i32
    %add3A_230 = vector.broadcast %add3A_229 : i32 to vector<16xi32>
    %add3A_231 = arith.addi %sub3A_228, %add3A_230 : vector<16xi32>
    %reduce_sum3A_232 = arith.constant true
    %reduce_sum3A_233 = vector.broadcast %reduce_sum3A_232 : i1 to vector<16xi1>
    %reduce_sum3A_234 = tpu.scan <sum>, %convert_element_type3A_224 masked %reduce_sum3A_233 : vector<16xi32>, vector<16xi1> -> vector<16xi32>
    %reduce_sum3A_235 = vector.extract %reduce_sum3A_234[15] : i32 from vector<16xi32>
    %add3A_236 = arith.constant 0 : i32
    %add3A_237 = arith.addi %add3A_236, %reduce_sum3A_235 : i32
    %jit3A_238 = arith.constant 0.000000e+00 : f32
    %broadcast_in_dim3A_239 = vector.broadcast %jit3A_238 : f32 to vector<16xf32>
    %select_n3A_240 = arith.select %eq3A_219, %div3A, %broadcast_in_dim3A_239 : vector<16xi1>, vector<16xf32>
    %jit3A_241 = arith.constant 0.000000e+00 : f32
    %broadcast_in_dim3A_242 = vector.broadcast %jit3A_241 : f32 to vector<16xf32>
    %select_n3A_243 = arith.select %eq3A_222, %div3A_148, %broadcast_in_dim3A_242 : vector<16xi1>, vector<16xf32>
    %add3A_244 = arith.addf %select_n3A_240, %select_n3A_243 : vector<16xf32>
    %jit3A_245 = arith.constant 1048576 : i32
    %broadcast_in_dim3A_246 = vector.broadcast %jit3A_245 : i32 to vector<16xi32>
    %select_n3A_247 = arith.select %or3A_223, %add3A_231, %broadcast_in_dim3A_246 : vector<16xi1>, vector<16xi32>
    %add3A_248 = arith.constant 2 : i32
    %add3A_249 = vector.broadcast %add3A_248 : i32 to vector<16xi32>
    %add3A_250 = arith.addi %add3A_5, %add3A_249 : vector<16xi32>
    tpu.vector_store_idx %arg7[%add3A_250], %select_n3A_247 : memref<1024xi32, #tpu.memory_space<vmem>>[vector<16xi32>], vector<16xi32>,
    %add3A_251 = arith.constant 2 : i32
    %add3A_252 = vector.broadcast %add3A_251 : i32 to vector<16xi32>
    %add3A_253 = arith.addi %add3A_5, %add3A_252 : vector<16xi32>
    tpu.vector_store_idx %arg8[%add3A_253], %add3A_244 : memref<1024xf32, #tpu.memory_space<vmem>>[vector<16xi32>], vector<16xf32>,
    %eq3A_254 = arith.constant 3 : i32
    %eq3A_255 = vector.broadcast %eq3A_254 : i32 to vector<16xi32>
    %eq3A_256 = arith.cmpi eq, %select_n3A_68, %eq3A_255 : vector<16xi32>
    %eq3A_257 = arith.constant 3 : i32
    %eq3A_258 = vector.broadcast %eq3A_257 : i32 to vector<16xi32>
    %eq3A_259 = arith.cmpi eq, %select_n3A_142, %eq3A_258 : vector<16xi32>
    %or3A_260 = arith.ori %eq3A_256, %eq3A_259 : vector<16xi1>
    %convert_element_type3A_261 = arith.extui %or3A_260 : vector<16xi1> to vector<16xi32>
    %broadcast_in_dim3A_262 = arith.constant true
    %broadcast_in_dim3A_263 = vector.broadcast %broadcast_in_dim3A_262 : i1 to vector<16xi1>
    %masked_cumsum3A_264 = tpu.scan <sum>, %convert_element_type3A_261 masked %broadcast_in_dim3A_263 : vector<16xi32>, vector<16xi1> -> vector<16xi32>
    %sub3A_265 = arith.subi %masked_cumsum3A_264, %convert_element_type3A_261 : vector<16xi32>
    %add3A_266 = arith.constant 0 : i32
    %add3A_267 = vector.broadcast %add3A_266 : i32 to vector<16xi32>
    %add3A_268 = arith.addi %sub3A_265, %add3A_267 : vector<16xi32>
    %reduce_sum3A_269 = arith.constant true
    %reduce_sum3A_270 = vector.broadcast %reduce_sum3A_269 : i1 to vector<16xi1>
    %reduce_sum3A_271 = tpu.scan <sum>, %convert_element_type3A_261 masked %reduce_sum3A_270 : vector<16xi32>, vector<16xi1> -> vector<16xi32>
    %reduce_sum3A_272 = vector.extract %reduce_sum3A_271[15] : i32 from vector<16xi32>
    %add3A_273 = arith.constant 0 : i32
    %add3A_274 = arith.addi %add3A_273, %reduce_sum3A_272 : i32
    %jit3A_275 = arith.constant 0.000000e+00 : f32
    %broadcast_in_dim3A_276 = vector.broadcast %jit3A_275 : f32 to vector<16xf32>
    %select_n3A_277 = arith.select %eq3A_256, %div3A, %broadcast_in_dim3A_276 : vector<16xi1>, vector<16xf32>
    %jit3A_278 = arith.constant 0.000000e+00 : f32
    %broadcast_in_dim3A_279 = vector.broadcast %jit3A_278 : f32 to vector<16xf32>
    %select_n3A_280 = arith.select %eq3A_259, %div3A_148, %broadcast_in_dim3A_279 : vector<16xi1>, vector<16xf32>
    %add3A_281 = arith.addf %select_n3A_277, %select_n3A_280 : vector<16xf32>
    %jit3A_282 = arith.constant 1048576 : i32
    %broadcast_in_dim3A_283 = vector.broadcast %jit3A_282 : i32 to vector<16xi32>
    %select_n3A_284 = arith.select %or3A_260, %add3A_268, %broadcast_in_dim3A_283 : vector<16xi1>, vector<16xi32>
    %add3A_285 = arith.constant 3 : i32
    %add3A_286 = vector.broadcast %add3A_285 : i32 to vector<16xi32>
    %add3A_287 = arith.addi %add3A_5, %add3A_286 : vector<16xi32>
    tpu.vector_store_idx %arg7[%add3A_287], %select_n3A_284 : memref<1024xi32, #tpu.memory_space<vmem>>[vector<16xi32>], vector<16xi32>,
    %add3A_288 = arith.constant 3 : i32
    %add3A_289 = vector.broadcast %add3A_288 : i32 to vector<16xi32>
    %add3A_290 = arith.addi %add3A_5, %add3A_289 : vector<16xi32>
    tpu.vector_store_idx %arg8[%add3A_290], %add3A_281 : memref<1024xf32, #tpu.memory_space<vmem>>[vector<16xi32>], vector<16xf32>,
    %eq3A_291 = arith.constant 4 : i32
    %eq3A_292 = vector.broadcast %eq3A_291 : i32 to vector<16xi32>
    %eq3A_293 = arith.cmpi eq, %select_n3A_68, %eq3A_292 : vector<16xi32>
    %eq3A_294 = arith.constant 4 : i32
    %eq3A_295 = vector.broadcast %eq3A_294 : i32 to vector<16xi32>
    %eq3A_296 = arith.cmpi eq, %select_n3A_142, %eq3A_295 : vector<16xi32>
    %or3A_297 = arith.ori %eq3A_293, %eq3A_296 : vector<16xi1>
    %convert_element_type3A_298 = arith.extui %or3A_297 : vector<16xi1> to vector<16xi32>
    %broadcast_in_dim3A_299 = arith.constant true
    %broadcast_in_dim3A_300 = vector.broadcast %broadcast_in_dim3A_299 : i1 to vector<16xi1>
    %masked_cumsum3A_301 = tpu.scan <sum>, %convert_element_type3A_298 masked %broadcast_in_dim3A_300 : vector<16xi32>, vector<16xi1> -> vector<16xi32>
    %sub3A_302 = arith.subi %masked_cumsum3A_301, %convert_element_type3A_298 : vector<16xi32>
    %add3A_303 = arith.constant 0 : i32
    %add3A_304 = vector.broadcast %add3A_303 : i32 to vector<16xi32>
    %add3A_305 = arith.addi %sub3A_302, %add3A_304 : vector<16xi32>
    %reduce_sum3A_306 = arith.constant true
    %reduce_sum3A_307 = vector.broadcast %reduce_sum3A_306 : i1 to vector<16xi1>
    %reduce_sum3A_308 = tpu.scan <sum>, %convert_element_type3A_298 masked %reduce_sum3A_307 : vector<16xi32>, vector<16xi1> -> vector<16xi32>
    %reduce_sum3A_309 = vector.extract %reduce_sum3A_308[15] : i32 from vector<16xi32>
    %add3A_310 = arith.constant 0 : i32
    %add3A_311 = arith.addi %add3A_310, %reduce_sum3A_309 : i32
    %jit3A_312 = arith.constant 0.000000e+00 : f32
    %broadcast_in_dim3A_313 = vector.broadcast %jit3A_312 : f32 to vector<16xf32>
    %select_n3A_314 = arith.select %eq3A_293, %div3A, %broadcast_in_dim3A_313 : vector<16xi1>, vector<16xf32>
    %jit3A_315 = arith.constant 0.000000e+00 : f32
    %broadcast_in_dim3A_316 = vector.broadcast %jit3A_315 : f32 to vector<16xf32>
    %select_n3A_317 = arith.select %eq3A_296, %div3A_148, %broadcast_in_dim3A_316 : vector<16xi1>, vector<16xf32>
    %add3A_318 = arith.addf %select_n3A_314, %select_n3A_317 : vector<16xf32>
    %jit3A_319 = arith.constant 1048576 : i32
    %broadcast_in_dim3A_320 = vector.broadcast %jit3A_319 : i32 to vector<16xi32>
    %select_n3A_321 = arith.select %or3A_297, %add3A_305, %broadcast_in_dim3A_320 : vector<16xi1>, vector<16xi32>
    %add3A_322 = arith.constant 4 : i32
    %add3A_323 = vector.broadcast %add3A_322 : i32 to vector<16xi32>
    %add3A_324 = arith.addi %add3A_5, %add3A_323 : vector<16xi32>
    tpu.vector_store_idx %arg7[%add3A_324], %select_n3A_321 : memref<1024xi32, #tpu.memory_space<vmem>>[vector<16xi32>], vector<16xi32>,
    %add3A_325 = arith.constant 4 : i32
    %add3A_326 = vector.broadcast %add3A_325 : i32 to vector<16xi32>
    %add3A_327 = arith.addi %add3A_5, %add3A_326 : vector<16xi32>
    tpu.vector_store_idx %arg8[%add3A_327], %add3A_318 : memref<1024xf32, #tpu.memory_space<vmem>>[vector<16xi32>], vector<16xf32>,
    %eq3A_328 = arith.constant 5 : i32
    %eq3A_329 = vector.broadcast %eq3A_328 : i32 to vector<16xi32>
    %eq3A_330 = arith.cmpi eq, %select_n3A_68, %eq3A_329 : vector<16xi32>
    %eq3A_331 = arith.constant 5 : i32
    %eq3A_332 = vector.broadcast %eq3A_331 : i32 to vector<16xi32>
    %eq3A_333 = arith.cmpi eq, %select_n3A_142, %eq3A_332 : vector<16xi32>
    %or3A_334 = arith.ori %eq3A_330, %eq3A_333 : vector<16xi1>
    %convert_element_type3A_335 = arith.extui %or3A_334 : vector<16xi1> to vector<16xi32>
    %broadcast_in_dim3A_336 = arith.constant true
    %broadcast_in_dim3A_337 = vector.broadcast %broadcast_in_dim3A_336 : i1 to vector<16xi1>
    %masked_cumsum3A_338 = tpu.scan <sum>, %convert_element_type3A_335 masked %broadcast_in_dim3A_337 : vector<16xi32>, vector<16xi1> -> vector<16xi32>
    %sub3A_339 = arith.subi %masked_cumsum3A_338, %convert_element_type3A_335 : vector<16xi32>
    %add3A_340 = arith.constant 0 : i32
    %add3A_341 = vector.broadcast %add3A_340 : i32 to vector<16xi32>
    %add3A_342 = arith.addi %sub3A_339, %add3A_341 : vector<16xi32>
    %reduce_sum3A_343 = arith.constant true
    %reduce_sum3A_344 = vector.broadcast %reduce_sum3A_343 : i1 to vector<16xi1>
    %reduce_sum3A_345 = tpu.scan <sum>, %convert_element_type3A_335 masked %reduce_sum3A_344 : vector<16xi32>, vector<16xi1> -> vector<16xi32>
    %reduce_sum3A_346 = vector.extract %reduce_sum3A_345[15] : i32 from vector<16xi32>
    %add3A_347 = arith.constant 0 : i32
    %add3A_348 = arith.addi %add3A_347, %reduce_sum3A_346 : i32
    %jit3A_349 = arith.constant 0.000000e+00 : f32
    %broadcast_in_dim3A_350 = vector.broadcast %jit3A_349 : f32 to vector<16xf32>
    %select_n3A_351 = arith.select %eq3A_330, %div3A, %broadcast_in_dim3A_350 : vector<16xi1>, vector<16xf32>
    %jit3A_352 = arith.constant 0.000000e+00 : f32
    %broadcast_in_dim3A_353 = vector.broadcast %jit3A_352 : f32 to vector<16xf32>
    %select_n3A_354 = arith.select %eq3A_333, %div3A_148, %broadcast_in_dim3A_353 : vector<16xi1>, vector<16xf32>
    %add3A_355 = arith.addf %select_n3A_351, %select_n3A_354 : vector<16xf32>
    %jit3A_356 = arith.constant 1048576 : i32
    %broadcast_in_dim3A_357 = vector.broadcast %jit3A_356 : i32 to vector<16xi32>
    %select_n3A_358 = arith.select %or3A_334, %add3A_342, %broadcast_in_dim3A_357 : vector<16xi1>, vector<16xi32>
    %add3A_359 = arith.constant 5 : i32
    %add3A_360 = vector.broadcast %add3A_359 : i32 to vector<16xi32>
    %add3A_361 = arith.addi %add3A_5, %add3A_360 : vector<16xi32>
    tpu.vector_store_idx %arg7[%add3A_361], %select_n3A_358 : memref<1024xi32, #tpu.memory_space<vmem>>[vector<16xi32>], vector<16xi32>,
    %add3A_362 = arith.constant 5 : i32
    %add3A_363 = vector.broadcast %add3A_362 : i32 to vector<16xi32>
    %add3A_364 = arith.addi %add3A_5, %add3A_363 : vector<16xi32>
    tpu.vector_store_idx %arg8[%add3A_364], %add3A_355 : memref<1024xf32, #tpu.memory_space<vmem>>[vector<16xi32>], vector<16xf32>,
    %eq3A_365 = arith.constant 6 : i32
    %eq3A_366 = vector.broadcast %eq3A_365 : i32 to vector<16xi32>
    %eq3A_367 = arith.cmpi eq, %select_n3A_68, %eq3A_366 : vector<16xi32>
    %eq3A_368 = arith.constant 6 : i32
    %eq3A_369 = vector.broadcast %eq3A_368 : i32 to vector<16xi32>
    %eq3A_370 = arith.cmpi eq, %select_n3A_142, %eq3A_369 : vector<16xi32>
    %or3A_371 = arith.ori %eq3A_367, %eq3A_370 : vector<16xi1>
    %convert_element_type3A_372 = arith.extui %or3A_371 : vector<16xi1> to vector<16xi32>
    %broadcast_in_dim3A_373 = arith.constant true
    %broadcast_in_dim3A_374 = vector.broadcast %broadcast_in_dim3A_373 : i1 to vector<16xi1>
    %masked_cumsum3A_375 = tpu.scan <sum>, %convert_element_type3A_372 masked %broadcast_in_dim3A_374 : vector<16xi32>, vector<16xi1> -> vector<16xi32>
    %sub3A_376 = arith.subi %masked_cumsum3A_375, %convert_element_type3A_372 : vector<16xi32>
    %add3A_377 = arith.constant 0 : i32
    %add3A_378 = vector.broadcast %add3A_377 : i32 to vector<16xi32>
    %add3A_379 = arith.addi %sub3A_376, %add3A_378 : vector<16xi32>
    %reduce_sum3A_380 = arith.constant true
    %reduce_sum3A_381 = vector.broadcast %reduce_sum3A_380 : i1 to vector<16xi1>
    %reduce_sum3A_382 = tpu.scan <sum>, %convert_element_type3A_372 masked %reduce_sum3A_381 : vector<16xi32>, vector<16xi1> -> vector<16xi32>
    %reduce_sum3A_383 = vector.extract %reduce_sum3A_382[15] : i32 from vector<16xi32>
    %add3A_384 = arith.constant 0 : i32
    %add3A_385 = arith.addi %add3A_384, %reduce_sum3A_383 : i32
    %jit3A_386 = arith.constant 0.000000e+00 : f32
    %broadcast_in_dim3A_387 = vector.broadcast %jit3A_386 : f32 to vector<16xf32>
    %select_n3A_388 = arith.select %eq3A_367, %div3A, %broadcast_in_dim3A_387 : vector<16xi1>, vector<16xf32>
    %jit3A_389 = arith.constant 0.000000e+00 : f32
    %broadcast_in_dim3A_390 = vector.broadcast %jit3A_389 : f32 to vector<16xf32>
    %select_n3A_391 = arith.select %eq3A_370, %div3A_148, %broadcast_in_dim3A_390 : vector<16xi1>, vector<16xf32>
    %add3A_392 = arith.addf %select_n3A_388, %select_n3A_391 : vector<16xf32>
    %jit3A_393 = arith.constant 1048576 : i32
    %broadcast_in_dim3A_394 = vector.broadcast %jit3A_393 : i32 to vector<16xi32>
    %select_n3A_395 = arith.select %or3A_371, %add3A_379, %broadcast_in_dim3A_394 : vector<16xi1>, vector<16xi32>
    %add3A_396 = arith.constant 6 : i32
    %add3A_397 = vector.broadcast %add3A_396 : i32 to vector<16xi32>
    %add3A_398 = arith.addi %add3A_5, %add3A_397 : vector<16xi32>
    tpu.vector_store_idx %arg7[%add3A_398], %select_n3A_395 : memref<1024xi32, #tpu.memory_space<vmem>>[vector<16xi32>], vector<16xi32>,
    %add3A_399 = arith.constant 6 : i32
    %add3A_400 = vector.broadcast %add3A_399 : i32 to vector<16xi32>
    %add3A_401 = arith.addi %add3A_5, %add3A_400 : vector<16xi32>
    tpu.vector_store_idx %arg8[%add3A_401], %add3A_392 : memref<1024xf32, #tpu.memory_space<vmem>>[vector<16xi32>], vector<16xf32>,
    %eq3A_402 = arith.constant 7 : i32
    %eq3A_403 = vector.broadcast %eq3A_402 : i32 to vector<16xi32>
    %eq3A_404 = arith.cmpi eq, %select_n3A_68, %eq3A_403 : vector<16xi32>
    %eq3A_405 = arith.constant 7 : i32
    %eq3A_406 = vector.broadcast %eq3A_405 : i32 to vector<16xi32>
    %eq3A_407 = arith.cmpi eq, %select_n3A_142, %eq3A_406 : vector<16xi32>
    %or3A_408 = arith.ori %eq3A_404, %eq3A_407 : vector<16xi1>
    %convert_element_type3A_409 = arith.extui %or3A_408 : vector<16xi1> to vector<16xi32>
    %broadcast_in_dim3A_410 = arith.constant true
    %broadcast_in_dim3A_411 = vector.broadcast %broadcast_in_dim3A_410 : i1 to vector<16xi1>
    %masked_cumsum3A_412 = tpu.scan <sum>, %convert_element_type3A_409 masked %broadcast_in_dim3A_411 : vector<16xi32>, vector<16xi1> -> vector<16xi32>
    %sub3A_413 = arith.subi %masked_cumsum3A_412, %convert_element_type3A_409 : vector<16xi32>
    %add3A_414 = arith.constant 0 : i32
    %add3A_415 = vector.broadcast %add3A_414 : i32 to vector<16xi32>
    %add3A_416 = arith.addi %sub3A_413, %add3A_415 : vector<16xi32>
    %reduce_sum3A_417 = arith.constant true
    %reduce_sum3A_418 = vector.broadcast %reduce_sum3A_417 : i1 to vector<16xi1>
    %reduce_sum3A_419 = tpu.scan <sum>, %convert_element_type3A_409 masked %reduce_sum3A_418 : vector<16xi32>, vector<16xi1> -> vector<16xi32>
    %reduce_sum3A_420 = vector.extract %reduce_sum3A_419[15] : i32 from vector<16xi32>
    %add3A_421 = arith.constant 0 : i32
    %add3A_422 = arith.addi %add3A_421, %reduce_sum3A_420 : i32
    %jit3A_423 = arith.constant 0.000000e+00 : f32
    %broadcast_in_dim3A_424 = vector.broadcast %jit3A_423 : f32 to vector<16xf32>
    %select_n3A_425 = arith.select %eq3A_404, %div3A, %broadcast_in_dim3A_424 : vector<16xi1>, vector<16xf32>
    %jit3A_426 = arith.constant 0.000000e+00 : f32
    %broadcast_in_dim3A_427 = vector.broadcast %jit3A_426 : f32 to vector<16xf32>
    %select_n3A_428 = arith.select %eq3A_407, %div3A_148, %broadcast_in_dim3A_427 : vector<16xi1>, vector<16xf32>
    %add3A_429 = arith.addf %select_n3A_425, %select_n3A_428 : vector<16xf32>
    %jit3A_430 = arith.constant 1048576 : i32
    %broadcast_in_dim3A_431 = vector.broadcast %jit3A_430 : i32 to vector<16xi32>
    %select_n3A_432 = arith.select %or3A_408, %add3A_416, %broadcast_in_dim3A_431 : vector<16xi1>, vector<16xi32>
    %add3A_433 = arith.constant 7 : i32
    %add3A_434 = vector.broadcast %add3A_433 : i32 to vector<16xi32>
    %add3A_435 = arith.addi %add3A_5, %add3A_434 : vector<16xi32>
    tpu.vector_store_idx %arg7[%add3A_435], %select_n3A_432 : memref<1024xi32, #tpu.memory_space<vmem>>[vector<16xi32>], vector<16xi32>,
    %add3A_436 = arith.constant 7 : i32
    %add3A_437 = vector.broadcast %add3A_436 : i32 to vector<16xi32>
    %add3A_438 = arith.addi %add3A_5, %add3A_437 : vector<16xi32>
    tpu.vector_store_idx %arg8[%add3A_438], %add3A_429 : memref<1024xf32, #tpu.memory_space<vmem>>[vector<16xi32>], vector<16xf32>,
    %mul3A_439 = arith.constant 8 : i32
    %mul3A_440 = vector.broadcast %mul3A_439 : i32 to vector<16xi32>
    %mul3A_441 = arith.muli %iota3A, %mul3A_440 : vector<16xi32>
    %add3A_442 = arith.constant 128 : i32
    %add3A_443 = vector.broadcast %add3A_442 : i32 to vector<16xi32>
    %add3A_444 = arith.addi %mul3A_441, %add3A_443 : vector<16xi32>
    %add3A_445 = arith.constant 0 : i32
    %add3A_446 = vector.broadcast %add3A_445 : i32 to vector<16xi32>
    %add3A_447 = arith.addi %add3A_444, %add3A_446 : vector<16xi32>
    %gather3A_448 = tpu.vector_load_idx %arg6[%add3A_447] : memref<1024xf32, #tpu.memory_space<vmem>>[vector<16xi32>], vector<16xf32>,
    %add3A_449 = arith.constant 1 : i32
    %add3A_450 = vector.broadcast %add3A_449 : i32 to vector<16xi32>
    %add3A_451 = arith.addi %add3A_444, %add3A_450 : vector<16xi32>
    %gather3A_452 = tpu.vector_load_idx %arg6[%add3A_451] : memref<1024xf32, #tpu.memory_space<vmem>>[vector<16xi32>], vector<16xf32>,
    %add3A_453 = arith.constant 2 : i32
    %add3A_454 = vector.broadcast %add3A_453 : i32 to vector<16xi32>
    %add3A_455 = arith.addi %add3A_444, %add3A_454 : vector<16xi32>
    %gather3A_456 = tpu.vector_load_idx %arg6[%add3A_455] : memref<1024xf32, #tpu.memory_space<vmem>>[vector<16xi32>], vector<16xf32>,
    %add3A_457 = arith.constant 3 : i32
    %add3A_458 = vector.broadcast %add3A_457 : i32 to vector<16xi32>
    %add3A_459 = arith.addi %add3A_444, %add3A_458 : vector<16xi32>
    %gather3A_460 = tpu.vector_load_idx %arg6[%add3A_459] : memref<1024xf32, #tpu.memory_space<vmem>>[vector<16xi32>], vector<16xf32>,
    %add3A_461 = arith.constant 4 : i32
    %add3A_462 = vector.broadcast %add3A_461 : i32 to vector<16xi32>
    %add3A_463 = arith.addi %add3A_444, %add3A_462 : vector<16xi32>
    %gather3A_464 = tpu.vector_load_idx %arg6[%add3A_463] : memref<1024xf32, #tpu.memory_space<vmem>>[vector<16xi32>], vector<16xf32>,
    %add3A_465 = arith.constant 5 : i32
    %add3A_466 = vector.broadcast %add3A_465 : i32 to vector<16xi32>
    %add3A_467 = arith.addi %add3A_444, %add3A_466 : vector<16xi32>
    %gather3A_468 = tpu.vector_load_idx %arg6[%add3A_467] : memref<1024xf32, #tpu.memory_space<vmem>>[vector<16xi32>], vector<16xf32>,
    %add3A_469 = arith.constant 6 : i32
    %add3A_470 = vector.broadcast %add3A_469 : i32 to vector<16xi32>
    %add3A_471 = arith.addi %add3A_444, %add3A_470 : vector<16xi32>
    %gather3A_472 = tpu.vector_load_idx %arg6[%add3A_471] : memref<1024xf32, #tpu.memory_space<vmem>>[vector<16xi32>], vector<16xf32>,
    %add3A_473 = arith.constant 7 : i32
    %add3A_474 = vector.broadcast %add3A_473 : i32 to vector<16xi32>
    %add3A_475 = arith.addi %add3A_444, %add3A_474 : vector<16xi32>
    %gather3A_476 = tpu.vector_load_idx %arg6[%add3A_475] : memref<1024xf32, #tpu.memory_space<vmem>>[vector<16xi32>], vector<16xf32>,
    %broadcast_in_dim3A_477 = arith.constant 0 : i32
    %broadcast_in_dim3A_478 = vector.broadcast %broadcast_in_dim3A_477 : i32 to vector<16xi32>
    %gt3A_479 = arith.cmpf ogt, %gather3A_452, %gather3A_448 : vector<16xf32>
    %jit3A_480 = arith.constant 1 : i32
    %broadcast_in_dim3A_481 = vector.broadcast %jit3A_480 : i32 to vector<16xi32>
    %select_n3A_482 = arith.select %gt3A_479, %broadcast_in_dim3A_481, %broadcast_in_dim3A_478 : vector<16xi1>, vector<16xi32>
    %select_n3A_483 = arith.select %gt3A_479, %gather3A_452, %gather3A_448 : vector<16xi1>, vector<16xf32>
    %gt3A_484 = arith.cmpf ogt, %gather3A_456, %select_n3A_483 : vector<16xf32>
    %jit3A_485 = arith.constant 2 : i32
    %broadcast_in_dim3A_486 = vector.broadcast %jit3A_485 : i32 to vector<16xi32>
    %select_n3A_487 = arith.select %gt3A_484, %broadcast_in_dim3A_486, %select_n3A_482 : vector<16xi1>, vector<16xi32>
    %select_n3A_488 = arith.select %gt3A_484, %gather3A_456, %select_n3A_483 : vector<16xi1>, vector<16xf32>
    %gt3A_489 = arith.cmpf ogt, %gather3A_460, %select_n3A_488 : vector<16xf32>
    %jit3A_490 = arith.constant 3 : i32
    %broadcast_in_dim3A_491 = vector.broadcast %jit3A_490 : i32 to vector<16xi32>
    %select_n3A_492 = arith.select %gt3A_489, %broadcast_in_dim3A_491, %select_n3A_487 : vector<16xi1>, vector<16xi32>
    %select_n3A_493 = arith.select %gt3A_489, %gather3A_460, %select_n3A_488 : vector<16xi1>, vector<16xf32>
    %gt3A_494 = arith.cmpf ogt, %gather3A_464, %select_n3A_493 : vector<16xf32>
    %jit3A_495 = arith.constant 4 : i32
    %broadcast_in_dim3A_496 = vector.broadcast %jit3A_495 : i32 to vector<16xi32>
    %select_n3A_497 = arith.select %gt3A_494, %broadcast_in_dim3A_496, %select_n3A_492 : vector<16xi1>, vector<16xi32>
    %select_n3A_498 = arith.select %gt3A_494, %gather3A_464, %select_n3A_493 : vector<16xi1>, vector<16xf32>
    %gt3A_499 = arith.cmpf ogt, %gather3A_468, %select_n3A_498 : vector<16xf32>
    %jit3A_500 = arith.constant 5 : i32
    %broadcast_in_dim3A_501 = vector.broadcast %jit3A_500 : i32 to vector<16xi32>
    %select_n3A_502 = arith.select %gt3A_499, %broadcast_in_dim3A_501, %select_n3A_497 : vector<16xi1>, vector<16xi32>
    %select_n3A_503 = arith.select %gt3A_499, %gather3A_468, %select_n3A_498 : vector<16xi1>, vector<16xf32>
    %gt3A_504 = arith.cmpf ogt, %gather3A_472, %select_n3A_503 : vector<16xf32>
    %jit3A_505 = arith.constant 6 : i32
    %broadcast_in_dim3A_506 = vector.broadcast %jit3A_505 : i32 to vector<16xi32>
    %select_n3A_507 = arith.select %gt3A_504, %broadcast_in_dim3A_506, %select_n3A_502 : vector<16xi1>, vector<16xi32>
    %select_n3A_508 = arith.select %gt3A_504, %gather3A_472, %select_n3A_503 : vector<16xi1>, vector<16xf32>
    %gt3A_509 = arith.cmpf ogt, %gather3A_476, %select_n3A_508 : vector<16xf32>
    %jit3A_510 = arith.constant 7 : i32
    %broadcast_in_dim3A_511 = vector.broadcast %jit3A_510 : i32 to vector<16xi32>
    %select_n3A_512 = arith.select %gt3A_509, %broadcast_in_dim3A_511, %select_n3A_507 : vector<16xi1>, vector<16xi32>
    %select_n3A_513 = arith.select %gt3A_509, %gather3A_476, %select_n3A_508 : vector<16xi1>, vector<16xf32>
    %broadcast_in_dim3A_514 = arith.constant -1.000000e+00 : f32
    %broadcast_in_dim3A_515 = vector.broadcast %broadcast_in_dim3A_514 : f32 to vector<16xf32>
    %broadcast_in_dim3A_516 = arith.constant 0 : i32
    %broadcast_in_dim3A_517 = vector.broadcast %broadcast_in_dim3A_516 : i32 to vector<16xi32>
    %ne3A_518 = arith.constant 0 : i32
    %ne3A_519 = vector.broadcast %ne3A_518 : i32 to vector<16xi32>
    %ne3A_520 = arith.cmpi ne, %select_n3A_512, %ne3A_519 : vector<16xi32>
    %gt3A_521 = arith.cmpf ogt, %gather3A_448, %broadcast_in_dim3A_515 : vector<16xf32>
    %and3A_522 = arith.andi %ne3A_520, %gt3A_521 : vector<16xi1>
    %jit3A_523 = arith.constant 0 : i32
    %broadcast_in_dim3A_524 = vector.broadcast %jit3A_523 : i32 to vector<16xi32>
    %select_n3A_525 = arith.select %and3A_522, %broadcast_in_dim3A_524, %broadcast_in_dim3A_517 : vector<16xi1>, vector<16xi32>
    %select_n3A_526 = arith.select %and3A_522, %gather3A_448, %broadcast_in_dim3A_515 : vector<16xi1>, vector<16xf32>
    %ne3A_527 = arith.constant 1 : i32
    %ne3A_528 = vector.broadcast %ne3A_527 : i32 to vector<16xi32>
    %ne3A_529 = arith.cmpi ne, %select_n3A_512, %ne3A_528 : vector<16xi32>
    %gt3A_530 = arith.cmpf ogt, %gather3A_452, %select_n3A_526 : vector<16xf32>
    %and3A_531 = arith.andi %ne3A_529, %gt3A_530 : vector<16xi1>
    %jit3A_532 = arith.constant 1 : i32
    %broadcast_in_dim3A_533 = vector.broadcast %jit3A_532 : i32 to vector<16xi32>
    %select_n3A_534 = arith.select %and3A_531, %broadcast_in_dim3A_533, %select_n3A_525 : vector<16xi1>, vector<16xi32>
    %select_n3A_535 = arith.select %and3A_531, %gather3A_452, %select_n3A_526 : vector<16xi1>, vector<16xf32>
    %ne3A_536 = arith.constant 2 : i32
    %ne3A_537 = vector.broadcast %ne3A_536 : i32 to vector<16xi32>
    %ne3A_538 = arith.cmpi ne, %select_n3A_512, %ne3A_537 : vector<16xi32>
    %gt3A_539 = arith.cmpf ogt, %gather3A_456, %select_n3A_535 : vector<16xf32>
    %and3A_540 = arith.andi %ne3A_538, %gt3A_539 : vector<16xi1>
    %jit3A_541 = arith.constant 2 : i32
    %broadcast_in_dim3A_542 = vector.broadcast %jit3A_541 : i32 to vector<16xi32>
    %select_n3A_543 = arith.select %and3A_540, %broadcast_in_dim3A_542, %select_n3A_534 : vector<16xi1>, vector<16xi32>
    %select_n3A_544 = arith.select %and3A_540, %gather3A_456, %select_n3A_535 : vector<16xi1>, vector<16xf32>
    %ne3A_545 = arith.constant 3 : i32
    %ne3A_546 = vector.broadcast %ne3A_545 : i32 to vector<16xi32>
    %ne3A_547 = arith.cmpi ne, %select_n3A_512, %ne3A_546 : vector<16xi32>
    %gt3A_548 = arith.cmpf ogt, %gather3A_460, %select_n3A_544 : vector<16xf32>
    %and3A_549 = arith.andi %ne3A_547, %gt3A_548 : vector<16xi1>
    %jit3A_550 = arith.constant 3 : i32
    %broadcast_in_dim3A_551 = vector.broadcast %jit3A_550 : i32 to vector<16xi32>
    %select_n3A_552 = arith.select %and3A_549, %broadcast_in_dim3A_551, %select_n3A_543 : vector<16xi1>, vector<16xi32>
    %select_n3A_553 = arith.select %and3A_549, %gather3A_460, %select_n3A_544 : vector<16xi1>, vector<16xf32>
    %ne3A_554 = arith.constant 4 : i32
    %ne3A_555 = vector.broadcast %ne3A_554 : i32 to vector<16xi32>
    %ne3A_556 = arith.cmpi ne, %select_n3A_512, %ne3A_555 : vector<16xi32>
    %gt3A_557 = arith.cmpf ogt, %gather3A_464, %select_n3A_553 : vector<16xf32>
    %and3A_558 = arith.andi %ne3A_556, %gt3A_557 : vector<16xi1>
    %jit3A_559 = arith.constant 4 : i32
    %broadcast_in_dim3A_560 = vector.broadcast %jit3A_559 : i32 to vector<16xi32>
    %select_n3A_561 = arith.select %and3A_558, %broadcast_in_dim3A_560, %select_n3A_552 : vector<16xi1>, vector<16xi32>
    %select_n3A_562 = arith.select %and3A_558, %gather3A_464, %select_n3A_553 : vector<16xi1>, vector<16xf32>
    %ne3A_563 = arith.constant 5 : i32
    %ne3A_564 = vector.broadcast %ne3A_563 : i32 to vector<16xi32>
    %ne3A_565 = arith.cmpi ne, %select_n3A_512, %ne3A_564 : vector<16xi32>
    %gt3A_566 = arith.cmpf ogt, %gather3A_468, %select_n3A_562 : vector<16xf32>
    %and3A_567 = arith.andi %ne3A_565, %gt3A_566 : vector<16xi1>
    %jit3A_568 = arith.constant 5 : i32
    %broadcast_in_dim3A_569 = vector.broadcast %jit3A_568 : i32 to vector<16xi32>
    %select_n3A_570 = arith.select %and3A_567, %broadcast_in_dim3A_569, %select_n3A_561 : vector<16xi1>, vector<16xi32>
    %select_n3A_571 = arith.select %and3A_567, %gather3A_468, %select_n3A_562 : vector<16xi1>, vector<16xf32>
    %ne3A_572 = arith.constant 6 : i32
    %ne3A_573 = vector.broadcast %ne3A_572 : i32 to vector<16xi32>
    %ne3A_574 = arith.cmpi ne, %select_n3A_512, %ne3A_573 : vector<16xi32>
    %gt3A_575 = arith.cmpf ogt, %gather3A_472, %select_n3A_571 : vector<16xf32>
    %and3A_576 = arith.andi %ne3A_574, %gt3A_575 : vector<16xi1>
    %jit3A_577 = arith.constant 6 : i32
    %broadcast_in_dim3A_578 = vector.broadcast %jit3A_577 : i32 to vector<16xi32>
    %select_n3A_579 = arith.select %and3A_576, %broadcast_in_dim3A_578, %select_n3A_570 : vector<16xi1>, vector<16xi32>
    %select_n3A_580 = arith.select %and3A_576, %gather3A_472, %select_n3A_571 : vector<16xi1>, vector<16xf32>
    %ne3A_581 = arith.constant 7 : i32
    %ne3A_582 = vector.broadcast %ne3A_581 : i32 to vector<16xi32>
    %ne3A_583 = arith.cmpi ne, %select_n3A_512, %ne3A_582 : vector<16xi32>
    %gt3A_584 = arith.cmpf ogt, %gather3A_476, %select_n3A_580 : vector<16xf32>
    %and3A_585 = arith.andi %ne3A_583, %gt3A_584 : vector<16xi1>
    %jit3A_586 = arith.constant 7 : i32
    %broadcast_in_dim3A_587 = vector.broadcast %jit3A_586 : i32 to vector<16xi32>
    %select_n3A_588 = arith.select %and3A_585, %broadcast_in_dim3A_587, %select_n3A_579 : vector<16xi1>, vector<16xi32>
    %select_n3A_589 = arith.select %and3A_585, %gather3A_476, %select_n3A_580 : vector<16xi1>, vector<16xf32>
    %add3A_590 = arith.addf %select_n3A_513, %select_n3A_589 : vector<16xf32>
    %add3A_591 = arith.constant 9.99999993E-9 : f32
    %add3A_592 = vector.broadcast %add3A_591 : f32 to vector<16xf32>
    %add3A_593 = arith.addf %add3A_590, %add3A_592 : vector<16xf32>
    %div3A_594 = arith.divf %select_n3A_513, %add3A_593 : vector<16xf32>
    %div3A_595 = arith.divf %select_n3A_589, %add3A_593 : vector<16xf32>
    %eq3A_596 = arith.constant 0 : i32
    %eq3A_597 = vector.broadcast %eq3A_596 : i32 to vector<16xi32>
    %eq3A_598 = arith.cmpi eq, %select_n3A_512, %eq3A_597 : vector<16xi32>
    %eq3A_599 = arith.constant 0 : i32
    %eq3A_600 = vector.broadcast %eq3A_599 : i32 to vector<16xi32>
    %eq3A_601 = arith.cmpi eq, %select_n3A_588, %eq3A_600 : vector<16xi32>
    %or3A_602 = arith.ori %eq3A_598, %eq3A_601 : vector<16xi1>
    %convert_element_type3A_603 = arith.extui %or3A_602 : vector<16xi1> to vector<16xi32>
    %broadcast_in_dim3A_604 = arith.constant true
    %broadcast_in_dim3A_605 = vector.broadcast %broadcast_in_dim3A_604 : i1 to vector<16xi1>
    %masked_cumsum3A_606 = tpu.scan <sum>, %convert_element_type3A_603 masked %broadcast_in_dim3A_605 : vector<16xi32>, vector<16xi1> -> vector<16xi32>
    %sub3A_607 = arith.subi %masked_cumsum3A_606, %convert_element_type3A_603 : vector<16xi32>
    %add3A_608 = vector.broadcast %add3A_163 : i32 to vector<16xi32>
    %add3A_609 = arith.addi %sub3A_607, %add3A_608 : vector<16xi32>
    %reduce_sum3A_610 = arith.constant true
    %reduce_sum3A_611 = vector.broadcast %reduce_sum3A_610 : i1 to vector<16xi1>
    %reduce_sum3A_612 = tpu.scan <sum>, %convert_element_type3A_603 masked %reduce_sum3A_611 : vector<16xi32>, vector<16xi1> -> vector<16xi32>
    %reduce_sum3A_613 = vector.extract %reduce_sum3A_612[15] : i32 from vector<16xi32>
    %add3A_614 = arith.addi %add3A_163, %reduce_sum3A_613 : i32
    %jit3A_615 = arith.constant 0.000000e+00 : f32
    %broadcast_in_dim3A_616 = vector.broadcast %jit3A_615 : f32 to vector<16xf32>
    %select_n3A_617 = arith.select %eq3A_598, %div3A_594, %broadcast_in_dim3A_616 : vector<16xi1>, vector<16xf32>
    %jit3A_618 = arith.constant 0.000000e+00 : f32
    %broadcast_in_dim3A_619 = vector.broadcast %jit3A_618 : f32 to vector<16xf32>
    %select_n3A_620 = arith.select %eq3A_601, %div3A_595, %broadcast_in_dim3A_619 : vector<16xi1>, vector<16xf32>
    %add3A_621 = arith.addf %select_n3A_617, %select_n3A_620 : vector<16xf32>
    %jit3A_622 = arith.constant 1048576 : i32
    %broadcast_in_dim3A_623 = vector.broadcast %jit3A_622 : i32 to vector<16xi32>
    %select_n3A_624 = arith.select %or3A_602, %add3A_609, %broadcast_in_dim3A_623 : vector<16xi1>, vector<16xi32>
    %add3A_625 = arith.constant 0 : i32
    %add3A_626 = vector.broadcast %add3A_625 : i32 to vector<16xi32>
    %add3A_627 = arith.addi %add3A_444, %add3A_626 : vector<16xi32>
    tpu.vector_store_idx %arg7[%add3A_627], %select_n3A_624 : memref<1024xi32, #tpu.memory_space<vmem>>[vector<16xi32>], vector<16xi32>,
    %add3A_628 = arith.constant 0 : i32
    %add3A_629 = vector.broadcast %add3A_628 : i32 to vector<16xi32>
    %add3A_630 = arith.addi %add3A_444, %add3A_629 : vector<16xi32>
    tpu.vector_store_idx %arg8[%add3A_630], %add3A_621 : memref<1024xf32, #tpu.memory_space<vmem>>[vector<16xi32>], vector<16xf32>,
    %eq3A_631 = arith.constant 1 : i32
    %eq3A_632 = vector.broadcast %eq3A_631 : i32 to vector<16xi32>
    %eq3A_633 = arith.cmpi eq, %select_n3A_512, %eq3A_632 : vector<16xi32>
    %eq3A_634 = arith.constant 1 : i32
    %eq3A_635 = vector.broadcast %eq3A_634 : i32 to vector<16xi32>
    %eq3A_636 = arith.cmpi eq, %select_n3A_588, %eq3A_635 : vector<16xi32>
    %or3A_637 = arith.ori %eq3A_633, %eq3A_636 : vector<16xi1>
    %convert_element_type3A_638 = arith.extui %or3A_637 : vector<16xi1> to vector<16xi32>
    %broadcast_in_dim3A_639 = arith.constant true
    %broadcast_in_dim3A_640 = vector.broadcast %broadcast_in_dim3A_639 : i1 to vector<16xi1>
    %masked_cumsum3A_641 = tpu.scan <sum>, %convert_element_type3A_638 masked %broadcast_in_dim3A_640 : vector<16xi32>, vector<16xi1> -> vector<16xi32>
    %sub3A_642 = arith.subi %masked_cumsum3A_641, %convert_element_type3A_638 : vector<16xi32>
    %add3A_643 = vector.broadcast %add3A_200 : i32 to vector<16xi32>
    %add3A_644 = arith.addi %sub3A_642, %add3A_643 : vector<16xi32>
    %reduce_sum3A_645 = arith.constant true
    %reduce_sum3A_646 = vector.broadcast %reduce_sum3A_645 : i1 to vector<16xi1>
    %reduce_sum3A_647 = tpu.scan <sum>, %convert_element_type3A_638 masked %reduce_sum3A_646 : vector<16xi32>, vector<16xi1> -> vector<16xi32>
    %reduce_sum3A_648 = vector.extract %reduce_sum3A_647[15] : i32 from vector<16xi32>
    %add3A_649 = arith.addi %add3A_200, %reduce_sum3A_648 : i32
    %jit3A_650 = arith.constant 0.000000e+00 : f32
    %broadcast_in_dim3A_651 = vector.broadcast %jit3A_650 : f32 to vector<16xf32>
    %select_n3A_652 = arith.select %eq3A_633, %div3A_594, %broadcast_in_dim3A_651 : vector<16xi1>, vector<16xf32>
    %jit3A_653 = arith.constant 0.000000e+00 : f32
    %broadcast_in_dim3A_654 = vector.broadcast %jit3A_653 : f32 to vector<16xf32>
    %select_n3A_655 = arith.select %eq3A_636, %div3A_595, %broadcast_in_dim3A_654 : vector<16xi1>, vector<16xf32>
    %add3A_656 = arith.addf %select_n3A_652, %select_n3A_655 : vector<16xf32>
    %jit3A_657 = arith.constant 1048576 : i32
    %broadcast_in_dim3A_658 = vector.broadcast %jit3A_657 : i32 to vector<16xi32>
    %select_n3A_659 = arith.select %or3A_637, %add3A_644, %broadcast_in_dim3A_658 : vector<16xi1>, vector<16xi32>
    %add3A_660 = arith.constant 1 : i32
    %add3A_661 = vector.broadcast %add3A_660 : i32 to vector<16xi32>
    %add3A_662 = arith.addi %add3A_444, %add3A_661 : vector<16xi32>
    tpu.vector_store_idx %arg7[%add3A_662], %select_n3A_659 : memref<1024xi32, #tpu.memory_space<vmem>>[vector<16xi32>], vector<16xi32>,
    %add3A_663 = arith.constant 1 : i32
    %add3A_664 = vector.broadcast %add3A_663 : i32 to vector<16xi32>
    %add3A_665 = arith.addi %add3A_444, %add3A_664 : vector<16xi32>
    tpu.vector_store_idx %arg8[%add3A_665], %add3A_656 : memref<1024xf32, #tpu.memory_space<vmem>>[vector<16xi32>], vector<16xf32>,
    %eq3A_666 = arith.constant 2 : i32
    %eq3A_667 = vector.broadcast %eq3A_666 : i32 to vector<16xi32>
    %eq3A_668 = arith.cmpi eq, %select_n3A_512, %eq3A_667 : vector<16xi32>
    %eq3A_669 = arith.constant 2 : i32
    %eq3A_670 = vector.broadcast %eq3A_669 : i32 to vector<16xi32>
    %eq3A_671 = arith.cmpi eq, %select_n3A_588, %eq3A_670 : vector<16xi32>
    %or3A_672 = arith.ori %eq3A_668, %eq3A_671 : vector<16xi1>
    %convert_element_type3A_673 = arith.extui %or3A_672 : vector<16xi1> to vector<16xi32>
    %broadcast_in_dim3A_674 = arith.constant true
    %broadcast_in_dim3A_675 = vector.broadcast %broadcast_in_dim3A_674 : i1 to vector<16xi1>
    %masked_cumsum3A_676 = tpu.scan <sum>, %convert_element_type3A_673 masked %broadcast_in_dim3A_675 : vector<16xi32>, vector<16xi1> -> vector<16xi32>
    %sub3A_677 = arith.subi %masked_cumsum3A_676, %convert_element_type3A_673 : vector<16xi32>
    %add3A_678 = vector.broadcast %add3A_237 : i32 to vector<16xi32>
    %add3A_679 = arith.addi %sub3A_677, %add3A_678 : vector<16xi32>
    %reduce_sum3A_680 = arith.constant true
    %reduce_sum3A_681 = vector.broadcast %reduce_sum3A_680 : i1 to vector<16xi1>
    %reduce_sum3A_682 = tpu.scan <sum>, %convert_element_type3A_673 masked %reduce_sum3A_681 : vector<16xi32>, vector<16xi1> -> vector<16xi32>
    %reduce_sum3A_683 = vector.extract %reduce_sum3A_682[15] : i32 from vector<16xi32>
    %add3A_684 = arith.addi %add3A_237, %reduce_sum3A_683 : i32
    %jit3A_685 = arith.constant 0.000000e+00 : f32
    %broadcast_in_dim3A_686 = vector.broadcast %jit3A_685 : f32 to vector<16xf32>
    %select_n3A_687 = arith.select %eq3A_668, %div3A_594, %broadcast_in_dim3A_686 : vector<16xi1>, vector<16xf32>
    %jit3A_688 = arith.constant 0.000000e+00 : f32
    %broadcast_in_dim3A_689 = vector.broadcast %jit3A_688 : f32 to vector<16xf32>
    %select_n3A_690 = arith.select %eq3A_671, %div3A_595, %broadcast_in_dim3A_689 : vector<16xi1>, vector<16xf32>
    %add3A_691 = arith.addf %select_n3A_687, %select_n3A_690 : vector<16xf32>
    %jit3A_692 = arith.constant 1048576 : i32
    %broadcast_in_dim3A_693 = vector.broadcast %jit3A_692 : i32 to vector<16xi32>
    %select_n3A_694 = arith.select %or3A_672, %add3A_679, %broadcast_in_dim3A_693 : vector<16xi1>, vector<16xi32>
    %add3A_695 = arith.constant 2 : i32
    %add3A_696 = vector.broadcast %add3A_695 : i32 to vector<16xi32>
    %add3A_697 = arith.addi %add3A_444, %add3A_696 : vector<16xi32>
    tpu.vector_store_idx %arg7[%add3A_697], %select_n3A_694 : memref<1024xi32, #tpu.memory_space<vmem>>[vector<16xi32>], vector<16xi32>,
    %add3A_698 = arith.constant 2 : i32
    %add3A_699 = vector.broadcast %add3A_698 : i32 to vector<16xi32>
    %add3A_700 = arith.addi %add3A_444, %add3A_699 : vector<16xi32>
    tpu.vector_store_idx %arg8[%add3A_700], %add3A_691 : memref<1024xf32, #tpu.memory_space<vmem>>[vector<16xi32>], vector<16xf32>,
    %eq3A_701 = arith.constant 3 : i32
    %eq3A_702 = vector.broadcast %eq3A_701 : i32 to vector<16xi32>
    %eq3A_703 = arith.cmpi eq, %select_n3A_512, %eq3A_702 : vector<16xi32>
    %eq3A_704 = arith.constant 3 : i32
    %eq3A_705 = vector.broadcast %eq3A_704 : i32 to vector<16xi32>
    %eq3A_706 = arith.cmpi eq, %select_n3A_588, %eq3A_705 : vector<16xi32>
    %or3A_707 = arith.ori %eq3A_703, %eq3A_706 : vector<16xi1>
    %convert_element_type3A_708 = arith.extui %or3A_707 : vector<16xi1> to vector<16xi32>
    %broadcast_in_dim3A_709 = arith.constant true
    %broadcast_in_dim3A_710 = vector.broadcast %broadcast_in_dim3A_709 : i1 to vector<16xi1>
    %masked_cumsum3A_711 = tpu.scan <sum>, %convert_element_type3A_708 masked %broadcast_in_dim3A_710 : vector<16xi32>, vector<16xi1> -> vector<16xi32>
    %sub3A_712 = arith.subi %masked_cumsum3A_711, %convert_element_type3A_708 : vector<16xi32>
    %add3A_713 = vector.broadcast %add3A_274 : i32 to vector<16xi32>
    %add3A_714 = arith.addi %sub3A_712, %add3A_713 : vector<16xi32>
    %reduce_sum3A_715 = arith.constant true
    %reduce_sum3A_716 = vector.broadcast %reduce_sum3A_715 : i1 to vector<16xi1>
    %reduce_sum3A_717 = tpu.scan <sum>, %convert_element_type3A_708 masked %reduce_sum3A_716 : vector<16xi32>, vector<16xi1> -> vector<16xi32>
    %reduce_sum3A_718 = vector.extract %reduce_sum3A_717[15] : i32 from vector<16xi32>
    %add3A_719 = arith.addi %add3A_274, %reduce_sum3A_718 : i32
    %jit3A_720 = arith.constant 0.000000e+00 : f32
    %broadcast_in_dim3A_721 = vector.broadcast %jit3A_720 : f32 to vector<16xf32>
    %select_n3A_722 = arith.select %eq3A_703, %div3A_594, %broadcast_in_dim3A_721 : vector<16xi1>, vector<16xf32>
    %jit3A_723 = arith.constant 0.000000e+00 : f32
    %broadcast_in_dim3A_724 = vector.broadcast %jit3A_723 : f32 to vector<16xf32>
    %select_n3A_725 = arith.select %eq3A_706, %div3A_595, %broadcast_in_dim3A_724 : vector<16xi1>, vector<16xf32>
    %add3A_726 = arith.addf %select_n3A_722, %select_n3A_725 : vector<16xf32>
    %jit3A_727 = arith.constant 1048576 : i32
    %broadcast_in_dim3A_728 = vector.broadcast %jit3A_727 : i32 to vector<16xi32>
    %select_n3A_729 = arith.select %or3A_707, %add3A_714, %broadcast_in_dim3A_728 : vector<16xi1>, vector<16xi32>
    %add3A_730 = arith.constant 3 : i32
    %add3A_731 = vector.broadcast %add3A_730 : i32 to vector<16xi32>
    %add3A_732 = arith.addi %add3A_444, %add3A_731 : vector<16xi32>
    tpu.vector_store_idx %arg7[%add3A_732], %select_n3A_729 : memref<1024xi32, #tpu.memory_space<vmem>>[vector<16xi32>], vector<16xi32>,
    %add3A_733 = arith.constant 3 : i32
    %add3A_734 = vector.broadcast %add3A_733 : i32 to vector<16xi32>
    %add3A_735 = arith.addi %add3A_444, %add3A_734 : vector<16xi32>
    tpu.vector_store_idx %arg8[%add3A_735], %add3A_726 : memref<1024xf32, #tpu.memory_space<vmem>>[vector<16xi32>], vector<16xf32>,
    %eq3A_736 = arith.constant 4 : i32
    %eq3A_737 = vector.broadcast %eq3A_736 : i32 to vector<16xi32>
    %eq3A_738 = arith.cmpi eq, %select_n3A_512, %eq3A_737 : vector<16xi32>
    %eq3A_739 = arith.constant 4 : i32
    %eq3A_740 = vector.broadcast %eq3A_739 : i32 to vector<16xi32>
    %eq3A_741 = arith.cmpi eq, %select_n3A_588, %eq3A_740 : vector<16xi32>
    %or3A_742 = arith.ori %eq3A_738, %eq3A_741 : vector<16xi1>
    %convert_element_type3A_743 = arith.extui %or3A_742 : vector<16xi1> to vector<16xi32>
    %broadcast_in_dim3A_744 = arith.constant true
    %broadcast_in_dim3A_745 = vector.broadcast %broadcast_in_dim3A_744 : i1 to vector<16xi1>
    %masked_cumsum3A_746 = tpu.scan <sum>, %convert_element_type3A_743 masked %broadcast_in_dim3A_745 : vector<16xi32>, vector<16xi1> -> vector<16xi32>
    %sub3A_747 = arith.subi %masked_cumsum3A_746, %convert_element_type3A_743 : vector<16xi32>
    %add3A_748 = vector.broadcast %add3A_311 : i32 to vector<16xi32>
    %add3A_749 = arith.addi %sub3A_747, %add3A_748 : vector<16xi32>
    %reduce_sum3A_750 = arith.constant true
    %reduce_sum3A_751 = vector.broadcast %reduce_sum3A_750 : i1 to vector<16xi1>
    %reduce_sum3A_752 = tpu.scan <sum>, %convert_element_type3A_743 masked %reduce_sum3A_751 : vector<16xi32>, vector<16xi1> -> vector<16xi32>
    %reduce_sum3A_753 = vector.extract %reduce_sum3A_752[15] : i32 from vector<16xi32>
    %add3A_754 = arith.addi %add3A_311, %reduce_sum3A_753 : i32
    %jit3A_755 = arith.constant 0.000000e+00 : f32
    %broadcast_in_dim3A_756 = vector.broadcast %jit3A_755 : f32 to vector<16xf32>
    %select_n3A_757 = arith.select %eq3A_738, %div3A_594, %broadcast_in_dim3A_756 : vector<16xi1>, vector<16xf32>
    %jit3A_758 = arith.constant 0.000000e+00 : f32
    %broadcast_in_dim3A_759 = vector.broadcast %jit3A_758 : f32 to vector<16xf32>
    %select_n3A_760 = arith.select %eq3A_741, %div3A_595, %broadcast_in_dim3A_759 : vector<16xi1>, vector<16xf32>
    %add3A_761 = arith.addf %select_n3A_757, %select_n3A_760 : vector<16xf32>
    %jit3A_762 = arith.constant 1048576 : i32
    %broadcast_in_dim3A_763 = vector.broadcast %jit3A_762 : i32 to vector<16xi32>
    %select_n3A_764 = arith.select %or3A_742, %add3A_749, %broadcast_in_dim3A_763 : vector<16xi1>, vector<16xi32>
    %add3A_765 = arith.constant 4 : i32
    %add3A_766 = vector.broadcast %add3A_765 : i32 to vector<16xi32>
    %add3A_767 = arith.addi %add3A_444, %add3A_766 : vector<16xi32>
    tpu.vector_store_idx %arg7[%add3A_767], %select_n3A_764 : memref<1024xi32, #tpu.memory_space<vmem>>[vector<16xi32>], vector<16xi32>,
    %add3A_768 = arith.constant 4 : i32
    %add3A_769 = vector.broadcast %add3A_768 : i32 to vector<16xi32>
    %add3A_770 = arith.addi %add3A_444, %add3A_769 : vector<16xi32>
    tpu.vector_store_idx %arg8[%add3A_770], %add3A_761 : memref<1024xf32, #tpu.memory_space<vmem>>[vector<16xi32>], vector<16xf32>,
    %eq3A_771 = arith.constant 5 : i32
    %eq3A_772 = vector.broadcast %eq3A_771 : i32 to vector<16xi32>
    %eq3A_773 = arith.cmpi eq, %select_n3A_512, %eq3A_772 : vector<16xi32>
    %eq3A_774 = arith.constant 5 : i32
    %eq3A_775 = vector.broadcast %eq3A_774 : i32 to vector<16xi32>
    %eq3A_776 = arith.cmpi eq, %select_n3A_588, %eq3A_775 : vector<16xi32>
    %or3A_777 = arith.ori %eq3A_773, %eq3A_776 : vector<16xi1>
    %convert_element_type3A_778 = arith.extui %or3A_777 : vector<16xi1> to vector<16xi32>
    %broadcast_in_dim3A_779 = arith.constant true
    %broadcast_in_dim3A_780 = vector.broadcast %broadcast_in_dim3A_779 : i1 to vector<16xi1>
    %masked_cumsum3A_781 = tpu.scan <sum>, %convert_element_type3A_778 masked %broadcast_in_dim3A_780 : vector<16xi32>, vector<16xi1> -> vector<16xi32>
    %sub3A_782 = arith.subi %masked_cumsum3A_781, %convert_element_type3A_778 : vector<16xi32>
    %add3A_783 = vector.broadcast %add3A_348 : i32 to vector<16xi32>
    %add3A_784 = arith.addi %sub3A_782, %add3A_783 : vector<16xi32>
    %reduce_sum3A_785 = arith.constant true
    %reduce_sum3A_786 = vector.broadcast %reduce_sum3A_785 : i1 to vector<16xi1>
    %reduce_sum3A_787 = tpu.scan <sum>, %convert_element_type3A_778 masked %reduce_sum3A_786 : vector<16xi32>, vector<16xi1> -> vector<16xi32>
    %reduce_sum3A_788 = vector.extract %reduce_sum3A_787[15] : i32 from vector<16xi32>
    %add3A_789 = arith.addi %add3A_348, %reduce_sum3A_788 : i32
    %jit3A_790 = arith.constant 0.000000e+00 : f32
    %broadcast_in_dim3A_791 = vector.broadcast %jit3A_790 : f32 to vector<16xf32>
    %select_n3A_792 = arith.select %eq3A_773, %div3A_594, %broadcast_in_dim3A_791 : vector<16xi1>, vector<16xf32>
    %jit3A_793 = arith.constant 0.000000e+00 : f32
    %broadcast_in_dim3A_794 = vector.broadcast %jit3A_793 : f32 to vector<16xf32>
    %select_n3A_795 = arith.select %eq3A_776, %div3A_595, %broadcast_in_dim3A_794 : vector<16xi1>, vector<16xf32>
    %add3A_796 = arith.addf %select_n3A_792, %select_n3A_795 : vector<16xf32>
    %jit3A_797 = arith.constant 1048576 : i32
    %broadcast_in_dim3A_798 = vector.broadcast %jit3A_797 : i32 to vector<16xi32>
    %select_n3A_799 = arith.select %or3A_777, %add3A_784, %broadcast_in_dim3A_798 : vector<16xi1>, vector<16xi32>
    %add3A_800 = arith.constant 5 : i32
    %add3A_801 = vector.broadcast %add3A_800 : i32 to vector<16xi32>
    %add3A_802 = arith.addi %add3A_444, %add3A_801 : vector<16xi32>
    tpu.vector_store_idx %arg7[%add3A_802], %select_n3A_799 : memref<1024xi32, #tpu.memory_space<vmem>>[vector<16xi32>], vector<16xi32>,
    %add3A_803 = arith.constant 5 : i32
    %add3A_804 = vector.broadcast %add3A_803 : i32 to vector<16xi32>
    %add3A_805 = arith.addi %add3A_444, %add3A_804 : vector<16xi32>
    tpu.vector_store_idx %arg8[%add3A_805], %add3A_796 : memref<1024xf32, #tpu.memory_space<vmem>>[vector<16xi32>], vector<16xf32>,
    %eq3A_806 = arith.constant 6 : i32
    %eq3A_807 = vector.broadcast %eq3A_806 : i32 to vector<16xi32>
    %eq3A_808 = arith.cmpi eq, %select_n3A_512, %eq3A_807 : vector<16xi32>
    %eq3A_809 = arith.constant 6 : i32
    %eq3A_810 = vector.broadcast %eq3A_809 : i32 to vector<16xi32>
    %eq3A_811 = arith.cmpi eq, %select_n3A_588, %eq3A_810 : vector<16xi32>
    %or3A_812 = arith.ori %eq3A_808, %eq3A_811 : vector<16xi1>
    %convert_element_type3A_813 = arith.extui %or3A_812 : vector<16xi1> to vector<16xi32>
    %broadcast_in_dim3A_814 = arith.constant true
    %broadcast_in_dim3A_815 = vector.broadcast %broadcast_in_dim3A_814 : i1 to vector<16xi1>
    %masked_cumsum3A_816 = tpu.scan <sum>, %convert_element_type3A_813 masked %broadcast_in_dim3A_815 : vector<16xi32>, vector<16xi1> -> vector<16xi32>
    %sub3A_817 = arith.subi %masked_cumsum3A_816, %convert_element_type3A_813 : vector<16xi32>
    %add3A_818 = vector.broadcast %add3A_385 : i32 to vector<16xi32>
    %add3A_819 = arith.addi %sub3A_817, %add3A_818 : vector<16xi32>
    %reduce_sum3A_820 = arith.constant true
    %reduce_sum3A_821 = vector.broadcast %reduce_sum3A_820 : i1 to vector<16xi1>
    %reduce_sum3A_822 = tpu.scan <sum>, %convert_element_type3A_813 masked %reduce_sum3A_821 : vector<16xi32>, vector<16xi1> -> vector<16xi32>
    %reduce_sum3A_823 = vector.extract %reduce_sum3A_822[15] : i32 from vector<16xi32>
    %add3A_824 = arith.addi %add3A_385, %reduce_sum3A_823 : i32
    %jit3A_825 = arith.constant 0.000000e+00 : f32
    %broadcast_in_dim3A_826 = vector.broadcast %jit3A_825 : f32 to vector<16xf32>
    %select_n3A_827 = arith.select %eq3A_808, %div3A_594, %broadcast_in_dim3A_826 : vector<16xi1>, vector<16xf32>
    %jit3A_828 = arith.constant 0.000000e+00 : f32
    %broadcast_in_dim3A_829 = vector.broadcast %jit3A_828 : f32 to vector<16xf32>
    %select_n3A_830 = arith.select %eq3A_811, %div3A_595, %broadcast_in_dim3A_829 : vector<16xi1>, vector<16xf32>
    %add3A_831 = arith.addf %select_n3A_827, %select_n3A_830 : vector<16xf32>
    %jit3A_832 = arith.constant 1048576 : i32
    %broadcast_in_dim3A_833 = vector.broadcast %jit3A_832 : i32 to vector<16xi32>
    %select_n3A_834 = arith.select %or3A_812, %add3A_819, %broadcast_in_dim3A_833 : vector<16xi1>, vector<16xi32>
    %add3A_835 = arith.constant 6 : i32
    %add3A_836 = vector.broadcast %add3A_835 : i32 to vector<16xi32>
    %add3A_837 = arith.addi %add3A_444, %add3A_836 : vector<16xi32>
    tpu.vector_store_idx %arg7[%add3A_837], %select_n3A_834 : memref<1024xi32, #tpu.memory_space<vmem>>[vector<16xi32>], vector<16xi32>,
    %add3A_838 = arith.constant 6 : i32
    %add3A_839 = vector.broadcast %add3A_838 : i32 to vector<16xi32>
    %add3A_840 = arith.addi %add3A_444, %add3A_839 : vector<16xi32>
    tpu.vector_store_idx %arg8[%add3A_840], %add3A_831 : memref<1024xf32, #tpu.memory_space<vmem>>[vector<16xi32>], vector<16xf32>,
    %eq3A_841 = arith.constant 7 : i32
    %eq3A_842 = vector.broadcast %eq3A_841 : i32 to vector<16xi32>
    %eq3A_843 = arith.cmpi eq, %select_n3A_512, %eq3A_842 : vector<16xi32>
    %eq3A_844 = arith.constant 7 : i32
    %eq3A_845 = vector.broadcast %eq3A_844 : i32 to vector<16xi32>
    %eq3A_846 = arith.cmpi eq, %select_n3A_588, %eq3A_845 : vector<16xi32>
    %or3A_847 = arith.ori %eq3A_843, %eq3A_846 : vector<16xi1>
    %convert_element_type3A_848 = arith.extui %or3A_847 : vector<16xi1> to vector<16xi32>
    %broadcast_in_dim3A_849 = arith.constant true
    %broadcast_in_dim3A_850 = vector.broadcast %broadcast_in_dim3A_849 : i1 to vector<16xi1>
    %masked_cumsum3A_851 = tpu.scan <sum>, %convert_element_type3A_848 masked %broadcast_in_dim3A_850 : vector<16xi32>, vector<16xi1> -> vector<16xi32>
    %sub3A_852 = arith.subi %masked_cumsum3A_851, %convert_element_type3A_848 : vector<16xi32>
    %add3A_853 = vector.broadcast %add3A_422 : i32 to vector<16xi32>
    %add3A_854 = arith.addi %sub3A_852, %add3A_853 : vector<16xi32>
    %reduce_sum3A_855 = arith.constant true
    %reduce_sum3A_856 = vector.broadcast %reduce_sum3A_855 : i1 to vector<16xi1>
    %reduce_sum3A_857 = tpu.scan <sum>, %convert_element_type3A_848 masked %reduce_sum3A_856 : vector<16xi32>, vector<16xi1> -> vector<16xi32>
    %reduce_sum3A_858 = vector.extract %reduce_sum3A_857[15] : i32 from vector<16xi32>
    %add3A_859 = arith.addi %add3A_422, %reduce_sum3A_858 : i32
    %jit3A_860 = arith.constant 0.000000e+00 : f32
    %broadcast_in_dim3A_861 = vector.broadcast %jit3A_860 : f32 to vector<16xf32>
    %select_n3A_862 = arith.select %eq3A_843, %div3A_594, %broadcast_in_dim3A_861 : vector<16xi1>, vector<16xf32>
    %jit3A_863 = arith.constant 0.000000e+00 : f32
    %broadcast_in_dim3A_864 = vector.broadcast %jit3A_863 : f32 to vector<16xf32>
    %select_n3A_865 = arith.select %eq3A_846, %div3A_595, %broadcast_in_dim3A_864 : vector<16xi1>, vector<16xf32>
    %add3A_866 = arith.addf %select_n3A_862, %select_n3A_865 : vector<16xf32>
    %jit3A_867 = arith.constant 1048576 : i32
    %broadcast_in_dim3A_868 = vector.broadcast %jit3A_867 : i32 to vector<16xi32>
    %select_n3A_869 = arith.select %or3A_847, %add3A_854, %broadcast_in_dim3A_868 : vector<16xi1>, vector<16xi32>
    %add3A_870 = arith.constant 7 : i32
    %add3A_871 = vector.broadcast %add3A_870 : i32 to vector<16xi32>
    %add3A_872 = arith.addi %add3A_444, %add3A_871 : vector<16xi32>
    tpu.vector_store_idx %arg7[%add3A_872], %select_n3A_869 : memref<1024xi32, #tpu.memory_space<vmem>>[vector<16xi32>], vector<16xi32>,
    %add3A_873 = arith.constant 7 : i32
    %add3A_874 = vector.broadcast %add3A_873 : i32 to vector<16xi32>
    %add3A_875 = arith.addi %add3A_444, %add3A_874 : vector<16xi32>
    tpu.vector_store_idx %arg8[%add3A_875], %add3A_866 : memref<1024xf32, #tpu.memory_space<vmem>>[vector<16xi32>], vector<16xf32>,
    %mul3A_876 = arith.constant 8 : i32
    %mul3A_877 = vector.broadcast %mul3A_876 : i32 to vector<16xi32>
    %mul3A_878 = arith.muli %iota3A, %mul3A_877 : vector<16xi32>
    %add3A_879 = arith.constant 256 : i32
    %add3A_880 = vector.broadcast %add3A_879 : i32 to vector<16xi32>
    %add3A_881 = arith.addi %mul3A_878, %add3A_880 : vector<16xi32>
    %add3A_882 = arith.constant 0 : i32
    %add3A_883 = vector.broadcast %add3A_882 : i32 to vector<16xi32>
    %add3A_884 = arith.addi %add3A_881, %add3A_883 : vector<16xi32>
    %gather3A_885 = tpu.vector_load_idx %arg6[%add3A_884] : memref<1024xf32, #tpu.memory_space<vmem>>[vector<16xi32>], vector<16xf32>,
    %add3A_886 = arith.constant 1 : i32
    %add3A_887 = vector.broadcast %add3A_886 : i32 to vector<16xi32>
    %add3A_888 = arith.addi %add3A_881, %add3A_887 : vector<16xi32>
    %gather3A_889 = tpu.vector_load_idx %arg6[%add3A_888] : memref<1024xf32, #tpu.memory_space<vmem>>[vector<16xi32>], vector<16xf32>,
    %add3A_890 = arith.constant 2 : i32
    %add3A_891 = vector.broadcast %add3A_890 : i32 to vector<16xi32>
    %add3A_892 = arith.addi %add3A_881, %add3A_891 : vector<16xi32>
    %gather3A_893 = tpu.vector_load_idx %arg6[%add3A_892] : memref<1024xf32, #tpu.memory_space<vmem>>[vector<16xi32>], vector<16xf32>,
    %add3A_894 = arith.constant 3 : i32
    %add3A_895 = vector.broadcast %add3A_894 : i32 to vector<16xi32>
    %add3A_896 = arith.addi %add3A_881, %add3A_895 : vector<16xi32>
    %gather3A_897 = tpu.vector_load_idx %arg6[%add3A_896] : memref<1024xf32, #tpu.memory_space<vmem>>[vector<16xi32>], vector<16xf32>,
    %add3A_898 = arith.constant 4 : i32
    %add3A_899 = vector.broadcast %add3A_898 : i32 to vector<16xi32>
    %add3A_900 = arith.addi %add3A_881, %add3A_899 : vector<16xi32>
    %gather3A_901 = tpu.vector_load_idx %arg6[%add3A_900] : memref<1024xf32, #tpu.memory_space<vmem>>[vector<16xi32>], vector<16xf32>,
    %add3A_902 = arith.constant 5 : i32
    %add3A_903 = vector.broadcast %add3A_902 : i32 to vector<16xi32>
    %add3A_904 = arith.addi %add3A_881, %add3A_903 : vector<16xi32>
    %gather3A_905 = tpu.vector_load_idx %arg6[%add3A_904] : memref<1024xf32, #tpu.memory_space<vmem>>[vector<16xi32>], vector<16xf32>,
    %add3A_906 = arith.constant 6 : i32
    %add3A_907 = vector.broadcast %add3A_906 : i32 to vector<16xi32>
    %add3A_908 = arith.addi %add3A_881, %add3A_907 : vector<16xi32>
    %gather3A_909 = tpu.vector_load_idx %arg6[%add3A_908] : memref<1024xf32, #tpu.memory_space<vmem>>[vector<16xi32>], vector<16xf32>,
    %add3A_910 = arith.constant 7 : i32
    %add3A_911 = vector.broadcast %add3A_910 : i32 to vector<16xi32>
    %add3A_912 = arith.addi %add3A_881, %add3A_911 : vector<16xi32>
    %gather3A_913 = tpu.vector_load_idx %arg6[%add3A_912] : memref<1024xf32, #tpu.memory_space<vmem>>[vector<16xi32>], vector<16xf32>,
    %broadcast_in_dim3A_914 = arith.constant 0 : i32
    %broadcast_in_dim3A_915 = vector.broadcast %broadcast_in_dim3A_914 : i32 to vector<16xi32>
    %gt3A_916 = arith.cmpf ogt, %gather3A_889, %gather3A_885 : vector<16xf32>
    %jit3A_917 = arith.constant 1 : i32
    %broadcast_in_dim3A_918 = vector.broadcast %jit3A_917 : i32 to vector<16xi32>
    %select_n3A_919 = arith.select %gt3A_916, %broadcast_in_dim3A_918, %broadcast_in_dim3A_915 : vector<16xi1>, vector<16xi32>
    %select_n3A_920 = arith.select %gt3A_916, %gather3A_889, %gather3A_885 : vector<16xi1>, vector<16xf32>
    %gt3A_921 = arith.cmpf ogt, %gather3A_893, %select_n3A_920 : vector<16xf32>
    %jit3A_922 = arith.constant 2 : i32
    %broadcast_in_dim3A_923 = vector.broadcast %jit3A_922 : i32 to vector<16xi32>
    %select_n3A_924 = arith.select %gt3A_921, %broadcast_in_dim3A_923, %select_n3A_919 : vector<16xi1>, vector<16xi32>
    %select_n3A_925 = arith.select %gt3A_921, %gather3A_893, %select_n3A_920 : vector<16xi1>, vector<16xf32>
    %gt3A_926 = arith.cmpf ogt, %gather3A_897, %select_n3A_925 : vector<16xf32>
    %jit3A_927 = arith.constant 3 : i32
    %broadcast_in_dim3A_928 = vector.broadcast %jit3A_927 : i32 to vector<16xi32>
    %select_n3A_929 = arith.select %gt3A_926, %broadcast_in_dim3A_928, %select_n3A_924 : vector<16xi1>, vector<16xi32>
    %select_n3A_930 = arith.select %gt3A_926, %gather3A_897, %select_n3A_925 : vector<16xi1>, vector<16xf32>
    %gt3A_931 = arith.cmpf ogt, %gather3A_901, %select_n3A_930 : vector<16xf32>
    %jit3A_932 = arith.constant 4 : i32
    %broadcast_in_dim3A_933 = vector.broadcast %jit3A_932 : i32 to vector<16xi32>
    %select_n3A_934 = arith.select %gt3A_931, %broadcast_in_dim3A_933, %select_n3A_929 : vector<16xi1>, vector<16xi32>
    %select_n3A_935 = arith.select %gt3A_931, %gather3A_901, %select_n3A_930 : vector<16xi1>, vector<16xf32>
    %gt3A_936 = arith.cmpf ogt, %gather3A_905, %select_n3A_935 : vector<16xf32>
    %jit3A_937 = arith.constant 5 : i32
    %broadcast_in_dim3A_938 = vector.broadcast %jit3A_937 : i32 to vector<16xi32>
    %select_n3A_939 = arith.select %gt3A_936, %broadcast_in_dim3A_938, %select_n3A_934 : vector<16xi1>, vector<16xi32>
    %select_n3A_940 = arith.select %gt3A_936, %gather3A_905, %select_n3A_935 : vector<16xi1>, vector<16xf32>
    %gt3A_941 = arith.cmpf ogt, %gather3A_909, %select_n3A_940 : vector<16xf32>
    %jit3A_942 = arith.constant 6 : i32
    %broadcast_in_dim3A_943 = vector.broadcast %jit3A_942 : i32 to vector<16xi32>
    %select_n3A_944 = arith.select %gt3A_941, %broadcast_in_dim3A_943, %select_n3A_939 : vector<16xi1>, vector<16xi32>
    %select_n3A_945 = arith.select %gt3A_941, %gather3A_909, %select_n3A_940 : vector<16xi1>, vector<16xf32>
    %gt3A_946 = arith.cmpf ogt, %gather3A_913, %select_n3A_945 : vector<16xf32>
    %jit3A_947 = arith.constant 7 : i32
    %broadcast_in_dim3A_948 = vector.broadcast %jit3A_947 : i32 to vector<16xi32>
    %select_n3A_949 = arith.select %gt3A_946, %broadcast_in_dim3A_948, %select_n3A_944 : vector<16xi1>, vector<16xi32>
    %select_n3A_950 = arith.select %gt3A_946, %gather3A_913, %select_n3A_945 : vector<16xi1>, vector<16xf32>
    %broadcast_in_dim3A_951 = arith.constant -1.000000e+00 : f32
    %broadcast_in_dim3A_952 = vector.broadcast %broadcast_in_dim3A_951 : f32 to vector<16xf32>
    %broadcast_in_dim3A_953 = arith.constant 0 : i32
    %broadcast_in_dim3A_954 = vector.broadcast %broadcast_in_dim3A_953 : i32 to vector<16xi32>
    %ne3A_955 = arith.constant 0 : i32
    %ne3A_956 = vector.broadcast %ne3A_955 : i32 to vector<16xi32>
    %ne3A_957 = arith.cmpi ne, %select_n3A_949, %ne3A_956 : vector<16xi32>
    %gt3A_958 = arith.cmpf ogt, %gather3A_885, %broadcast_in_dim3A_952 : vector<16xf32>
    %and3A_959 = arith.andi %ne3A_957, %gt3A_958 : vector<16xi1>
    %jit3A_960 = arith.constant 0 : i32
    %broadcast_in_dim3A_961 = vector.broadcast %jit3A_960 : i32 to vector<16xi32>
    %select_n3A_962 = arith.select %and3A_959, %broadcast_in_dim3A_961, %broadcast_in_dim3A_954 : vector<16xi1>, vector<16xi32>
    %select_n3A_963 = arith.select %and3A_959, %gather3A_885, %broadcast_in_dim3A_952 : vector<16xi1>, vector<16xf32>
    %ne3A_964 = arith.constant 1 : i32
    %ne3A_965 = vector.broadcast %ne3A_964 : i32 to vector<16xi32>
    %ne3A_966 = arith.cmpi ne, %select_n3A_949, %ne3A_965 : vector<16xi32>
    %gt3A_967 = arith.cmpf ogt, %gather3A_889, %select_n3A_963 : vector<16xf32>
    %and3A_968 = arith.andi %ne3A_966, %gt3A_967 : vector<16xi1>
    %jit3A_969 = arith.constant 1 : i32
    %broadcast_in_dim3A_970 = vector.broadcast %jit3A_969 : i32 to vector<16xi32>
    %select_n3A_971 = arith.select %and3A_968, %broadcast_in_dim3A_970, %select_n3A_962 : vector<16xi1>, vector<16xi32>
    %select_n3A_972 = arith.select %and3A_968, %gather3A_889, %select_n3A_963 : vector<16xi1>, vector<16xf32>
    %ne3A_973 = arith.constant 2 : i32
    %ne3A_974 = vector.broadcast %ne3A_973 : i32 to vector<16xi32>
    %ne3A_975 = arith.cmpi ne, %select_n3A_949, %ne3A_974 : vector<16xi32>
    %gt3A_976 = arith.cmpf ogt, %gather3A_893, %select_n3A_972 : vector<16xf32>
    %and3A_977 = arith.andi %ne3A_975, %gt3A_976 : vector<16xi1>
    %jit3A_978 = arith.constant 2 : i32
    %broadcast_in_dim3A_979 = vector.broadcast %jit3A_978 : i32 to vector<16xi32>
    %select_n3A_980 = arith.select %and3A_977, %broadcast_in_dim3A_979, %select_n3A_971 : vector<16xi1>, vector<16xi32>
    %select_n3A_981 = arith.select %and3A_977, %gather3A_893, %select_n3A_972 : vector<16xi1>, vector<16xf32>
    %ne3A_982 = arith.constant 3 : i32
    %ne3A_983 = vector.broadcast %ne3A_982 : i32 to vector<16xi32>
    %ne3A_984 = arith.cmpi ne, %select_n3A_949, %ne3A_983 : vector<16xi32>
    %gt3A_985 = arith.cmpf ogt, %gather3A_897, %select_n3A_981 : vector<16xf32>
    %and3A_986 = arith.andi %ne3A_984, %gt3A_985 : vector<16xi1>
    %jit3A_987 = arith.constant 3 : i32
    %broadcast_in_dim3A_988 = vector.broadcast %jit3A_987 : i32 to vector<16xi32>
    %select_n3A_989 = arith.select %and3A_986, %broadcast_in_dim3A_988, %select_n3A_980 : vector<16xi1>, vector<16xi32>
    %select_n3A_990 = arith.select %and3A_986, %gather3A_897, %select_n3A_981 : vector<16xi1>, vector<16xf32>
    %ne3A_991 = arith.constant 4 : i32
    %ne3A_992 = vector.broadcast %ne3A_991 : i32 to vector<16xi32>
    %ne3A_993 = arith.cmpi ne, %select_n3A_949, %ne3A_992 : vector<16xi32>
    %gt3A_994 = arith.cmpf ogt, %gather3A_901, %select_n3A_990 : vector<16xf32>
    %and3A_995 = arith.andi %ne3A_993, %gt3A_994 : vector<16xi1>
    %jit3A_996 = arith.constant 4 : i32
    %broadcast_in_dim3A_997 = vector.broadcast %jit3A_996 : i32 to vector<16xi32>
    %select_n3A_998 = arith.select %and3A_995, %broadcast_in_dim3A_997, %select_n3A_989 : vector<16xi1>, vector<16xi32>
    %select_n3A_999 = arith.select %and3A_995, %gather3A_901, %select_n3A_990 : vector<16xi1>, vector<16xf32>
    %ne3A_1000 = arith.constant 5 : i32
    %ne3A_1001 = vector.broadcast %ne3A_1000 : i32 to vector<16xi32>
    %ne3A_1002 = arith.cmpi ne, %select_n3A_949, %ne3A_1001 : vector<16xi32>
    %gt3A_1003 = arith.cmpf ogt, %gather3A_905, %select_n3A_999 : vector<16xf32>
    %and3A_1004 = arith.andi %ne3A_1002, %gt3A_1003 : vector<16xi1>
    %jit3A_1005 = arith.constant 5 : i32
    %broadcast_in_dim3A_1006 = vector.broadcast %jit3A_1005 : i32 to vector<16xi32>
    %select_n3A_1007 = arith.select %and3A_1004, %broadcast_in_dim3A_1006, %select_n3A_998 : vector<16xi1>, vector<16xi32>
    %select_n3A_1008 = arith.select %and3A_1004, %gather3A_905, %select_n3A_999 : vector<16xi1>, vector<16xf32>
    %ne3A_1009 = arith.constant 6 : i32
    %ne3A_1010 = vector.broadcast %ne3A_1009 : i32 to vector<16xi32>
    %ne3A_1011 = arith.cmpi ne, %select_n3A_949, %ne3A_1010 : vector<16xi32>
    %gt3A_1012 = arith.cmpf ogt, %gather3A_909, %select_n3A_1008 : vector<16xf32>
    %and3A_1013 = arith.andi %ne3A_1011, %gt3A_1012 : vector<16xi1>
    %jit3A_1014 = arith.constant 6 : i32
    %broadcast_in_dim3A_1015 = vector.broadcast %jit3A_1014 : i32 to vector<16xi32>
    %select_n3A_1016 = arith.select %and3A_1013, %broadcast_in_dim3A_1015, %select_n3A_1007 : vector<16xi1>, vector<16xi32>
    %select_n3A_1017 = arith.select %and3A_1013, %gather3A_909, %select_n3A_1008 : vector<16xi1>, vector<16xf32>
    %ne3A_1018 = arith.constant 7 : i32
    %ne3A_1019 = vector.broadcast %ne3A_1018 : i32 to vector<16xi32>
    %ne3A_1020 = arith.cmpi ne, %select_n3A_949, %ne3A_1019 : vector<16xi32>
    %gt3A_1021 = arith.cmpf ogt, %gather3A_913, %select_n3A_1017 : vector<16xf32>
    %and3A_1022 = arith.andi %ne3A_1020, %gt3A_1021 : vector<16xi1>
    %jit3A_1023 = arith.constant 7 : i32
    %broadcast_in_dim3A_1024 = vector.broadcast %jit3A_1023 : i32 to vector<16xi32>
    %select_n3A_1025 = arith.select %and3A_1022, %broadcast_in_dim3A_1024, %select_n3A_1016 : vector<16xi1>, vector<16xi32>
    %select_n3A_1026 = arith.select %and3A_1022, %gather3A_913, %select_n3A_1017 : vector<16xi1>, vector<16xf32>
    %add3A_1027 = arith.addf %select_n3A_950, %select_n3A_1026 : vector<16xf32>
    %add3A_1028 = arith.constant 9.99999993E-9 : f32
    %add3A_1029 = vector.broadcast %add3A_1028 : f32 to vector<16xf32>
    %add3A_1030 = arith.addf %add3A_1027, %add3A_1029 : vector<16xf32>
    %div3A_1031 = arith.divf %select_n3A_950, %add3A_1030 : vector<16xf32>
    %div3A_1032 = arith.divf %select_n3A_1026, %add3A_1030 : vector<16xf32>
    %eq3A_1033 = arith.constant 0 : i32
    %eq3A_1034 = vector.broadcast %eq3A_1033 : i32 to vector<16xi32>
    %eq3A_1035 = arith.cmpi eq, %select_n3A_949, %eq3A_1034 : vector<16xi32>
    %eq3A_1036 = arith.constant 0 : i32
    %eq3A_1037 = vector.broadcast %eq3A_1036 : i32 to vector<16xi32>
    %eq3A_1038 = arith.cmpi eq, %select_n3A_1025, %eq3A_1037 : vector<16xi32>
    %or3A_1039 = arith.ori %eq3A_1035, %eq3A_1038 : vector<16xi1>
    %convert_element_type3A_1040 = arith.extui %or3A_1039 : vector<16xi1> to vector<16xi32>
    %broadcast_in_dim3A_1041 = arith.constant true
    %broadcast_in_dim3A_1042 = vector.broadcast %broadcast_in_dim3A_1041 : i1 to vector<16xi1>
    %masked_cumsum3A_1043 = tpu.scan <sum>, %convert_element_type3A_1040 masked %broadcast_in_dim3A_1042 : vector<16xi32>, vector<16xi1> -> vector<16xi32>
    %sub3A_1044 = arith.subi %masked_cumsum3A_1043, %convert_element_type3A_1040 : vector<16xi32>
    %add3A_1045 = vector.broadcast %add3A_614 : i32 to vector<16xi32>
    %add3A_1046 = arith.addi %sub3A_1044, %add3A_1045 : vector<16xi32>
    %reduce_sum3A_1047 = arith.constant true
    %reduce_sum3A_1048 = vector.broadcast %reduce_sum3A_1047 : i1 to vector<16xi1>
    %reduce_sum3A_1049 = tpu.scan <sum>, %convert_element_type3A_1040 masked %reduce_sum3A_1048 : vector<16xi32>, vector<16xi1> -> vector<16xi32>
    %reduce_sum3A_1050 = vector.extract %reduce_sum3A_1049[15] : i32 from vector<16xi32>
    %add3A_1051 = arith.addi %add3A_614, %reduce_sum3A_1050 : i32
    %jit3A_1052 = arith.constant 0.000000e+00 : f32
    %broadcast_in_dim3A_1053 = vector.broadcast %jit3A_1052 : f32 to vector<16xf32>
    %select_n3A_1054 = arith.select %eq3A_1035, %div3A_1031, %broadcast_in_dim3A_1053 : vector<16xi1>, vector<16xf32>
    %jit3A_1055 = arith.constant 0.000000e+00 : f32
    %broadcast_in_dim3A_1056 = vector.broadcast %jit3A_1055 : f32 to vector<16xf32>
    %select_n3A_1057 = arith.select %eq3A_1038, %div3A_1032, %broadcast_in_dim3A_1056 : vector<16xi1>, vector<16xf32>
    %add3A_1058 = arith.addf %select_n3A_1054, %select_n3A_1057 : vector<16xf32>
    %jit3A_1059 = arith.constant 1048576 : i32
    %broadcast_in_dim3A_1060 = vector.broadcast %jit3A_1059 : i32 to vector<16xi32>
    %select_n3A_1061 = arith.select %or3A_1039, %add3A_1046, %broadcast_in_dim3A_1060 : vector<16xi1>, vector<16xi32>
    %add3A_1062 = arith.constant 0 : i32
    %add3A_1063 = vector.broadcast %add3A_1062 : i32 to vector<16xi32>
    %add3A_1064 = arith.addi %add3A_881, %add3A_1063 : vector<16xi32>
    tpu.vector_store_idx %arg7[%add3A_1064], %select_n3A_1061 : memref<1024xi32, #tpu.memory_space<vmem>>[vector<16xi32>], vector<16xi32>,
    %add3A_1065 = arith.constant 0 : i32
    %add3A_1066 = vector.broadcast %add3A_1065 : i32 to vector<16xi32>
    %add3A_1067 = arith.addi %add3A_881, %add3A_1066 : vector<16xi32>
    tpu.vector_store_idx %arg8[%add3A_1067], %add3A_1058 : memref<1024xf32, #tpu.memory_space<vmem>>[vector<16xi32>], vector<16xf32>,
    %eq3A_1068 = arith.constant 1 : i32
    %eq3A_1069 = vector.broadcast %eq3A_1068 : i32 to vector<16xi32>
    %eq3A_1070 = arith.cmpi eq, %select_n3A_949, %eq3A_1069 : vector<16xi32>
    %eq3A_1071 = arith.constant 1 : i32
    %eq3A_1072 = vector.broadcast %eq3A_1071 : i32 to vector<16xi32>
    %eq3A_1073 = arith.cmpi eq, %select_n3A_1025, %eq3A_1072 : vector<16xi32>
    %or3A_1074 = arith.ori %eq3A_1070, %eq3A_1073 : vector<16xi1>
    %convert_element_type3A_1075 = arith.extui %or3A_1074 : vector<16xi1> to vector<16xi32>
    %broadcast_in_dim3A_1076 = arith.constant true
    %broadcast_in_dim3A_1077 = vector.broadcast %broadcast_in_dim3A_1076 : i1 to vector<16xi1>
    %masked_cumsum3A_1078 = tpu.scan <sum>, %convert_element_type3A_1075 masked %broadcast_in_dim3A_1077 : vector<16xi32>, vector<16xi1> -> vector<16xi32>
    %sub3A_1079 = arith.subi %masked_cumsum3A_1078, %convert_element_type3A_1075 : vector<16xi32>
    %add3A_1080 = vector.broadcast %add3A_649 : i32 to vector<16xi32>
    %add3A_1081 = arith.addi %sub3A_1079, %add3A_1080 : vector<16xi32>
    %reduce_sum3A_1082 = arith.constant true
    %reduce_sum3A_1083 = vector.broadcast %reduce_sum3A_1082 : i1 to vector<16xi1>
    %reduce_sum3A_1084 = tpu.scan <sum>, %convert_element_type3A_1075 masked %reduce_sum3A_1083 : vector<16xi32>, vector<16xi1> -> vector<16xi32>
    %reduce_sum3A_1085 = vector.extract %reduce_sum3A_1084[15] : i32 from vector<16xi32>
    %add3A_1086 = arith.addi %add3A_649, %reduce_sum3A_1085 : i32
    %jit3A_1087 = arith.constant 0.000000e+00 : f32
    %broadcast_in_dim3A_1088 = vector.broadcast %jit3A_1087 : f32 to vector<16xf32>
    %select_n3A_1089 = arith.select %eq3A_1070, %div3A_1031, %broadcast_in_dim3A_1088 : vector<16xi1>, vector<16xf32>
    %jit3A_1090 = arith.constant 0.000000e+00 : f32
    %broadcast_in_dim3A_1091 = vector.broadcast %jit3A_1090 : f32 to vector<16xf32>
    %select_n3A_1092 = arith.select %eq3A_1073, %div3A_1032, %broadcast_in_dim3A_1091 : vector<16xi1>, vector<16xf32>
    %add3A_1093 = arith.addf %select_n3A_1089, %select_n3A_1092 : vector<16xf32>
    %jit3A_1094 = arith.constant 1048576 : i32
    %broadcast_in_dim3A_1095 = vector.broadcast %jit3A_1094 : i32 to vector<16xi32>
    %select_n3A_1096 = arith.select %or3A_1074, %add3A_1081, %broadcast_in_dim3A_1095 : vector<16xi1>, vector<16xi32>
    %add3A_1097 = arith.constant 1 : i32
    %add3A_1098 = vector.broadcast %add3A_1097 : i32 to vector<16xi32>
    %add3A_1099 = arith.addi %add3A_881, %add3A_1098 : vector<16xi32>
    tpu.vector_store_idx %arg7[%add3A_1099], %select_n3A_1096 : memref<1024xi32, #tpu.memory_space<vmem>>[vector<16xi32>], vector<16xi32>,
    %add3A_1100 = arith.constant 1 : i32
    %add3A_1101 = vector.broadcast %add3A_1100 : i32 to vector<16xi32>
    %add3A_1102 = arith.addi %add3A_881, %add3A_1101 : vector<16xi32>
    tpu.vector_store_idx %arg8[%add3A_1102], %add3A_1093 : memref<1024xf32, #tpu.memory_space<vmem>>[vector<16xi32>], vector<16xf32>,
    %eq3A_1103 = arith.constant 2 : i32
    %eq3A_1104 = vector.broadcast %eq3A_1103 : i32 to vector<16xi32>
    %eq3A_1105 = arith.cmpi eq, %select_n3A_949, %eq3A_1104 : vector<16xi32>
    %eq3A_1106 = arith.constant 2 : i32
    %eq3A_1107 = vector.broadcast %eq3A_1106 : i32 to vector<16xi32>
    %eq3A_1108 = arith.cmpi eq, %select_n3A_1025, %eq3A_1107 : vector<16xi32>
    %or3A_1109 = arith.ori %eq3A_1105, %eq3A_1108 : vector<16xi1>
    %convert_element_type3A_1110 = arith.extui %or3A_1109 : vector<16xi1> to vector<16xi32>
    %broadcast_in_dim3A_1111 = arith.constant true
    %broadcast_in_dim3A_1112 = vector.broadcast %broadcast_in_dim3A_1111 : i1 to vector<16xi1>
    %masked_cumsum3A_1113 = tpu.scan <sum>, %convert_element_type3A_1110 masked %broadcast_in_dim3A_1112 : vector<16xi32>, vector<16xi1> -> vector<16xi32>
    %sub3A_1114 = arith.subi %masked_cumsum3A_1113, %convert_element_type3A_1110 : vector<16xi32>
    %add3A_1115 = vector.broadcast %add3A_684 : i32 to vector<16xi32>
    %add3A_1116 = arith.addi %sub3A_1114, %add3A_1115 : vector<16xi32>
    %reduce_sum3A_1117 = arith.constant true
    %reduce_sum3A_1118 = vector.broadcast %reduce_sum3A_1117 : i1 to vector<16xi1>
    %reduce_sum3A_1119 = tpu.scan <sum>, %convert_element_type3A_1110 masked %reduce_sum3A_1118 : vector<16xi32>, vector<16xi1> -> vector<16xi32>
    %reduce_sum3A_1120 = vector.extract %reduce_sum3A_1119[15] : i32 from vector<16xi32>
    %add3A_1121 = arith.addi %add3A_684, %reduce_sum3A_1120 : i32
    %jit3A_1122 = arith.constant 0.000000e+00 : f32
    %broadcast_in_dim3A_1123 = vector.broadcast %jit3A_1122 : f32 to vector<16xf32>
    %select_n3A_1124 = arith.select %eq3A_1105, %div3A_1031, %broadcast_in_dim3A_1123 : vector<16xi1>, vector<16xf32>
    %jit3A_1125 = arith.constant 0.000000e+00 : f32
    %broadcast_in_dim3A_1126 = vector.broadcast %jit3A_1125 : f32 to vector<16xf32>
    %select_n3A_1127 = arith.select %eq3A_1108, %div3A_1032, %broadcast_in_dim3A_1126 : vector<16xi1>, vector<16xf32>
    %add3A_1128 = arith.addf %select_n3A_1124, %select_n3A_1127 : vector<16xf32>
    %jit3A_1129 = arith.constant 1048576 : i32
    %broadcast_in_dim3A_1130 = vector.broadcast %jit3A_1129 : i32 to vector<16xi32>
    %select_n3A_1131 = arith.select %or3A_1109, %add3A_1116, %broadcast_in_dim3A_1130 : vector<16xi1>, vector<16xi32>
    %add3A_1132 = arith.constant 2 : i32
    %add3A_1133 = vector.broadcast %add3A_1132 : i32 to vector<16xi32>
    %add3A_1134 = arith.addi %add3A_881, %add3A_1133 : vector<16xi32>
    tpu.vector_store_idx %arg7[%add3A_1134], %select_n3A_1131 : memref<1024xi32, #tpu.memory_space<vmem>>[vector<16xi32>], vector<16xi32>,
    %add3A_1135 = arith.constant 2 : i32
    %add3A_1136 = vector.broadcast %add3A_1135 : i32 to vector<16xi32>
    %add3A_1137 = arith.addi %add3A_881, %add3A_1136 : vector<16xi32>
    tpu.vector_store_idx %arg8[%add3A_1137], %add3A_1128 : memref<1024xf32, #tpu.memory_space<vmem>>[vector<16xi32>], vector<16xf32>,
    %eq3A_1138 = arith.constant 3 : i32
    %eq3A_1139 = vector.broadcast %eq3A_1138 : i32 to vector<16xi32>
    %eq3A_1140 = arith.cmpi eq, %select_n3A_949, %eq3A_1139 : vector<16xi32>
    %eq3A_1141 = arith.constant 3 : i32
    %eq3A_1142 = vector.broadcast %eq3A_1141 : i32 to vector<16xi32>
    %eq3A_1143 = arith.cmpi eq, %select_n3A_1025, %eq3A_1142 : vector<16xi32>
    %or3A_1144 = arith.ori %eq3A_1140, %eq3A_1143 : vector<16xi1>
    %convert_element_type3A_1145 = arith.extui %or3A_1144 : vector<16xi1> to vector<16xi32>
    %broadcast_in_dim3A_1146 = arith.constant true
    %broadcast_in_dim3A_1147 = vector.broadcast %broadcast_in_dim3A_1146 : i1 to vector<16xi1>
    %masked_cumsum3A_1148 = tpu.scan <sum>, %convert_element_type3A_1145 masked %broadcast_in_dim3A_1147 : vector<16xi32>, vector<16xi1> -> vector<16xi32>
    %sub3A_1149 = arith.subi %masked_cumsum3A_1148, %convert_element_type3A_1145 : vector<16xi32>
    %add3A_1150 = vector.broadcast %add3A_719 : i32 to vector<16xi32>
    %add3A_1151 = arith.addi %sub3A_1149, %add3A_1150 : vector<16xi32>
    %reduce_sum3A_1152 = arith.constant true
    %reduce_sum3A_1153 = vector.broadcast %reduce_sum3A_1152 : i1 to vector<16xi1>
    %reduce_sum3A_1154 = tpu.scan <sum>, %convert_element_type3A_1145 masked %reduce_sum3A_1153 : vector<16xi32>, vector<16xi1> -> vector<16xi32>
    %reduce_sum3A_1155 = vector.extract %reduce_sum3A_1154[15] : i32 from vector<16xi32>
    %add3A_1156 = arith.addi %add3A_719, %reduce_sum3A_1155 : i32
    %jit3A_1157 = arith.constant 0.000000e+00 : f32
    %broadcast_in_dim3A_1158 = vector.broadcast %jit3A_1157 : f32 to vector<16xf32>
    %select_n3A_1159 = arith.select %eq3A_1140, %div3A_1031, %broadcast_in_dim3A_1158 : vector<16xi1>, vector<16xf32>
    %jit3A_1160 = arith.constant 0.000000e+00 : f32
    %broadcast_in_dim3A_1161 = vector.broadcast %jit3A_1160 : f32 to vector<16xf32>
    %select_n3A_1162 = arith.select %eq3A_1143, %div3A_1032, %broadcast_in_dim3A_1161 : vector<16xi1>, vector<16xf32>
    %add3A_1163 = arith.addf %select_n3A_1159, %select_n3A_1162 : vector<16xf32>
    %jit3A_1164 = arith.constant 1048576 : i32
    %broadcast_in_dim3A_1165 = vector.broadcast %jit3A_1164 : i32 to vector<16xi32>
    %select_n3A_1166 = arith.select %or3A_1144, %add3A_1151, %broadcast_in_dim3A_1165 : vector<16xi1>, vector<16xi32>
    %add3A_1167 = arith.constant 3 : i32
    %add3A_1168 = vector.broadcast %add3A_1167 : i32 to vector<16xi32>
    %add3A_1169 = arith.addi %add3A_881, %add3A_1168 : vector<16xi32>
    tpu.vector_store_idx %arg7[%add3A_1169], %select_n3A_1166 : memref<1024xi32, #tpu.memory_space<vmem>>[vector<16xi32>], vector<16xi32>,
    %add3A_1170 = arith.constant 3 : i32
    %add3A_1171 = vector.broadcast %add3A_1170 : i32 to vector<16xi32>
    %add3A_1172 = arith.addi %add3A_881, %add3A_1171 : vector<16xi32>
    tpu.vector_store_idx %arg8[%add3A_1172], %add3A_1163 : memref<1024xf32, #tpu.memory_space<vmem>>[vector<16xi32>], vector<16xf32>,
    %eq3A_1173 = arith.constant 4 : i32
    %eq3A_1174 = vector.broadcast %eq3A_1173 : i32 to vector<16xi32>
    %eq3A_1175 = arith.cmpi eq, %select_n3A_949, %eq3A_1174 : vector<16xi32>
    %eq3A_1176 = arith.constant 4 : i32
    %eq3A_1177 = vector.broadcast %eq3A_1176 : i32 to vector<16xi32>
    %eq3A_1178 = arith.cmpi eq, %select_n3A_1025, %eq3A_1177 : vector<16xi32>
    %or3A_1179 = arith.ori %eq3A_1175, %eq3A_1178 : vector<16xi1>
    %convert_element_type3A_1180 = arith.extui %or3A_1179 : vector<16xi1> to vector<16xi32>
    %broadcast_in_dim3A_1181 = arith.constant true
    %broadcast_in_dim3A_1182 = vector.broadcast %broadcast_in_dim3A_1181 : i1 to vector<16xi1>
    %masked_cumsum3A_1183 = tpu.scan <sum>, %convert_element_type3A_1180 masked %broadcast_in_dim3A_1182 : vector<16xi32>, vector<16xi1> -> vector<16xi32>
    %sub3A_1184 = arith.subi %masked_cumsum3A_1183, %convert_element_type3A_1180 : vector<16xi32>
    %add3A_1185 = vector.broadcast %add3A_754 : i32 to vector<16xi32>
    %add3A_1186 = arith.addi %sub3A_1184, %add3A_1185 : vector<16xi32>
    %reduce_sum3A_1187 = arith.constant true
    %reduce_sum3A_1188 = vector.broadcast %reduce_sum3A_1187 : i1 to vector<16xi1>
    %reduce_sum3A_1189 = tpu.scan <sum>, %convert_element_type3A_1180 masked %reduce_sum3A_1188 : vector<16xi32>, vector<16xi1> -> vector<16xi32>
    %reduce_sum3A_1190 = vector.extract %reduce_sum3A_1189[15] : i32 from vector<16xi32>
    %add3A_1191 = arith.addi %add3A_754, %reduce_sum3A_1190 : i32
    %jit3A_1192 = arith.constant 0.000000e+00 : f32
    %broadcast_in_dim3A_1193 = vector.broadcast %jit3A_1192 : f32 to vector<16xf32>
    %select_n3A_1194 = arith.select %eq3A_1175, %div3A_1031, %broadcast_in_dim3A_1193 : vector<16xi1>, vector<16xf32>
    %jit3A_1195 = arith.constant 0.000000e+00 : f32
    %broadcast_in_dim3A_1196 = vector.broadcast %jit3A_1195 : f32 to vector<16xf32>
    %select_n3A_1197 = arith.select %eq3A_1178, %div3A_1032, %broadcast_in_dim3A_1196 : vector<16xi1>, vector<16xf32>
    %add3A_1198 = arith.addf %select_n3A_1194, %select_n3A_1197 : vector<16xf32>
    %jit3A_1199 = arith.constant 1048576 : i32
    %broadcast_in_dim3A_1200 = vector.broadcast %jit3A_1199 : i32 to vector<16xi32>
    %select_n3A_1201 = arith.select %or3A_1179, %add3A_1186, %broadcast_in_dim3A_1200 : vector<16xi1>, vector<16xi32>
    %add3A_1202 = arith.constant 4 : i32
    %add3A_1203 = vector.broadcast %add3A_1202 : i32 to vector<16xi32>
    %add3A_1204 = arith.addi %add3A_881, %add3A_1203 : vector<16xi32>
    tpu.vector_store_idx %arg7[%add3A_1204], %select_n3A_1201 : memref<1024xi32, #tpu.memory_space<vmem>>[vector<16xi32>], vector<16xi32>,
    %add3A_1205 = arith.constant 4 : i32
    %add3A_1206 = vector.broadcast %add3A_1205 : i32 to vector<16xi32>
    %add3A_1207 = arith.addi %add3A_881, %add3A_1206 : vector<16xi32>
    tpu.vector_store_idx %arg8[%add3A_1207], %add3A_1198 : memref<1024xf32, #tpu.memory_space<vmem>>[vector<16xi32>], vector<16xf32>,
    %eq3A_1208 = arith.constant 5 : i32
    %eq3A_1209 = vector.broadcast %eq3A_1208 : i32 to vector<16xi32>
    %eq3A_1210 = arith.cmpi eq, %select_n3A_949, %eq3A_1209 : vector<16xi32>
    %eq3A_1211 = arith.constant 5 : i32
    %eq3A_1212 = vector.broadcast %eq3A_1211 : i32 to vector<16xi32>
    %eq3A_1213 = arith.cmpi eq, %select_n3A_1025, %eq3A_1212 : vector<16xi32>
    %or3A_1214 = arith.ori %eq3A_1210, %eq3A_1213 : vector<16xi1>
    %convert_element_type3A_1215 = arith.extui %or3A_1214 : vector<16xi1> to vector<16xi32>
    %broadcast_in_dim3A_1216 = arith.constant true
    %broadcast_in_dim3A_1217 = vector.broadcast %broadcast_in_dim3A_1216 : i1 to vector<16xi1>
    %masked_cumsum3A_1218 = tpu.scan <sum>, %convert_element_type3A_1215 masked %broadcast_in_dim3A_1217 : vector<16xi32>, vector<16xi1> -> vector<16xi32>
    %sub3A_1219 = arith.subi %masked_cumsum3A_1218, %convert_element_type3A_1215 : vector<16xi32>
    %add3A_1220 = vector.broadcast %add3A_789 : i32 to vector<16xi32>
    %add3A_1221 = arith.addi %sub3A_1219, %add3A_1220 : vector<16xi32>
    %reduce_sum3A_1222 = arith.constant true
    %reduce_sum3A_1223 = vector.broadcast %reduce_sum3A_1222 : i1 to vector<16xi1>
    %reduce_sum3A_1224 = tpu.scan <sum>, %convert_element_type3A_1215 masked %reduce_sum3A_1223 : vector<16xi32>, vector<16xi1> -> vector<16xi32>
    %reduce_sum3A_1225 = vector.extract %reduce_sum3A_1224[15] : i32 from vector<16xi32>
    %add3A_1226 = arith.addi %add3A_789, %reduce_sum3A_1225 : i32
    %jit3A_1227 = arith.constant 0.000000e+00 : f32
    %broadcast_in_dim3A_1228 = vector.broadcast %jit3A_1227 : f32 to vector<16xf32>
    %select_n3A_1229 = arith.select %eq3A_1210, %div3A_1031, %broadcast_in_dim3A_1228 : vector<16xi1>, vector<16xf32>
    %jit3A_1230 = arith.constant 0.000000e+00 : f32
    %broadcast_in_dim3A_1231 = vector.broadcast %jit3A_1230 : f32 to vector<16xf32>
    %select_n3A_1232 = arith.select %eq3A_1213, %div3A_1032, %broadcast_in_dim3A_1231 : vector<16xi1>, vector<16xf32>
    %add3A_1233 = arith.addf %select_n3A_1229, %select_n3A_1232 : vector<16xf32>
    %jit3A_1234 = arith.constant 1048576 : i32
    %broadcast_in_dim3A_1235 = vector.broadcast %jit3A_1234 : i32 to vector<16xi32>
    %select_n3A_1236 = arith.select %or3A_1214, %add3A_1221, %broadcast_in_dim3A_1235 : vector<16xi1>, vector<16xi32>
    %add3A_1237 = arith.constant 5 : i32
    %add3A_1238 = vector.broadcast %add3A_1237 : i32 to vector<16xi32>
    %add3A_1239 = arith.addi %add3A_881, %add3A_1238 : vector<16xi32>
    tpu.vector_store_idx %arg7[%add3A_1239], %select_n3A_1236 : memref<1024xi32, #tpu.memory_space<vmem>>[vector<16xi32>], vector<16xi32>,
    %add3A_1240 = arith.constant 5 : i32
    %add3A_1241 = vector.broadcast %add3A_1240 : i32 to vector<16xi32>
    %add3A_1242 = arith.addi %add3A_881, %add3A_1241 : vector<16xi32>
    tpu.vector_store_idx %arg8[%add3A_1242], %add3A_1233 : memref<1024xf32, #tpu.memory_space<vmem>>[vector<16xi32>], vector<16xf32>,
    %eq3A_1243 = arith.constant 6 : i32
    %eq3A_1244 = vector.broadcast %eq3A_1243 : i32 to vector<16xi32>
    %eq3A_1245 = arith.cmpi eq, %select_n3A_949, %eq3A_1244 : vector<16xi32>
    %eq3A_1246 = arith.constant 6 : i32
    %eq3A_1247 = vector.broadcast %eq3A_1246 : i32 to vector<16xi32>
    %eq3A_1248 = arith.cmpi eq, %select_n3A_1025, %eq3A_1247 : vector<16xi32>
    %or3A_1249 = arith.ori %eq3A_1245, %eq3A_1248 : vector<16xi1>
    %convert_element_type3A_1250 = arith.extui %or3A_1249 : vector<16xi1> to vector<16xi32>
    %broadcast_in_dim3A_1251 = arith.constant true
    %broadcast_in_dim3A_1252 = vector.broadcast %broadcast_in_dim3A_1251 : i1 to vector<16xi1>
    %masked_cumsum3A_1253 = tpu.scan <sum>, %convert_element_type3A_1250 masked %broadcast_in_dim3A_1252 : vector<16xi32>, vector<16xi1> -> vector<16xi32>
    %sub3A_1254 = arith.subi %masked_cumsum3A_1253, %convert_element_type3A_1250 : vector<16xi32>
    %add3A_1255 = vector.broadcast %add3A_824 : i32 to vector<16xi32>
    %add3A_1256 = arith.addi %sub3A_1254, %add3A_1255 : vector<16xi32>
    %reduce_sum3A_1257 = arith.constant true
    %reduce_sum3A_1258 = vector.broadcast %reduce_sum3A_1257 : i1 to vector<16xi1>
    %reduce_sum3A_1259 = tpu.scan <sum>, %convert_element_type3A_1250 masked %reduce_sum3A_1258 : vector<16xi32>, vector<16xi1> -> vector<16xi32>
    %reduce_sum3A_1260 = vector.extract %reduce_sum3A_1259[15] : i32 from vector<16xi32>
    %add3A_1261 = arith.addi %add3A_824, %reduce_sum3A_1260 : i32
    %jit3A_1262 = arith.constant 0.000000e+00 : f32
    %broadcast_in_dim3A_1263 = vector.broadcast %jit3A_1262 : f32 to vector<16xf32>
    %select_n3A_1264 = arith.select %eq3A_1245, %div3A_1031, %broadcast_in_dim3A_1263 : vector<16xi1>, vector<16xf32>
    %jit3A_1265 = arith.constant 0.000000e+00 : f32
    %broadcast_in_dim3A_1266 = vector.broadcast %jit3A_1265 : f32 to vector<16xf32>
    %select_n3A_1267 = arith.select %eq3A_1248, %div3A_1032, %broadcast_in_dim3A_1266 : vector<16xi1>, vector<16xf32>
    %add3A_1268 = arith.addf %select_n3A_1264, %select_n3A_1267 : vector<16xf32>
    %jit3A_1269 = arith.constant 1048576 : i32
    %broadcast_in_dim3A_1270 = vector.broadcast %jit3A_1269 : i32 to vector<16xi32>
    %select_n3A_1271 = arith.select %or3A_1249, %add3A_1256, %broadcast_in_dim3A_1270 : vector<16xi1>, vector<16xi32>
    %add3A_1272 = arith.constant 6 : i32
    %add3A_1273 = vector.broadcast %add3A_1272 : i32 to vector<16xi32>
    %add3A_1274 = arith.addi %add3A_881, %add3A_1273 : vector<16xi32>
    tpu.vector_store_idx %arg7[%add3A_1274], %select_n3A_1271 : memref<1024xi32, #tpu.memory_space<vmem>>[vector<16xi32>], vector<16xi32>,
    %add3A_1275 = arith.constant 6 : i32
    %add3A_1276 = vector.broadcast %add3A_1275 : i32 to vector<16xi32>
    %add3A_1277 = arith.addi %add3A_881, %add3A_1276 : vector<16xi32>
    tpu.vector_store_idx %arg8[%add3A_1277], %add3A_1268 : memref<1024xf32, #tpu.memory_space<vmem>>[vector<16xi32>], vector<16xf32>,
    %eq3A_1278 = arith.constant 7 : i32
    %eq3A_1279 = vector.broadcast %eq3A_1278 : i32 to vector<16xi32>
    %eq3A_1280 = arith.cmpi eq, %select_n3A_949, %eq3A_1279 : vector<16xi32>
    %eq3A_1281 = arith.constant 7 : i32
    %eq3A_1282 = vector.broadcast %eq3A_1281 : i32 to vector<16xi32>
    %eq3A_1283 = arith.cmpi eq, %select_n3A_1025, %eq3A_1282 : vector<16xi32>
    %or3A_1284 = arith.ori %eq3A_1280, %eq3A_1283 : vector<16xi1>
    %convert_element_type3A_1285 = arith.extui %or3A_1284 : vector<16xi1> to vector<16xi32>
    %broadcast_in_dim3A_1286 = arith.constant true
    %broadcast_in_dim3A_1287 = vector.broadcast %broadcast_in_dim3A_1286 : i1 to vector<16xi1>
    %masked_cumsum3A_1288 = tpu.scan <sum>, %convert_element_type3A_1285 masked %broadcast_in_dim3A_1287 : vector<16xi32>, vector<16xi1> -> vector<16xi32>
    %sub3A_1289 = arith.subi %masked_cumsum3A_1288, %convert_element_type3A_1285 : vector<16xi32>
    %add3A_1290 = vector.broadcast %add3A_859 : i32 to vector<16xi32>
    %add3A_1291 = arith.addi %sub3A_1289, %add3A_1290 : vector<16xi32>
    %reduce_sum3A_1292 = arith.constant true
    %reduce_sum3A_1293 = vector.broadcast %reduce_sum3A_1292 : i1 to vector<16xi1>
    %reduce_sum3A_1294 = tpu.scan <sum>, %convert_element_type3A_1285 masked %reduce_sum3A_1293 : vector<16xi32>, vector<16xi1> -> vector<16xi32>
    %reduce_sum3A_1295 = vector.extract %reduce_sum3A_1294[15] : i32 from vector<16xi32>
    %add3A_1296 = arith.addi %add3A_859, %reduce_sum3A_1295 : i32
    %jit3A_1297 = arith.constant 0.000000e+00 : f32
    %broadcast_in_dim3A_1298 = vector.broadcast %jit3A_1297 : f32 to vector<16xf32>
    %select_n3A_1299 = arith.select %eq3A_1280, %div3A_1031, %broadcast_in_dim3A_1298 : vector<16xi1>, vector<16xf32>
    %jit3A_1300 = arith.constant 0.000000e+00 : f32
    %broadcast_in_dim3A_1301 = vector.broadcast %jit3A_1300 : f32 to vector<16xf32>
    %select_n3A_1302 = arith.select %eq3A_1283, %div3A_1032, %broadcast_in_dim3A_1301 : vector<16xi1>, vector<16xf32>
    %add3A_1303 = arith.addf %select_n3A_1299, %select_n3A_1302 : vector<16xf32>
    %jit3A_1304 = arith.constant 1048576 : i32
    %broadcast_in_dim3A_1305 = vector.broadcast %jit3A_1304 : i32 to vector<16xi32>
    %select_n3A_1306 = arith.select %or3A_1284, %add3A_1291, %broadcast_in_dim3A_1305 : vector<16xi1>, vector<16xi32>
    %add3A_1307 = arith.constant 7 : i32
    %add3A_1308 = vector.broadcast %add3A_1307 : i32 to vector<16xi32>
    %add3A_1309 = arith.addi %add3A_881, %add3A_1308 : vector<16xi32>
    tpu.vector_store_idx %arg7[%add3A_1309], %select_n3A_1306 : memref<1024xi32, #tpu.memory_space<vmem>>[vector<16xi32>], vector<16xi32>,
    %add3A_1310 = arith.constant 7 : i32
    %add3A_1311 = vector.broadcast %add3A_1310 : i32 to vector<16xi32>
    %add3A_1312 = arith.addi %add3A_881, %add3A_1311 : vector<16xi32>
    tpu.vector_store_idx %arg8[%add3A_1312], %add3A_1303 : memref<1024xf32, #tpu.memory_space<vmem>>[vector<16xi32>], vector<16xf32>,
    %mul3A_1313 = arith.constant 8 : i32
    %mul3A_1314 = vector.broadcast %mul3A_1313 : i32 to vector<16xi32>
    %mul3A_1315 = arith.muli %iota3A, %mul3A_1314 : vector<16xi32>
    %add3A_1316 = arith.constant 384 : i32
    %add3A_1317 = vector.broadcast %add3A_1316 : i32 to vector<16xi32>
    %add3A_1318 = arith.addi %mul3A_1315, %add3A_1317 : vector<16xi32>
    %add3A_1319 = arith.constant 0 : i32
    %add3A_1320 = vector.broadcast %add3A_1319 : i32 to vector<16xi32>
    %add3A_1321 = arith.addi %add3A_1318, %add3A_1320 : vector<16xi32>
    %gather3A_1322 = tpu.vector_load_idx %arg6[%add3A_1321] : memref<1024xf32, #tpu.memory_space<vmem>>[vector<16xi32>], vector<16xf32>,
    %add3A_1323 = arith.constant 1 : i32
    %add3A_1324 = vector.broadcast %add3A_1323 : i32 to vector<16xi32>
    %add3A_1325 = arith.addi %add3A_1318, %add3A_1324 : vector<16xi32>
    %gather3A_1326 = tpu.vector_load_idx %arg6[%add3A_1325] : memref<1024xf32, #tpu.memory_space<vmem>>[vector<16xi32>], vector<16xf32>,
    %add3A_1327 = arith.constant 2 : i32
    %add3A_1328 = vector.broadcast %add3A_1327 : i32 to vector<16xi32>
    %add3A_1329 = arith.addi %add3A_1318, %add3A_1328 : vector<16xi32>
    %gather3A_1330 = tpu.vector_load_idx %arg6[%add3A_1329] : memref<1024xf32, #tpu.memory_space<vmem>>[vector<16xi32>], vector<16xf32>,
    %add3A_1331 = arith.constant 3 : i32
    %add3A_1332 = vector.broadcast %add3A_1331 : i32 to vector<16xi32>
    %add3A_1333 = arith.addi %add3A_1318, %add3A_1332 : vector<16xi32>
    %gather3A_1334 = tpu.vector_load_idx %arg6[%add3A_1333] : memref<1024xf32, #tpu.memory_space<vmem>>[vector<16xi32>], vector<16xf32>,
    %add3A_1335 = arith.constant 4 : i32
    %add3A_1336 = vector.broadcast %add3A_1335 : i32 to vector<16xi32>
    %add3A_1337 = arith.addi %add3A_1318, %add3A_1336 : vector<16xi32>
    %gather3A_1338 = tpu.vector_load_idx %arg6[%add3A_1337] : memref<1024xf32, #tpu.memory_space<vmem>>[vector<16xi32>], vector<16xf32>,
    %add3A_1339 = arith.constant 5 : i32
    %add3A_1340 = vector.broadcast %add3A_1339 : i32 to vector<16xi32>
    %add3A_1341 = arith.addi %add3A_1318, %add3A_1340 : vector<16xi32>
    %gather3A_1342 = tpu.vector_load_idx %arg6[%add3A_1341] : memref<1024xf32, #tpu.memory_space<vmem>>[vector<16xi32>], vector<16xf32>,
    %add3A_1343 = arith.constant 6 : i32
    %add3A_1344 = vector.broadcast %add3A_1343 : i32 to vector<16xi32>
    %add3A_1345 = arith.addi %add3A_1318, %add3A_1344 : vector<16xi32>
    %gather3A_1346 = tpu.vector_load_idx %arg6[%add3A_1345] : memref<1024xf32, #tpu.memory_space<vmem>>[vector<16xi32>], vector<16xf32>,
    %add3A_1347 = arith.constant 7 : i32
    %add3A_1348 = vector.broadcast %add3A_1347 : i32 to vector<16xi32>
    %add3A_1349 = arith.addi %add3A_1318, %add3A_1348 : vector<16xi32>
    %gather3A_1350 = tpu.vector_load_idx %arg6[%add3A_1349] : memref<1024xf32, #tpu.memory_space<vmem>>[vector<16xi32>], vector<16xf32>,
    %broadcast_in_dim3A_1351 = arith.constant 0 : i32
    %broadcast_in_dim3A_1352 = vector.broadcast %broadcast_in_dim3A_1351 : i32 to vector<16xi32>
    %gt3A_1353 = arith.cmpf ogt, %gather3A_1326, %gather3A_1322 : vector<16xf32>
    %jit3A_1354 = arith.constant 1 : i32
    %broadcast_in_dim3A_1355 = vector.broadcast %jit3A_1354 : i32 to vector<16xi32>
    %select_n3A_1356 = arith.select %gt3A_1353, %broadcast_in_dim3A_1355, %broadcast_in_dim3A_1352 : vector<16xi1>, vector<16xi32>
    %select_n3A_1357 = arith.select %gt3A_1353, %gather3A_1326, %gather3A_1322 : vector<16xi1>, vector<16xf32>
    %gt3A_1358 = arith.cmpf ogt, %gather3A_1330, %select_n3A_1357 : vector<16xf32>
    %jit3A_1359 = arith.constant 2 : i32
    %broadcast_in_dim3A_1360 = vector.broadcast %jit3A_1359 : i32 to vector<16xi32>
    %select_n3A_1361 = arith.select %gt3A_1358, %broadcast_in_dim3A_1360, %select_n3A_1356 : vector<16xi1>, vector<16xi32>
    %select_n3A_1362 = arith.select %gt3A_1358, %gather3A_1330, %select_n3A_1357 : vector<16xi1>, vector<16xf32>
    %gt3A_1363 = arith.cmpf ogt, %gather3A_1334, %select_n3A_1362 : vector<16xf32>
    %jit3A_1364 = arith.constant 3 : i32
    %broadcast_in_dim3A_1365 = vector.broadcast %jit3A_1364 : i32 to vector<16xi32>
    %select_n3A_1366 = arith.select %gt3A_1363, %broadcast_in_dim3A_1365, %select_n3A_1361 : vector<16xi1>, vector<16xi32>
    %select_n3A_1367 = arith.select %gt3A_1363, %gather3A_1334, %select_n3A_1362 : vector<16xi1>, vector<16xf32>
    %gt3A_1368 = arith.cmpf ogt, %gather3A_1338, %select_n3A_1367 : vector<16xf32>
    %jit3A_1369 = arith.constant 4 : i32
    %broadcast_in_dim3A_1370 = vector.broadcast %jit3A_1369 : i32 to vector<16xi32>
    %select_n3A_1371 = arith.select %gt3A_1368, %broadcast_in_dim3A_1370, %select_n3A_1366 : vector<16xi1>, vector<16xi32>
    %select_n3A_1372 = arith.select %gt3A_1368, %gather3A_1338, %select_n3A_1367 : vector<16xi1>, vector<16xf32>
    %gt3A_1373 = arith.cmpf ogt, %gather3A_1342, %select_n3A_1372 : vector<16xf32>
    %jit3A_1374 = arith.constant 5 : i32
    %broadcast_in_dim3A_1375 = vector.broadcast %jit3A_1374 : i32 to vector<16xi32>
    %select_n3A_1376 = arith.select %gt3A_1373, %broadcast_in_dim3A_1375, %select_n3A_1371 : vector<16xi1>, vector<16xi32>
    %select_n3A_1377 = arith.select %gt3A_1373, %gather3A_1342, %select_n3A_1372 : vector<16xi1>, vector<16xf32>
    %gt3A_1378 = arith.cmpf ogt, %gather3A_1346, %select_n3A_1377 : vector<16xf32>
    %jit3A_1379 = arith.constant 6 : i32
    %broadcast_in_dim3A_1380 = vector.broadcast %jit3A_1379 : i32 to vector<16xi32>
    %select_n3A_1381 = arith.select %gt3A_1378, %broadcast_in_dim3A_1380, %select_n3A_1376 : vector<16xi1>, vector<16xi32>
    %select_n3A_1382 = arith.select %gt3A_1378, %gather3A_1346, %select_n3A_1377 : vector<16xi1>, vector<16xf32>
    %gt3A_1383 = arith.cmpf ogt, %gather3A_1350, %select_n3A_1382 : vector<16xf32>
    %jit3A_1384 = arith.constant 7 : i32
    %broadcast_in_dim3A_1385 = vector.broadcast %jit3A_1384 : i32 to vector<16xi32>
    %select_n3A_1386 = arith.select %gt3A_1383, %broadcast_in_dim3A_1385, %select_n3A_1381 : vector<16xi1>, vector<16xi32>
    %select_n3A_1387 = arith.select %gt3A_1383, %gather3A_1350, %select_n3A_1382 : vector<16xi1>, vector<16xf32>
    %broadcast_in_dim3A_1388 = arith.constant -1.000000e+00 : f32
    %broadcast_in_dim3A_1389 = vector.broadcast %broadcast_in_dim3A_1388 : f32 to vector<16xf32>
    %broadcast_in_dim3A_1390 = arith.constant 0 : i32
    %broadcast_in_dim3A_1391 = vector.broadcast %broadcast_in_dim3A_1390 : i32 to vector<16xi32>
    %ne3A_1392 = arith.constant 0 : i32
    %ne3A_1393 = vector.broadcast %ne3A_1392 : i32 to vector<16xi32>
    %ne3A_1394 = arith.cmpi ne, %select_n3A_1386, %ne3A_1393 : vector<16xi32>
    %gt3A_1395 = arith.cmpf ogt, %gather3A_1322, %broadcast_in_dim3A_1389 : vector<16xf32>
    %and3A_1396 = arith.andi %ne3A_1394, %gt3A_1395 : vector<16xi1>
    %jit3A_1397 = arith.constant 0 : i32
    %broadcast_in_dim3A_1398 = vector.broadcast %jit3A_1397 : i32 to vector<16xi32>
    %select_n3A_1399 = arith.select %and3A_1396, %broadcast_in_dim3A_1398, %broadcast_in_dim3A_1391 : vector<16xi1>, vector<16xi32>
    %select_n3A_1400 = arith.select %and3A_1396, %gather3A_1322, %broadcast_in_dim3A_1389 : vector<16xi1>, vector<16xf32>
    %ne3A_1401 = arith.constant 1 : i32
    %ne3A_1402 = vector.broadcast %ne3A_1401 : i32 to vector<16xi32>
    %ne3A_1403 = arith.cmpi ne, %select_n3A_1386, %ne3A_1402 : vector<16xi32>
    %gt3A_1404 = arith.cmpf ogt, %gather3A_1326, %select_n3A_1400 : vector<16xf32>
    %and3A_1405 = arith.andi %ne3A_1403, %gt3A_1404 : vector<16xi1>
    %jit3A_1406 = arith.constant 1 : i32
    %broadcast_in_dim3A_1407 = vector.broadcast %jit3A_1406 : i32 to vector<16xi32>
    %select_n3A_1408 = arith.select %and3A_1405, %broadcast_in_dim3A_1407, %select_n3A_1399 : vector<16xi1>, vector<16xi32>
    %select_n3A_1409 = arith.select %and3A_1405, %gather3A_1326, %select_n3A_1400 : vector<16xi1>, vector<16xf32>
    %ne3A_1410 = arith.constant 2 : i32
    %ne3A_1411 = vector.broadcast %ne3A_1410 : i32 to vector<16xi32>
    %ne3A_1412 = arith.cmpi ne, %select_n3A_1386, %ne3A_1411 : vector<16xi32>
    %gt3A_1413 = arith.cmpf ogt, %gather3A_1330, %select_n3A_1409 : vector<16xf32>
    %and3A_1414 = arith.andi %ne3A_1412, %gt3A_1413 : vector<16xi1>
    %jit3A_1415 = arith.constant 2 : i32
    %broadcast_in_dim3A_1416 = vector.broadcast %jit3A_1415 : i32 to vector<16xi32>
    %select_n3A_1417 = arith.select %and3A_1414, %broadcast_in_dim3A_1416, %select_n3A_1408 : vector<16xi1>, vector<16xi32>
    %select_n3A_1418 = arith.select %and3A_1414, %gather3A_1330, %select_n3A_1409 : vector<16xi1>, vector<16xf32>
    %ne3A_1419 = arith.constant 3 : i32
    %ne3A_1420 = vector.broadcast %ne3A_1419 : i32 to vector<16xi32>
    %ne3A_1421 = arith.cmpi ne, %select_n3A_1386, %ne3A_1420 : vector<16xi32>
    %gt3A_1422 = arith.cmpf ogt, %gather3A_1334, %select_n3A_1418 : vector<16xf32>
    %and3A_1423 = arith.andi %ne3A_1421, %gt3A_1422 : vector<16xi1>
    %jit3A_1424 = arith.constant 3 : i32
    %broadcast_in_dim3A_1425 = vector.broadcast %jit3A_1424 : i32 to vector<16xi32>
    %select_n3A_1426 = arith.select %and3A_1423, %broadcast_in_dim3A_1425, %select_n3A_1417 : vector<16xi1>, vector<16xi32>
    %select_n3A_1427 = arith.select %and3A_1423, %gather3A_1334, %select_n3A_1418 : vector<16xi1>, vector<16xf32>
    %ne3A_1428 = arith.constant 4 : i32
    %ne3A_1429 = vector.broadcast %ne3A_1428 : i32 to vector<16xi32>
    %ne3A_1430 = arith.cmpi ne, %select_n3A_1386, %ne3A_1429 : vector<16xi32>
    %gt3A_1431 = arith.cmpf ogt, %gather3A_1338, %select_n3A_1427 : vector<16xf32>
    %and3A_1432 = arith.andi %ne3A_1430, %gt3A_1431 : vector<16xi1>
    %jit3A_1433 = arith.constant 4 : i32
    %broadcast_in_dim3A_1434 = vector.broadcast %jit3A_1433 : i32 to vector<16xi32>
    %select_n3A_1435 = arith.select %and3A_1432, %broadcast_in_dim3A_1434, %select_n3A_1426 : vector<16xi1>, vector<16xi32>
    %select_n3A_1436 = arith.select %and3A_1432, %gather3A_1338, %select_n3A_1427 : vector<16xi1>, vector<16xf32>
    %ne3A_1437 = arith.constant 5 : i32
    %ne3A_1438 = vector.broadcast %ne3A_1437 : i32 to vector<16xi32>
    %ne3A_1439 = arith.cmpi ne, %select_n3A_1386, %ne3A_1438 : vector<16xi32>
    %gt3A_1440 = arith.cmpf ogt, %gather3A_1342, %select_n3A_1436 : vector<16xf32>
    %and3A_1441 = arith.andi %ne3A_1439, %gt3A_1440 : vector<16xi1>
    %jit3A_1442 = arith.constant 5 : i32
    %broadcast_in_dim3A_1443 = vector.broadcast %jit3A_1442 : i32 to vector<16xi32>
    %select_n3A_1444 = arith.select %and3A_1441, %broadcast_in_dim3A_1443, %select_n3A_1435 : vector<16xi1>, vector<16xi32>
    %select_n3A_1445 = arith.select %and3A_1441, %gather3A_1342, %select_n3A_1436 : vector<16xi1>, vector<16xf32>
    %ne3A_1446 = arith.constant 6 : i32
    %ne3A_1447 = vector.broadcast %ne3A_1446 : i32 to vector<16xi32>
    %ne3A_1448 = arith.cmpi ne, %select_n3A_1386, %ne3A_1447 : vector<16xi32>
    %gt3A_1449 = arith.cmpf ogt, %gather3A_1346, %select_n3A_1445 : vector<16xf32>
    %and3A_1450 = arith.andi %ne3A_1448, %gt3A_1449 : vector<16xi1>
    %jit3A_1451 = arith.constant 6 : i32
    %broadcast_in_dim3A_1452 = vector.broadcast %jit3A_1451 : i32 to vector<16xi32>
    %select_n3A_1453 = arith.select %and3A_1450, %broadcast_in_dim3A_1452, %select_n3A_1444 : vector<16xi1>, vector<16xi32>
    %select_n3A_1454 = arith.select %and3A_1450, %gather3A_1346, %select_n3A_1445 : vector<16xi1>, vector<16xf32>
    %ne3A_1455 = arith.constant 7 : i32
    %ne3A_1456 = vector.broadcast %ne3A_1455 : i32 to vector<16xi32>
    %ne3A_1457 = arith.cmpi ne, %select_n3A_1386, %ne3A_1456 : vector<16xi32>
    %gt3A_1458 = arith.cmpf ogt, %gather3A_1350, %select_n3A_1454 : vector<16xf32>
    %and3A_1459 = arith.andi %ne3A_1457, %gt3A_1458 : vector<16xi1>
    %jit3A_1460 = arith.constant 7 : i32
    %broadcast_in_dim3A_1461 = vector.broadcast %jit3A_1460 : i32 to vector<16xi32>
    %select_n3A_1462 = arith.select %and3A_1459, %broadcast_in_dim3A_1461, %select_n3A_1453 : vector<16xi1>, vector<16xi32>
    %select_n3A_1463 = arith.select %and3A_1459, %gather3A_1350, %select_n3A_1454 : vector<16xi1>, vector<16xf32>
    %add3A_1464 = arith.addf %select_n3A_1387, %select_n3A_1463 : vector<16xf32>
    %add3A_1465 = arith.constant 9.99999993E-9 : f32
    %add3A_1466 = vector.broadcast %add3A_1465 : f32 to vector<16xf32>
    %add3A_1467 = arith.addf %add3A_1464, %add3A_1466 : vector<16xf32>
    %div3A_1468 = arith.divf %select_n3A_1387, %add3A_1467 : vector<16xf32>
    %div3A_1469 = arith.divf %select_n3A_1463, %add3A_1467 : vector<16xf32>
    %eq3A_1470 = arith.constant 0 : i32
    %eq3A_1471 = vector.broadcast %eq3A_1470 : i32 to vector<16xi32>
    %eq3A_1472 = arith.cmpi eq, %select_n3A_1386, %eq3A_1471 : vector<16xi32>
    %eq3A_1473 = arith.constant 0 : i32
    %eq3A_1474 = vector.broadcast %eq3A_1473 : i32 to vector<16xi32>
    %eq3A_1475 = arith.cmpi eq, %select_n3A_1462, %eq3A_1474 : vector<16xi32>
    %or3A_1476 = arith.ori %eq3A_1472, %eq3A_1475 : vector<16xi1>
    %convert_element_type3A_1477 = arith.extui %or3A_1476 : vector<16xi1> to vector<16xi32>
    %broadcast_in_dim3A_1478 = arith.constant true
    %broadcast_in_dim3A_1479 = vector.broadcast %broadcast_in_dim3A_1478 : i1 to vector<16xi1>
    %masked_cumsum3A_1480 = tpu.scan <sum>, %convert_element_type3A_1477 masked %broadcast_in_dim3A_1479 : vector<16xi32>, vector<16xi1> -> vector<16xi32>
    %sub3A_1481 = arith.subi %masked_cumsum3A_1480, %convert_element_type3A_1477 : vector<16xi32>
    %add3A_1482 = vector.broadcast %add3A_1051 : i32 to vector<16xi32>
    %add3A_1483 = arith.addi %sub3A_1481, %add3A_1482 : vector<16xi32>
    %reduce_sum3A_1484 = arith.constant true
    %reduce_sum3A_1485 = vector.broadcast %reduce_sum3A_1484 : i1 to vector<16xi1>
    %reduce_sum3A_1486 = tpu.scan <sum>, %convert_element_type3A_1477 masked %reduce_sum3A_1485 : vector<16xi32>, vector<16xi1> -> vector<16xi32>
    %reduce_sum3A_1487 = vector.extract %reduce_sum3A_1486[15] : i32 from vector<16xi32>
    %add3A_1488 = arith.addi %add3A_1051, %reduce_sum3A_1487 : i32
    %jit3A_1489 = arith.constant 0.000000e+00 : f32
    %broadcast_in_dim3A_1490 = vector.broadcast %jit3A_1489 : f32 to vector<16xf32>
    %select_n3A_1491 = arith.select %eq3A_1472, %div3A_1468, %broadcast_in_dim3A_1490 : vector<16xi1>, vector<16xf32>
    %jit3A_1492 = arith.constant 0.000000e+00 : f32
    %broadcast_in_dim3A_1493 = vector.broadcast %jit3A_1492 : f32 to vector<16xf32>
    %select_n3A_1494 = arith.select %eq3A_1475, %div3A_1469, %broadcast_in_dim3A_1493 : vector<16xi1>, vector<16xf32>
    %add3A_1495 = arith.addf %select_n3A_1491, %select_n3A_1494 : vector<16xf32>
    %jit3A_1496 = arith.constant 1048576 : i32
    %broadcast_in_dim3A_1497 = vector.broadcast %jit3A_1496 : i32 to vector<16xi32>
    %select_n3A_1498 = arith.select %or3A_1476, %add3A_1483, %broadcast_in_dim3A_1497 : vector<16xi1>, vector<16xi32>
    %add3A_1499 = arith.constant 0 : i32
    %add3A_1500 = vector.broadcast %add3A_1499 : i32 to vector<16xi32>
    %add3A_1501 = arith.addi %add3A_1318, %add3A_1500 : vector<16xi32>
    tpu.vector_store_idx %arg7[%add3A_1501], %select_n3A_1498 : memref<1024xi32, #tpu.memory_space<vmem>>[vector<16xi32>], vector<16xi32>,
    %add3A_1502 = arith.constant 0 : i32
    %add3A_1503 = vector.broadcast %add3A_1502 : i32 to vector<16xi32>
    %add3A_1504 = arith.addi %add3A_1318, %add3A_1503 : vector<16xi32>
    tpu.vector_store_idx %arg8[%add3A_1504], %add3A_1495 : memref<1024xf32, #tpu.memory_space<vmem>>[vector<16xi32>], vector<16xf32>,
    %eq3A_1505 = arith.constant 1 : i32
    %eq3A_1506 = vector.broadcast %eq3A_1505 : i32 to vector<16xi32>
    %eq3A_1507 = arith.cmpi eq, %select_n3A_1386, %eq3A_1506 : vector<16xi32>
    %eq3A_1508 = arith.constant 1 : i32
    %eq3A_1509 = vector.broadcast %eq3A_1508 : i32 to vector<16xi32>
    %eq3A_1510 = arith.cmpi eq, %select_n3A_1462, %eq3A_1509 : vector<16xi32>
    %or3A_1511 = arith.ori %eq3A_1507, %eq3A_1510 : vector<16xi1>
    %convert_element_type3A_1512 = arith.extui %or3A_1511 : vector<16xi1> to vector<16xi32>
    %broadcast_in_dim3A_1513 = arith.constant true
    %broadcast_in_dim3A_1514 = vector.broadcast %broadcast_in_dim3A_1513 : i1 to vector<16xi1>
    %masked_cumsum3A_1515 = tpu.scan <sum>, %convert_element_type3A_1512 masked %broadcast_in_dim3A_1514 : vector<16xi32>, vector<16xi1> -> vector<16xi32>
    %sub3A_1516 = arith.subi %masked_cumsum3A_1515, %convert_element_type3A_1512 : vector<16xi32>
    %add3A_1517 = vector.broadcast %add3A_1086 : i32 to vector<16xi32>
    %add3A_1518 = arith.addi %sub3A_1516, %add3A_1517 : vector<16xi32>
    %reduce_sum3A_1519 = arith.constant true
    %reduce_sum3A_1520 = vector.broadcast %reduce_sum3A_1519 : i1 to vector<16xi1>
    %reduce_sum3A_1521 = tpu.scan <sum>, %convert_element_type3A_1512 masked %reduce_sum3A_1520 : vector<16xi32>, vector<16xi1> -> vector<16xi32>
    %reduce_sum3A_1522 = vector.extract %reduce_sum3A_1521[15] : i32 from vector<16xi32>
    %add3A_1523 = arith.addi %add3A_1086, %reduce_sum3A_1522 : i32
    %jit3A_1524 = arith.constant 0.000000e+00 : f32
    %broadcast_in_dim3A_1525 = vector.broadcast %jit3A_1524 : f32 to vector<16xf32>
    %select_n3A_1526 = arith.select %eq3A_1507, %div3A_1468, %broadcast_in_dim3A_1525 : vector<16xi1>, vector<16xf32>
    %jit3A_1527 = arith.constant 0.000000e+00 : f32
    %broadcast_in_dim3A_1528 = vector.broadcast %jit3A_1527 : f32 to vector<16xf32>
    %select_n3A_1529 = arith.select %eq3A_1510, %div3A_1469, %broadcast_in_dim3A_1528 : vector<16xi1>, vector<16xf32>
    %add3A_1530 = arith.addf %select_n3A_1526, %select_n3A_1529 : vector<16xf32>
    %jit3A_1531 = arith.constant 1048576 : i32
    %broadcast_in_dim3A_1532 = vector.broadcast %jit3A_1531 : i32 to vector<16xi32>
    %select_n3A_1533 = arith.select %or3A_1511, %add3A_1518, %broadcast_in_dim3A_1532 : vector<16xi1>, vector<16xi32>
    %add3A_1534 = arith.constant 1 : i32
    %add3A_1535 = vector.broadcast %add3A_1534 : i32 to vector<16xi32>
    %add3A_1536 = arith.addi %add3A_1318, %add3A_1535 : vector<16xi32>
    tpu.vector_store_idx %arg7[%add3A_1536], %select_n3A_1533 : memref<1024xi32, #tpu.memory_space<vmem>>[vector<16xi32>], vector<16xi32>,
    %add3A_1537 = arith.constant 1 : i32
    %add3A_1538 = vector.broadcast %add3A_1537 : i32 to vector<16xi32>
    %add3A_1539 = arith.addi %add3A_1318, %add3A_1538 : vector<16xi32>
    tpu.vector_store_idx %arg8[%add3A_1539], %add3A_1530 : memref<1024xf32, #tpu.memory_space<vmem>>[vector<16xi32>], vector<16xf32>,
    %eq3A_1540 = arith.constant 2 : i32
    %eq3A_1541 = vector.broadcast %eq3A_1540 : i32 to vector<16xi32>
    %eq3A_1542 = arith.cmpi eq, %select_n3A_1386, %eq3A_1541 : vector<16xi32>
    %eq3A_1543 = arith.constant 2 : i32
    %eq3A_1544 = vector.broadcast %eq3A_1543 : i32 to vector<16xi32>
    %eq3A_1545 = arith.cmpi eq, %select_n3A_1462, %eq3A_1544 : vector<16xi32>
    %or3A_1546 = arith.ori %eq3A_1542, %eq3A_1545 : vector<16xi1>
    %convert_element_type3A_1547 = arith.extui %or3A_1546 : vector<16xi1> to vector<16xi32>
    %broadcast_in_dim3A_1548 = arith.constant true
    %broadcast_in_dim3A_1549 = vector.broadcast %broadcast_in_dim3A_1548 : i1 to vector<16xi1>
    %masked_cumsum3A_1550 = tpu.scan <sum>, %convert_element_type3A_1547 masked %broadcast_in_dim3A_1549 : vector<16xi32>, vector<16xi1> -> vector<16xi32>
    %sub3A_1551 = arith.subi %masked_cumsum3A_1550, %convert_element_type3A_1547 : vector<16xi32>
    %add3A_1552 = vector.broadcast %add3A_1121 : i32 to vector<16xi32>
    %add3A_1553 = arith.addi %sub3A_1551, %add3A_1552 : vector<16xi32>
    %reduce_sum3A_1554 = arith.constant true
    %reduce_sum3A_1555 = vector.broadcast %reduce_sum3A_1554 : i1 to vector<16xi1>
    %reduce_sum3A_1556 = tpu.scan <sum>, %convert_element_type3A_1547 masked %reduce_sum3A_1555 : vector<16xi32>, vector<16xi1> -> vector<16xi32>
    %reduce_sum3A_1557 = vector.extract %reduce_sum3A_1556[15] : i32 from vector<16xi32>
    %add3A_1558 = arith.addi %add3A_1121, %reduce_sum3A_1557 : i32
    %jit3A_1559 = arith.constant 0.000000e+00 : f32
    %broadcast_in_dim3A_1560 = vector.broadcast %jit3A_1559 : f32 to vector<16xf32>
    %select_n3A_1561 = arith.select %eq3A_1542, %div3A_1468, %broadcast_in_dim3A_1560 : vector<16xi1>, vector<16xf32>
    %jit3A_1562 = arith.constant 0.000000e+00 : f32
    %broadcast_in_dim3A_1563 = vector.broadcast %jit3A_1562 : f32 to vector<16xf32>
    %select_n3A_1564 = arith.select %eq3A_1545, %div3A_1469, %broadcast_in_dim3A_1563 : vector<16xi1>, vector<16xf32>
    %add3A_1565 = arith.addf %select_n3A_1561, %select_n3A_1564 : vector<16xf32>
    %jit3A_1566 = arith.constant 1048576 : i32
    %broadcast_in_dim3A_1567 = vector.broadcast %jit3A_1566 : i32 to vector<16xi32>
    %select_n3A_1568 = arith.select %or3A_1546, %add3A_1553, %broadcast_in_dim3A_1567 : vector<16xi1>, vector<16xi32>
    %add3A_1569 = arith.constant 2 : i32
    %add3A_1570 = vector.broadcast %add3A_1569 : i32 to vector<16xi32>
    %add3A_1571 = arith.addi %add3A_1318, %add3A_1570 : vector<16xi32>
    tpu.vector_store_idx %arg7[%add3A_1571], %select_n3A_1568 : memref<1024xi32, #tpu.memory_space<vmem>>[vector<16xi32>], vector<16xi32>,
    %add3A_1572 = arith.constant 2 : i32
    %add3A_1573 = vector.broadcast %add3A_1572 : i32 to vector<16xi32>
    %add3A_1574 = arith.addi %add3A_1318, %add3A_1573 : vector<16xi32>
    tpu.vector_store_idx %arg8[%add3A_1574], %add3A_1565 : memref<1024xf32, #tpu.memory_space<vmem>>[vector<16xi32>], vector<16xf32>,
    %eq3A_1575 = arith.constant 3 : i32
    %eq3A_1576 = vector.broadcast %eq3A_1575 : i32 to vector<16xi32>
    %eq3A_1577 = arith.cmpi eq, %select_n3A_1386, %eq3A_1576 : vector<16xi32>
    %eq3A_1578 = arith.constant 3 : i32
    %eq3A_1579 = vector.broadcast %eq3A_1578 : i32 to vector<16xi32>
    %eq3A_1580 = arith.cmpi eq, %select_n3A_1462, %eq3A_1579 : vector<16xi32>
    %or3A_1581 = arith.ori %eq3A_1577, %eq3A_1580 : vector<16xi1>
    %convert_element_type3A_1582 = arith.extui %or3A_1581 : vector<16xi1> to vector<16xi32>
    %broadcast_in_dim3A_1583 = arith.constant true
    %broadcast_in_dim3A_1584 = vector.broadcast %broadcast_in_dim3A_1583 : i1 to vector<16xi1>
    %masked_cumsum3A_1585 = tpu.scan <sum>, %convert_element_type3A_1582 masked %broadcast_in_dim3A_1584 : vector<16xi32>, vector<16xi1> -> vector<16xi32>
    %sub3A_1586 = arith.subi %masked_cumsum3A_1585, %convert_element_type3A_1582 : vector<16xi32>
    %add3A_1587 = vector.broadcast %add3A_1156 : i32 to vector<16xi32>
    %add3A_1588 = arith.addi %sub3A_1586, %add3A_1587 : vector<16xi32>
    %reduce_sum3A_1589 = arith.constant true
    %reduce_sum3A_1590 = vector.broadcast %reduce_sum3A_1589 : i1 to vector<16xi1>
    %reduce_sum3A_1591 = tpu.scan <sum>, %convert_element_type3A_1582 masked %reduce_sum3A_1590 : vector<16xi32>, vector<16xi1> -> vector<16xi32>
    %reduce_sum3A_1592 = vector.extract %reduce_sum3A_1591[15] : i32 from vector<16xi32>
    %add3A_1593 = arith.addi %add3A_1156, %reduce_sum3A_1592 : i32
    %jit3A_1594 = arith.constant 0.000000e+00 : f32
    %broadcast_in_dim3A_1595 = vector.broadcast %jit3A_1594 : f32 to vector<16xf32>
    %select_n3A_1596 = arith.select %eq3A_1577, %div3A_1468, %broadcast_in_dim3A_1595 : vector<16xi1>, vector<16xf32>
    %jit3A_1597 = arith.constant 0.000000e+00 : f32
    %broadcast_in_dim3A_1598 = vector.broadcast %jit3A_1597 : f32 to vector<16xf32>
    %select_n3A_1599 = arith.select %eq3A_1580, %div3A_1469, %broadcast_in_dim3A_1598 : vector<16xi1>, vector<16xf32>
    %add3A_1600 = arith.addf %select_n3A_1596, %select_n3A_1599 : vector<16xf32>
    %jit3A_1601 = arith.constant 1048576 : i32
    %broadcast_in_dim3A_1602 = vector.broadcast %jit3A_1601 : i32 to vector<16xi32>
    %select_n3A_1603 = arith.select %or3A_1581, %add3A_1588, %broadcast_in_dim3A_1602 : vector<16xi1>, vector<16xi32>
    %add3A_1604 = arith.constant 3 : i32
    %add3A_1605 = vector.broadcast %add3A_1604 : i32 to vector<16xi32>
    %add3A_1606 = arith.addi %add3A_1318, %add3A_1605 : vector<16xi32>
    tpu.vector_store_idx %arg7[%add3A_1606], %select_n3A_1603 : memref<1024xi32, #tpu.memory_space<vmem>>[vector<16xi32>], vector<16xi32>,
    %add3A_1607 = arith.constant 3 : i32
    %add3A_1608 = vector.broadcast %add3A_1607 : i32 to vector<16xi32>
    %add3A_1609 = arith.addi %add3A_1318, %add3A_1608 : vector<16xi32>
    tpu.vector_store_idx %arg8[%add3A_1609], %add3A_1600 : memref<1024xf32, #tpu.memory_space<vmem>>[vector<16xi32>], vector<16xf32>,
    %eq3A_1610 = arith.constant 4 : i32
    %eq3A_1611 = vector.broadcast %eq3A_1610 : i32 to vector<16xi32>
    %eq3A_1612 = arith.cmpi eq, %select_n3A_1386, %eq3A_1611 : vector<16xi32>
    %eq3A_1613 = arith.constant 4 : i32
    %eq3A_1614 = vector.broadcast %eq3A_1613 : i32 to vector<16xi32>
    %eq3A_1615 = arith.cmpi eq, %select_n3A_1462, %eq3A_1614 : vector<16xi32>
    %or3A_1616 = arith.ori %eq3A_1612, %eq3A_1615 : vector<16xi1>
    %convert_element_type3A_1617 = arith.extui %or3A_1616 : vector<16xi1> to vector<16xi32>
    %broadcast_in_dim3A_1618 = arith.constant true
    %broadcast_in_dim3A_1619 = vector.broadcast %broadcast_in_dim3A_1618 : i1 to vector<16xi1>
    %masked_cumsum3A_1620 = tpu.scan <sum>, %convert_element_type3A_1617 masked %broadcast_in_dim3A_1619 : vector<16xi32>, vector<16xi1> -> vector<16xi32>
    %sub3A_1621 = arith.subi %masked_cumsum3A_1620, %convert_element_type3A_1617 : vector<16xi32>
    %add3A_1622 = vector.broadcast %add3A_1191 : i32 to vector<16xi32>
    %add3A_1623 = arith.addi %sub3A_1621, %add3A_1622 : vector<16xi32>
    %reduce_sum3A_1624 = arith.constant true
    %reduce_sum3A_1625 = vector.broadcast %reduce_sum3A_1624 : i1 to vector<16xi1>
    %reduce_sum3A_1626 = tpu.scan <sum>, %convert_element_type3A_1617 masked %reduce_sum3A_1625 : vector<16xi32>, vector<16xi1> -> vector<16xi32>
    %reduce_sum3A_1627 = vector.extract %reduce_sum3A_1626[15] : i32 from vector<16xi32>
    %add3A_1628 = arith.addi %add3A_1191, %reduce_sum3A_1627 : i32
    %jit3A_1629 = arith.constant 0.000000e+00 : f32
    %broadcast_in_dim3A_1630 = vector.broadcast %jit3A_1629 : f32 to vector<16xf32>
    %select_n3A_1631 = arith.select %eq3A_1612, %div3A_1468, %broadcast_in_dim3A_1630 : vector<16xi1>, vector<16xf32>
    %jit3A_1632 = arith.constant 0.000000e+00 : f32
    %broadcast_in_dim3A_1633 = vector.broadcast %jit3A_1632 : f32 to vector<16xf32>
    %select_n3A_1634 = arith.select %eq3A_1615, %div3A_1469, %broadcast_in_dim3A_1633 : vector<16xi1>, vector<16xf32>
    %add3A_1635 = arith.addf %select_n3A_1631, %select_n3A_1634 : vector<16xf32>
    %jit3A_1636 = arith.constant 1048576 : i32
    %broadcast_in_dim3A_1637 = vector.broadcast %jit3A_1636 : i32 to vector<16xi32>
    %select_n3A_1638 = arith.select %or3A_1616, %add3A_1623, %broadcast_in_dim3A_1637 : vector<16xi1>, vector<16xi32>
    %add3A_1639 = arith.constant 4 : i32
    %add3A_1640 = vector.broadcast %add3A_1639 : i32 to vector<16xi32>
    %add3A_1641 = arith.addi %add3A_1318, %add3A_1640 : vector<16xi32>
    tpu.vector_store_idx %arg7[%add3A_1641], %select_n3A_1638 : memref<1024xi32, #tpu.memory_space<vmem>>[vector<16xi32>], vector<16xi32>,
    %add3A_1642 = arith.constant 4 : i32
    %add3A_1643 = vector.broadcast %add3A_1642 : i32 to vector<16xi32>
    %add3A_1644 = arith.addi %add3A_1318, %add3A_1643 : vector<16xi32>
    tpu.vector_store_idx %arg8[%add3A_1644], %add3A_1635 : memref<1024xf32, #tpu.memory_space<vmem>>[vector<16xi32>], vector<16xf32>,
    %eq3A_1645 = arith.constant 5 : i32
    %eq3A_1646 = vector.broadcast %eq3A_1645 : i32 to vector<16xi32>
    %eq3A_1647 = arith.cmpi eq, %select_n3A_1386, %eq3A_1646 : vector<16xi32>
    %eq3A_1648 = arith.constant 5 : i32
    %eq3A_1649 = vector.broadcast %eq3A_1648 : i32 to vector<16xi32>
    %eq3A_1650 = arith.cmpi eq, %select_n3A_1462, %eq3A_1649 : vector<16xi32>
    %or3A_1651 = arith.ori %eq3A_1647, %eq3A_1650 : vector<16xi1>
    %convert_element_type3A_1652 = arith.extui %or3A_1651 : vector<16xi1> to vector<16xi32>
    %broadcast_in_dim3A_1653 = arith.constant true
    %broadcast_in_dim3A_1654 = vector.broadcast %broadcast_in_dim3A_1653 : i1 to vector<16xi1>
    %masked_cumsum3A_1655 = tpu.scan <sum>, %convert_element_type3A_1652 masked %broadcast_in_dim3A_1654 : vector<16xi32>, vector<16xi1> -> vector<16xi32>
    %sub3A_1656 = arith.subi %masked_cumsum3A_1655, %convert_element_type3A_1652 : vector<16xi32>
    %add3A_1657 = vector.broadcast %add3A_1226 : i32 to vector<16xi32>
    %add3A_1658 = arith.addi %sub3A_1656, %add3A_1657 : vector<16xi32>
    %reduce_sum3A_1659 = arith.constant true
    %reduce_sum3A_1660 = vector.broadcast %reduce_sum3A_1659 : i1 to vector<16xi1>
    %reduce_sum3A_1661 = tpu.scan <sum>, %convert_element_type3A_1652 masked %reduce_sum3A_1660 : vector<16xi32>, vector<16xi1> -> vector<16xi32>
    %reduce_sum3A_1662 = vector.extract %reduce_sum3A_1661[15] : i32 from vector<16xi32>
    %add3A_1663 = arith.addi %add3A_1226, %reduce_sum3A_1662 : i32
    %jit3A_1664 = arith.constant 0.000000e+00 : f32
    %broadcast_in_dim3A_1665 = vector.broadcast %jit3A_1664 : f32 to vector<16xf32>
    %select_n3A_1666 = arith.select %eq3A_1647, %div3A_1468, %broadcast_in_dim3A_1665 : vector<16xi1>, vector<16xf32>
    %jit3A_1667 = arith.constant 0.000000e+00 : f32
    %broadcast_in_dim3A_1668 = vector.broadcast %jit3A_1667 : f32 to vector<16xf32>
    %select_n3A_1669 = arith.select %eq3A_1650, %div3A_1469, %broadcast_in_dim3A_1668 : vector<16xi1>, vector<16xf32>
    %add3A_1670 = arith.addf %select_n3A_1666, %select_n3A_1669 : vector<16xf32>
    %jit3A_1671 = arith.constant 1048576 : i32
    %broadcast_in_dim3A_1672 = vector.broadcast %jit3A_1671 : i32 to vector<16xi32>
    %select_n3A_1673 = arith.select %or3A_1651, %add3A_1658, %broadcast_in_dim3A_1672 : vector<16xi1>, vector<16xi32>
    %add3A_1674 = arith.constant 5 : i32
    %add3A_1675 = vector.broadcast %add3A_1674 : i32 to vector<16xi32>
    %add3A_1676 = arith.addi %add3A_1318, %add3A_1675 : vector<16xi32>
    tpu.vector_store_idx %arg7[%add3A_1676], %select_n3A_1673 : memref<1024xi32, #tpu.memory_space<vmem>>[vector<16xi32>], vector<16xi32>,
    %add3A_1677 = arith.constant 5 : i32
    %add3A_1678 = vector.broadcast %add3A_1677 : i32 to vector<16xi32>
    %add3A_1679 = arith.addi %add3A_1318, %add3A_1678 : vector<16xi32>
    tpu.vector_store_idx %arg8[%add3A_1679], %add3A_1670 : memref<1024xf32, #tpu.memory_space<vmem>>[vector<16xi32>], vector<16xf32>,
    %eq3A_1680 = arith.constant 6 : i32
    %eq3A_1681 = vector.broadcast %eq3A_1680 : i32 to vector<16xi32>
    %eq3A_1682 = arith.cmpi eq, %select_n3A_1386, %eq3A_1681 : vector<16xi32>
    %eq3A_1683 = arith.constant 6 : i32
    %eq3A_1684 = vector.broadcast %eq3A_1683 : i32 to vector<16xi32>
    %eq3A_1685 = arith.cmpi eq, %select_n3A_1462, %eq3A_1684 : vector<16xi32>
    %or3A_1686 = arith.ori %eq3A_1682, %eq3A_1685 : vector<16xi1>
    %convert_element_type3A_1687 = arith.extui %or3A_1686 : vector<16xi1> to vector<16xi32>
    %broadcast_in_dim3A_1688 = arith.constant true
    %broadcast_in_dim3A_1689 = vector.broadcast %broadcast_in_dim3A_1688 : i1 to vector<16xi1>
    %masked_cumsum3A_1690 = tpu.scan <sum>, %convert_element_type3A_1687 masked %broadcast_in_dim3A_1689 : vector<16xi32>, vector<16xi1> -> vector<16xi32>
    %sub3A_1691 = arith.subi %masked_cumsum3A_1690, %convert_element_type3A_1687 : vector<16xi32>
    %add3A_1692 = vector.broadcast %add3A_1261 : i32 to vector<16xi32>
    %add3A_1693 = arith.addi %sub3A_1691, %add3A_1692 : vector<16xi32>
    %reduce_sum3A_1694 = arith.constant true
    %reduce_sum3A_1695 = vector.broadcast %reduce_sum3A_1694 : i1 to vector<16xi1>
    %reduce_sum3A_1696 = tpu.scan <sum>, %convert_element_type3A_1687 masked %reduce_sum3A_1695 : vector<16xi32>, vector<16xi1> -> vector<16xi32>
    %reduce_sum3A_1697 = vector.extract %reduce_sum3A_1696[15] : i32 from vector<16xi32>
    %add3A_1698 = arith.addi %add3A_1261, %reduce_sum3A_1697 : i32
    %jit3A_1699 = arith.constant 0.000000e+00 : f32
    %broadcast_in_dim3A_1700 = vector.broadcast %jit3A_1699 : f32 to vector<16xf32>
    %select_n3A_1701 = arith.select %eq3A_1682, %div3A_1468, %broadcast_in_dim3A_1700 : vector<16xi1>, vector<16xf32>
    %jit3A_1702 = arith.constant 0.000000e+00 : f32
    %broadcast_in_dim3A_1703 = vector.broadcast %jit3A_1702 : f32 to vector<16xf32>
    %select_n3A_1704 = arith.select %eq3A_1685, %div3A_1469, %broadcast_in_dim3A_1703 : vector<16xi1>, vector<16xf32>
    %add3A_1705 = arith.addf %select_n3A_1701, %select_n3A_1704 : vector<16xf32>
    %jit3A_1706 = arith.constant 1048576 : i32
    %broadcast_in_dim3A_1707 = vector.broadcast %jit3A_1706 : i32 to vector<16xi32>
    %select_n3A_1708 = arith.select %or3A_1686, %add3A_1693, %broadcast_in_dim3A_1707 : vector<16xi1>, vector<16xi32>
    %add3A_1709 = arith.constant 6 : i32
    %add3A_1710 = vector.broadcast %add3A_1709 : i32 to vector<16xi32>
    %add3A_1711 = arith.addi %add3A_1318, %add3A_1710 : vector<16xi32>
    tpu.vector_store_idx %arg7[%add3A_1711], %select_n3A_1708 : memref<1024xi32, #tpu.memory_space<vmem>>[vector<16xi32>], vector<16xi32>,
    %add3A_1712 = arith.constant 6 : i32
    %add3A_1713 = vector.broadcast %add3A_1712 : i32 to vector<16xi32>
    %add3A_1714 = arith.addi %add3A_1318, %add3A_1713 : vector<16xi32>
    tpu.vector_store_idx %arg8[%add3A_1714], %add3A_1705 : memref<1024xf32, #tpu.memory_space<vmem>>[vector<16xi32>], vector<16xf32>,
    %eq3A_1715 = arith.constant 7 : i32
    %eq3A_1716 = vector.broadcast %eq3A_1715 : i32 to vector<16xi32>
    %eq3A_1717 = arith.cmpi eq, %select_n3A_1386, %eq3A_1716 : vector<16xi32>
    %eq3A_1718 = arith.constant 7 : i32
    %eq3A_1719 = vector.broadcast %eq3A_1718 : i32 to vector<16xi32>
    %eq3A_1720 = arith.cmpi eq, %select_n3A_1462, %eq3A_1719 : vector<16xi32>
    %or3A_1721 = arith.ori %eq3A_1717, %eq3A_1720 : vector<16xi1>
    %convert_element_type3A_1722 = arith.extui %or3A_1721 : vector<16xi1> to vector<16xi32>
    %broadcast_in_dim3A_1723 = arith.constant true
    %broadcast_in_dim3A_1724 = vector.broadcast %broadcast_in_dim3A_1723 : i1 to vector<16xi1>
    %masked_cumsum3A_1725 = tpu.scan <sum>, %convert_element_type3A_1722 masked %broadcast_in_dim3A_1724 : vector<16xi32>, vector<16xi1> -> vector<16xi32>
    %sub3A_1726 = arith.subi %masked_cumsum3A_1725, %convert_element_type3A_1722 : vector<16xi32>
    %add3A_1727 = vector.broadcast %add3A_1296 : i32 to vector<16xi32>
    %add3A_1728 = arith.addi %sub3A_1726, %add3A_1727 : vector<16xi32>
    %reduce_sum3A_1729 = arith.constant true
    %reduce_sum3A_1730 = vector.broadcast %reduce_sum3A_1729 : i1 to vector<16xi1>
    %reduce_sum3A_1731 = tpu.scan <sum>, %convert_element_type3A_1722 masked %reduce_sum3A_1730 : vector<16xi32>, vector<16xi1> -> vector<16xi32>
    %reduce_sum3A_1732 = vector.extract %reduce_sum3A_1731[15] : i32 from vector<16xi32>
    %add3A_1733 = arith.addi %add3A_1296, %reduce_sum3A_1732 : i32
    %jit3A_1734 = arith.constant 0.000000e+00 : f32
    %broadcast_in_dim3A_1735 = vector.broadcast %jit3A_1734 : f32 to vector<16xf32>
    %select_n3A_1736 = arith.select %eq3A_1717, %div3A_1468, %broadcast_in_dim3A_1735 : vector<16xi1>, vector<16xf32>
    %jit3A_1737 = arith.constant 0.000000e+00 : f32
    %broadcast_in_dim3A_1738 = vector.broadcast %jit3A_1737 : f32 to vector<16xf32>
    %select_n3A_1739 = arith.select %eq3A_1720, %div3A_1469, %broadcast_in_dim3A_1738 : vector<16xi1>, vector<16xf32>
    %add3A_1740 = arith.addf %select_n3A_1736, %select_n3A_1739 : vector<16xf32>
    %jit3A_1741 = arith.constant 1048576 : i32
    %broadcast_in_dim3A_1742 = vector.broadcast %jit3A_1741 : i32 to vector<16xi32>
    %select_n3A_1743 = arith.select %or3A_1721, %add3A_1728, %broadcast_in_dim3A_1742 : vector<16xi1>, vector<16xi32>
    %add3A_1744 = arith.constant 7 : i32
    %add3A_1745 = vector.broadcast %add3A_1744 : i32 to vector<16xi32>
    %add3A_1746 = arith.addi %add3A_1318, %add3A_1745 : vector<16xi32>
    tpu.vector_store_idx %arg7[%add3A_1746], %select_n3A_1743 : memref<1024xi32, #tpu.memory_space<vmem>>[vector<16xi32>], vector<16xi32>,
    %add3A_1747 = arith.constant 7 : i32
    %add3A_1748 = vector.broadcast %add3A_1747 : i32 to vector<16xi32>
    %add3A_1749 = arith.addi %add3A_1318, %add3A_1748 : vector<16xi32>
    tpu.vector_store_idx %arg8[%add3A_1749], %add3A_1740 : memref<1024xf32, #tpu.memory_space<vmem>>[vector<16xi32>], vector<16xf32>,
    %mul3A_1750 = arith.constant 8 : i32
    %mul3A_1751 = vector.broadcast %mul3A_1750 : i32 to vector<16xi32>
    %mul3A_1752 = arith.muli %iota3A, %mul3A_1751 : vector<16xi32>
    %add3A_1753 = arith.constant 512 : i32
    %add3A_1754 = vector.broadcast %add3A_1753 : i32 to vector<16xi32>
    %add3A_1755 = arith.addi %mul3A_1752, %add3A_1754 : vector<16xi32>
    %add3A_1756 = arith.constant 0 : i32
    %add3A_1757 = vector.broadcast %add3A_1756 : i32 to vector<16xi32>
    %add3A_1758 = arith.addi %add3A_1755, %add3A_1757 : vector<16xi32>
    %gather3A_1759 = tpu.vector_load_idx %arg6[%add3A_1758] : memref<1024xf32, #tpu.memory_space<vmem>>[vector<16xi32>], vector<16xf32>,
    %add3A_1760 = arith.constant 1 : i32
    %add3A_1761 = vector.broadcast %add3A_1760 : i32 to vector<16xi32>
    %add3A_1762 = arith.addi %add3A_1755, %add3A_1761 : vector<16xi32>
    %gather3A_1763 = tpu.vector_load_idx %arg6[%add3A_1762] : memref<1024xf32, #tpu.memory_space<vmem>>[vector<16xi32>], vector<16xf32>,
    %add3A_1764 = arith.constant 2 : i32
    %add3A_1765 = vector.broadcast %add3A_1764 : i32 to vector<16xi32>
    %add3A_1766 = arith.addi %add3A_1755, %add3A_1765 : vector<16xi32>
    %gather3A_1767 = tpu.vector_load_idx %arg6[%add3A_1766] : memref<1024xf32, #tpu.memory_space<vmem>>[vector<16xi32>], vector<16xf32>,
    %add3A_1768 = arith.constant 3 : i32
    %add3A_1769 = vector.broadcast %add3A_1768 : i32 to vector<16xi32>
    %add3A_1770 = arith.addi %add3A_1755, %add3A_1769 : vector<16xi32>
    %gather3A_1771 = tpu.vector_load_idx %arg6[%add3A_1770] : memref<1024xf32, #tpu.memory_space<vmem>>[vector<16xi32>], vector<16xf32>,
    %add3A_1772 = arith.constant 4 : i32
    %add3A_1773 = vector.broadcast %add3A_1772 : i32 to vector<16xi32>
    %add3A_1774 = arith.addi %add3A_1755, %add3A_1773 : vector<16xi32>
    %gather3A_1775 = tpu.vector_load_idx %arg6[%add3A_1774] : memref<1024xf32, #tpu.memory_space<vmem>>[vector<16xi32>], vector<16xf32>,
    %add3A_1776 = arith.constant 5 : i32
    %add3A_1777 = vector.broadcast %add3A_1776 : i32 to vector<16xi32>
    %add3A_1778 = arith.addi %add3A_1755, %add3A_1777 : vector<16xi32>
    %gather3A_1779 = tpu.vector_load_idx %arg6[%add3A_1778] : memref<1024xf32, #tpu.memory_space<vmem>>[vector<16xi32>], vector<16xf32>,
    %add3A_1780 = arith.constant 6 : i32
    %add3A_1781 = vector.broadcast %add3A_1780 : i32 to vector<16xi32>
    %add3A_1782 = arith.addi %add3A_1755, %add3A_1781 : vector<16xi32>
    %gather3A_1783 = tpu.vector_load_idx %arg6[%add3A_1782] : memref<1024xf32, #tpu.memory_space<vmem>>[vector<16xi32>], vector<16xf32>,
    %add3A_1784 = arith.constant 7 : i32
    %add3A_1785 = vector.broadcast %add3A_1784 : i32 to vector<16xi32>
    %add3A_1786 = arith.addi %add3A_1755, %add3A_1785 : vector<16xi32>
    %gather3A_1787 = tpu.vector_load_idx %arg6[%add3A_1786] : memref<1024xf32, #tpu.memory_space<vmem>>[vector<16xi32>], vector<16xf32>,
    %broadcast_in_dim3A_1788 = arith.constant 0 : i32
    %broadcast_in_dim3A_1789 = vector.broadcast %broadcast_in_dim3A_1788 : i32 to vector<16xi32>
    %gt3A_1790 = arith.cmpf ogt, %gather3A_1763, %gather3A_1759 : vector<16xf32>
    %jit3A_1791 = arith.constant 1 : i32
    %broadcast_in_dim3A_1792 = vector.broadcast %jit3A_1791 : i32 to vector<16xi32>
    %select_n3A_1793 = arith.select %gt3A_1790, %broadcast_in_dim3A_1792, %broadcast_in_dim3A_1789 : vector<16xi1>, vector<16xi32>
    %select_n3A_1794 = arith.select %gt3A_1790, %gather3A_1763, %gather3A_1759 : vector<16xi1>, vector<16xf32>
    %gt3A_1795 = arith.cmpf ogt, %gather3A_1767, %select_n3A_1794 : vector<16xf32>
    %jit3A_1796 = arith.constant 2 : i32
    %broadcast_in_dim3A_1797 = vector.broadcast %jit3A_1796 : i32 to vector<16xi32>
    %select_n3A_1798 = arith.select %gt3A_1795, %broadcast_in_dim3A_1797, %select_n3A_1793 : vector<16xi1>, vector<16xi32>
    %select_n3A_1799 = arith.select %gt3A_1795, %gather3A_1767, %select_n3A_1794 : vector<16xi1>, vector<16xf32>
    %gt3A_1800 = arith.cmpf ogt, %gather3A_1771, %select_n3A_1799 : vector<16xf32>
    %jit3A_1801 = arith.constant 3 : i32
    %broadcast_in_dim3A_1802 = vector.broadcast %jit3A_1801 : i32 to vector<16xi32>
    %select_n3A_1803 = arith.select %gt3A_1800, %broadcast_in_dim3A_1802, %select_n3A_1798 : vector<16xi1>, vector<16xi32>
    %select_n3A_1804 = arith.select %gt3A_1800, %gather3A_1771, %select_n3A_1799 : vector<16xi1>, vector<16xf32>
    %gt3A_1805 = arith.cmpf ogt, %gather3A_1775, %select_n3A_1804 : vector<16xf32>
    %jit3A_1806 = arith.constant 4 : i32
    %broadcast_in_dim3A_1807 = vector.broadcast %jit3A_1806 : i32 to vector<16xi32>
    %select_n3A_1808 = arith.select %gt3A_1805, %broadcast_in_dim3A_1807, %select_n3A_1803 : vector<16xi1>, vector<16xi32>
    %select_n3A_1809 = arith.select %gt3A_1805, %gather3A_1775, %select_n3A_1804 : vector<16xi1>, vector<16xf32>
    %gt3A_1810 = arith.cmpf ogt, %gather3A_1779, %select_n3A_1809 : vector<16xf32>
    %jit3A_1811 = arith.constant 5 : i32
    %broadcast_in_dim3A_1812 = vector.broadcast %jit3A_1811 : i32 to vector<16xi32>
    %select_n3A_1813 = arith.select %gt3A_1810, %broadcast_in_dim3A_1812, %select_n3A_1808 : vector<16xi1>, vector<16xi32>
    %select_n3A_1814 = arith.select %gt3A_1810, %gather3A_1779, %select_n3A_1809 : vector<16xi1>, vector<16xf32>
    %gt3A_1815 = arith.cmpf ogt, %gather3A_1783, %select_n3A_1814 : vector<16xf32>
    %jit3A_1816 = arith.constant 6 : i32
    %broadcast_in_dim3A_1817 = vector.broadcast %jit3A_1816 : i32 to vector<16xi32>
    %select_n3A_1818 = arith.select %gt3A_1815, %broadcast_in_dim3A_1817, %select_n3A_1813 : vector<16xi1>, vector<16xi32>
    %select_n3A_1819 = arith.select %gt3A_1815, %gather3A_1783, %select_n3A_1814 : vector<16xi1>, vector<16xf32>
    %gt3A_1820 = arith.cmpf ogt, %gather3A_1787, %select_n3A_1819 : vector<16xf32>
    %jit3A_1821 = arith.constant 7 : i32
    %broadcast_in_dim3A_1822 = vector.broadcast %jit3A_1821 : i32 to vector<16xi32>
    %select_n3A_1823 = arith.select %gt3A_1820, %broadcast_in_dim3A_1822, %select_n3A_1818 : vector<16xi1>, vector<16xi32>
    %select_n3A_1824 = arith.select %gt3A_1820, %gather3A_1787, %select_n3A_1819 : vector<16xi1>, vector<16xf32>
    %broadcast_in_dim3A_1825 = arith.constant -1.000000e+00 : f32
    %broadcast_in_dim3A_1826 = vector.broadcast %broadcast_in_dim3A_1825 : f32 to vector<16xf32>
    %broadcast_in_dim3A_1827 = arith.constant 0 : i32
    %broadcast_in_dim3A_1828 = vector.broadcast %broadcast_in_dim3A_1827 : i32 to vector<16xi32>
    %ne3A_1829 = arith.constant 0 : i32
    %ne3A_1830 = vector.broadcast %ne3A_1829 : i32 to vector<16xi32>
    %ne3A_1831 = arith.cmpi ne, %select_n3A_1823, %ne3A_1830 : vector<16xi32>
    %gt3A_1832 = arith.cmpf ogt, %gather3A_1759, %broadcast_in_dim3A_1826 : vector<16xf32>
    %and3A_1833 = arith.andi %ne3A_1831, %gt3A_1832 : vector<16xi1>
    %jit3A_1834 = arith.constant 0 : i32
    %broadcast_in_dim3A_1835 = vector.broadcast %jit3A_1834 : i32 to vector<16xi32>
    %select_n3A_1836 = arith.select %and3A_1833, %broadcast_in_dim3A_1835, %broadcast_in_dim3A_1828 : vector<16xi1>, vector<16xi32>
    %select_n3A_1837 = arith.select %and3A_1833, %gather3A_1759, %broadcast_in_dim3A_1826 : vector<16xi1>, vector<16xf32>
    %ne3A_1838 = arith.constant 1 : i32
    %ne3A_1839 = vector.broadcast %ne3A_1838 : i32 to vector<16xi32>
    %ne3A_1840 = arith.cmpi ne, %select_n3A_1823, %ne3A_1839 : vector<16xi32>
    %gt3A_1841 = arith.cmpf ogt, %gather3A_1763, %select_n3A_1837 : vector<16xf32>
    %and3A_1842 = arith.andi %ne3A_1840, %gt3A_1841 : vector<16xi1>
    %jit3A_1843 = arith.constant 1 : i32
    %broadcast_in_dim3A_1844 = vector.broadcast %jit3A_1843 : i32 to vector<16xi32>
    %select_n3A_1845 = arith.select %and3A_1842, %broadcast_in_dim3A_1844, %select_n3A_1836 : vector<16xi1>, vector<16xi32>
    %select_n3A_1846 = arith.select %and3A_1842, %gather3A_1763, %select_n3A_1837 : vector<16xi1>, vector<16xf32>
    %ne3A_1847 = arith.constant 2 : i32
    %ne3A_1848 = vector.broadcast %ne3A_1847 : i32 to vector<16xi32>
    %ne3A_1849 = arith.cmpi ne, %select_n3A_1823, %ne3A_1848 : vector<16xi32>
    %gt3A_1850 = arith.cmpf ogt, %gather3A_1767, %select_n3A_1846 : vector<16xf32>
    %and3A_1851 = arith.andi %ne3A_1849, %gt3A_1850 : vector<16xi1>
    %jit3A_1852 = arith.constant 2 : i32
    %broadcast_in_dim3A_1853 = vector.broadcast %jit3A_1852 : i32 to vector<16xi32>
    %select_n3A_1854 = arith.select %and3A_1851, %broadcast_in_dim3A_1853, %select_n3A_1845 : vector<16xi1>, vector<16xi32>
    %select_n3A_1855 = arith.select %and3A_1851, %gather3A_1767, %select_n3A_1846 : vector<16xi1>, vector<16xf32>
    %ne3A_1856 = arith.constant 3 : i32
    %ne3A_1857 = vector.broadcast %ne3A_1856 : i32 to vector<16xi32>
    %ne3A_1858 = arith.cmpi ne, %select_n3A_1823, %ne3A_1857 : vector<16xi32>
    %gt3A_1859 = arith.cmpf ogt, %gather3A_1771, %select_n3A_1855 : vector<16xf32>
    %and3A_1860 = arith.andi %ne3A_1858, %gt3A_1859 : vector<16xi1>
    %jit3A_1861 = arith.constant 3 : i32
    %broadcast_in_dim3A_1862 = vector.broadcast %jit3A_1861 : i32 to vector<16xi32>
    %select_n3A_1863 = arith.select %and3A_1860, %broadcast_in_dim3A_1862, %select_n3A_1854 : vector<16xi1>, vector<16xi32>
    %select_n3A_1864 = arith.select %and3A_1860, %gather3A_1771, %select_n3A_1855 : vector<16xi1>, vector<16xf32>
    %ne3A_1865 = arith.constant 4 : i32
    %ne3A_1866 = vector.broadcast %ne3A_1865 : i32 to vector<16xi32>
    %ne3A_1867 = arith.cmpi ne, %select_n3A_1823, %ne3A_1866 : vector<16xi32>
    %gt3A_1868 = arith.cmpf ogt, %gather3A_1775, %select_n3A_1864 : vector<16xf32>
    %and3A_1869 = arith.andi %ne3A_1867, %gt3A_1868 : vector<16xi1>
    %jit3A_1870 = arith.constant 4 : i32
    %broadcast_in_dim3A_1871 = vector.broadcast %jit3A_1870 : i32 to vector<16xi32>
    %select_n3A_1872 = arith.select %and3A_1869, %broadcast_in_dim3A_1871, %select_n3A_1863 : vector<16xi1>, vector<16xi32>
    %select_n3A_1873 = arith.select %and3A_1869, %gather3A_1775, %select_n3A_1864 : vector<16xi1>, vector<16xf32>
    %ne3A_1874 = arith.constant 5 : i32
    %ne3A_1875 = vector.broadcast %ne3A_1874 : i32 to vector<16xi32>
    %ne3A_1876 = arith.cmpi ne, %select_n3A_1823, %ne3A_1875 : vector<16xi32>
    %gt3A_1877 = arith.cmpf ogt, %gather3A_1779, %select_n3A_1873 : vector<16xf32>
    %and3A_1878 = arith.andi %ne3A_1876, %gt3A_1877 : vector<16xi1>
    %jit3A_1879 = arith.constant 5 : i32
    %broadcast_in_dim3A_1880 = vector.broadcast %jit3A_1879 : i32 to vector<16xi32>
    %select_n3A_1881 = arith.select %and3A_1878, %broadcast_in_dim3A_1880, %select_n3A_1872 : vector<16xi1>, vector<16xi32>
    %select_n3A_1882 = arith.select %and3A_1878, %gather3A_1779, %select_n3A_1873 : vector<16xi1>, vector<16xf32>
    %ne3A_1883 = arith.constant 6 : i32
    %ne3A_1884 = vector.broadcast %ne3A_1883 : i32 to vector<16xi32>
    %ne3A_1885 = arith.cmpi ne, %select_n3A_1823, %ne3A_1884 : vector<16xi32>
    %gt3A_1886 = arith.cmpf ogt, %gather3A_1783, %select_n3A_1882 : vector<16xf32>
    %and3A_1887 = arith.andi %ne3A_1885, %gt3A_1886 : vector<16xi1>
    %jit3A_1888 = arith.constant 6 : i32
    %broadcast_in_dim3A_1889 = vector.broadcast %jit3A_1888 : i32 to vector<16xi32>
    %select_n3A_1890 = arith.select %and3A_1887, %broadcast_in_dim3A_1889, %select_n3A_1881 : vector<16xi1>, vector<16xi32>
    %select_n3A_1891 = arith.select %and3A_1887, %gather3A_1783, %select_n3A_1882 : vector<16xi1>, vector<16xf32>
    %ne3A_1892 = arith.constant 7 : i32
    %ne3A_1893 = vector.broadcast %ne3A_1892 : i32 to vector<16xi32>
    %ne3A_1894 = arith.cmpi ne, %select_n3A_1823, %ne3A_1893 : vector<16xi32>
    %gt3A_1895 = arith.cmpf ogt, %gather3A_1787, %select_n3A_1891 : vector<16xf32>
    %and3A_1896 = arith.andi %ne3A_1894, %gt3A_1895 : vector<16xi1>
    %jit3A_1897 = arith.constant 7 : i32
    %broadcast_in_dim3A_1898 = vector.broadcast %jit3A_1897 : i32 to vector<16xi32>
    %select_n3A_1899 = arith.select %and3A_1896, %broadcast_in_dim3A_1898, %select_n3A_1890 : vector<16xi1>, vector<16xi32>
    %select_n3A_1900 = arith.select %and3A_1896, %gather3A_1787, %select_n3A_1891 : vector<16xi1>, vector<16xf32>
    %add3A_1901 = arith.addf %select_n3A_1824, %select_n3A_1900 : vector<16xf32>
    %add3A_1902 = arith.constant 9.99999993E-9 : f32
    %add3A_1903 = vector.broadcast %add3A_1902 : f32 to vector<16xf32>
    %add3A_1904 = arith.addf %add3A_1901, %add3A_1903 : vector<16xf32>
    %div3A_1905 = arith.divf %select_n3A_1824, %add3A_1904 : vector<16xf32>
    %div3A_1906 = arith.divf %select_n3A_1900, %add3A_1904 : vector<16xf32>
    %eq3A_1907 = arith.constant 0 : i32
    %eq3A_1908 = vector.broadcast %eq3A_1907 : i32 to vector<16xi32>
    %eq3A_1909 = arith.cmpi eq, %select_n3A_1823, %eq3A_1908 : vector<16xi32>
    %eq3A_1910 = arith.constant 0 : i32
    %eq3A_1911 = vector.broadcast %eq3A_1910 : i32 to vector<16xi32>
    %eq3A_1912 = arith.cmpi eq, %select_n3A_1899, %eq3A_1911 : vector<16xi32>
    %or3A_1913 = arith.ori %eq3A_1909, %eq3A_1912 : vector<16xi1>
    %convert_element_type3A_1914 = arith.extui %or3A_1913 : vector<16xi1> to vector<16xi32>
    %broadcast_in_dim3A_1915 = arith.constant true
    %broadcast_in_dim3A_1916 = vector.broadcast %broadcast_in_dim3A_1915 : i1 to vector<16xi1>
    %masked_cumsum3A_1917 = tpu.scan <sum>, %convert_element_type3A_1914 masked %broadcast_in_dim3A_1916 : vector<16xi32>, vector<16xi1> -> vector<16xi32>
    %sub3A_1918 = arith.subi %masked_cumsum3A_1917, %convert_element_type3A_1914 : vector<16xi32>
    %add3A_1919 = vector.broadcast %add3A_1488 : i32 to vector<16xi32>
    %add3A_1920 = arith.addi %sub3A_1918, %add3A_1919 : vector<16xi32>
    %reduce_sum3A_1921 = arith.constant true
    %reduce_sum3A_1922 = vector.broadcast %reduce_sum3A_1921 : i1 to vector<16xi1>
    %reduce_sum3A_1923 = tpu.scan <sum>, %convert_element_type3A_1914 masked %reduce_sum3A_1922 : vector<16xi32>, vector<16xi1> -> vector<16xi32>
    %reduce_sum3A_1924 = vector.extract %reduce_sum3A_1923[15] : i32 from vector<16xi32>
    %add3A_1925 = arith.addi %add3A_1488, %reduce_sum3A_1924 : i32
    %jit3A_1926 = arith.constant 0.000000e+00 : f32
    %broadcast_in_dim3A_1927 = vector.broadcast %jit3A_1926 : f32 to vector<16xf32>
    %select_n3A_1928 = arith.select %eq3A_1909, %div3A_1905, %broadcast_in_dim3A_1927 : vector<16xi1>, vector<16xf32>
    %jit3A_1929 = arith.constant 0.000000e+00 : f32
    %broadcast_in_dim3A_1930 = vector.broadcast %jit3A_1929 : f32 to vector<16xf32>
    %select_n3A_1931 = arith.select %eq3A_1912, %div3A_1906, %broadcast_in_dim3A_1930 : vector<16xi1>, vector<16xf32>
    %add3A_1932 = arith.addf %select_n3A_1928, %select_n3A_1931 : vector<16xf32>
    %jit3A_1933 = arith.constant 1048576 : i32
    %broadcast_in_dim3A_1934 = vector.broadcast %jit3A_1933 : i32 to vector<16xi32>
    %select_n3A_1935 = arith.select %or3A_1913, %add3A_1920, %broadcast_in_dim3A_1934 : vector<16xi1>, vector<16xi32>
    %add3A_1936 = arith.constant 0 : i32
    %add3A_1937 = vector.broadcast %add3A_1936 : i32 to vector<16xi32>
    %add3A_1938 = arith.addi %add3A_1755, %add3A_1937 : vector<16xi32>
    tpu.vector_store_idx %arg7[%add3A_1938], %select_n3A_1935 : memref<1024xi32, #tpu.memory_space<vmem>>[vector<16xi32>], vector<16xi32>,
    %add3A_1939 = arith.constant 0 : i32
    %add3A_1940 = vector.broadcast %add3A_1939 : i32 to vector<16xi32>
    %add3A_1941 = arith.addi %add3A_1755, %add3A_1940 : vector<16xi32>
    tpu.vector_store_idx %arg8[%add3A_1941], %add3A_1932 : memref<1024xf32, #tpu.memory_space<vmem>>[vector<16xi32>], vector<16xf32>,
    %eq3A_1942 = arith.constant 1 : i32
    %eq3A_1943 = vector.broadcast %eq3A_1942 : i32 to vector<16xi32>
    %eq3A_1944 = arith.cmpi eq, %select_n3A_1823, %eq3A_1943 : vector<16xi32>
    %eq3A_1945 = arith.constant 1 : i32
    %eq3A_1946 = vector.broadcast %eq3A_1945 : i32 to vector<16xi32>
    %eq3A_1947 = arith.cmpi eq, %select_n3A_1899, %eq3A_1946 : vector<16xi32>
    %or3A_1948 = arith.ori %eq3A_1944, %eq3A_1947 : vector<16xi1>
    %convert_element_type3A_1949 = arith.extui %or3A_1948 : vector<16xi1> to vector<16xi32>
    %broadcast_in_dim3A_1950 = arith.constant true
    %broadcast_in_dim3A_1951 = vector.broadcast %broadcast_in_dim3A_1950 : i1 to vector<16xi1>
    %masked_cumsum3A_1952 = tpu.scan <sum>, %convert_element_type3A_1949 masked %broadcast_in_dim3A_1951 : vector<16xi32>, vector<16xi1> -> vector<16xi32>
    %sub3A_1953 = arith.subi %masked_cumsum3A_1952, %convert_element_type3A_1949 : vector<16xi32>
    %add3A_1954 = vector.broadcast %add3A_1523 : i32 to vector<16xi32>
    %add3A_1955 = arith.addi %sub3A_1953, %add3A_1954 : vector<16xi32>
    %reduce_sum3A_1956 = arith.constant true
    %reduce_sum3A_1957 = vector.broadcast %reduce_sum3A_1956 : i1 to vector<16xi1>
    %reduce_sum3A_1958 = tpu.scan <sum>, %convert_element_type3A_1949 masked %reduce_sum3A_1957 : vector<16xi32>, vector<16xi1> -> vector<16xi32>
    %reduce_sum3A_1959 = vector.extract %reduce_sum3A_1958[15] : i32 from vector<16xi32>
    %add3A_1960 = arith.addi %add3A_1523, %reduce_sum3A_1959 : i32
    %jit3A_1961 = arith.constant 0.000000e+00 : f32
    %broadcast_in_dim3A_1962 = vector.broadcast %jit3A_1961 : f32 to vector<16xf32>
    %select_n3A_1963 = arith.select %eq3A_1944, %div3A_1905, %broadcast_in_dim3A_1962 : vector<16xi1>, vector<16xf32>
    %jit3A_1964 = arith.constant 0.000000e+00 : f32
    %broadcast_in_dim3A_1965 = vector.broadcast %jit3A_1964 : f32 to vector<16xf32>
    %select_n3A_1966 = arith.select %eq3A_1947, %div3A_1906, %broadcast_in_dim3A_1965 : vector<16xi1>, vector<16xf32>
    %add3A_1967 = arith.addf %select_n3A_1963, %select_n3A_1966 : vector<16xf32>
    %jit3A_1968 = arith.constant 1048576 : i32
    %broadcast_in_dim3A_1969 = vector.broadcast %jit3A_1968 : i32 to vector<16xi32>
    %select_n3A_1970 = arith.select %or3A_1948, %add3A_1955, %broadcast_in_dim3A_1969 : vector<16xi1>, vector<16xi32>
    %add3A_1971 = arith.constant 1 : i32
    %add3A_1972 = vector.broadcast %add3A_1971 : i32 to vector<16xi32>
    %add3A_1973 = arith.addi %add3A_1755, %add3A_1972 : vector<16xi32>
    tpu.vector_store_idx %arg7[%add3A_1973], %select_n3A_1970 : memref<1024xi32, #tpu.memory_space<vmem>>[vector<16xi32>], vector<16xi32>,
    %add3A_1974 = arith.constant 1 : i32
    %add3A_1975 = vector.broadcast %add3A_1974 : i32 to vector<16xi32>
    %add3A_1976 = arith.addi %add3A_1755, %add3A_1975 : vector<16xi32>
    tpu.vector_store_idx %arg8[%add3A_1976], %add3A_1967 : memref<1024xf32, #tpu.memory_space<vmem>>[vector<16xi32>], vector<16xf32>,
    %eq3A_1977 = arith.constant 2 : i32
    %eq3A_1978 = vector.broadcast %eq3A_1977 : i32 to vector<16xi32>
    %eq3A_1979 = arith.cmpi eq, %select_n3A_1823, %eq3A_1978 : vector<16xi32>
    %eq3A_1980 = arith.constant 2 : i32
    %eq3A_1981 = vector.broadcast %eq3A_1980 : i32 to vector<16xi32>
    %eq3A_1982 = arith.cmpi eq, %select_n3A_1899, %eq3A_1981 : vector<16xi32>
    %or3A_1983 = arith.ori %eq3A_1979, %eq3A_1982 : vector<16xi1>
    %convert_element_type3A_1984 = arith.extui %or3A_1983 : vector<16xi1> to vector<16xi32>
    %broadcast_in_dim3A_1985 = arith.constant true
    %broadcast_in_dim3A_1986 = vector.broadcast %broadcast_in_dim3A_1985 : i1 to vector<16xi1>
    %masked_cumsum3A_1987 = tpu.scan <sum>, %convert_element_type3A_1984 masked %broadcast_in_dim3A_1986 : vector<16xi32>, vector<16xi1> -> vector<16xi32>
    %sub3A_1988 = arith.subi %masked_cumsum3A_1987, %convert_element_type3A_1984 : vector<16xi32>
    %add3A_1989 = vector.broadcast %add3A_1558 : i32 to vector<16xi32>
    %add3A_1990 = arith.addi %sub3A_1988, %add3A_1989 : vector<16xi32>
    %reduce_sum3A_1991 = arith.constant true
    %reduce_sum3A_1992 = vector.broadcast %reduce_sum3A_1991 : i1 to vector<16xi1>
    %reduce_sum3A_1993 = tpu.scan <sum>, %convert_element_type3A_1984 masked %reduce_sum3A_1992 : vector<16xi32>, vector<16xi1> -> vector<16xi32>
    %reduce_sum3A_1994 = vector.extract %reduce_sum3A_1993[15] : i32 from vector<16xi32>
    %add3A_1995 = arith.addi %add3A_1558, %reduce_sum3A_1994 : i32
    %jit3A_1996 = arith.constant 0.000000e+00 : f32
    %broadcast_in_dim3A_1997 = vector.broadcast %jit3A_1996 : f32 to vector<16xf32>
    %select_n3A_1998 = arith.select %eq3A_1979, %div3A_1905, %broadcast_in_dim3A_1997 : vector<16xi1>, vector<16xf32>
    %jit3A_1999 = arith.constant 0.000000e+00 : f32
    %broadcast_in_dim3A_2000 = vector.broadcast %jit3A_1999 : f32 to vector<16xf32>
    %select_n3A_2001 = arith.select %eq3A_1982, %div3A_1906, %broadcast_in_dim3A_2000 : vector<16xi1>, vector<16xf32>
    %add3A_2002 = arith.addf %select_n3A_1998, %select_n3A_2001 : vector<16xf32>
    %jit3A_2003 = arith.constant 1048576 : i32
    %broadcast_in_dim3A_2004 = vector.broadcast %jit3A_2003 : i32 to vector<16xi32>
    %select_n3A_2005 = arith.select %or3A_1983, %add3A_1990, %broadcast_in_dim3A_2004 : vector<16xi1>, vector<16xi32>
    %add3A_2006 = arith.constant 2 : i32
    %add3A_2007 = vector.broadcast %add3A_2006 : i32 to vector<16xi32>
    %add3A_2008 = arith.addi %add3A_1755, %add3A_2007 : vector<16xi32>
    tpu.vector_store_idx %arg7[%add3A_2008], %select_n3A_2005 : memref<1024xi32, #tpu.memory_space<vmem>>[vector<16xi32>], vector<16xi32>,
    %add3A_2009 = arith.constant 2 : i32
    %add3A_2010 = vector.broadcast %add3A_2009 : i32 to vector<16xi32>
    %add3A_2011 = arith.addi %add3A_1755, %add3A_2010 : vector<16xi32>
    tpu.vector_store_idx %arg8[%add3A_2011], %add3A_2002 : memref<1024xf32, #tpu.memory_space<vmem>>[vector<16xi32>], vector<16xf32>,
    %eq3A_2012 = arith.constant 3 : i32
    %eq3A_2013 = vector.broadcast %eq3A_2012 : i32 to vector<16xi32>
    %eq3A_2014 = arith.cmpi eq, %select_n3A_1823, %eq3A_2013 : vector<16xi32>
    %eq3A_2015 = arith.constant 3 : i32
    %eq3A_2016 = vector.broadcast %eq3A_2015 : i32 to vector<16xi32>
    %eq3A_2017 = arith.cmpi eq, %select_n3A_1899, %eq3A_2016 : vector<16xi32>
    %or3A_2018 = arith.ori %eq3A_2014, %eq3A_2017 : vector<16xi1>
    %convert_element_type3A_2019 = arith.extui %or3A_2018 : vector<16xi1> to vector<16xi32>
    %broadcast_in_dim3A_2020 = arith.constant true
    %broadcast_in_dim3A_2021 = vector.broadcast %broadcast_in_dim3A_2020 : i1 to vector<16xi1>
    %masked_cumsum3A_2022 = tpu.scan <sum>, %convert_element_type3A_2019 masked %broadcast_in_dim3A_2021 : vector<16xi32>, vector<16xi1> -> vector<16xi32>
    %sub3A_2023 = arith.subi %masked_cumsum3A_2022, %convert_element_type3A_2019 : vector<16xi32>
    %add3A_2024 = vector.broadcast %add3A_1593 : i32 to vector<16xi32>
    %add3A_2025 = arith.addi %sub3A_2023, %add3A_2024 : vector<16xi32>
    %reduce_sum3A_2026 = arith.constant true
    %reduce_sum3A_2027 = vector.broadcast %reduce_sum3A_2026 : i1 to vector<16xi1>
    %reduce_sum3A_2028 = tpu.scan <sum>, %convert_element_type3A_2019 masked %reduce_sum3A_2027 : vector<16xi32>, vector<16xi1> -> vector<16xi32>
    %reduce_sum3A_2029 = vector.extract %reduce_sum3A_2028[15] : i32 from vector<16xi32>
    %add3A_2030 = arith.addi %add3A_1593, %reduce_sum3A_2029 : i32
    %jit3A_2031 = arith.constant 0.000000e+00 : f32
    %broadcast_in_dim3A_2032 = vector.broadcast %jit3A_2031 : f32 to vector<16xf32>
    %select_n3A_2033 = arith.select %eq3A_2014, %div3A_1905, %broadcast_in_dim3A_2032 : vector<16xi1>, vector<16xf32>
    %jit3A_2034 = arith.constant 0.000000e+00 : f32
    %broadcast_in_dim3A_2035 = vector.broadcast %jit3A_2034 : f32 to vector<16xf32>
    %select_n3A_2036 = arith.select %eq3A_2017, %div3A_1906, %broadcast_in_dim3A_2035 : vector<16xi1>, vector<16xf32>
    %add3A_2037 = arith.addf %select_n3A_2033, %select_n3A_2036 : vector<16xf32>
    %jit3A_2038 = arith.constant 1048576 : i32
    %broadcast_in_dim3A_2039 = vector.broadcast %jit3A_2038 : i32 to vector<16xi32>
    %select_n3A_2040 = arith.select %or3A_2018, %add3A_2025, %broadcast_in_dim3A_2039 : vector<16xi1>, vector<16xi32>
    %add3A_2041 = arith.constant 3 : i32
    %add3A_2042 = vector.broadcast %add3A_2041 : i32 to vector<16xi32>
    %add3A_2043 = arith.addi %add3A_1755, %add3A_2042 : vector<16xi32>
    tpu.vector_store_idx %arg7[%add3A_2043], %select_n3A_2040 : memref<1024xi32, #tpu.memory_space<vmem>>[vector<16xi32>], vector<16xi32>,
    %add3A_2044 = arith.constant 3 : i32
    %add3A_2045 = vector.broadcast %add3A_2044 : i32 to vector<16xi32>
    %add3A_2046 = arith.addi %add3A_1755, %add3A_2045 : vector<16xi32>
    tpu.vector_store_idx %arg8[%add3A_2046], %add3A_2037 : memref<1024xf32, #tpu.memory_space<vmem>>[vector<16xi32>], vector<16xf32>,
    %eq3A_2047 = arith.constant 4 : i32
    %eq3A_2048 = vector.broadcast %eq3A_2047 : i32 to vector<16xi32>
    %eq3A_2049 = arith.cmpi eq, %select_n3A_1823, %eq3A_2048 : vector<16xi32>
    %eq3A_2050 = arith.constant 4 : i32
    %eq3A_2051 = vector.broadcast %eq3A_2050 : i32 to vector<16xi32>
    %eq3A_2052 = arith.cmpi eq, %select_n3A_1899, %eq3A_2051 : vector<16xi32>
    %or3A_2053 = arith.ori %eq3A_2049, %eq3A_2052 : vector<16xi1>
    %convert_element_type3A_2054 = arith.extui %or3A_2053 : vector<16xi1> to vector<16xi32>
    %broadcast_in_dim3A_2055 = arith.constant true
    %broadcast_in_dim3A_2056 = vector.broadcast %broadcast_in_dim3A_2055 : i1 to vector<16xi1>
    %masked_cumsum3A_2057 = tpu.scan <sum>, %convert_element_type3A_2054 masked %broadcast_in_dim3A_2056 : vector<16xi32>, vector<16xi1> -> vector<16xi32>
    %sub3A_2058 = arith.subi %masked_cumsum3A_2057, %convert_element_type3A_2054 : vector<16xi32>
    %add3A_2059 = vector.broadcast %add3A_1628 : i32 to vector<16xi32>
    %add3A_2060 = arith.addi %sub3A_2058, %add3A_2059 : vector<16xi32>
    %reduce_sum3A_2061 = arith.constant true
    %reduce_sum3A_2062 = vector.broadcast %reduce_sum3A_2061 : i1 to vector<16xi1>
    %reduce_sum3A_2063 = tpu.scan <sum>, %convert_element_type3A_2054 masked %reduce_sum3A_2062 : vector<16xi32>, vector<16xi1> -> vector<16xi32>
    %reduce_sum3A_2064 = vector.extract %reduce_sum3A_2063[15] : i32 from vector<16xi32>
    %add3A_2065 = arith.addi %add3A_1628, %reduce_sum3A_2064 : i32
    %jit3A_2066 = arith.constant 0.000000e+00 : f32
    %broadcast_in_dim3A_2067 = vector.broadcast %jit3A_2066 : f32 to vector<16xf32>
    %select_n3A_2068 = arith.select %eq3A_2049, %div3A_1905, %broadcast_in_dim3A_2067 : vector<16xi1>, vector<16xf32>
    %jit3A_2069 = arith.constant 0.000000e+00 : f32
    %broadcast_in_dim3A_2070 = vector.broadcast %jit3A_2069 : f32 to vector<16xf32>
    %select_n3A_2071 = arith.select %eq3A_2052, %div3A_1906, %broadcast_in_dim3A_2070 : vector<16xi1>, vector<16xf32>
    %add3A_2072 = arith.addf %select_n3A_2068, %select_n3A_2071 : vector<16xf32>
    %jit3A_2073 = arith.constant 1048576 : i32
    %broadcast_in_dim3A_2074 = vector.broadcast %jit3A_2073 : i32 to vector<16xi32>
    %select_n3A_2075 = arith.select %or3A_2053, %add3A_2060, %broadcast_in_dim3A_2074 : vector<16xi1>, vector<16xi32>
    %add3A_2076 = arith.constant 4 : i32
    %add3A_2077 = vector.broadcast %add3A_2076 : i32 to vector<16xi32>
    %add3A_2078 = arith.addi %add3A_1755, %add3A_2077 : vector<16xi32>
    tpu.vector_store_idx %arg7[%add3A_2078], %select_n3A_2075 : memref<1024xi32, #tpu.memory_space<vmem>>[vector<16xi32>], vector<16xi32>,
    %add3A_2079 = arith.constant 4 : i32
    %add3A_2080 = vector.broadcast %add3A_2079 : i32 to vector<16xi32>
    %add3A_2081 = arith.addi %add3A_1755, %add3A_2080 : vector<16xi32>
    tpu.vector_store_idx %arg8[%add3A_2081], %add3A_2072 : memref<1024xf32, #tpu.memory_space<vmem>>[vector<16xi32>], vector<16xf32>,
    %eq3A_2082 = arith.constant 5 : i32
    %eq3A_2083 = vector.broadcast %eq3A_2082 : i32 to vector<16xi32>
    %eq3A_2084 = arith.cmpi eq, %select_n3A_1823, %eq3A_2083 : vector<16xi32>
    %eq3A_2085 = arith.constant 5 : i32
    %eq3A_2086 = vector.broadcast %eq3A_2085 : i32 to vector<16xi32>
    %eq3A_2087 = arith.cmpi eq, %select_n3A_1899, %eq3A_2086 : vector<16xi32>
    %or3A_2088 = arith.ori %eq3A_2084, %eq3A_2087 : vector<16xi1>
    %convert_element_type3A_2089 = arith.extui %or3A_2088 : vector<16xi1> to vector<16xi32>
    %broadcast_in_dim3A_2090 = arith.constant true
    %broadcast_in_dim3A_2091 = vector.broadcast %broadcast_in_dim3A_2090 : i1 to vector<16xi1>
    %masked_cumsum3A_2092 = tpu.scan <sum>, %convert_element_type3A_2089 masked %broadcast_in_dim3A_2091 : vector<16xi32>, vector<16xi1> -> vector<16xi32>
    %sub3A_2093 = arith.subi %masked_cumsum3A_2092, %convert_element_type3A_2089 : vector<16xi32>
    %add3A_2094 = vector.broadcast %add3A_1663 : i32 to vector<16xi32>
    %add3A_2095 = arith.addi %sub3A_2093, %add3A_2094 : vector<16xi32>
    %reduce_sum3A_2096 = arith.constant true
    %reduce_sum3A_2097 = vector.broadcast %reduce_sum3A_2096 : i1 to vector<16xi1>
    %reduce_sum3A_2098 = tpu.scan <sum>, %convert_element_type3A_2089 masked %reduce_sum3A_2097 : vector<16xi32>, vector<16xi1> -> vector<16xi32>
    %reduce_sum3A_2099 = vector.extract %reduce_sum3A_2098[15] : i32 from vector<16xi32>
    %add3A_2100 = arith.addi %add3A_1663, %reduce_sum3A_2099 : i32
    %jit3A_2101 = arith.constant 0.000000e+00 : f32
    %broadcast_in_dim3A_2102 = vector.broadcast %jit3A_2101 : f32 to vector<16xf32>
    %select_n3A_2103 = arith.select %eq3A_2084, %div3A_1905, %broadcast_in_dim3A_2102 : vector<16xi1>, vector<16xf32>
    %jit3A_2104 = arith.constant 0.000000e+00 : f32
    %broadcast_in_dim3A_2105 = vector.broadcast %jit3A_2104 : f32 to vector<16xf32>
    %select_n3A_2106 = arith.select %eq3A_2087, %div3A_1906, %broadcast_in_dim3A_2105 : vector<16xi1>, vector<16xf32>
    %add3A_2107 = arith.addf %select_n3A_2103, %select_n3A_2106 : vector<16xf32>
    %jit3A_2108 = arith.constant 1048576 : i32
    %broadcast_in_dim3A_2109 = vector.broadcast %jit3A_2108 : i32 to vector<16xi32>
    %select_n3A_2110 = arith.select %or3A_2088, %add3A_2095, %broadcast_in_dim3A_2109 : vector<16xi1>, vector<16xi32>
    %add3A_2111 = arith.constant 5 : i32
    %add3A_2112 = vector.broadcast %add3A_2111 : i32 to vector<16xi32>
    %add3A_2113 = arith.addi %add3A_1755, %add3A_2112 : vector<16xi32>
    tpu.vector_store_idx %arg7[%add3A_2113], %select_n3A_2110 : memref<1024xi32, #tpu.memory_space<vmem>>[vector<16xi32>], vector<16xi32>,
    %add3A_2114 = arith.constant 5 : i32
    %add3A_2115 = vector.broadcast %add3A_2114 : i32 to vector<16xi32>
    %add3A_2116 = arith.addi %add3A_1755, %add3A_2115 : vector<16xi32>
    tpu.vector_store_idx %arg8[%add3A_2116], %add3A_2107 : memref<1024xf32, #tpu.memory_space<vmem>>[vector<16xi32>], vector<16xf32>,
    %eq3A_2117 = arith.constant 6 : i32
    %eq3A_2118 = vector.broadcast %eq3A_2117 : i32 to vector<16xi32>
    %eq3A_2119 = arith.cmpi eq, %select_n3A_1823, %eq3A_2118 : vector<16xi32>
    %eq3A_2120 = arith.constant 6 : i32
    %eq3A_2121 = vector.broadcast %eq3A_2120 : i32 to vector<16xi32>
    %eq3A_2122 = arith.cmpi eq, %select_n3A_1899, %eq3A_2121 : vector<16xi32>
    %or3A_2123 = arith.ori %eq3A_2119, %eq3A_2122 : vector<16xi1>
    %convert_element_type3A_2124 = arith.extui %or3A_2123 : vector<16xi1> to vector<16xi32>
    %broadcast_in_dim3A_2125 = arith.constant true
    %broadcast_in_dim3A_2126 = vector.broadcast %broadcast_in_dim3A_2125 : i1 to vector<16xi1>
    %masked_cumsum3A_2127 = tpu.scan <sum>, %convert_element_type3A_2124 masked %broadcast_in_dim3A_2126 : vector<16xi32>, vector<16xi1> -> vector<16xi32>
    %sub3A_2128 = arith.subi %masked_cumsum3A_2127, %convert_element_type3A_2124 : vector<16xi32>
    %add3A_2129 = vector.broadcast %add3A_1698 : i32 to vector<16xi32>
    %add3A_2130 = arith.addi %sub3A_2128, %add3A_2129 : vector<16xi32>
    %reduce_sum3A_2131 = arith.constant true
    %reduce_sum3A_2132 = vector.broadcast %reduce_sum3A_2131 : i1 to vector<16xi1>
    %reduce_sum3A_2133 = tpu.scan <sum>, %convert_element_type3A_2124 masked %reduce_sum3A_2132 : vector<16xi32>, vector<16xi1> -> vector<16xi32>
    %reduce_sum3A_2134 = vector.extract %reduce_sum3A_2133[15] : i32 from vector<16xi32>
    %add3A_2135 = arith.addi %add3A_1698, %reduce_sum3A_2134 : i32
    %jit3A_2136 = arith.constant 0.000000e+00 : f32
    %broadcast_in_dim3A_2137 = vector.broadcast %jit3A_2136 : f32 to vector<16xf32>
    %select_n3A_2138 = arith.select %eq3A_2119, %div3A_1905, %broadcast_in_dim3A_2137 : vector<16xi1>, vector<16xf32>
    %jit3A_2139 = arith.constant 0.000000e+00 : f32
    %broadcast_in_dim3A_2140 = vector.broadcast %jit3A_2139 : f32 to vector<16xf32>
    %select_n3A_2141 = arith.select %eq3A_2122, %div3A_1906, %broadcast_in_dim3A_2140 : vector<16xi1>, vector<16xf32>
    %add3A_2142 = arith.addf %select_n3A_2138, %select_n3A_2141 : vector<16xf32>
    %jit3A_2143 = arith.constant 1048576 : i32
    %broadcast_in_dim3A_2144 = vector.broadcast %jit3A_2143 : i32 to vector<16xi32>
    %select_n3A_2145 = arith.select %or3A_2123, %add3A_2130, %broadcast_in_dim3A_2144 : vector<16xi1>, vector<16xi32>
    %add3A_2146 = arith.constant 6 : i32
    %add3A_2147 = vector.broadcast %add3A_2146 : i32 to vector<16xi32>
    %add3A_2148 = arith.addi %add3A_1755, %add3A_2147 : vector<16xi32>
    tpu.vector_store_idx %arg7[%add3A_2148], %select_n3A_2145 : memref<1024xi32, #tpu.memory_space<vmem>>[vector<16xi32>], vector<16xi32>,
    %add3A_2149 = arith.constant 6 : i32
    %add3A_2150 = vector.broadcast %add3A_2149 : i32 to vector<16xi32>
    %add3A_2151 = arith.addi %add3A_1755, %add3A_2150 : vector<16xi32>
    tpu.vector_store_idx %arg8[%add3A_2151], %add3A_2142 : memref<1024xf32, #tpu.memory_space<vmem>>[vector<16xi32>], vector<16xf32>,
    %eq3A_2152 = arith.constant 7 : i32
    %eq3A_2153 = vector.broadcast %eq3A_2152 : i32 to vector<16xi32>
    %eq3A_2154 = arith.cmpi eq, %select_n3A_1823, %eq3A_2153 : vector<16xi32>
    %eq3A_2155 = arith.constant 7 : i32
    %eq3A_2156 = vector.broadcast %eq3A_2155 : i32 to vector<16xi32>
    %eq3A_2157 = arith.cmpi eq, %select_n3A_1899, %eq3A_2156 : vector<16xi32>
    %or3A_2158 = arith.ori %eq3A_2154, %eq3A_2157 : vector<16xi1>
    %convert_element_type3A_2159 = arith.extui %or3A_2158 : vector<16xi1> to vector<16xi32>
    %broadcast_in_dim3A_2160 = arith.constant true
    %broadcast_in_dim3A_2161 = vector.broadcast %broadcast_in_dim3A_2160 : i1 to vector<16xi1>
    %masked_cumsum3A_2162 = tpu.scan <sum>, %convert_element_type3A_2159 masked %broadcast_in_dim3A_2161 : vector<16xi32>, vector<16xi1> -> vector<16xi32>
    %sub3A_2163 = arith.subi %masked_cumsum3A_2162, %convert_element_type3A_2159 : vector<16xi32>
    %add3A_2164 = vector.broadcast %add3A_1733 : i32 to vector<16xi32>
    %add3A_2165 = arith.addi %sub3A_2163, %add3A_2164 : vector<16xi32>
    %reduce_sum3A_2166 = arith.constant true
    %reduce_sum3A_2167 = vector.broadcast %reduce_sum3A_2166 : i1 to vector<16xi1>
    %reduce_sum3A_2168 = tpu.scan <sum>, %convert_element_type3A_2159 masked %reduce_sum3A_2167 : vector<16xi32>, vector<16xi1> -> vector<16xi32>
    %reduce_sum3A_2169 = vector.extract %reduce_sum3A_2168[15] : i32 from vector<16xi32>
    %add3A_2170 = arith.addi %add3A_1733, %reduce_sum3A_2169 : i32
    %jit3A_2171 = arith.constant 0.000000e+00 : f32
    %broadcast_in_dim3A_2172 = vector.broadcast %jit3A_2171 : f32 to vector<16xf32>
    %select_n3A_2173 = arith.select %eq3A_2154, %div3A_1905, %broadcast_in_dim3A_2172 : vector<16xi1>, vector<16xf32>
    %jit3A_2174 = arith.constant 0.000000e+00 : f32
    %broadcast_in_dim3A_2175 = vector.broadcast %jit3A_2174 : f32 to vector<16xf32>
    %select_n3A_2176 = arith.select %eq3A_2157, %div3A_1906, %broadcast_in_dim3A_2175 : vector<16xi1>, vector<16xf32>
    %add3A_2177 = arith.addf %select_n3A_2173, %select_n3A_2176 : vector<16xf32>
    %jit3A_2178 = arith.constant 1048576 : i32
    %broadcast_in_dim3A_2179 = vector.broadcast %jit3A_2178 : i32 to vector<16xi32>
    %select_n3A_2180 = arith.select %or3A_2158, %add3A_2165, %broadcast_in_dim3A_2179 : vector<16xi1>, vector<16xi32>
    %add3A_2181 = arith.constant 7 : i32
    %add3A_2182 = vector.broadcast %add3A_2181 : i32 to vector<16xi32>
    %add3A_2183 = arith.addi %add3A_1755, %add3A_2182 : vector<16xi32>
    tpu.vector_store_idx %arg7[%add3A_2183], %select_n3A_2180 : memref<1024xi32, #tpu.memory_space<vmem>>[vector<16xi32>], vector<16xi32>,
    %add3A_2184 = arith.constant 7 : i32
    %add3A_2185 = vector.broadcast %add3A_2184 : i32 to vector<16xi32>
    %add3A_2186 = arith.addi %add3A_1755, %add3A_2185 : vector<16xi32>
    tpu.vector_store_idx %arg8[%add3A_2186], %add3A_2177 : memref<1024xf32, #tpu.memory_space<vmem>>[vector<16xi32>], vector<16xf32>,
    %mul3A_2187 = arith.constant 8 : i32
    %mul3A_2188 = vector.broadcast %mul3A_2187 : i32 to vector<16xi32>
    %mul3A_2189 = arith.muli %iota3A, %mul3A_2188 : vector<16xi32>
    %add3A_2190 = arith.constant 640 : i32
    %add3A_2191 = vector.broadcast %add3A_2190 : i32 to vector<16xi32>
    %add3A_2192 = arith.addi %mul3A_2189, %add3A_2191 : vector<16xi32>
    %add3A_2193 = arith.constant 0 : i32
    %add3A_2194 = vector.broadcast %add3A_2193 : i32 to vector<16xi32>
    %add3A_2195 = arith.addi %add3A_2192, %add3A_2194 : vector<16xi32>
    %gather3A_2196 = tpu.vector_load_idx %arg6[%add3A_2195] : memref<1024xf32, #tpu.memory_space<vmem>>[vector<16xi32>], vector<16xf32>,
    %add3A_2197 = arith.constant 1 : i32
    %add3A_2198 = vector.broadcast %add3A_2197 : i32 to vector<16xi32>
    %add3A_2199 = arith.addi %add3A_2192, %add3A_2198 : vector<16xi32>
    %gather3A_2200 = tpu.vector_load_idx %arg6[%add3A_2199] : memref<1024xf32, #tpu.memory_space<vmem>>[vector<16xi32>], vector<16xf32>,
    %add3A_2201 = arith.constant 2 : i32
    %add3A_2202 = vector.broadcast %add3A_2201 : i32 to vector<16xi32>
    %add3A_2203 = arith.addi %add3A_2192, %add3A_2202 : vector<16xi32>
    %gather3A_2204 = tpu.vector_load_idx %arg6[%add3A_2203] : memref<1024xf32, #tpu.memory_space<vmem>>[vector<16xi32>], vector<16xf32>,
    %add3A_2205 = arith.constant 3 : i32
    %add3A_2206 = vector.broadcast %add3A_2205 : i32 to vector<16xi32>
    %add3A_2207 = arith.addi %add3A_2192, %add3A_2206 : vector<16xi32>
    %gather3A_2208 = tpu.vector_load_idx %arg6[%add3A_2207] : memref<1024xf32, #tpu.memory_space<vmem>>[vector<16xi32>], vector<16xf32>,
    %add3A_2209 = arith.constant 4 : i32
    %add3A_2210 = vector.broadcast %add3A_2209 : i32 to vector<16xi32>
    %add3A_2211 = arith.addi %add3A_2192, %add3A_2210 : vector<16xi32>
    %gather3A_2212 = tpu.vector_load_idx %arg6[%add3A_2211] : memref<1024xf32, #tpu.memory_space<vmem>>[vector<16xi32>], vector<16xf32>,
    %add3A_2213 = arith.constant 5 : i32
    %add3A_2214 = vector.broadcast %add3A_2213 : i32 to vector<16xi32>
    %add3A_2215 = arith.addi %add3A_2192, %add3A_2214 : vector<16xi32>
    %gather3A_2216 = tpu.vector_load_idx %arg6[%add3A_2215] : memref<1024xf32, #tpu.memory_space<vmem>>[vector<16xi32>], vector<16xf32>,
    %add3A_2217 = arith.constant 6 : i32
    %add3A_2218 = vector.broadcast %add3A_2217 : i32 to vector<16xi32>
    %add3A_2219 = arith.addi %add3A_2192, %add3A_2218 : vector<16xi32>
    %gather3A_2220 = tpu.vector_load_idx %arg6[%add3A_2219] : memref<1024xf32, #tpu.memory_space<vmem>>[vector<16xi32>], vector<16xf32>,
    %add3A_2221 = arith.constant 7 : i32
    %add3A_2222 = vector.broadcast %add3A_2221 : i32 to vector<16xi32>
    %add3A_2223 = arith.addi %add3A_2192, %add3A_2222 : vector<16xi32>
    %gather3A_2224 = tpu.vector_load_idx %arg6[%add3A_2223] : memref<1024xf32, #tpu.memory_space<vmem>>[vector<16xi32>], vector<16xf32>,
    %broadcast_in_dim3A_2225 = arith.constant 0 : i32
    %broadcast_in_dim3A_2226 = vector.broadcast %broadcast_in_dim3A_2225 : i32 to vector<16xi32>
    %gt3A_2227 = arith.cmpf ogt, %gather3A_2200, %gather3A_2196 : vector<16xf32>
    %jit3A_2228 = arith.constant 1 : i32
    %broadcast_in_dim3A_2229 = vector.broadcast %jit3A_2228 : i32 to vector<16xi32>
    %select_n3A_2230 = arith.select %gt3A_2227, %broadcast_in_dim3A_2229, %broadcast_in_dim3A_2226 : vector<16xi1>, vector<16xi32>
    %select_n3A_2231 = arith.select %gt3A_2227, %gather3A_2200, %gather3A_2196 : vector<16xi1>, vector<16xf32>
    %gt3A_2232 = arith.cmpf ogt, %gather3A_2204, %select_n3A_2231 : vector<16xf32>
    %jit3A_2233 = arith.constant 2 : i32
    %broadcast_in_dim3A_2234 = vector.broadcast %jit3A_2233 : i32 to vector<16xi32>
    %select_n3A_2235 = arith.select %gt3A_2232, %broadcast_in_dim3A_2234, %select_n3A_2230 : vector<16xi1>, vector<16xi32>
    %select_n3A_2236 = arith.select %gt3A_2232, %gather3A_2204, %select_n3A_2231 : vector<16xi1>, vector<16xf32>
    %gt3A_2237 = arith.cmpf ogt, %gather3A_2208, %select_n3A_2236 : vector<16xf32>
    %jit3A_2238 = arith.constant 3 : i32
    %broadcast_in_dim3A_2239 = vector.broadcast %jit3A_2238 : i32 to vector<16xi32>
    %select_n3A_2240 = arith.select %gt3A_2237, %broadcast_in_dim3A_2239, %select_n3A_2235 : vector<16xi1>, vector<16xi32>
    %select_n3A_2241 = arith.select %gt3A_2237, %gather3A_2208, %select_n3A_2236 : vector<16xi1>, vector<16xf32>
    %gt3A_2242 = arith.cmpf ogt, %gather3A_2212, %select_n3A_2241 : vector<16xf32>
    %jit3A_2243 = arith.constant 4 : i32
    %broadcast_in_dim3A_2244 = vector.broadcast %jit3A_2243 : i32 to vector<16xi32>
    %select_n3A_2245 = arith.select %gt3A_2242, %broadcast_in_dim3A_2244, %select_n3A_2240 : vector<16xi1>, vector<16xi32>
    %select_n3A_2246 = arith.select %gt3A_2242, %gather3A_2212, %select_n3A_2241 : vector<16xi1>, vector<16xf32>
    %gt3A_2247 = arith.cmpf ogt, %gather3A_2216, %select_n3A_2246 : vector<16xf32>
    %jit3A_2248 = arith.constant 5 : i32
    %broadcast_in_dim3A_2249 = vector.broadcast %jit3A_2248 : i32 to vector<16xi32>
    %select_n3A_2250 = arith.select %gt3A_2247, %broadcast_in_dim3A_2249, %select_n3A_2245 : vector<16xi1>, vector<16xi32>
    %select_n3A_2251 = arith.select %gt3A_2247, %gather3A_2216, %select_n3A_2246 : vector<16xi1>, vector<16xf32>
    %gt3A_2252 = arith.cmpf ogt, %gather3A_2220, %select_n3A_2251 : vector<16xf32>
    %jit3A_2253 = arith.constant 6 : i32
    %broadcast_in_dim3A_2254 = vector.broadcast %jit3A_2253 : i32 to vector<16xi32>
    %select_n3A_2255 = arith.select %gt3A_2252, %broadcast_in_dim3A_2254, %select_n3A_2250 : vector<16xi1>, vector<16xi32>
    %select_n3A_2256 = arith.select %gt3A_2252, %gather3A_2220, %select_n3A_2251 : vector<16xi1>, vector<16xf32>
    %gt3A_2257 = arith.cmpf ogt, %gather3A_2224, %select_n3A_2256 : vector<16xf32>
    %jit3A_2258 = arith.constant 7 : i32
    %broadcast_in_dim3A_2259 = vector.broadcast %jit3A_2258 : i32 to vector<16xi32>
    %select_n3A_2260 = arith.select %gt3A_2257, %broadcast_in_dim3A_2259, %select_n3A_2255 : vector<16xi1>, vector<16xi32>
    %select_n3A_2261 = arith.select %gt3A_2257, %gather3A_2224, %select_n3A_2256 : vector<16xi1>, vector<16xf32>
    %broadcast_in_dim3A_2262 = arith.constant -1.000000e+00 : f32
    %broadcast_in_dim3A_2263 = vector.broadcast %broadcast_in_dim3A_2262 : f32 to vector<16xf32>
    %broadcast_in_dim3A_2264 = arith.constant 0 : i32
    %broadcast_in_dim3A_2265 = vector.broadcast %broadcast_in_dim3A_2264 : i32 to vector<16xi32>
    %ne3A_2266 = arith.constant 0 : i32
    %ne3A_2267 = vector.broadcast %ne3A_2266 : i32 to vector<16xi32>
    %ne3A_2268 = arith.cmpi ne, %select_n3A_2260, %ne3A_2267 : vector<16xi32>
    %gt3A_2269 = arith.cmpf ogt, %gather3A_2196, %broadcast_in_dim3A_2263 : vector<16xf32>
    %and3A_2270 = arith.andi %ne3A_2268, %gt3A_2269 : vector<16xi1>
    %jit3A_2271 = arith.constant 0 : i32
    %broadcast_in_dim3A_2272 = vector.broadcast %jit3A_2271 : i32 to vector<16xi32>
    %select_n3A_2273 = arith.select %and3A_2270, %broadcast_in_dim3A_2272, %broadcast_in_dim3A_2265 : vector<16xi1>, vector<16xi32>
    %select_n3A_2274 = arith.select %and3A_2270, %gather3A_2196, %broadcast_in_dim3A_2263 : vector<16xi1>, vector<16xf32>
    %ne3A_2275 = arith.constant 1 : i32
    %ne3A_2276 = vector.broadcast %ne3A_2275 : i32 to vector<16xi32>
    %ne3A_2277 = arith.cmpi ne, %select_n3A_2260, %ne3A_2276 : vector<16xi32>
    %gt3A_2278 = arith.cmpf ogt, %gather3A_2200, %select_n3A_2274 : vector<16xf32>
    %and3A_2279 = arith.andi %ne3A_2277, %gt3A_2278 : vector<16xi1>
    %jit3A_2280 = arith.constant 1 : i32
    %broadcast_in_dim3A_2281 = vector.broadcast %jit3A_2280 : i32 to vector<16xi32>
    %select_n3A_2282 = arith.select %and3A_2279, %broadcast_in_dim3A_2281, %select_n3A_2273 : vector<16xi1>, vector<16xi32>
    %select_n3A_2283 = arith.select %and3A_2279, %gather3A_2200, %select_n3A_2274 : vector<16xi1>, vector<16xf32>
    %ne3A_2284 = arith.constant 2 : i32
    %ne3A_2285 = vector.broadcast %ne3A_2284 : i32 to vector<16xi32>
    %ne3A_2286 = arith.cmpi ne, %select_n3A_2260, %ne3A_2285 : vector<16xi32>
    %gt3A_2287 = arith.cmpf ogt, %gather3A_2204, %select_n3A_2283 : vector<16xf32>
    %and3A_2288 = arith.andi %ne3A_2286, %gt3A_2287 : vector<16xi1>
    %jit3A_2289 = arith.constant 2 : i32
    %broadcast_in_dim3A_2290 = vector.broadcast %jit3A_2289 : i32 to vector<16xi32>
    %select_n3A_2291 = arith.select %and3A_2288, %broadcast_in_dim3A_2290, %select_n3A_2282 : vector<16xi1>, vector<16xi32>
    %select_n3A_2292 = arith.select %and3A_2288, %gather3A_2204, %select_n3A_2283 : vector<16xi1>, vector<16xf32>
    %ne3A_2293 = arith.constant 3 : i32
    %ne3A_2294 = vector.broadcast %ne3A_2293 : i32 to vector<16xi32>
    %ne3A_2295 = arith.cmpi ne, %select_n3A_2260, %ne3A_2294 : vector<16xi32>
    %gt3A_2296 = arith.cmpf ogt, %gather3A_2208, %select_n3A_2292 : vector<16xf32>
    %and3A_2297 = arith.andi %ne3A_2295, %gt3A_2296 : vector<16xi1>
    %jit3A_2298 = arith.constant 3 : i32
    %broadcast_in_dim3A_2299 = vector.broadcast %jit3A_2298 : i32 to vector<16xi32>
    %select_n3A_2300 = arith.select %and3A_2297, %broadcast_in_dim3A_2299, %select_n3A_2291 : vector<16xi1>, vector<16xi32>
    %select_n3A_2301 = arith.select %and3A_2297, %gather3A_2208, %select_n3A_2292 : vector<16xi1>, vector<16xf32>
    %ne3A_2302 = arith.constant 4 : i32
    %ne3A_2303 = vector.broadcast %ne3A_2302 : i32 to vector<16xi32>
    %ne3A_2304 = arith.cmpi ne, %select_n3A_2260, %ne3A_2303 : vector<16xi32>
    %gt3A_2305 = arith.cmpf ogt, %gather3A_2212, %select_n3A_2301 : vector<16xf32>
    %and3A_2306 = arith.andi %ne3A_2304, %gt3A_2305 : vector<16xi1>
    %jit3A_2307 = arith.constant 4 : i32
    %broadcast_in_dim3A_2308 = vector.broadcast %jit3A_2307 : i32 to vector<16xi32>
    %select_n3A_2309 = arith.select %and3A_2306, %broadcast_in_dim3A_2308, %select_n3A_2300 : vector<16xi1>, vector<16xi32>
    %select_n3A_2310 = arith.select %and3A_2306, %gather3A_2212, %select_n3A_2301 : vector<16xi1>, vector<16xf32>
    %ne3A_2311 = arith.constant 5 : i32
    %ne3A_2312 = vector.broadcast %ne3A_2311 : i32 to vector<16xi32>
    %ne3A_2313 = arith.cmpi ne, %select_n3A_2260, %ne3A_2312 : vector<16xi32>
    %gt3A_2314 = arith.cmpf ogt, %gather3A_2216, %select_n3A_2310 : vector<16xf32>
    %and3A_2315 = arith.andi %ne3A_2313, %gt3A_2314 : vector<16xi1>
    %jit3A_2316 = arith.constant 5 : i32
    %broadcast_in_dim3A_2317 = vector.broadcast %jit3A_2316 : i32 to vector<16xi32>
    %select_n3A_2318 = arith.select %and3A_2315, %broadcast_in_dim3A_2317, %select_n3A_2309 : vector<16xi1>, vector<16xi32>
    %select_n3A_2319 = arith.select %and3A_2315, %gather3A_2216, %select_n3A_2310 : vector<16xi1>, vector<16xf32>
    %ne3A_2320 = arith.constant 6 : i32
    %ne3A_2321 = vector.broadcast %ne3A_2320 : i32 to vector<16xi32>
    %ne3A_2322 = arith.cmpi ne, %select_n3A_2260, %ne3A_2321 : vector<16xi32>
    %gt3A_2323 = arith.cmpf ogt, %gather3A_2220, %select_n3A_2319 : vector<16xf32>
    %and3A_2324 = arith.andi %ne3A_2322, %gt3A_2323 : vector<16xi1>
    %jit3A_2325 = arith.constant 6 : i32
    %broadcast_in_dim3A_2326 = vector.broadcast %jit3A_2325 : i32 to vector<16xi32>
    %select_n3A_2327 = arith.select %and3A_2324, %broadcast_in_dim3A_2326, %select_n3A_2318 : vector<16xi1>, vector<16xi32>
    %select_n3A_2328 = arith.select %and3A_2324, %gather3A_2220, %select_n3A_2319 : vector<16xi1>, vector<16xf32>
    %ne3A_2329 = arith.constant 7 : i32
    %ne3A_2330 = vector.broadcast %ne3A_2329 : i32 to vector<16xi32>
    %ne3A_2331 = arith.cmpi ne, %select_n3A_2260, %ne3A_2330 : vector<16xi32>
    %gt3A_2332 = arith.cmpf ogt, %gather3A_2224, %select_n3A_2328 : vector<16xf32>
    %and3A_2333 = arith.andi %ne3A_2331, %gt3A_2332 : vector<16xi1>
    %jit3A_2334 = arith.constant 7 : i32
    %broadcast_in_dim3A_2335 = vector.broadcast %jit3A_2334 : i32 to vector<16xi32>
    %select_n3A_2336 = arith.select %and3A_2333, %broadcast_in_dim3A_2335, %select_n3A_2327 : vector<16xi1>, vector<16xi32>
    %select_n3A_2337 = arith.select %and3A_2333, %gather3A_2224, %select_n3A_2328 : vector<16xi1>, vector<16xf32>
    %add3A_2338 = arith.addf %select_n3A_2261, %select_n3A_2337 : vector<16xf32>
    %add3A_2339 = arith.constant 9.99999993E-9 : f32
    %add3A_2340 = vector.broadcast %add3A_2339 : f32 to vector<16xf32>
    %add3A_2341 = arith.addf %add3A_2338, %add3A_2340 : vector<16xf32>
    %div3A_2342 = arith.divf %select_n3A_2261, %add3A_2341 : vector<16xf32>
    %div3A_2343 = arith.divf %select_n3A_2337, %add3A_2341 : vector<16xf32>
    %eq3A_2344 = arith.constant 0 : i32
    %eq3A_2345 = vector.broadcast %eq3A_2344 : i32 to vector<16xi32>
    %eq3A_2346 = arith.cmpi eq, %select_n3A_2260, %eq3A_2345 : vector<16xi32>
    %eq3A_2347 = arith.constant 0 : i32
    %eq3A_2348 = vector.broadcast %eq3A_2347 : i32 to vector<16xi32>
    %eq3A_2349 = arith.cmpi eq, %select_n3A_2336, %eq3A_2348 : vector<16xi32>
    %or3A_2350 = arith.ori %eq3A_2346, %eq3A_2349 : vector<16xi1>
    %convert_element_type3A_2351 = arith.extui %or3A_2350 : vector<16xi1> to vector<16xi32>
    %broadcast_in_dim3A_2352 = arith.constant true
    %broadcast_in_dim3A_2353 = vector.broadcast %broadcast_in_dim3A_2352 : i1 to vector<16xi1>
    %masked_cumsum3A_2354 = tpu.scan <sum>, %convert_element_type3A_2351 masked %broadcast_in_dim3A_2353 : vector<16xi32>, vector<16xi1> -> vector<16xi32>
    %sub3A_2355 = arith.subi %masked_cumsum3A_2354, %convert_element_type3A_2351 : vector<16xi32>
    %add3A_2356 = vector.broadcast %add3A_1925 : i32 to vector<16xi32>
    %add3A_2357 = arith.addi %sub3A_2355, %add3A_2356 : vector<16xi32>
    %reduce_sum3A_2358 = arith.constant true
    %reduce_sum3A_2359 = vector.broadcast %reduce_sum3A_2358 : i1 to vector<16xi1>
    %reduce_sum3A_2360 = tpu.scan <sum>, %convert_element_type3A_2351 masked %reduce_sum3A_2359 : vector<16xi32>, vector<16xi1> -> vector<16xi32>
    %reduce_sum3A_2361 = vector.extract %reduce_sum3A_2360[15] : i32 from vector<16xi32>
    %add3A_2362 = arith.addi %add3A_1925, %reduce_sum3A_2361 : i32
    %jit3A_2363 = arith.constant 0.000000e+00 : f32
    %broadcast_in_dim3A_2364 = vector.broadcast %jit3A_2363 : f32 to vector<16xf32>
    %select_n3A_2365 = arith.select %eq3A_2346, %div3A_2342, %broadcast_in_dim3A_2364 : vector<16xi1>, vector<16xf32>
    %jit3A_2366 = arith.constant 0.000000e+00 : f32
    %broadcast_in_dim3A_2367 = vector.broadcast %jit3A_2366 : f32 to vector<16xf32>
    %select_n3A_2368 = arith.select %eq3A_2349, %div3A_2343, %broadcast_in_dim3A_2367 : vector<16xi1>, vector<16xf32>
    %add3A_2369 = arith.addf %select_n3A_2365, %select_n3A_2368 : vector<16xf32>
    %jit3A_2370 = arith.constant 1048576 : i32
    %broadcast_in_dim3A_2371 = vector.broadcast %jit3A_2370 : i32 to vector<16xi32>
    %select_n3A_2372 = arith.select %or3A_2350, %add3A_2357, %broadcast_in_dim3A_2371 : vector<16xi1>, vector<16xi32>
    %add3A_2373 = arith.constant 0 : i32
    %add3A_2374 = vector.broadcast %add3A_2373 : i32 to vector<16xi32>
    %add3A_2375 = arith.addi %add3A_2192, %add3A_2374 : vector<16xi32>
    tpu.vector_store_idx %arg7[%add3A_2375], %select_n3A_2372 : memref<1024xi32, #tpu.memory_space<vmem>>[vector<16xi32>], vector<16xi32>,
    %add3A_2376 = arith.constant 0 : i32
    %add3A_2377 = vector.broadcast %add3A_2376 : i32 to vector<16xi32>
    %add3A_2378 = arith.addi %add3A_2192, %add3A_2377 : vector<16xi32>
    tpu.vector_store_idx %arg8[%add3A_2378], %add3A_2369 : memref<1024xf32, #tpu.memory_space<vmem>>[vector<16xi32>], vector<16xf32>,
    %eq3A_2379 = arith.constant 1 : i32
    %eq3A_2380 = vector.broadcast %eq3A_2379 : i32 to vector<16xi32>
    %eq3A_2381 = arith.cmpi eq, %select_n3A_2260, %eq3A_2380 : vector<16xi32>
    %eq3A_2382 = arith.constant 1 : i32
    %eq3A_2383 = vector.broadcast %eq3A_2382 : i32 to vector<16xi32>
    %eq3A_2384 = arith.cmpi eq, %select_n3A_2336, %eq3A_2383 : vector<16xi32>
    %or3A_2385 = arith.ori %eq3A_2381, %eq3A_2384 : vector<16xi1>
    %convert_element_type3A_2386 = arith.extui %or3A_2385 : vector<16xi1> to vector<16xi32>
    %broadcast_in_dim3A_2387 = arith.constant true
    %broadcast_in_dim3A_2388 = vector.broadcast %broadcast_in_dim3A_2387 : i1 to vector<16xi1>
    %masked_cumsum3A_2389 = tpu.scan <sum>, %convert_element_type3A_2386 masked %broadcast_in_dim3A_2388 : vector<16xi32>, vector<16xi1> -> vector<16xi32>
    %sub3A_2390 = arith.subi %masked_cumsum3A_2389, %convert_element_type3A_2386 : vector<16xi32>
    %add3A_2391 = vector.broadcast %add3A_1960 : i32 to vector<16xi32>
    %add3A_2392 = arith.addi %sub3A_2390, %add3A_2391 : vector<16xi32>
    %reduce_sum3A_2393 = arith.constant true
    %reduce_sum3A_2394 = vector.broadcast %reduce_sum3A_2393 : i1 to vector<16xi1>
    %reduce_sum3A_2395 = tpu.scan <sum>, %convert_element_type3A_2386 masked %reduce_sum3A_2394 : vector<16xi32>, vector<16xi1> -> vector<16xi32>
    %reduce_sum3A_2396 = vector.extract %reduce_sum3A_2395[15] : i32 from vector<16xi32>
    %add3A_2397 = arith.addi %add3A_1960, %reduce_sum3A_2396 : i32
    %jit3A_2398 = arith.constant 0.000000e+00 : f32
    %broadcast_in_dim3A_2399 = vector.broadcast %jit3A_2398 : f32 to vector<16xf32>
    %select_n3A_2400 = arith.select %eq3A_2381, %div3A_2342, %broadcast_in_dim3A_2399 : vector<16xi1>, vector<16xf32>
    %jit3A_2401 = arith.constant 0.000000e+00 : f32
    %broadcast_in_dim3A_2402 = vector.broadcast %jit3A_2401 : f32 to vector<16xf32>
    %select_n3A_2403 = arith.select %eq3A_2384, %div3A_2343, %broadcast_in_dim3A_2402 : vector<16xi1>, vector<16xf32>
    %add3A_2404 = arith.addf %select_n3A_2400, %select_n3A_2403 : vector<16xf32>
    %jit3A_2405 = arith.constant 1048576 : i32
    %broadcast_in_dim3A_2406 = vector.broadcast %jit3A_2405 : i32 to vector<16xi32>
    %select_n3A_2407 = arith.select %or3A_2385, %add3A_2392, %broadcast_in_dim3A_2406 : vector<16xi1>, vector<16xi32>
    %add3A_2408 = arith.constant 1 : i32
    %add3A_2409 = vector.broadcast %add3A_2408 : i32 to vector<16xi32>
    %add3A_2410 = arith.addi %add3A_2192, %add3A_2409 : vector<16xi32>
    tpu.vector_store_idx %arg7[%add3A_2410], %select_n3A_2407 : memref<1024xi32, #tpu.memory_space<vmem>>[vector<16xi32>], vector<16xi32>,
    %add3A_2411 = arith.constant 1 : i32
    %add3A_2412 = vector.broadcast %add3A_2411 : i32 to vector<16xi32>
    %add3A_2413 = arith.addi %add3A_2192, %add3A_2412 : vector<16xi32>
    tpu.vector_store_idx %arg8[%add3A_2413], %add3A_2404 : memref<1024xf32, #tpu.memory_space<vmem>>[vector<16xi32>], vector<16xf32>,
    %eq3A_2414 = arith.constant 2 : i32
    %eq3A_2415 = vector.broadcast %eq3A_2414 : i32 to vector<16xi32>
    %eq3A_2416 = arith.cmpi eq, %select_n3A_2260, %eq3A_2415 : vector<16xi32>
    %eq3A_2417 = arith.constant 2 : i32
    %eq3A_2418 = vector.broadcast %eq3A_2417 : i32 to vector<16xi32>
    %eq3A_2419 = arith.cmpi eq, %select_n3A_2336, %eq3A_2418 : vector<16xi32>
    %or3A_2420 = arith.ori %eq3A_2416, %eq3A_2419 : vector<16xi1>
    %convert_element_type3A_2421 = arith.extui %or3A_2420 : vector<16xi1> to vector<16xi32>
    %broadcast_in_dim3A_2422 = arith.constant true
    %broadcast_in_dim3A_2423 = vector.broadcast %broadcast_in_dim3A_2422 : i1 to vector<16xi1>
    %masked_cumsum3A_2424 = tpu.scan <sum>, %convert_element_type3A_2421 masked %broadcast_in_dim3A_2423 : vector<16xi32>, vector<16xi1> -> vector<16xi32>
    %sub3A_2425 = arith.subi %masked_cumsum3A_2424, %convert_element_type3A_2421 : vector<16xi32>
    %add3A_2426 = vector.broadcast %add3A_1995 : i32 to vector<16xi32>
    %add3A_2427 = arith.addi %sub3A_2425, %add3A_2426 : vector<16xi32>
    %reduce_sum3A_2428 = arith.constant true
    %reduce_sum3A_2429 = vector.broadcast %reduce_sum3A_2428 : i1 to vector<16xi1>
    %reduce_sum3A_2430 = tpu.scan <sum>, %convert_element_type3A_2421 masked %reduce_sum3A_2429 : vector<16xi32>, vector<16xi1> -> vector<16xi32>
    %reduce_sum3A_2431 = vector.extract %reduce_sum3A_2430[15] : i32 from vector<16xi32>
    %add3A_2432 = arith.addi %add3A_1995, %reduce_sum3A_2431 : i32
    %jit3A_2433 = arith.constant 0.000000e+00 : f32
    %broadcast_in_dim3A_2434 = vector.broadcast %jit3A_2433 : f32 to vector<16xf32>
    %select_n3A_2435 = arith.select %eq3A_2416, %div3A_2342, %broadcast_in_dim3A_2434 : vector<16xi1>, vector<16xf32>
    %jit3A_2436 = arith.constant 0.000000e+00 : f32
    %broadcast_in_dim3A_2437 = vector.broadcast %jit3A_2436 : f32 to vector<16xf32>
    %select_n3A_2438 = arith.select %eq3A_2419, %div3A_2343, %broadcast_in_dim3A_2437 : vector<16xi1>, vector<16xf32>
    %add3A_2439 = arith.addf %select_n3A_2435, %select_n3A_2438 : vector<16xf32>
    %jit3A_2440 = arith.constant 1048576 : i32
    %broadcast_in_dim3A_2441 = vector.broadcast %jit3A_2440 : i32 to vector<16xi32>
    %select_n3A_2442 = arith.select %or3A_2420, %add3A_2427, %broadcast_in_dim3A_2441 : vector<16xi1>, vector<16xi32>
    %add3A_2443 = arith.constant 2 : i32
    %add3A_2444 = vector.broadcast %add3A_2443 : i32 to vector<16xi32>
    %add3A_2445 = arith.addi %add3A_2192, %add3A_2444 : vector<16xi32>
    tpu.vector_store_idx %arg7[%add3A_2445], %select_n3A_2442 : memref<1024xi32, #tpu.memory_space<vmem>>[vector<16xi32>], vector<16xi32>,
    %add3A_2446 = arith.constant 2 : i32
    %add3A_2447 = vector.broadcast %add3A_2446 : i32 to vector<16xi32>
    %add3A_2448 = arith.addi %add3A_2192, %add3A_2447 : vector<16xi32>
    tpu.vector_store_idx %arg8[%add3A_2448], %add3A_2439 : memref<1024xf32, #tpu.memory_space<vmem>>[vector<16xi32>], vector<16xf32>,
    %eq3A_2449 = arith.constant 3 : i32
    %eq3A_2450 = vector.broadcast %eq3A_2449 : i32 to vector<16xi32>
    %eq3A_2451 = arith.cmpi eq, %select_n3A_2260, %eq3A_2450 : vector<16xi32>
    %eq3A_2452 = arith.constant 3 : i32
    %eq3A_2453 = vector.broadcast %eq3A_2452 : i32 to vector<16xi32>
    %eq3A_2454 = arith.cmpi eq, %select_n3A_2336, %eq3A_2453 : vector<16xi32>
    %or3A_2455 = arith.ori %eq3A_2451, %eq3A_2454 : vector<16xi1>
    %convert_element_type3A_2456 = arith.extui %or3A_2455 : vector<16xi1> to vector<16xi32>
    %broadcast_in_dim3A_2457 = arith.constant true
    %broadcast_in_dim3A_2458 = vector.broadcast %broadcast_in_dim3A_2457 : i1 to vector<16xi1>
    %masked_cumsum3A_2459 = tpu.scan <sum>, %convert_element_type3A_2456 masked %broadcast_in_dim3A_2458 : vector<16xi32>, vector<16xi1> -> vector<16xi32>
    %sub3A_2460 = arith.subi %masked_cumsum3A_2459, %convert_element_type3A_2456 : vector<16xi32>
    %add3A_2461 = vector.broadcast %add3A_2030 : i32 to vector<16xi32>
    %add3A_2462 = arith.addi %sub3A_2460, %add3A_2461 : vector<16xi32>
    %reduce_sum3A_2463 = arith.constant true
    %reduce_sum3A_2464 = vector.broadcast %reduce_sum3A_2463 : i1 to vector<16xi1>
    %reduce_sum3A_2465 = tpu.scan <sum>, %convert_element_type3A_2456 masked %reduce_sum3A_2464 : vector<16xi32>, vector<16xi1> -> vector<16xi32>
    %reduce_sum3A_2466 = vector.extract %reduce_sum3A_2465[15] : i32 from vector<16xi32>
    %add3A_2467 = arith.addi %add3A_2030, %reduce_sum3A_2466 : i32
    %jit3A_2468 = arith.constant 0.000000e+00 : f32
    %broadcast_in_dim3A_2469 = vector.broadcast %jit3A_2468 : f32 to vector<16xf32>
    %select_n3A_2470 = arith.select %eq3A_2451, %div3A_2342, %broadcast_in_dim3A_2469 : vector<16xi1>, vector<16xf32>
    %jit3A_2471 = arith.constant 0.000000e+00 : f32
    %broadcast_in_dim3A_2472 = vector.broadcast %jit3A_2471 : f32 to vector<16xf32>
    %select_n3A_2473 = arith.select %eq3A_2454, %div3A_2343, %broadcast_in_dim3A_2472 : vector<16xi1>, vector<16xf32>
    %add3A_2474 = arith.addf %select_n3A_2470, %select_n3A_2473 : vector<16xf32>
    %jit3A_2475 = arith.constant 1048576 : i32
    %broadcast_in_dim3A_2476 = vector.broadcast %jit3A_2475 : i32 to vector<16xi32>
    %select_n3A_2477 = arith.select %or3A_2455, %add3A_2462, %broadcast_in_dim3A_2476 : vector<16xi1>, vector<16xi32>
    %add3A_2478 = arith.constant 3 : i32
    %add3A_2479 = vector.broadcast %add3A_2478 : i32 to vector<16xi32>
    %add3A_2480 = arith.addi %add3A_2192, %add3A_2479 : vector<16xi32>
    tpu.vector_store_idx %arg7[%add3A_2480], %select_n3A_2477 : memref<1024xi32, #tpu.memory_space<vmem>>[vector<16xi32>], vector<16xi32>,
    %add3A_2481 = arith.constant 3 : i32
    %add3A_2482 = vector.broadcast %add3A_2481 : i32 to vector<16xi32>
    %add3A_2483 = arith.addi %add3A_2192, %add3A_2482 : vector<16xi32>
    tpu.vector_store_idx %arg8[%add3A_2483], %add3A_2474 : memref<1024xf32, #tpu.memory_space<vmem>>[vector<16xi32>], vector<16xf32>,
    %eq3A_2484 = arith.constant 4 : i32
    %eq3A_2485 = vector.broadcast %eq3A_2484 : i32 to vector<16xi32>
    %eq3A_2486 = arith.cmpi eq, %select_n3A_2260, %eq3A_2485 : vector<16xi32>
    %eq3A_2487 = arith.constant 4 : i32
    %eq3A_2488 = vector.broadcast %eq3A_2487 : i32 to vector<16xi32>
    %eq3A_2489 = arith.cmpi eq, %select_n3A_2336, %eq3A_2488 : vector<16xi32>
    %or3A_2490 = arith.ori %eq3A_2486, %eq3A_2489 : vector<16xi1>
    %convert_element_type3A_2491 = arith.extui %or3A_2490 : vector<16xi1> to vector<16xi32>
    %broadcast_in_dim3A_2492 = arith.constant true
    %broadcast_in_dim3A_2493 = vector.broadcast %broadcast_in_dim3A_2492 : i1 to vector<16xi1>
    %masked_cumsum3A_2494 = tpu.scan <sum>, %convert_element_type3A_2491 masked %broadcast_in_dim3A_2493 : vector<16xi32>, vector<16xi1> -> vector<16xi32>
    %sub3A_2495 = arith.subi %masked_cumsum3A_2494, %convert_element_type3A_2491 : vector<16xi32>
    %add3A_2496 = vector.broadcast %add3A_2065 : i32 to vector<16xi32>
    %add3A_2497 = arith.addi %sub3A_2495, %add3A_2496 : vector<16xi32>
    %reduce_sum3A_2498 = arith.constant true
    %reduce_sum3A_2499 = vector.broadcast %reduce_sum3A_2498 : i1 to vector<16xi1>
    %reduce_sum3A_2500 = tpu.scan <sum>, %convert_element_type3A_2491 masked %reduce_sum3A_2499 : vector<16xi32>, vector<16xi1> -> vector<16xi32>
    %reduce_sum3A_2501 = vector.extract %reduce_sum3A_2500[15] : i32 from vector<16xi32>
    %add3A_2502 = arith.addi %add3A_2065, %reduce_sum3A_2501 : i32
    %jit3A_2503 = arith.constant 0.000000e+00 : f32
    %broadcast_in_dim3A_2504 = vector.broadcast %jit3A_2503 : f32 to vector<16xf32>
    %select_n3A_2505 = arith.select %eq3A_2486, %div3A_2342, %broadcast_in_dim3A_2504 : vector<16xi1>, vector<16xf32>
    %jit3A_2506 = arith.constant 0.000000e+00 : f32
    %broadcast_in_dim3A_2507 = vector.broadcast %jit3A_2506 : f32 to vector<16xf32>
    %select_n3A_2508 = arith.select %eq3A_2489, %div3A_2343, %broadcast_in_dim3A_2507 : vector<16xi1>, vector<16xf32>
    %add3A_2509 = arith.addf %select_n3A_2505, %select_n3A_2508 : vector<16xf32>
    %jit3A_2510 = arith.constant 1048576 : i32
    %broadcast_in_dim3A_2511 = vector.broadcast %jit3A_2510 : i32 to vector<16xi32>
    %select_n3A_2512 = arith.select %or3A_2490, %add3A_2497, %broadcast_in_dim3A_2511 : vector<16xi1>, vector<16xi32>
    %add3A_2513 = arith.constant 4 : i32
    %add3A_2514 = vector.broadcast %add3A_2513 : i32 to vector<16xi32>
    %add3A_2515 = arith.addi %add3A_2192, %add3A_2514 : vector<16xi32>
    tpu.vector_store_idx %arg7[%add3A_2515], %select_n3A_2512 : memref<1024xi32, #tpu.memory_space<vmem>>[vector<16xi32>], vector<16xi32>,
    %add3A_2516 = arith.constant 4 : i32
    %add3A_2517 = vector.broadcast %add3A_2516 : i32 to vector<16xi32>
    %add3A_2518 = arith.addi %add3A_2192, %add3A_2517 : vector<16xi32>
    tpu.vector_store_idx %arg8[%add3A_2518], %add3A_2509 : memref<1024xf32, #tpu.memory_space<vmem>>[vector<16xi32>], vector<16xf32>,
    %eq3A_2519 = arith.constant 5 : i32
    %eq3A_2520 = vector.broadcast %eq3A_2519 : i32 to vector<16xi32>
    %eq3A_2521 = arith.cmpi eq, %select_n3A_2260, %eq3A_2520 : vector<16xi32>
    %eq3A_2522 = arith.constant 5 : i32
    %eq3A_2523 = vector.broadcast %eq3A_2522 : i32 to vector<16xi32>
    %eq3A_2524 = arith.cmpi eq, %select_n3A_2336, %eq3A_2523 : vector<16xi32>
    %or3A_2525 = arith.ori %eq3A_2521, %eq3A_2524 : vector<16xi1>
    %convert_element_type3A_2526 = arith.extui %or3A_2525 : vector<16xi1> to vector<16xi32>
    %broadcast_in_dim3A_2527 = arith.constant true
    %broadcast_in_dim3A_2528 = vector.broadcast %broadcast_in_dim3A_2527 : i1 to vector<16xi1>
    %masked_cumsum3A_2529 = tpu.scan <sum>, %convert_element_type3A_2526 masked %broadcast_in_dim3A_2528 : vector<16xi32>, vector<16xi1> -> vector<16xi32>
    %sub3A_2530 = arith.subi %masked_cumsum3A_2529, %convert_element_type3A_2526 : vector<16xi32>
    %add3A_2531 = vector.broadcast %add3A_2100 : i32 to vector<16xi32>
    %add3A_2532 = arith.addi %sub3A_2530, %add3A_2531 : vector<16xi32>
    %reduce_sum3A_2533 = arith.constant true
    %reduce_sum3A_2534 = vector.broadcast %reduce_sum3A_2533 : i1 to vector<16xi1>
    %reduce_sum3A_2535 = tpu.scan <sum>, %convert_element_type3A_2526 masked %reduce_sum3A_2534 : vector<16xi32>, vector<16xi1> -> vector<16xi32>
    %reduce_sum3A_2536 = vector.extract %reduce_sum3A_2535[15] : i32 from vector<16xi32>
    %add3A_2537 = arith.addi %add3A_2100, %reduce_sum3A_2536 : i32
    %jit3A_2538 = arith.constant 0.000000e+00 : f32
    %broadcast_in_dim3A_2539 = vector.broadcast %jit3A_2538 : f32 to vector<16xf32>
    %select_n3A_2540 = arith.select %eq3A_2521, %div3A_2342, %broadcast_in_dim3A_2539 : vector<16xi1>, vector<16xf32>
    %jit3A_2541 = arith.constant 0.000000e+00 : f32
    %broadcast_in_dim3A_2542 = vector.broadcast %jit3A_2541 : f32 to vector<16xf32>
    %select_n3A_2543 = arith.select %eq3A_2524, %div3A_2343, %broadcast_in_dim3A_2542 : vector<16xi1>, vector<16xf32>
    %add3A_2544 = arith.addf %select_n3A_2540, %select_n3A_2543 : vector<16xf32>
    %jit3A_2545 = arith.constant 1048576 : i32
    %broadcast_in_dim3A_2546 = vector.broadcast %jit3A_2545 : i32 to vector<16xi32>
    %select_n3A_2547 = arith.select %or3A_2525, %add3A_2532, %broadcast_in_dim3A_2546 : vector<16xi1>, vector<16xi32>
    %add3A_2548 = arith.constant 5 : i32
    %add3A_2549 = vector.broadcast %add3A_2548 : i32 to vector<16xi32>
    %add3A_2550 = arith.addi %add3A_2192, %add3A_2549 : vector<16xi32>
    tpu.vector_store_idx %arg7[%add3A_2550], %select_n3A_2547 : memref<1024xi32, #tpu.memory_space<vmem>>[vector<16xi32>], vector<16xi32>,
    %add3A_2551 = arith.constant 5 : i32
    %add3A_2552 = vector.broadcast %add3A_2551 : i32 to vector<16xi32>
    %add3A_2553 = arith.addi %add3A_2192, %add3A_2552 : vector<16xi32>
    tpu.vector_store_idx %arg8[%add3A_2553], %add3A_2544 : memref<1024xf32, #tpu.memory_space<vmem>>[vector<16xi32>], vector<16xf32>,
    %eq3A_2554 = arith.constant 6 : i32
    %eq3A_2555 = vector.broadcast %eq3A_2554 : i32 to vector<16xi32>
    %eq3A_2556 = arith.cmpi eq, %select_n3A_2260, %eq3A_2555 : vector<16xi32>
    %eq3A_2557 = arith.constant 6 : i32
    %eq3A_2558 = vector.broadcast %eq3A_2557 : i32 to vector<16xi32>
    %eq3A_2559 = arith.cmpi eq, %select_n3A_2336, %eq3A_2558 : vector<16xi32>
    %or3A_2560 = arith.ori %eq3A_2556, %eq3A_2559 : vector<16xi1>
    %convert_element_type3A_2561 = arith.extui %or3A_2560 : vector<16xi1> to vector<16xi32>
    %broadcast_in_dim3A_2562 = arith.constant true
    %broadcast_in_dim3A_2563 = vector.broadcast %broadcast_in_dim3A_2562 : i1 to vector<16xi1>
    %masked_cumsum3A_2564 = tpu.scan <sum>, %convert_element_type3A_2561 masked %broadcast_in_dim3A_2563 : vector<16xi32>, vector<16xi1> -> vector<16xi32>
    %sub3A_2565 = arith.subi %masked_cumsum3A_2564, %convert_element_type3A_2561 : vector<16xi32>
    %add3A_2566 = vector.broadcast %add3A_2135 : i32 to vector<16xi32>
    %add3A_2567 = arith.addi %sub3A_2565, %add3A_2566 : vector<16xi32>
    %reduce_sum3A_2568 = arith.constant true
    %reduce_sum3A_2569 = vector.broadcast %reduce_sum3A_2568 : i1 to vector<16xi1>
    %reduce_sum3A_2570 = tpu.scan <sum>, %convert_element_type3A_2561 masked %reduce_sum3A_2569 : vector<16xi32>, vector<16xi1> -> vector<16xi32>
    %reduce_sum3A_2571 = vector.extract %reduce_sum3A_2570[15] : i32 from vector<16xi32>
    %add3A_2572 = arith.addi %add3A_2135, %reduce_sum3A_2571 : i32
    %jit3A_2573 = arith.constant 0.000000e+00 : f32
    %broadcast_in_dim3A_2574 = vector.broadcast %jit3A_2573 : f32 to vector<16xf32>
    %select_n3A_2575 = arith.select %eq3A_2556, %div3A_2342, %broadcast_in_dim3A_2574 : vector<16xi1>, vector<16xf32>
    %jit3A_2576 = arith.constant 0.000000e+00 : f32
    %broadcast_in_dim3A_2577 = vector.broadcast %jit3A_2576 : f32 to vector<16xf32>
    %select_n3A_2578 = arith.select %eq3A_2559, %div3A_2343, %broadcast_in_dim3A_2577 : vector<16xi1>, vector<16xf32>
    %add3A_2579 = arith.addf %select_n3A_2575, %select_n3A_2578 : vector<16xf32>
    %jit3A_2580 = arith.constant 1048576 : i32
    %broadcast_in_dim3A_2581 = vector.broadcast %jit3A_2580 : i32 to vector<16xi32>
    %select_n3A_2582 = arith.select %or3A_2560, %add3A_2567, %broadcast_in_dim3A_2581 : vector<16xi1>, vector<16xi32>
    %add3A_2583 = arith.constant 6 : i32
    %add3A_2584 = vector.broadcast %add3A_2583 : i32 to vector<16xi32>
    %add3A_2585 = arith.addi %add3A_2192, %add3A_2584 : vector<16xi32>
    tpu.vector_store_idx %arg7[%add3A_2585], %select_n3A_2582 : memref<1024xi32, #tpu.memory_space<vmem>>[vector<16xi32>], vector<16xi32>,
    %add3A_2586 = arith.constant 6 : i32
    %add3A_2587 = vector.broadcast %add3A_2586 : i32 to vector<16xi32>
    %add3A_2588 = arith.addi %add3A_2192, %add3A_2587 : vector<16xi32>
    tpu.vector_store_idx %arg8[%add3A_2588], %add3A_2579 : memref<1024xf32, #tpu.memory_space<vmem>>[vector<16xi32>], vector<16xf32>,
    %eq3A_2589 = arith.constant 7 : i32
    %eq3A_2590 = vector.broadcast %eq3A_2589 : i32 to vector<16xi32>
    %eq3A_2591 = arith.cmpi eq, %select_n3A_2260, %eq3A_2590 : vector<16xi32>
    %eq3A_2592 = arith.constant 7 : i32
    %eq3A_2593 = vector.broadcast %eq3A_2592 : i32 to vector<16xi32>
    %eq3A_2594 = arith.cmpi eq, %select_n3A_2336, %eq3A_2593 : vector<16xi32>
    %or3A_2595 = arith.ori %eq3A_2591, %eq3A_2594 : vector<16xi1>
    %convert_element_type3A_2596 = arith.extui %or3A_2595 : vector<16xi1> to vector<16xi32>
    %broadcast_in_dim3A_2597 = arith.constant true
    %broadcast_in_dim3A_2598 = vector.broadcast %broadcast_in_dim3A_2597 : i1 to vector<16xi1>
    %masked_cumsum3A_2599 = tpu.scan <sum>, %convert_element_type3A_2596 masked %broadcast_in_dim3A_2598 : vector<16xi32>, vector<16xi1> -> vector<16xi32>
    %sub3A_2600 = arith.subi %masked_cumsum3A_2599, %convert_element_type3A_2596 : vector<16xi32>
    %add3A_2601 = vector.broadcast %add3A_2170 : i32 to vector<16xi32>
    %add3A_2602 = arith.addi %sub3A_2600, %add3A_2601 : vector<16xi32>
    %reduce_sum3A_2603 = arith.constant true
    %reduce_sum3A_2604 = vector.broadcast %reduce_sum3A_2603 : i1 to vector<16xi1>
    %reduce_sum3A_2605 = tpu.scan <sum>, %convert_element_type3A_2596 masked %reduce_sum3A_2604 : vector<16xi32>, vector<16xi1> -> vector<16xi32>
    %reduce_sum3A_2606 = vector.extract %reduce_sum3A_2605[15] : i32 from vector<16xi32>
    %add3A_2607 = arith.addi %add3A_2170, %reduce_sum3A_2606 : i32
    %jit3A_2608 = arith.constant 0.000000e+00 : f32
    %broadcast_in_dim3A_2609 = vector.broadcast %jit3A_2608 : f32 to vector<16xf32>
    %select_n3A_2610 = arith.select %eq3A_2591, %div3A_2342, %broadcast_in_dim3A_2609 : vector<16xi1>, vector<16xf32>
    %jit3A_2611 = arith.constant 0.000000e+00 : f32
    %broadcast_in_dim3A_2612 = vector.broadcast %jit3A_2611 : f32 to vector<16xf32>
    %select_n3A_2613 = arith.select %eq3A_2594, %div3A_2343, %broadcast_in_dim3A_2612 : vector<16xi1>, vector<16xf32>
    %add3A_2614 = arith.addf %select_n3A_2610, %select_n3A_2613 : vector<16xf32>
    %jit3A_2615 = arith.constant 1048576 : i32
    %broadcast_in_dim3A_2616 = vector.broadcast %jit3A_2615 : i32 to vector<16xi32>
    %select_n3A_2617 = arith.select %or3A_2595, %add3A_2602, %broadcast_in_dim3A_2616 : vector<16xi1>, vector<16xi32>
    %add3A_2618 = arith.constant 7 : i32
    %add3A_2619 = vector.broadcast %add3A_2618 : i32 to vector<16xi32>
    %add3A_2620 = arith.addi %add3A_2192, %add3A_2619 : vector<16xi32>
    tpu.vector_store_idx %arg7[%add3A_2620], %select_n3A_2617 : memref<1024xi32, #tpu.memory_space<vmem>>[vector<16xi32>], vector<16xi32>,
    %add3A_2621 = arith.constant 7 : i32
    %add3A_2622 = vector.broadcast %add3A_2621 : i32 to vector<16xi32>
    %add3A_2623 = arith.addi %add3A_2192, %add3A_2622 : vector<16xi32>
    tpu.vector_store_idx %arg8[%add3A_2623], %add3A_2614 : memref<1024xf32, #tpu.memory_space<vmem>>[vector<16xi32>], vector<16xf32>,
    %mul3A_2624 = arith.constant 8 : i32
    %mul3A_2625 = vector.broadcast %mul3A_2624 : i32 to vector<16xi32>
    %mul3A_2626 = arith.muli %iota3A, %mul3A_2625 : vector<16xi32>
    %add3A_2627 = arith.constant 768 : i32
    %add3A_2628 = vector.broadcast %add3A_2627 : i32 to vector<16xi32>
    %add3A_2629 = arith.addi %mul3A_2626, %add3A_2628 : vector<16xi32>
    %add3A_2630 = arith.constant 0 : i32
    %add3A_2631 = vector.broadcast %add3A_2630 : i32 to vector<16xi32>
    %add3A_2632 = arith.addi %add3A_2629, %add3A_2631 : vector<16xi32>
    %gather3A_2633 = tpu.vector_load_idx %arg6[%add3A_2632] : memref<1024xf32, #tpu.memory_space<vmem>>[vector<16xi32>], vector<16xf32>,
    %add3A_2634 = arith.constant 1 : i32
    %add3A_2635 = vector.broadcast %add3A_2634 : i32 to vector<16xi32>
    %add3A_2636 = arith.addi %add3A_2629, %add3A_2635 : vector<16xi32>
    %gather3A_2637 = tpu.vector_load_idx %arg6[%add3A_2636] : memref<1024xf32, #tpu.memory_space<vmem>>[vector<16xi32>], vector<16xf32>,
    %add3A_2638 = arith.constant 2 : i32
    %add3A_2639 = vector.broadcast %add3A_2638 : i32 to vector<16xi32>
    %add3A_2640 = arith.addi %add3A_2629, %add3A_2639 : vector<16xi32>
    %gather3A_2641 = tpu.vector_load_idx %arg6[%add3A_2640] : memref<1024xf32, #tpu.memory_space<vmem>>[vector<16xi32>], vector<16xf32>,
    %add3A_2642 = arith.constant 3 : i32
    %add3A_2643 = vector.broadcast %add3A_2642 : i32 to vector<16xi32>
    %add3A_2644 = arith.addi %add3A_2629, %add3A_2643 : vector<16xi32>
    %gather3A_2645 = tpu.vector_load_idx %arg6[%add3A_2644] : memref<1024xf32, #tpu.memory_space<vmem>>[vector<16xi32>], vector<16xf32>,
    %add3A_2646 = arith.constant 4 : i32
    %add3A_2647 = vector.broadcast %add3A_2646 : i32 to vector<16xi32>
    %add3A_2648 = arith.addi %add3A_2629, %add3A_2647 : vector<16xi32>
    %gather3A_2649 = tpu.vector_load_idx %arg6[%add3A_2648] : memref<1024xf32, #tpu.memory_space<vmem>>[vector<16xi32>], vector<16xf32>,
    %add3A_2650 = arith.constant 5 : i32
    %add3A_2651 = vector.broadcast %add3A_2650 : i32 to vector<16xi32>
    %add3A_2652 = arith.addi %add3A_2629, %add3A_2651 : vector<16xi32>
    %gather3A_2653 = tpu.vector_load_idx %arg6[%add3A_2652] : memref<1024xf32, #tpu.memory_space<vmem>>[vector<16xi32>], vector<16xf32>,
    %add3A_2654 = arith.constant 6 : i32
    %add3A_2655 = vector.broadcast %add3A_2654 : i32 to vector<16xi32>
    %add3A_2656 = arith.addi %add3A_2629, %add3A_2655 : vector<16xi32>
    %gather3A_2657 = tpu.vector_load_idx %arg6[%add3A_2656] : memref<1024xf32, #tpu.memory_space<vmem>>[vector<16xi32>], vector<16xf32>,
    %add3A_2658 = arith.constant 7 : i32
    %add3A_2659 = vector.broadcast %add3A_2658 : i32 to vector<16xi32>
    %add3A_2660 = arith.addi %add3A_2629, %add3A_2659 : vector<16xi32>
    %gather3A_2661 = tpu.vector_load_idx %arg6[%add3A_2660] : memref<1024xf32, #tpu.memory_space<vmem>>[vector<16xi32>], vector<16xf32>,
    %broadcast_in_dim3A_2662 = arith.constant 0 : i32
    %broadcast_in_dim3A_2663 = vector.broadcast %broadcast_in_dim3A_2662 : i32 to vector<16xi32>
    %gt3A_2664 = arith.cmpf ogt, %gather3A_2637, %gather3A_2633 : vector<16xf32>
    %jit3A_2665 = arith.constant 1 : i32
    %broadcast_in_dim3A_2666 = vector.broadcast %jit3A_2665 : i32 to vector<16xi32>
    %select_n3A_2667 = arith.select %gt3A_2664, %broadcast_in_dim3A_2666, %broadcast_in_dim3A_2663 : vector<16xi1>, vector<16xi32>
    %select_n3A_2668 = arith.select %gt3A_2664, %gather3A_2637, %gather3A_2633 : vector<16xi1>, vector<16xf32>
    %gt3A_2669 = arith.cmpf ogt, %gather3A_2641, %select_n3A_2668 : vector<16xf32>
    %jit3A_2670 = arith.constant 2 : i32
    %broadcast_in_dim3A_2671 = vector.broadcast %jit3A_2670 : i32 to vector<16xi32>
    %select_n3A_2672 = arith.select %gt3A_2669, %broadcast_in_dim3A_2671, %select_n3A_2667 : vector<16xi1>, vector<16xi32>
    %select_n3A_2673 = arith.select %gt3A_2669, %gather3A_2641, %select_n3A_2668 : vector<16xi1>, vector<16xf32>
    %gt3A_2674 = arith.cmpf ogt, %gather3A_2645, %select_n3A_2673 : vector<16xf32>
    %jit3A_2675 = arith.constant 3 : i32
    %broadcast_in_dim3A_2676 = vector.broadcast %jit3A_2675 : i32 to vector<16xi32>
    %select_n3A_2677 = arith.select %gt3A_2674, %broadcast_in_dim3A_2676, %select_n3A_2672 : vector<16xi1>, vector<16xi32>
    %select_n3A_2678 = arith.select %gt3A_2674, %gather3A_2645, %select_n3A_2673 : vector<16xi1>, vector<16xf32>
    %gt3A_2679 = arith.cmpf ogt, %gather3A_2649, %select_n3A_2678 : vector<16xf32>
    %jit3A_2680 = arith.constant 4 : i32
    %broadcast_in_dim3A_2681 = vector.broadcast %jit3A_2680 : i32 to vector<16xi32>
    %select_n3A_2682 = arith.select %gt3A_2679, %broadcast_in_dim3A_2681, %select_n3A_2677 : vector<16xi1>, vector<16xi32>
    %select_n3A_2683 = arith.select %gt3A_2679, %gather3A_2649, %select_n3A_2678 : vector<16xi1>, vector<16xf32>
    %gt3A_2684 = arith.cmpf ogt, %gather3A_2653, %select_n3A_2683 : vector<16xf32>
    %jit3A_2685 = arith.constant 5 : i32
    %broadcast_in_dim3A_2686 = vector.broadcast %jit3A_2685 : i32 to vector<16xi32>
    %select_n3A_2687 = arith.select %gt3A_2684, %broadcast_in_dim3A_2686, %select_n3A_2682 : vector<16xi1>, vector<16xi32>
    %select_n3A_2688 = arith.select %gt3A_2684, %gather3A_2653, %select_n3A_2683 : vector<16xi1>, vector<16xf32>
    %gt3A_2689 = arith.cmpf ogt, %gather3A_2657, %select_n3A_2688 : vector<16xf32>
    %jit3A_2690 = arith.constant 6 : i32
    %broadcast_in_dim3A_2691 = vector.broadcast %jit3A_2690 : i32 to vector<16xi32>
    %select_n3A_2692 = arith.select %gt3A_2689, %broadcast_in_dim3A_2691, %select_n3A_2687 : vector<16xi1>, vector<16xi32>
    %select_n3A_2693 = arith.select %gt3A_2689, %gather3A_2657, %select_n3A_2688 : vector<16xi1>, vector<16xf32>
    %gt3A_2694 = arith.cmpf ogt, %gather3A_2661, %select_n3A_2693 : vector<16xf32>
    %jit3A_2695 = arith.constant 7 : i32
    %broadcast_in_dim3A_2696 = vector.broadcast %jit3A_2695 : i32 to vector<16xi32>
    %select_n3A_2697 = arith.select %gt3A_2694, %broadcast_in_dim3A_2696, %select_n3A_2692 : vector<16xi1>, vector<16xi32>
    %select_n3A_2698 = arith.select %gt3A_2694, %gather3A_2661, %select_n3A_2693 : vector<16xi1>, vector<16xf32>
    %broadcast_in_dim3A_2699 = arith.constant -1.000000e+00 : f32
    %broadcast_in_dim3A_2700 = vector.broadcast %broadcast_in_dim3A_2699 : f32 to vector<16xf32>
    %broadcast_in_dim3A_2701 = arith.constant 0 : i32
    %broadcast_in_dim3A_2702 = vector.broadcast %broadcast_in_dim3A_2701 : i32 to vector<16xi32>
    %ne3A_2703 = arith.constant 0 : i32
    %ne3A_2704 = vector.broadcast %ne3A_2703 : i32 to vector<16xi32>
    %ne3A_2705 = arith.cmpi ne, %select_n3A_2697, %ne3A_2704 : vector<16xi32>
    %gt3A_2706 = arith.cmpf ogt, %gather3A_2633, %broadcast_in_dim3A_2700 : vector<16xf32>
    %and3A_2707 = arith.andi %ne3A_2705, %gt3A_2706 : vector<16xi1>
    %jit3A_2708 = arith.constant 0 : i32
    %broadcast_in_dim3A_2709 = vector.broadcast %jit3A_2708 : i32 to vector<16xi32>
    %select_n3A_2710 = arith.select %and3A_2707, %broadcast_in_dim3A_2709, %broadcast_in_dim3A_2702 : vector<16xi1>, vector<16xi32>
    %select_n3A_2711 = arith.select %and3A_2707, %gather3A_2633, %broadcast_in_dim3A_2700 : vector<16xi1>, vector<16xf32>
    %ne3A_2712 = arith.constant 1 : i32
    %ne3A_2713 = vector.broadcast %ne3A_2712 : i32 to vector<16xi32>
    %ne3A_2714 = arith.cmpi ne, %select_n3A_2697, %ne3A_2713 : vector<16xi32>
    %gt3A_2715 = arith.cmpf ogt, %gather3A_2637, %select_n3A_2711 : vector<16xf32>
    %and3A_2716 = arith.andi %ne3A_2714, %gt3A_2715 : vector<16xi1>
    %jit3A_2717 = arith.constant 1 : i32
    %broadcast_in_dim3A_2718 = vector.broadcast %jit3A_2717 : i32 to vector<16xi32>
    %select_n3A_2719 = arith.select %and3A_2716, %broadcast_in_dim3A_2718, %select_n3A_2710 : vector<16xi1>, vector<16xi32>
    %select_n3A_2720 = arith.select %and3A_2716, %gather3A_2637, %select_n3A_2711 : vector<16xi1>, vector<16xf32>
    %ne3A_2721 = arith.constant 2 : i32
    %ne3A_2722 = vector.broadcast %ne3A_2721 : i32 to vector<16xi32>
    %ne3A_2723 = arith.cmpi ne, %select_n3A_2697, %ne3A_2722 : vector<16xi32>
    %gt3A_2724 = arith.cmpf ogt, %gather3A_2641, %select_n3A_2720 : vector<16xf32>
    %and3A_2725 = arith.andi %ne3A_2723, %gt3A_2724 : vector<16xi1>
    %jit3A_2726 = arith.constant 2 : i32
    %broadcast_in_dim3A_2727 = vector.broadcast %jit3A_2726 : i32 to vector<16xi32>
    %select_n3A_2728 = arith.select %and3A_2725, %broadcast_in_dim3A_2727, %select_n3A_2719 : vector<16xi1>, vector<16xi32>
    %select_n3A_2729 = arith.select %and3A_2725, %gather3A_2641, %select_n3A_2720 : vector<16xi1>, vector<16xf32>
    %ne3A_2730 = arith.constant 3 : i32
    %ne3A_2731 = vector.broadcast %ne3A_2730 : i32 to vector<16xi32>
    %ne3A_2732 = arith.cmpi ne, %select_n3A_2697, %ne3A_2731 : vector<16xi32>
    %gt3A_2733 = arith.cmpf ogt, %gather3A_2645, %select_n3A_2729 : vector<16xf32>
    %and3A_2734 = arith.andi %ne3A_2732, %gt3A_2733 : vector<16xi1>
    %jit3A_2735 = arith.constant 3 : i32
    %broadcast_in_dim3A_2736 = vector.broadcast %jit3A_2735 : i32 to vector<16xi32>
    %select_n3A_2737 = arith.select %and3A_2734, %broadcast_in_dim3A_2736, %select_n3A_2728 : vector<16xi1>, vector<16xi32>
    %select_n3A_2738 = arith.select %and3A_2734, %gather3A_2645, %select_n3A_2729 : vector<16xi1>, vector<16xf32>
    %ne3A_2739 = arith.constant 4 : i32
    %ne3A_2740 = vector.broadcast %ne3A_2739 : i32 to vector<16xi32>
    %ne3A_2741 = arith.cmpi ne, %select_n3A_2697, %ne3A_2740 : vector<16xi32>
    %gt3A_2742 = arith.cmpf ogt, %gather3A_2649, %select_n3A_2738 : vector<16xf32>
    %and3A_2743 = arith.andi %ne3A_2741, %gt3A_2742 : vector<16xi1>
    %jit3A_2744 = arith.constant 4 : i32
    %broadcast_in_dim3A_2745 = vector.broadcast %jit3A_2744 : i32 to vector<16xi32>
    %select_n3A_2746 = arith.select %and3A_2743, %broadcast_in_dim3A_2745, %select_n3A_2737 : vector<16xi1>, vector<16xi32>
    %select_n3A_2747 = arith.select %and3A_2743, %gather3A_2649, %select_n3A_2738 : vector<16xi1>, vector<16xf32>
    %ne3A_2748 = arith.constant 5 : i32
    %ne3A_2749 = vector.broadcast %ne3A_2748 : i32 to vector<16xi32>
    %ne3A_2750 = arith.cmpi ne, %select_n3A_2697, %ne3A_2749 : vector<16xi32>
    %gt3A_2751 = arith.cmpf ogt, %gather3A_2653, %select_n3A_2747 : vector<16xf32>
    %and3A_2752 = arith.andi %ne3A_2750, %gt3A_2751 : vector<16xi1>
    %jit3A_2753 = arith.constant 5 : i32
    %broadcast_in_dim3A_2754 = vector.broadcast %jit3A_2753 : i32 to vector<16xi32>
    %select_n3A_2755 = arith.select %and3A_2752, %broadcast_in_dim3A_2754, %select_n3A_2746 : vector<16xi1>, vector<16xi32>
    %select_n3A_2756 = arith.select %and3A_2752, %gather3A_2653, %select_n3A_2747 : vector<16xi1>, vector<16xf32>
    %ne3A_2757 = arith.constant 6 : i32
    %ne3A_2758 = vector.broadcast %ne3A_2757 : i32 to vector<16xi32>
    %ne3A_2759 = arith.cmpi ne, %select_n3A_2697, %ne3A_2758 : vector<16xi32>
    %gt3A_2760 = arith.cmpf ogt, %gather3A_2657, %select_n3A_2756 : vector<16xf32>
    %and3A_2761 = arith.andi %ne3A_2759, %gt3A_2760 : vector<16xi1>
    %jit3A_2762 = arith.constant 6 : i32
    %broadcast_in_dim3A_2763 = vector.broadcast %jit3A_2762 : i32 to vector<16xi32>
    %select_n3A_2764 = arith.select %and3A_2761, %broadcast_in_dim3A_2763, %select_n3A_2755 : vector<16xi1>, vector<16xi32>
    %select_n3A_2765 = arith.select %and3A_2761, %gather3A_2657, %select_n3A_2756 : vector<16xi1>, vector<16xf32>
    %ne3A_2766 = arith.constant 7 : i32
    %ne3A_2767 = vector.broadcast %ne3A_2766 : i32 to vector<16xi32>
    %ne3A_2768 = arith.cmpi ne, %select_n3A_2697, %ne3A_2767 : vector<16xi32>
    %gt3A_2769 = arith.cmpf ogt, %gather3A_2661, %select_n3A_2765 : vector<16xf32>
    %and3A_2770 = arith.andi %ne3A_2768, %gt3A_2769 : vector<16xi1>
    %jit3A_2771 = arith.constant 7 : i32
    %broadcast_in_dim3A_2772 = vector.broadcast %jit3A_2771 : i32 to vector<16xi32>
    %select_n3A_2773 = arith.select %and3A_2770, %broadcast_in_dim3A_2772, %select_n3A_2764 : vector<16xi1>, vector<16xi32>
    %select_n3A_2774 = arith.select %and3A_2770, %gather3A_2661, %select_n3A_2765 : vector<16xi1>, vector<16xf32>
    %add3A_2775 = arith.addf %select_n3A_2698, %select_n3A_2774 : vector<16xf32>
    %add3A_2776 = arith.constant 9.99999993E-9 : f32
    %add3A_2777 = vector.broadcast %add3A_2776 : f32 to vector<16xf32>
    %add3A_2778 = arith.addf %add3A_2775, %add3A_2777 : vector<16xf32>
    %div3A_2779 = arith.divf %select_n3A_2698, %add3A_2778 : vector<16xf32>
    %div3A_2780 = arith.divf %select_n3A_2774, %add3A_2778 : vector<16xf32>
    %eq3A_2781 = arith.constant 0 : i32
    %eq3A_2782 = vector.broadcast %eq3A_2781 : i32 to vector<16xi32>
    %eq3A_2783 = arith.cmpi eq, %select_n3A_2697, %eq3A_2782 : vector<16xi32>
    %eq3A_2784 = arith.constant 0 : i32
    %eq3A_2785 = vector.broadcast %eq3A_2784 : i32 to vector<16xi32>
    %eq3A_2786 = arith.cmpi eq, %select_n3A_2773, %eq3A_2785 : vector<16xi32>
    %or3A_2787 = arith.ori %eq3A_2783, %eq3A_2786 : vector<16xi1>
    %convert_element_type3A_2788 = arith.extui %or3A_2787 : vector<16xi1> to vector<16xi32>
    %broadcast_in_dim3A_2789 = arith.constant true
    %broadcast_in_dim3A_2790 = vector.broadcast %broadcast_in_dim3A_2789 : i1 to vector<16xi1>
    %masked_cumsum3A_2791 = tpu.scan <sum>, %convert_element_type3A_2788 masked %broadcast_in_dim3A_2790 : vector<16xi32>, vector<16xi1> -> vector<16xi32>
    %sub3A_2792 = arith.subi %masked_cumsum3A_2791, %convert_element_type3A_2788 : vector<16xi32>
    %add3A_2793 = vector.broadcast %add3A_2362 : i32 to vector<16xi32>
    %add3A_2794 = arith.addi %sub3A_2792, %add3A_2793 : vector<16xi32>
    %reduce_sum3A_2795 = arith.constant true
    %reduce_sum3A_2796 = vector.broadcast %reduce_sum3A_2795 : i1 to vector<16xi1>
    %reduce_sum3A_2797 = tpu.scan <sum>, %convert_element_type3A_2788 masked %reduce_sum3A_2796 : vector<16xi32>, vector<16xi1> -> vector<16xi32>
    %reduce_sum3A_2798 = vector.extract %reduce_sum3A_2797[15] : i32 from vector<16xi32>
    %add3A_2799 = arith.addi %add3A_2362, %reduce_sum3A_2798 : i32
    %jit3A_2800 = arith.constant 0.000000e+00 : f32
    %broadcast_in_dim3A_2801 = vector.broadcast %jit3A_2800 : f32 to vector<16xf32>
    %select_n3A_2802 = arith.select %eq3A_2783, %div3A_2779, %broadcast_in_dim3A_2801 : vector<16xi1>, vector<16xf32>
    %jit3A_2803 = arith.constant 0.000000e+00 : f32
    %broadcast_in_dim3A_2804 = vector.broadcast %jit3A_2803 : f32 to vector<16xf32>
    %select_n3A_2805 = arith.select %eq3A_2786, %div3A_2780, %broadcast_in_dim3A_2804 : vector<16xi1>, vector<16xf32>
    %add3A_2806 = arith.addf %select_n3A_2802, %select_n3A_2805 : vector<16xf32>
    %jit3A_2807 = arith.constant 1048576 : i32
    %broadcast_in_dim3A_2808 = vector.broadcast %jit3A_2807 : i32 to vector<16xi32>
    %select_n3A_2809 = arith.select %or3A_2787, %add3A_2794, %broadcast_in_dim3A_2808 : vector<16xi1>, vector<16xi32>
    %add3A_2810 = arith.constant 0 : i32
    %add3A_2811 = vector.broadcast %add3A_2810 : i32 to vector<16xi32>
    %add3A_2812 = arith.addi %add3A_2629, %add3A_2811 : vector<16xi32>
    tpu.vector_store_idx %arg7[%add3A_2812], %select_n3A_2809 : memref<1024xi32, #tpu.memory_space<vmem>>[vector<16xi32>], vector<16xi32>,
    %add3A_2813 = arith.constant 0 : i32
    %add3A_2814 = vector.broadcast %add3A_2813 : i32 to vector<16xi32>
    %add3A_2815 = arith.addi %add3A_2629, %add3A_2814 : vector<16xi32>
    tpu.vector_store_idx %arg8[%add3A_2815], %add3A_2806 : memref<1024xf32, #tpu.memory_space<vmem>>[vector<16xi32>], vector<16xf32>,
    %eq3A_2816 = arith.constant 1 : i32
    %eq3A_2817 = vector.broadcast %eq3A_2816 : i32 to vector<16xi32>
    %eq3A_2818 = arith.cmpi eq, %select_n3A_2697, %eq3A_2817 : vector<16xi32>
    %eq3A_2819 = arith.constant 1 : i32
    %eq3A_2820 = vector.broadcast %eq3A_2819 : i32 to vector<16xi32>
    %eq3A_2821 = arith.cmpi eq, %select_n3A_2773, %eq3A_2820 : vector<16xi32>
    %or3A_2822 = arith.ori %eq3A_2818, %eq3A_2821 : vector<16xi1>
    %convert_element_type3A_2823 = arith.extui %or3A_2822 : vector<16xi1> to vector<16xi32>
    %broadcast_in_dim3A_2824 = arith.constant true
    %broadcast_in_dim3A_2825 = vector.broadcast %broadcast_in_dim3A_2824 : i1 to vector<16xi1>
    %masked_cumsum3A_2826 = tpu.scan <sum>, %convert_element_type3A_2823 masked %broadcast_in_dim3A_2825 : vector<16xi32>, vector<16xi1> -> vector<16xi32>
    %sub3A_2827 = arith.subi %masked_cumsum3A_2826, %convert_element_type3A_2823 : vector<16xi32>
    %add3A_2828 = vector.broadcast %add3A_2397 : i32 to vector<16xi32>
    %add3A_2829 = arith.addi %sub3A_2827, %add3A_2828 : vector<16xi32>
    %reduce_sum3A_2830 = arith.constant true
    %reduce_sum3A_2831 = vector.broadcast %reduce_sum3A_2830 : i1 to vector<16xi1>
    %reduce_sum3A_2832 = tpu.scan <sum>, %convert_element_type3A_2823 masked %reduce_sum3A_2831 : vector<16xi32>, vector<16xi1> -> vector<16xi32>
    %reduce_sum3A_2833 = vector.extract %reduce_sum3A_2832[15] : i32 from vector<16xi32>
    %add3A_2834 = arith.addi %add3A_2397, %reduce_sum3A_2833 : i32
    %jit3A_2835 = arith.constant 0.000000e+00 : f32
    %broadcast_in_dim3A_2836 = vector.broadcast %jit3A_2835 : f32 to vector<16xf32>
    %select_n3A_2837 = arith.select %eq3A_2818, %div3A_2779, %broadcast_in_dim3A_2836 : vector<16xi1>, vector<16xf32>
    %jit3A_2838 = arith.constant 0.000000e+00 : f32
    %broadcast_in_dim3A_2839 = vector.broadcast %jit3A_2838 : f32 to vector<16xf32>
    %select_n3A_2840 = arith.select %eq3A_2821, %div3A_2780, %broadcast_in_dim3A_2839 : vector<16xi1>, vector<16xf32>
    %add3A_2841 = arith.addf %select_n3A_2837, %select_n3A_2840 : vector<16xf32>
    %jit3A_2842 = arith.constant 1048576 : i32
    %broadcast_in_dim3A_2843 = vector.broadcast %jit3A_2842 : i32 to vector<16xi32>
    %select_n3A_2844 = arith.select %or3A_2822, %add3A_2829, %broadcast_in_dim3A_2843 : vector<16xi1>, vector<16xi32>
    %add3A_2845 = arith.constant 1 : i32
    %add3A_2846 = vector.broadcast %add3A_2845 : i32 to vector<16xi32>
    %add3A_2847 = arith.addi %add3A_2629, %add3A_2846 : vector<16xi32>
    tpu.vector_store_idx %arg7[%add3A_2847], %select_n3A_2844 : memref<1024xi32, #tpu.memory_space<vmem>>[vector<16xi32>], vector<16xi32>,
    %add3A_2848 = arith.constant 1 : i32
    %add3A_2849 = vector.broadcast %add3A_2848 : i32 to vector<16xi32>
    %add3A_2850 = arith.addi %add3A_2629, %add3A_2849 : vector<16xi32>
    tpu.vector_store_idx %arg8[%add3A_2850], %add3A_2841 : memref<1024xf32, #tpu.memory_space<vmem>>[vector<16xi32>], vector<16xf32>,
    %eq3A_2851 = arith.constant 2 : i32
    %eq3A_2852 = vector.broadcast %eq3A_2851 : i32 to vector<16xi32>
    %eq3A_2853 = arith.cmpi eq, %select_n3A_2697, %eq3A_2852 : vector<16xi32>
    %eq3A_2854 = arith.constant 2 : i32
    %eq3A_2855 = vector.broadcast %eq3A_2854 : i32 to vector<16xi32>
    %eq3A_2856 = arith.cmpi eq, %select_n3A_2773, %eq3A_2855 : vector<16xi32>
    %or3A_2857 = arith.ori %eq3A_2853, %eq3A_2856 : vector<16xi1>
    %convert_element_type3A_2858 = arith.extui %or3A_2857 : vector<16xi1> to vector<16xi32>
    %broadcast_in_dim3A_2859 = arith.constant true
    %broadcast_in_dim3A_2860 = vector.broadcast %broadcast_in_dim3A_2859 : i1 to vector<16xi1>
    %masked_cumsum3A_2861 = tpu.scan <sum>, %convert_element_type3A_2858 masked %broadcast_in_dim3A_2860 : vector<16xi32>, vector<16xi1> -> vector<16xi32>
    %sub3A_2862 = arith.subi %masked_cumsum3A_2861, %convert_element_type3A_2858 : vector<16xi32>
    %add3A_2863 = vector.broadcast %add3A_2432 : i32 to vector<16xi32>
    %add3A_2864 = arith.addi %sub3A_2862, %add3A_2863 : vector<16xi32>
    %reduce_sum3A_2865 = arith.constant true
    %reduce_sum3A_2866 = vector.broadcast %reduce_sum3A_2865 : i1 to vector<16xi1>
    %reduce_sum3A_2867 = tpu.scan <sum>, %convert_element_type3A_2858 masked %reduce_sum3A_2866 : vector<16xi32>, vector<16xi1> -> vector<16xi32>
    %reduce_sum3A_2868 = vector.extract %reduce_sum3A_2867[15] : i32 from vector<16xi32>
    %add3A_2869 = arith.addi %add3A_2432, %reduce_sum3A_2868 : i32
    %jit3A_2870 = arith.constant 0.000000e+00 : f32
    %broadcast_in_dim3A_2871 = vector.broadcast %jit3A_2870 : f32 to vector<16xf32>
    %select_n3A_2872 = arith.select %eq3A_2853, %div3A_2779, %broadcast_in_dim3A_2871 : vector<16xi1>, vector<16xf32>
    %jit3A_2873 = arith.constant 0.000000e+00 : f32
    %broadcast_in_dim3A_2874 = vector.broadcast %jit3A_2873 : f32 to vector<16xf32>
    %select_n3A_2875 = arith.select %eq3A_2856, %div3A_2780, %broadcast_in_dim3A_2874 : vector<16xi1>, vector<16xf32>
    %add3A_2876 = arith.addf %select_n3A_2872, %select_n3A_2875 : vector<16xf32>
    %jit3A_2877 = arith.constant 1048576 : i32
    %broadcast_in_dim3A_2878 = vector.broadcast %jit3A_2877 : i32 to vector<16xi32>
    %select_n3A_2879 = arith.select %or3A_2857, %add3A_2864, %broadcast_in_dim3A_2878 : vector<16xi1>, vector<16xi32>
    %add3A_2880 = arith.constant 2 : i32
    %add3A_2881 = vector.broadcast %add3A_2880 : i32 to vector<16xi32>
    %add3A_2882 = arith.addi %add3A_2629, %add3A_2881 : vector<16xi32>
    tpu.vector_store_idx %arg7[%add3A_2882], %select_n3A_2879 : memref<1024xi32, #tpu.memory_space<vmem>>[vector<16xi32>], vector<16xi32>,
    %add3A_2883 = arith.constant 2 : i32
    %add3A_2884 = vector.broadcast %add3A_2883 : i32 to vector<16xi32>
    %add3A_2885 = arith.addi %add3A_2629, %add3A_2884 : vector<16xi32>
    tpu.vector_store_idx %arg8[%add3A_2885], %add3A_2876 : memref<1024xf32, #tpu.memory_space<vmem>>[vector<16xi32>], vector<16xf32>,
    %eq3A_2886 = arith.constant 3 : i32
    %eq3A_2887 = vector.broadcast %eq3A_2886 : i32 to vector<16xi32>
    %eq3A_2888 = arith.cmpi eq, %select_n3A_2697, %eq3A_2887 : vector<16xi32>
    %eq3A_2889 = arith.constant 3 : i32
    %eq3A_2890 = vector.broadcast %eq3A_2889 : i32 to vector<16xi32>
    %eq3A_2891 = arith.cmpi eq, %select_n3A_2773, %eq3A_2890 : vector<16xi32>
    %or3A_2892 = arith.ori %eq3A_2888, %eq3A_2891 : vector<16xi1>
    %convert_element_type3A_2893 = arith.extui %or3A_2892 : vector<16xi1> to vector<16xi32>
    %broadcast_in_dim3A_2894 = arith.constant true
    %broadcast_in_dim3A_2895 = vector.broadcast %broadcast_in_dim3A_2894 : i1 to vector<16xi1>
    %masked_cumsum3A_2896 = tpu.scan <sum>, %convert_element_type3A_2893 masked %broadcast_in_dim3A_2895 : vector<16xi32>, vector<16xi1> -> vector<16xi32>
    %sub3A_2897 = arith.subi %masked_cumsum3A_2896, %convert_element_type3A_2893 : vector<16xi32>
    %add3A_2898 = vector.broadcast %add3A_2467 : i32 to vector<16xi32>
    %add3A_2899 = arith.addi %sub3A_2897, %add3A_2898 : vector<16xi32>
    %reduce_sum3A_2900 = arith.constant true
    %reduce_sum3A_2901 = vector.broadcast %reduce_sum3A_2900 : i1 to vector<16xi1>
    %reduce_sum3A_2902 = tpu.scan <sum>, %convert_element_type3A_2893 masked %reduce_sum3A_2901 : vector<16xi32>, vector<16xi1> -> vector<16xi32>
    %reduce_sum3A_2903 = vector.extract %reduce_sum3A_2902[15] : i32 from vector<16xi32>
    %add3A_2904 = arith.addi %add3A_2467, %reduce_sum3A_2903 : i32
    %jit3A_2905 = arith.constant 0.000000e+00 : f32
    %broadcast_in_dim3A_2906 = vector.broadcast %jit3A_2905 : f32 to vector<16xf32>
    %select_n3A_2907 = arith.select %eq3A_2888, %div3A_2779, %broadcast_in_dim3A_2906 : vector<16xi1>, vector<16xf32>
    %jit3A_2908 = arith.constant 0.000000e+00 : f32
    %broadcast_in_dim3A_2909 = vector.broadcast %jit3A_2908 : f32 to vector<16xf32>
    %select_n3A_2910 = arith.select %eq3A_2891, %div3A_2780, %broadcast_in_dim3A_2909 : vector<16xi1>, vector<16xf32>
    %add3A_2911 = arith.addf %select_n3A_2907, %select_n3A_2910 : vector<16xf32>
    %jit3A_2912 = arith.constant 1048576 : i32
    %broadcast_in_dim3A_2913 = vector.broadcast %jit3A_2912 : i32 to vector<16xi32>
    %select_n3A_2914 = arith.select %or3A_2892, %add3A_2899, %broadcast_in_dim3A_2913 : vector<16xi1>, vector<16xi32>
    %add3A_2915 = arith.constant 3 : i32
    %add3A_2916 = vector.broadcast %add3A_2915 : i32 to vector<16xi32>
    %add3A_2917 = arith.addi %add3A_2629, %add3A_2916 : vector<16xi32>
    tpu.vector_store_idx %arg7[%add3A_2917], %select_n3A_2914 : memref<1024xi32, #tpu.memory_space<vmem>>[vector<16xi32>], vector<16xi32>,
    %add3A_2918 = arith.constant 3 : i32
    %add3A_2919 = vector.broadcast %add3A_2918 : i32 to vector<16xi32>
    %add3A_2920 = arith.addi %add3A_2629, %add3A_2919 : vector<16xi32>
    tpu.vector_store_idx %arg8[%add3A_2920], %add3A_2911 : memref<1024xf32, #tpu.memory_space<vmem>>[vector<16xi32>], vector<16xf32>,
    %eq3A_2921 = arith.constant 4 : i32
    %eq3A_2922 = vector.broadcast %eq3A_2921 : i32 to vector<16xi32>
    %eq3A_2923 = arith.cmpi eq, %select_n3A_2697, %eq3A_2922 : vector<16xi32>
    %eq3A_2924 = arith.constant 4 : i32
    %eq3A_2925 = vector.broadcast %eq3A_2924 : i32 to vector<16xi32>
    %eq3A_2926 = arith.cmpi eq, %select_n3A_2773, %eq3A_2925 : vector<16xi32>
    %or3A_2927 = arith.ori %eq3A_2923, %eq3A_2926 : vector<16xi1>
    %convert_element_type3A_2928 = arith.extui %or3A_2927 : vector<16xi1> to vector<16xi32>
    %broadcast_in_dim3A_2929 = arith.constant true
    %broadcast_in_dim3A_2930 = vector.broadcast %broadcast_in_dim3A_2929 : i1 to vector<16xi1>
    %masked_cumsum3A_2931 = tpu.scan <sum>, %convert_element_type3A_2928 masked %broadcast_in_dim3A_2930 : vector<16xi32>, vector<16xi1> -> vector<16xi32>
    %sub3A_2932 = arith.subi %masked_cumsum3A_2931, %convert_element_type3A_2928 : vector<16xi32>
    %add3A_2933 = vector.broadcast %add3A_2502 : i32 to vector<16xi32>
    %add3A_2934 = arith.addi %sub3A_2932, %add3A_2933 : vector<16xi32>
    %reduce_sum3A_2935 = arith.constant true
    %reduce_sum3A_2936 = vector.broadcast %reduce_sum3A_2935 : i1 to vector<16xi1>
    %reduce_sum3A_2937 = tpu.scan <sum>, %convert_element_type3A_2928 masked %reduce_sum3A_2936 : vector<16xi32>, vector<16xi1> -> vector<16xi32>
    %reduce_sum3A_2938 = vector.extract %reduce_sum3A_2937[15] : i32 from vector<16xi32>
    %add3A_2939 = arith.addi %add3A_2502, %reduce_sum3A_2938 : i32
    %jit3A_2940 = arith.constant 0.000000e+00 : f32
    %broadcast_in_dim3A_2941 = vector.broadcast %jit3A_2940 : f32 to vector<16xf32>
    %select_n3A_2942 = arith.select %eq3A_2923, %div3A_2779, %broadcast_in_dim3A_2941 : vector<16xi1>, vector<16xf32>
    %jit3A_2943 = arith.constant 0.000000e+00 : f32
    %broadcast_in_dim3A_2944 = vector.broadcast %jit3A_2943 : f32 to vector<16xf32>
    %select_n3A_2945 = arith.select %eq3A_2926, %div3A_2780, %broadcast_in_dim3A_2944 : vector<16xi1>, vector<16xf32>
    %add3A_2946 = arith.addf %select_n3A_2942, %select_n3A_2945 : vector<16xf32>
    %jit3A_2947 = arith.constant 1048576 : i32
    %broadcast_in_dim3A_2948 = vector.broadcast %jit3A_2947 : i32 to vector<16xi32>
    %select_n3A_2949 = arith.select %or3A_2927, %add3A_2934, %broadcast_in_dim3A_2948 : vector<16xi1>, vector<16xi32>
    %add3A_2950 = arith.constant 4 : i32
    %add3A_2951 = vector.broadcast %add3A_2950 : i32 to vector<16xi32>
    %add3A_2952 = arith.addi %add3A_2629, %add3A_2951 : vector<16xi32>
    tpu.vector_store_idx %arg7[%add3A_2952], %select_n3A_2949 : memref<1024xi32, #tpu.memory_space<vmem>>[vector<16xi32>], vector<16xi32>,
    %add3A_2953 = arith.constant 4 : i32
    %add3A_2954 = vector.broadcast %add3A_2953 : i32 to vector<16xi32>
    %add3A_2955 = arith.addi %add3A_2629, %add3A_2954 : vector<16xi32>
    tpu.vector_store_idx %arg8[%add3A_2955], %add3A_2946 : memref<1024xf32, #tpu.memory_space<vmem>>[vector<16xi32>], vector<16xf32>,
    %eq3A_2956 = arith.constant 5 : i32
    %eq3A_2957 = vector.broadcast %eq3A_2956 : i32 to vector<16xi32>
    %eq3A_2958 = arith.cmpi eq, %select_n3A_2697, %eq3A_2957 : vector<16xi32>
    %eq3A_2959 = arith.constant 5 : i32
    %eq3A_2960 = vector.broadcast %eq3A_2959 : i32 to vector<16xi32>
    %eq3A_2961 = arith.cmpi eq, %select_n3A_2773, %eq3A_2960 : vector<16xi32>
    %or3A_2962 = arith.ori %eq3A_2958, %eq3A_2961 : vector<16xi1>
    %convert_element_type3A_2963 = arith.extui %or3A_2962 : vector<16xi1> to vector<16xi32>
    %broadcast_in_dim3A_2964 = arith.constant true
    %broadcast_in_dim3A_2965 = vector.broadcast %broadcast_in_dim3A_2964 : i1 to vector<16xi1>
    %masked_cumsum3A_2966 = tpu.scan <sum>, %convert_element_type3A_2963 masked %broadcast_in_dim3A_2965 : vector<16xi32>, vector<16xi1> -> vector<16xi32>
    %sub3A_2967 = arith.subi %masked_cumsum3A_2966, %convert_element_type3A_2963 : vector<16xi32>
    %add3A_2968 = vector.broadcast %add3A_2537 : i32 to vector<16xi32>
    %add3A_2969 = arith.addi %sub3A_2967, %add3A_2968 : vector<16xi32>
    %reduce_sum3A_2970 = arith.constant true
    %reduce_sum3A_2971 = vector.broadcast %reduce_sum3A_2970 : i1 to vector<16xi1>
    %reduce_sum3A_2972 = tpu.scan <sum>, %convert_element_type3A_2963 masked %reduce_sum3A_2971 : vector<16xi32>, vector<16xi1> -> vector<16xi32>
    %reduce_sum3A_2973 = vector.extract %reduce_sum3A_2972[15] : i32 from vector<16xi32>
    %add3A_2974 = arith.addi %add3A_2537, %reduce_sum3A_2973 : i32
    %jit3A_2975 = arith.constant 0.000000e+00 : f32
    %broadcast_in_dim3A_2976 = vector.broadcast %jit3A_2975 : f32 to vector<16xf32>
    %select_n3A_2977 = arith.select %eq3A_2958, %div3A_2779, %broadcast_in_dim3A_2976 : vector<16xi1>, vector<16xf32>
    %jit3A_2978 = arith.constant 0.000000e+00 : f32
    %broadcast_in_dim3A_2979 = vector.broadcast %jit3A_2978 : f32 to vector<16xf32>
    %select_n3A_2980 = arith.select %eq3A_2961, %div3A_2780, %broadcast_in_dim3A_2979 : vector<16xi1>, vector<16xf32>
    %add3A_2981 = arith.addf %select_n3A_2977, %select_n3A_2980 : vector<16xf32>
    %jit3A_2982 = arith.constant 1048576 : i32
    %broadcast_in_dim3A_2983 = vector.broadcast %jit3A_2982 : i32 to vector<16xi32>
    %select_n3A_2984 = arith.select %or3A_2962, %add3A_2969, %broadcast_in_dim3A_2983 : vector<16xi1>, vector<16xi32>
    %add3A_2985 = arith.constant 5 : i32
    %add3A_2986 = vector.broadcast %add3A_2985 : i32 to vector<16xi32>
    %add3A_2987 = arith.addi %add3A_2629, %add3A_2986 : vector<16xi32>
    tpu.vector_store_idx %arg7[%add3A_2987], %select_n3A_2984 : memref<1024xi32, #tpu.memory_space<vmem>>[vector<16xi32>], vector<16xi32>,
    %add3A_2988 = arith.constant 5 : i32
    %add3A_2989 = vector.broadcast %add3A_2988 : i32 to vector<16xi32>
    %add3A_2990 = arith.addi %add3A_2629, %add3A_2989 : vector<16xi32>
    tpu.vector_store_idx %arg8[%add3A_2990], %add3A_2981 : memref<1024xf32, #tpu.memory_space<vmem>>[vector<16xi32>], vector<16xf32>,
    %eq3A_2991 = arith.constant 6 : i32
    %eq3A_2992 = vector.broadcast %eq3A_2991 : i32 to vector<16xi32>
    %eq3A_2993 = arith.cmpi eq, %select_n3A_2697, %eq3A_2992 : vector<16xi32>
    %eq3A_2994 = arith.constant 6 : i32
    %eq3A_2995 = vector.broadcast %eq3A_2994 : i32 to vector<16xi32>
    %eq3A_2996 = arith.cmpi eq, %select_n3A_2773, %eq3A_2995 : vector<16xi32>
    %or3A_2997 = arith.ori %eq3A_2993, %eq3A_2996 : vector<16xi1>
    %convert_element_type3A_2998 = arith.extui %or3A_2997 : vector<16xi1> to vector<16xi32>
    %broadcast_in_dim3A_2999 = arith.constant true
    %broadcast_in_dim3A_3000 = vector.broadcast %broadcast_in_dim3A_2999 : i1 to vector<16xi1>
    %masked_cumsum3A_3001 = tpu.scan <sum>, %convert_element_type3A_2998 masked %broadcast_in_dim3A_3000 : vector<16xi32>, vector<16xi1> -> vector<16xi32>
    %sub3A_3002 = arith.subi %masked_cumsum3A_3001, %convert_element_type3A_2998 : vector<16xi32>
    %add3A_3003 = vector.broadcast %add3A_2572 : i32 to vector<16xi32>
    %add3A_3004 = arith.addi %sub3A_3002, %add3A_3003 : vector<16xi32>
    %reduce_sum3A_3005 = arith.constant true
    %reduce_sum3A_3006 = vector.broadcast %reduce_sum3A_3005 : i1 to vector<16xi1>
    %reduce_sum3A_3007 = tpu.scan <sum>, %convert_element_type3A_2998 masked %reduce_sum3A_3006 : vector<16xi32>, vector<16xi1> -> vector<16xi32>
    %reduce_sum3A_3008 = vector.extract %reduce_sum3A_3007[15] : i32 from vector<16xi32>
    %add3A_3009 = arith.addi %add3A_2572, %reduce_sum3A_3008 : i32
    %jit3A_3010 = arith.constant 0.000000e+00 : f32
    %broadcast_in_dim3A_3011 = vector.broadcast %jit3A_3010 : f32 to vector<16xf32>
    %select_n3A_3012 = arith.select %eq3A_2993, %div3A_2779, %broadcast_in_dim3A_3011 : vector<16xi1>, vector<16xf32>
    %jit3A_3013 = arith.constant 0.000000e+00 : f32
    %broadcast_in_dim3A_3014 = vector.broadcast %jit3A_3013 : f32 to vector<16xf32>
    %select_n3A_3015 = arith.select %eq3A_2996, %div3A_2780, %broadcast_in_dim3A_3014 : vector<16xi1>, vector<16xf32>
    %add3A_3016 = arith.addf %select_n3A_3012, %select_n3A_3015 : vector<16xf32>
    %jit3A_3017 = arith.constant 1048576 : i32
    %broadcast_in_dim3A_3018 = vector.broadcast %jit3A_3017 : i32 to vector<16xi32>
    %select_n3A_3019 = arith.select %or3A_2997, %add3A_3004, %broadcast_in_dim3A_3018 : vector<16xi1>, vector<16xi32>
    %add3A_3020 = arith.constant 6 : i32
    %add3A_3021 = vector.broadcast %add3A_3020 : i32 to vector<16xi32>
    %add3A_3022 = arith.addi %add3A_2629, %add3A_3021 : vector<16xi32>
    tpu.vector_store_idx %arg7[%add3A_3022], %select_n3A_3019 : memref<1024xi32, #tpu.memory_space<vmem>>[vector<16xi32>], vector<16xi32>,
    %add3A_3023 = arith.constant 6 : i32
    %add3A_3024 = vector.broadcast %add3A_3023 : i32 to vector<16xi32>
    %add3A_3025 = arith.addi %add3A_2629, %add3A_3024 : vector<16xi32>
    tpu.vector_store_idx %arg8[%add3A_3025], %add3A_3016 : memref<1024xf32, #tpu.memory_space<vmem>>[vector<16xi32>], vector<16xf32>,
    %eq3A_3026 = arith.constant 7 : i32
    %eq3A_3027 = vector.broadcast %eq3A_3026 : i32 to vector<16xi32>
    %eq3A_3028 = arith.cmpi eq, %select_n3A_2697, %eq3A_3027 : vector<16xi32>
    %eq3A_3029 = arith.constant 7 : i32
    %eq3A_3030 = vector.broadcast %eq3A_3029 : i32 to vector<16xi32>
    %eq3A_3031 = arith.cmpi eq, %select_n3A_2773, %eq3A_3030 : vector<16xi32>
    %or3A_3032 = arith.ori %eq3A_3028, %eq3A_3031 : vector<16xi1>
    %convert_element_type3A_3033 = arith.extui %or3A_3032 : vector<16xi1> to vector<16xi32>
    %broadcast_in_dim3A_3034 = arith.constant true
    %broadcast_in_dim3A_3035 = vector.broadcast %broadcast_in_dim3A_3034 : i1 to vector<16xi1>
    %masked_cumsum3A_3036 = tpu.scan <sum>, %convert_element_type3A_3033 masked %broadcast_in_dim3A_3035 : vector<16xi32>, vector<16xi1> -> vector<16xi32>
    %sub3A_3037 = arith.subi %masked_cumsum3A_3036, %convert_element_type3A_3033 : vector<16xi32>
    %add3A_3038 = vector.broadcast %add3A_2607 : i32 to vector<16xi32>
    %add3A_3039 = arith.addi %sub3A_3037, %add3A_3038 : vector<16xi32>
    %reduce_sum3A_3040 = arith.constant true
    %reduce_sum3A_3041 = vector.broadcast %reduce_sum3A_3040 : i1 to vector<16xi1>
    %reduce_sum3A_3042 = tpu.scan <sum>, %convert_element_type3A_3033 masked %reduce_sum3A_3041 : vector<16xi32>, vector<16xi1> -> vector<16xi32>
    %reduce_sum3A_3043 = vector.extract %reduce_sum3A_3042[15] : i32 from vector<16xi32>
    %add3A_3044 = arith.addi %add3A_2607, %reduce_sum3A_3043 : i32
    %jit3A_3045 = arith.constant 0.000000e+00 : f32
    %broadcast_in_dim3A_3046 = vector.broadcast %jit3A_3045 : f32 to vector<16xf32>
    %select_n3A_3047 = arith.select %eq3A_3028, %div3A_2779, %broadcast_in_dim3A_3046 : vector<16xi1>, vector<16xf32>
    %jit3A_3048 = arith.constant 0.000000e+00 : f32
    %broadcast_in_dim3A_3049 = vector.broadcast %jit3A_3048 : f32 to vector<16xf32>
    %select_n3A_3050 = arith.select %eq3A_3031, %div3A_2780, %broadcast_in_dim3A_3049 : vector<16xi1>, vector<16xf32>
    %add3A_3051 = arith.addf %select_n3A_3047, %select_n3A_3050 : vector<16xf32>
    %jit3A_3052 = arith.constant 1048576 : i32
    %broadcast_in_dim3A_3053 = vector.broadcast %jit3A_3052 : i32 to vector<16xi32>
    %select_n3A_3054 = arith.select %or3A_3032, %add3A_3039, %broadcast_in_dim3A_3053 : vector<16xi1>, vector<16xi32>
    %add3A_3055 = arith.constant 7 : i32
    %add3A_3056 = vector.broadcast %add3A_3055 : i32 to vector<16xi32>
    %add3A_3057 = arith.addi %add3A_2629, %add3A_3056 : vector<16xi32>
    tpu.vector_store_idx %arg7[%add3A_3057], %select_n3A_3054 : memref<1024xi32, #tpu.memory_space<vmem>>[vector<16xi32>], vector<16xi32>,
    %add3A_3058 = arith.constant 7 : i32
    %add3A_3059 = vector.broadcast %add3A_3058 : i32 to vector<16xi32>
    %add3A_3060 = arith.addi %add3A_2629, %add3A_3059 : vector<16xi32>
    tpu.vector_store_idx %arg8[%add3A_3060], %add3A_3051 : memref<1024xf32, #tpu.memory_space<vmem>>[vector<16xi32>], vector<16xf32>,
    %mul3A_3061 = arith.constant 8 : i32
    %mul3A_3062 = vector.broadcast %mul3A_3061 : i32 to vector<16xi32>
    %mul3A_3063 = arith.muli %iota3A, %mul3A_3062 : vector<16xi32>
    %add3A_3064 = arith.constant 896 : i32
    %add3A_3065 = vector.broadcast %add3A_3064 : i32 to vector<16xi32>
    %add3A_3066 = arith.addi %mul3A_3063, %add3A_3065 : vector<16xi32>
    %add3A_3067 = arith.constant 0 : i32
    %add3A_3068 = vector.broadcast %add3A_3067 : i32 to vector<16xi32>
    %add3A_3069 = arith.addi %add3A_3066, %add3A_3068 : vector<16xi32>
    %gather3A_3070 = tpu.vector_load_idx %arg6[%add3A_3069] : memref<1024xf32, #tpu.memory_space<vmem>>[vector<16xi32>], vector<16xf32>,
    %add3A_3071 = arith.constant 1 : i32
    %add3A_3072 = vector.broadcast %add3A_3071 : i32 to vector<16xi32>
    %add3A_3073 = arith.addi %add3A_3066, %add3A_3072 : vector<16xi32>
    %gather3A_3074 = tpu.vector_load_idx %arg6[%add3A_3073] : memref<1024xf32, #tpu.memory_space<vmem>>[vector<16xi32>], vector<16xf32>,
    %add3A_3075 = arith.constant 2 : i32
    %add3A_3076 = vector.broadcast %add3A_3075 : i32 to vector<16xi32>
    %add3A_3077 = arith.addi %add3A_3066, %add3A_3076 : vector<16xi32>
    %gather3A_3078 = tpu.vector_load_idx %arg6[%add3A_3077] : memref<1024xf32, #tpu.memory_space<vmem>>[vector<16xi32>], vector<16xf32>,
    %add3A_3079 = arith.constant 3 : i32
    %add3A_3080 = vector.broadcast %add3A_3079 : i32 to vector<16xi32>
    %add3A_3081 = arith.addi %add3A_3066, %add3A_3080 : vector<16xi32>
    %gather3A_3082 = tpu.vector_load_idx %arg6[%add3A_3081] : memref<1024xf32, #tpu.memory_space<vmem>>[vector<16xi32>], vector<16xf32>,
    %add3A_3083 = arith.constant 4 : i32
    %add3A_3084 = vector.broadcast %add3A_3083 : i32 to vector<16xi32>
    %add3A_3085 = arith.addi %add3A_3066, %add3A_3084 : vector<16xi32>
    %gather3A_3086 = tpu.vector_load_idx %arg6[%add3A_3085] : memref<1024xf32, #tpu.memory_space<vmem>>[vector<16xi32>], vector<16xf32>,
    %add3A_3087 = arith.constant 5 : i32
    %add3A_3088 = vector.broadcast %add3A_3087 : i32 to vector<16xi32>
    %add3A_3089 = arith.addi %add3A_3066, %add3A_3088 : vector<16xi32>
    %gather3A_3090 = tpu.vector_load_idx %arg6[%add3A_3089] : memref<1024xf32, #tpu.memory_space<vmem>>[vector<16xi32>], vector<16xf32>,
    %add3A_3091 = arith.constant 6 : i32
    %add3A_3092 = vector.broadcast %add3A_3091 : i32 to vector<16xi32>
    %add3A_3093 = arith.addi %add3A_3066, %add3A_3092 : vector<16xi32>
    %gather3A_3094 = tpu.vector_load_idx %arg6[%add3A_3093] : memref<1024xf32, #tpu.memory_space<vmem>>[vector<16xi32>], vector<16xf32>,
    %add3A_3095 = arith.constant 7 : i32
    %add3A_3096 = vector.broadcast %add3A_3095 : i32 to vector<16xi32>
    %add3A_3097 = arith.addi %add3A_3066, %add3A_3096 : vector<16xi32>
    %gather3A_3098 = tpu.vector_load_idx %arg6[%add3A_3097] : memref<1024xf32, #tpu.memory_space<vmem>>[vector<16xi32>], vector<16xf32>,
    %broadcast_in_dim3A_3099 = arith.constant 0 : i32
    %broadcast_in_dim3A_3100 = vector.broadcast %broadcast_in_dim3A_3099 : i32 to vector<16xi32>
    %gt3A_3101 = arith.cmpf ogt, %gather3A_3074, %gather3A_3070 : vector<16xf32>
    %jit3A_3102 = arith.constant 1 : i32
    %broadcast_in_dim3A_3103 = vector.broadcast %jit3A_3102 : i32 to vector<16xi32>
    %select_n3A_3104 = arith.select %gt3A_3101, %broadcast_in_dim3A_3103, %broadcast_in_dim3A_3100 : vector<16xi1>, vector<16xi32>
    %select_n3A_3105 = arith.select %gt3A_3101, %gather3A_3074, %gather3A_3070 : vector<16xi1>, vector<16xf32>
    %gt3A_3106 = arith.cmpf ogt, %gather3A_3078, %select_n3A_3105 : vector<16xf32>
    %jit3A_3107 = arith.constant 2 : i32
    %broadcast_in_dim3A_3108 = vector.broadcast %jit3A_3107 : i32 to vector<16xi32>
    %select_n3A_3109 = arith.select %gt3A_3106, %broadcast_in_dim3A_3108, %select_n3A_3104 : vector<16xi1>, vector<16xi32>
    %select_n3A_3110 = arith.select %gt3A_3106, %gather3A_3078, %select_n3A_3105 : vector<16xi1>, vector<16xf32>
    %gt3A_3111 = arith.cmpf ogt, %gather3A_3082, %select_n3A_3110 : vector<16xf32>
    %jit3A_3112 = arith.constant 3 : i32
    %broadcast_in_dim3A_3113 = vector.broadcast %jit3A_3112 : i32 to vector<16xi32>
    %select_n3A_3114 = arith.select %gt3A_3111, %broadcast_in_dim3A_3113, %select_n3A_3109 : vector<16xi1>, vector<16xi32>
    %select_n3A_3115 = arith.select %gt3A_3111, %gather3A_3082, %select_n3A_3110 : vector<16xi1>, vector<16xf32>
    %gt3A_3116 = arith.cmpf ogt, %gather3A_3086, %select_n3A_3115 : vector<16xf32>
    %jit3A_3117 = arith.constant 4 : i32
    %broadcast_in_dim3A_3118 = vector.broadcast %jit3A_3117 : i32 to vector<16xi32>
    %select_n3A_3119 = arith.select %gt3A_3116, %broadcast_in_dim3A_3118, %select_n3A_3114 : vector<16xi1>, vector<16xi32>
    %select_n3A_3120 = arith.select %gt3A_3116, %gather3A_3086, %select_n3A_3115 : vector<16xi1>, vector<16xf32>
    %gt3A_3121 = arith.cmpf ogt, %gather3A_3090, %select_n3A_3120 : vector<16xf32>
    %jit3A_3122 = arith.constant 5 : i32
    %broadcast_in_dim3A_3123 = vector.broadcast %jit3A_3122 : i32 to vector<16xi32>
    %select_n3A_3124 = arith.select %gt3A_3121, %broadcast_in_dim3A_3123, %select_n3A_3119 : vector<16xi1>, vector<16xi32>
    %select_n3A_3125 = arith.select %gt3A_3121, %gather3A_3090, %select_n3A_3120 : vector<16xi1>, vector<16xf32>
    %gt3A_3126 = arith.cmpf ogt, %gather3A_3094, %select_n3A_3125 : vector<16xf32>
    %jit3A_3127 = arith.constant 6 : i32
    %broadcast_in_dim3A_3128 = vector.broadcast %jit3A_3127 : i32 to vector<16xi32>
    %select_n3A_3129 = arith.select %gt3A_3126, %broadcast_in_dim3A_3128, %select_n3A_3124 : vector<16xi1>, vector<16xi32>
    %select_n3A_3130 = arith.select %gt3A_3126, %gather3A_3094, %select_n3A_3125 : vector<16xi1>, vector<16xf32>
    %gt3A_3131 = arith.cmpf ogt, %gather3A_3098, %select_n3A_3130 : vector<16xf32>
    %jit3A_3132 = arith.constant 7 : i32
    %broadcast_in_dim3A_3133 = vector.broadcast %jit3A_3132 : i32 to vector<16xi32>
    %select_n3A_3134 = arith.select %gt3A_3131, %broadcast_in_dim3A_3133, %select_n3A_3129 : vector<16xi1>, vector<16xi32>
    %select_n3A_3135 = arith.select %gt3A_3131, %gather3A_3098, %select_n3A_3130 : vector<16xi1>, vector<16xf32>
    %broadcast_in_dim3A_3136 = arith.constant -1.000000e+00 : f32
    %broadcast_in_dim3A_3137 = vector.broadcast %broadcast_in_dim3A_3136 : f32 to vector<16xf32>
    %broadcast_in_dim3A_3138 = arith.constant 0 : i32
    %broadcast_in_dim3A_3139 = vector.broadcast %broadcast_in_dim3A_3138 : i32 to vector<16xi32>
    %ne3A_3140 = arith.constant 0 : i32
    %ne3A_3141 = vector.broadcast %ne3A_3140 : i32 to vector<16xi32>
    %ne3A_3142 = arith.cmpi ne, %select_n3A_3134, %ne3A_3141 : vector<16xi32>
    %gt3A_3143 = arith.cmpf ogt, %gather3A_3070, %broadcast_in_dim3A_3137 : vector<16xf32>
    %and3A_3144 = arith.andi %ne3A_3142, %gt3A_3143 : vector<16xi1>
    %jit3A_3145 = arith.constant 0 : i32
    %broadcast_in_dim3A_3146 = vector.broadcast %jit3A_3145 : i32 to vector<16xi32>
    %select_n3A_3147 = arith.select %and3A_3144, %broadcast_in_dim3A_3146, %broadcast_in_dim3A_3139 : vector<16xi1>, vector<16xi32>
    %select_n3A_3148 = arith.select %and3A_3144, %gather3A_3070, %broadcast_in_dim3A_3137 : vector<16xi1>, vector<16xf32>
    %ne3A_3149 = arith.constant 1 : i32
    %ne3A_3150 = vector.broadcast %ne3A_3149 : i32 to vector<16xi32>
    %ne3A_3151 = arith.cmpi ne, %select_n3A_3134, %ne3A_3150 : vector<16xi32>
    %gt3A_3152 = arith.cmpf ogt, %gather3A_3074, %select_n3A_3148 : vector<16xf32>
    %and3A_3153 = arith.andi %ne3A_3151, %gt3A_3152 : vector<16xi1>
    %jit3A_3154 = arith.constant 1 : i32
    %broadcast_in_dim3A_3155 = vector.broadcast %jit3A_3154 : i32 to vector<16xi32>
    %select_n3A_3156 = arith.select %and3A_3153, %broadcast_in_dim3A_3155, %select_n3A_3147 : vector<16xi1>, vector<16xi32>
    %select_n3A_3157 = arith.select %and3A_3153, %gather3A_3074, %select_n3A_3148 : vector<16xi1>, vector<16xf32>
    %ne3A_3158 = arith.constant 2 : i32
    %ne3A_3159 = vector.broadcast %ne3A_3158 : i32 to vector<16xi32>
    %ne3A_3160 = arith.cmpi ne, %select_n3A_3134, %ne3A_3159 : vector<16xi32>
    %gt3A_3161 = arith.cmpf ogt, %gather3A_3078, %select_n3A_3157 : vector<16xf32>
    %and3A_3162 = arith.andi %ne3A_3160, %gt3A_3161 : vector<16xi1>
    %jit3A_3163 = arith.constant 2 : i32
    %broadcast_in_dim3A_3164 = vector.broadcast %jit3A_3163 : i32 to vector<16xi32>
    %select_n3A_3165 = arith.select %and3A_3162, %broadcast_in_dim3A_3164, %select_n3A_3156 : vector<16xi1>, vector<16xi32>
    %select_n3A_3166 = arith.select %and3A_3162, %gather3A_3078, %select_n3A_3157 : vector<16xi1>, vector<16xf32>
    %ne3A_3167 = arith.constant 3 : i32
    %ne3A_3168 = vector.broadcast %ne3A_3167 : i32 to vector<16xi32>
    %ne3A_3169 = arith.cmpi ne, %select_n3A_3134, %ne3A_3168 : vector<16xi32>
    %gt3A_3170 = arith.cmpf ogt, %gather3A_3082, %select_n3A_3166 : vector<16xf32>
    %and3A_3171 = arith.andi %ne3A_3169, %gt3A_3170 : vector<16xi1>
    %jit3A_3172 = arith.constant 3 : i32
    %broadcast_in_dim3A_3173 = vector.broadcast %jit3A_3172 : i32 to vector<16xi32>
    %select_n3A_3174 = arith.select %and3A_3171, %broadcast_in_dim3A_3173, %select_n3A_3165 : vector<16xi1>, vector<16xi32>
    %select_n3A_3175 = arith.select %and3A_3171, %gather3A_3082, %select_n3A_3166 : vector<16xi1>, vector<16xf32>
    %ne3A_3176 = arith.constant 4 : i32
    %ne3A_3177 = vector.broadcast %ne3A_3176 : i32 to vector<16xi32>
    %ne3A_3178 = arith.cmpi ne, %select_n3A_3134, %ne3A_3177 : vector<16xi32>
    %gt3A_3179 = arith.cmpf ogt, %gather3A_3086, %select_n3A_3175 : vector<16xf32>
    %and3A_3180 = arith.andi %ne3A_3178, %gt3A_3179 : vector<16xi1>
    %jit3A_3181 = arith.constant 4 : i32
    %broadcast_in_dim3A_3182 = vector.broadcast %jit3A_3181 : i32 to vector<16xi32>
    %select_n3A_3183 = arith.select %and3A_3180, %broadcast_in_dim3A_3182, %select_n3A_3174 : vector<16xi1>, vector<16xi32>
    %select_n3A_3184 = arith.select %and3A_3180, %gather3A_3086, %select_n3A_3175 : vector<16xi1>, vector<16xf32>
    %ne3A_3185 = arith.constant 5 : i32
    %ne3A_3186 = vector.broadcast %ne3A_3185 : i32 to vector<16xi32>
    %ne3A_3187 = arith.cmpi ne, %select_n3A_3134, %ne3A_3186 : vector<16xi32>
    %gt3A_3188 = arith.cmpf ogt, %gather3A_3090, %select_n3A_3184 : vector<16xf32>
    %and3A_3189 = arith.andi %ne3A_3187, %gt3A_3188 : vector<16xi1>
    %jit3A_3190 = arith.constant 5 : i32
    %broadcast_in_dim3A_3191 = vector.broadcast %jit3A_3190 : i32 to vector<16xi32>
    %select_n3A_3192 = arith.select %and3A_3189, %broadcast_in_dim3A_3191, %select_n3A_3183 : vector<16xi1>, vector<16xi32>
    %select_n3A_3193 = arith.select %and3A_3189, %gather3A_3090, %select_n3A_3184 : vector<16xi1>, vector<16xf32>
    %ne3A_3194 = arith.constant 6 : i32
    %ne3A_3195 = vector.broadcast %ne3A_3194 : i32 to vector<16xi32>
    %ne3A_3196 = arith.cmpi ne, %select_n3A_3134, %ne3A_3195 : vector<16xi32>
    %gt3A_3197 = arith.cmpf ogt, %gather3A_3094, %select_n3A_3193 : vector<16xf32>
    %and3A_3198 = arith.andi %ne3A_3196, %gt3A_3197 : vector<16xi1>
    %jit3A_3199 = arith.constant 6 : i32
    %broadcast_in_dim3A_3200 = vector.broadcast %jit3A_3199 : i32 to vector<16xi32>
    %select_n3A_3201 = arith.select %and3A_3198, %broadcast_in_dim3A_3200, %select_n3A_3192 : vector<16xi1>, vector<16xi32>
    %select_n3A_3202 = arith.select %and3A_3198, %gather3A_3094, %select_n3A_3193 : vector<16xi1>, vector<16xf32>
    %ne3A_3203 = arith.constant 7 : i32
    %ne3A_3204 = vector.broadcast %ne3A_3203 : i32 to vector<16xi32>
    %ne3A_3205 = arith.cmpi ne, %select_n3A_3134, %ne3A_3204 : vector<16xi32>
    %gt3A_3206 = arith.cmpf ogt, %gather3A_3098, %select_n3A_3202 : vector<16xf32>
    %and3A_3207 = arith.andi %ne3A_3205, %gt3A_3206 : vector<16xi1>
    %jit3A_3208 = arith.constant 7 : i32
    %broadcast_in_dim3A_3209 = vector.broadcast %jit3A_3208 : i32 to vector<16xi32>
    %select_n3A_3210 = arith.select %and3A_3207, %broadcast_in_dim3A_3209, %select_n3A_3201 : vector<16xi1>, vector<16xi32>
    %select_n3A_3211 = arith.select %and3A_3207, %gather3A_3098, %select_n3A_3202 : vector<16xi1>, vector<16xf32>
    %add3A_3212 = arith.addf %select_n3A_3135, %select_n3A_3211 : vector<16xf32>
    %add3A_3213 = arith.constant 9.99999993E-9 : f32
    %add3A_3214 = vector.broadcast %add3A_3213 : f32 to vector<16xf32>
    %add3A_3215 = arith.addf %add3A_3212, %add3A_3214 : vector<16xf32>
    %div3A_3216 = arith.divf %select_n3A_3135, %add3A_3215 : vector<16xf32>
    %div3A_3217 = arith.divf %select_n3A_3211, %add3A_3215 : vector<16xf32>
    %eq3A_3218 = arith.constant 0 : i32
    %eq3A_3219 = vector.broadcast %eq3A_3218 : i32 to vector<16xi32>
    %eq3A_3220 = arith.cmpi eq, %select_n3A_3134, %eq3A_3219 : vector<16xi32>
    %eq3A_3221 = arith.constant 0 : i32
    %eq3A_3222 = vector.broadcast %eq3A_3221 : i32 to vector<16xi32>
    %eq3A_3223 = arith.cmpi eq, %select_n3A_3210, %eq3A_3222 : vector<16xi32>
    %or3A_3224 = arith.ori %eq3A_3220, %eq3A_3223 : vector<16xi1>
    %convert_element_type3A_3225 = arith.extui %or3A_3224 : vector<16xi1> to vector<16xi32>
    %broadcast_in_dim3A_3226 = arith.constant true
    %broadcast_in_dim3A_3227 = vector.broadcast %broadcast_in_dim3A_3226 : i1 to vector<16xi1>
    %masked_cumsum3A_3228 = tpu.scan <sum>, %convert_element_type3A_3225 masked %broadcast_in_dim3A_3227 : vector<16xi32>, vector<16xi1> -> vector<16xi32>
    %sub3A_3229 = arith.subi %masked_cumsum3A_3228, %convert_element_type3A_3225 : vector<16xi32>
    %add3A_3230 = vector.broadcast %add3A_2799 : i32 to vector<16xi32>
    %add3A_3231 = arith.addi %sub3A_3229, %add3A_3230 : vector<16xi32>
    %reduce_sum3A_3232 = arith.constant true
    %reduce_sum3A_3233 = vector.broadcast %reduce_sum3A_3232 : i1 to vector<16xi1>
    %reduce_sum3A_3234 = tpu.scan <sum>, %convert_element_type3A_3225 masked %reduce_sum3A_3233 : vector<16xi32>, vector<16xi1> -> vector<16xi32>
    %reduce_sum3A_3235 = vector.extract %reduce_sum3A_3234[15] : i32 from vector<16xi32>
    %add3A_3236 = arith.addi %add3A_2799, %reduce_sum3A_3235 : i32
    %jit3A_3237 = arith.constant 0.000000e+00 : f32
    %broadcast_in_dim3A_3238 = vector.broadcast %jit3A_3237 : f32 to vector<16xf32>
    %select_n3A_3239 = arith.select %eq3A_3220, %div3A_3216, %broadcast_in_dim3A_3238 : vector<16xi1>, vector<16xf32>
    %jit3A_3240 = arith.constant 0.000000e+00 : f32
    %broadcast_in_dim3A_3241 = vector.broadcast %jit3A_3240 : f32 to vector<16xf32>
    %select_n3A_3242 = arith.select %eq3A_3223, %div3A_3217, %broadcast_in_dim3A_3241 : vector<16xi1>, vector<16xf32>
    %add3A_3243 = arith.addf %select_n3A_3239, %select_n3A_3242 : vector<16xf32>
    %jit3A_3244 = arith.constant 1048576 : i32
    %broadcast_in_dim3A_3245 = vector.broadcast %jit3A_3244 : i32 to vector<16xi32>
    %select_n3A_3246 = arith.select %or3A_3224, %add3A_3231, %broadcast_in_dim3A_3245 : vector<16xi1>, vector<16xi32>
    %add3A_3247 = arith.constant 0 : i32
    %add3A_3248 = vector.broadcast %add3A_3247 : i32 to vector<16xi32>
    %add3A_3249 = arith.addi %add3A_3066, %add3A_3248 : vector<16xi32>
    tpu.vector_store_idx %arg7[%add3A_3249], %select_n3A_3246 : memref<1024xi32, #tpu.memory_space<vmem>>[vector<16xi32>], vector<16xi32>,
    %add3A_3250 = arith.constant 0 : i32
    %add3A_3251 = vector.broadcast %add3A_3250 : i32 to vector<16xi32>
    %add3A_3252 = arith.addi %add3A_3066, %add3A_3251 : vector<16xi32>
    tpu.vector_store_idx %arg8[%add3A_3252], %add3A_3243 : memref<1024xf32, #tpu.memory_space<vmem>>[vector<16xi32>], vector<16xf32>,
    %eq3A_3253 = arith.constant 1 : i32
    %eq3A_3254 = vector.broadcast %eq3A_3253 : i32 to vector<16xi32>
    %eq3A_3255 = arith.cmpi eq, %select_n3A_3134, %eq3A_3254 : vector<16xi32>
    %eq3A_3256 = arith.constant 1 : i32
    %eq3A_3257 = vector.broadcast %eq3A_3256 : i32 to vector<16xi32>
    %eq3A_3258 = arith.cmpi eq, %select_n3A_3210, %eq3A_3257 : vector<16xi32>
    %or3A_3259 = arith.ori %eq3A_3255, %eq3A_3258 : vector<16xi1>
    %convert_element_type3A_3260 = arith.extui %or3A_3259 : vector<16xi1> to vector<16xi32>
    %broadcast_in_dim3A_3261 = arith.constant true
    %broadcast_in_dim3A_3262 = vector.broadcast %broadcast_in_dim3A_3261 : i1 to vector<16xi1>
    %masked_cumsum3A_3263 = tpu.scan <sum>, %convert_element_type3A_3260 masked %broadcast_in_dim3A_3262 : vector<16xi32>, vector<16xi1> -> vector<16xi32>
    %sub3A_3264 = arith.subi %masked_cumsum3A_3263, %convert_element_type3A_3260 : vector<16xi32>
    %add3A_3265 = vector.broadcast %add3A_2834 : i32 to vector<16xi32>
    %add3A_3266 = arith.addi %sub3A_3264, %add3A_3265 : vector<16xi32>
    %reduce_sum3A_3267 = arith.constant true
    %reduce_sum3A_3268 = vector.broadcast %reduce_sum3A_3267 : i1 to vector<16xi1>
    %reduce_sum3A_3269 = tpu.scan <sum>, %convert_element_type3A_3260 masked %reduce_sum3A_3268 : vector<16xi32>, vector<16xi1> -> vector<16xi32>
    %reduce_sum3A_3270 = vector.extract %reduce_sum3A_3269[15] : i32 from vector<16xi32>
    %add3A_3271 = arith.addi %add3A_2834, %reduce_sum3A_3270 : i32
    %jit3A_3272 = arith.constant 0.000000e+00 : f32
    %broadcast_in_dim3A_3273 = vector.broadcast %jit3A_3272 : f32 to vector<16xf32>
    %select_n3A_3274 = arith.select %eq3A_3255, %div3A_3216, %broadcast_in_dim3A_3273 : vector<16xi1>, vector<16xf32>
    %jit3A_3275 = arith.constant 0.000000e+00 : f32
    %broadcast_in_dim3A_3276 = vector.broadcast %jit3A_3275 : f32 to vector<16xf32>
    %select_n3A_3277 = arith.select %eq3A_3258, %div3A_3217, %broadcast_in_dim3A_3276 : vector<16xi1>, vector<16xf32>
    %add3A_3278 = arith.addf %select_n3A_3274, %select_n3A_3277 : vector<16xf32>
    %jit3A_3279 = arith.constant 1048576 : i32
    %broadcast_in_dim3A_3280 = vector.broadcast %jit3A_3279 : i32 to vector<16xi32>
    %select_n3A_3281 = arith.select %or3A_3259, %add3A_3266, %broadcast_in_dim3A_3280 : vector<16xi1>, vector<16xi32>
    %add3A_3282 = arith.constant 1 : i32
    %add3A_3283 = vector.broadcast %add3A_3282 : i32 to vector<16xi32>
    %add3A_3284 = arith.addi %add3A_3066, %add3A_3283 : vector<16xi32>
    tpu.vector_store_idx %arg7[%add3A_3284], %select_n3A_3281 : memref<1024xi32, #tpu.memory_space<vmem>>[vector<16xi32>], vector<16xi32>,
    %add3A_3285 = arith.constant 1 : i32
    %add3A_3286 = vector.broadcast %add3A_3285 : i32 to vector<16xi32>
    %add3A_3287 = arith.addi %add3A_3066, %add3A_3286 : vector<16xi32>
    tpu.vector_store_idx %arg8[%add3A_3287], %add3A_3278 : memref<1024xf32, #tpu.memory_space<vmem>>[vector<16xi32>], vector<16xf32>,
    %eq3A_3288 = arith.constant 2 : i32
    %eq3A_3289 = vector.broadcast %eq3A_3288 : i32 to vector<16xi32>
    %eq3A_3290 = arith.cmpi eq, %select_n3A_3134, %eq3A_3289 : vector<16xi32>
    %eq3A_3291 = arith.constant 2 : i32
    %eq3A_3292 = vector.broadcast %eq3A_3291 : i32 to vector<16xi32>
    %eq3A_3293 = arith.cmpi eq, %select_n3A_3210, %eq3A_3292 : vector<16xi32>
    %or3A_3294 = arith.ori %eq3A_3290, %eq3A_3293 : vector<16xi1>
    %convert_element_type3A_3295 = arith.extui %or3A_3294 : vector<16xi1> to vector<16xi32>
    %broadcast_in_dim3A_3296 = arith.constant true
    %broadcast_in_dim3A_3297 = vector.broadcast %broadcast_in_dim3A_3296 : i1 to vector<16xi1>
    %masked_cumsum3A_3298 = tpu.scan <sum>, %convert_element_type3A_3295 masked %broadcast_in_dim3A_3297 : vector<16xi32>, vector<16xi1> -> vector<16xi32>
    %sub3A_3299 = arith.subi %masked_cumsum3A_3298, %convert_element_type3A_3295 : vector<16xi32>
    %add3A_3300 = vector.broadcast %add3A_2869 : i32 to vector<16xi32>
    %add3A_3301 = arith.addi %sub3A_3299, %add3A_3300 : vector<16xi32>
    %reduce_sum3A_3302 = arith.constant true
    %reduce_sum3A_3303 = vector.broadcast %reduce_sum3A_3302 : i1 to vector<16xi1>
    %reduce_sum3A_3304 = tpu.scan <sum>, %convert_element_type3A_3295 masked %reduce_sum3A_3303 : vector<16xi32>, vector<16xi1> -> vector<16xi32>
    %reduce_sum3A_3305 = vector.extract %reduce_sum3A_3304[15] : i32 from vector<16xi32>
    %add3A_3306 = arith.addi %add3A_2869, %reduce_sum3A_3305 : i32
    %jit3A_3307 = arith.constant 0.000000e+00 : f32
    %broadcast_in_dim3A_3308 = vector.broadcast %jit3A_3307 : f32 to vector<16xf32>
    %select_n3A_3309 = arith.select %eq3A_3290, %div3A_3216, %broadcast_in_dim3A_3308 : vector<16xi1>, vector<16xf32>
    %jit3A_3310 = arith.constant 0.000000e+00 : f32
    %broadcast_in_dim3A_3311 = vector.broadcast %jit3A_3310 : f32 to vector<16xf32>
    %select_n3A_3312 = arith.select %eq3A_3293, %div3A_3217, %broadcast_in_dim3A_3311 : vector<16xi1>, vector<16xf32>
    %add3A_3313 = arith.addf %select_n3A_3309, %select_n3A_3312 : vector<16xf32>
    %jit3A_3314 = arith.constant 1048576 : i32
    %broadcast_in_dim3A_3315 = vector.broadcast %jit3A_3314 : i32 to vector<16xi32>
    %select_n3A_3316 = arith.select %or3A_3294, %add3A_3301, %broadcast_in_dim3A_3315 : vector<16xi1>, vector<16xi32>
    %add3A_3317 = arith.constant 2 : i32
    %add3A_3318 = vector.broadcast %add3A_3317 : i32 to vector<16xi32>
    %add3A_3319 = arith.addi %add3A_3066, %add3A_3318 : vector<16xi32>
    tpu.vector_store_idx %arg7[%add3A_3319], %select_n3A_3316 : memref<1024xi32, #tpu.memory_space<vmem>>[vector<16xi32>], vector<16xi32>,
    %add3A_3320 = arith.constant 2 : i32
    %add3A_3321 = vector.broadcast %add3A_3320 : i32 to vector<16xi32>
    %add3A_3322 = arith.addi %add3A_3066, %add3A_3321 : vector<16xi32>
    tpu.vector_store_idx %arg8[%add3A_3322], %add3A_3313 : memref<1024xf32, #tpu.memory_space<vmem>>[vector<16xi32>], vector<16xf32>,
    %eq3A_3323 = arith.constant 3 : i32
    %eq3A_3324 = vector.broadcast %eq3A_3323 : i32 to vector<16xi32>
    %eq3A_3325 = arith.cmpi eq, %select_n3A_3134, %eq3A_3324 : vector<16xi32>
    %eq3A_3326 = arith.constant 3 : i32
    %eq3A_3327 = vector.broadcast %eq3A_3326 : i32 to vector<16xi32>
    %eq3A_3328 = arith.cmpi eq, %select_n3A_3210, %eq3A_3327 : vector<16xi32>
    %or3A_3329 = arith.ori %eq3A_3325, %eq3A_3328 : vector<16xi1>
    %convert_element_type3A_3330 = arith.extui %or3A_3329 : vector<16xi1> to vector<16xi32>
    %broadcast_in_dim3A_3331 = arith.constant true
    %broadcast_in_dim3A_3332 = vector.broadcast %broadcast_in_dim3A_3331 : i1 to vector<16xi1>
    %masked_cumsum3A_3333 = tpu.scan <sum>, %convert_element_type3A_3330 masked %broadcast_in_dim3A_3332 : vector<16xi32>, vector<16xi1> -> vector<16xi32>
    %sub3A_3334 = arith.subi %masked_cumsum3A_3333, %convert_element_type3A_3330 : vector<16xi32>
    %add3A_3335 = vector.broadcast %add3A_2904 : i32 to vector<16xi32>
    %add3A_3336 = arith.addi %sub3A_3334, %add3A_3335 : vector<16xi32>
    %reduce_sum3A_3337 = arith.constant true
    %reduce_sum3A_3338 = vector.broadcast %reduce_sum3A_3337 : i1 to vector<16xi1>
    %reduce_sum3A_3339 = tpu.scan <sum>, %convert_element_type3A_3330 masked %reduce_sum3A_3338 : vector<16xi32>, vector<16xi1> -> vector<16xi32>
    %reduce_sum3A_3340 = vector.extract %reduce_sum3A_3339[15] : i32 from vector<16xi32>
    %add3A_3341 = arith.addi %add3A_2904, %reduce_sum3A_3340 : i32
    %jit3A_3342 = arith.constant 0.000000e+00 : f32
    %broadcast_in_dim3A_3343 = vector.broadcast %jit3A_3342 : f32 to vector<16xf32>
    %select_n3A_3344 = arith.select %eq3A_3325, %div3A_3216, %broadcast_in_dim3A_3343 : vector<16xi1>, vector<16xf32>
    %jit3A_3345 = arith.constant 0.000000e+00 : f32
    %broadcast_in_dim3A_3346 = vector.broadcast %jit3A_3345 : f32 to vector<16xf32>
    %select_n3A_3347 = arith.select %eq3A_3328, %div3A_3217, %broadcast_in_dim3A_3346 : vector<16xi1>, vector<16xf32>
    %add3A_3348 = arith.addf %select_n3A_3344, %select_n3A_3347 : vector<16xf32>
    %jit3A_3349 = arith.constant 1048576 : i32
    %broadcast_in_dim3A_3350 = vector.broadcast %jit3A_3349 : i32 to vector<16xi32>
    %select_n3A_3351 = arith.select %or3A_3329, %add3A_3336, %broadcast_in_dim3A_3350 : vector<16xi1>, vector<16xi32>
    %add3A_3352 = arith.constant 3 : i32
    %add3A_3353 = vector.broadcast %add3A_3352 : i32 to vector<16xi32>
    %add3A_3354 = arith.addi %add3A_3066, %add3A_3353 : vector<16xi32>
    tpu.vector_store_idx %arg7[%add3A_3354], %select_n3A_3351 : memref<1024xi32, #tpu.memory_space<vmem>>[vector<16xi32>], vector<16xi32>,
    %add3A_3355 = arith.constant 3 : i32
    %add3A_3356 = vector.broadcast %add3A_3355 : i32 to vector<16xi32>
    %add3A_3357 = arith.addi %add3A_3066, %add3A_3356 : vector<16xi32>
    tpu.vector_store_idx %arg8[%add3A_3357], %add3A_3348 : memref<1024xf32, #tpu.memory_space<vmem>>[vector<16xi32>], vector<16xf32>,
    %eq3A_3358 = arith.constant 4 : i32
    %eq3A_3359 = vector.broadcast %eq3A_3358 : i32 to vector<16xi32>
    %eq3A_3360 = arith.cmpi eq, %select_n3A_3134, %eq3A_3359 : vector<16xi32>
    %eq3A_3361 = arith.constant 4 : i32
    %eq3A_3362 = vector.broadcast %eq3A_3361 : i32 to vector<16xi32>
    %eq3A_3363 = arith.cmpi eq, %select_n3A_3210, %eq3A_3362 : vector<16xi32>
    %or3A_3364 = arith.ori %eq3A_3360, %eq3A_3363 : vector<16xi1>
    %convert_element_type3A_3365 = arith.extui %or3A_3364 : vector<16xi1> to vector<16xi32>
    %broadcast_in_dim3A_3366 = arith.constant true
    %broadcast_in_dim3A_3367 = vector.broadcast %broadcast_in_dim3A_3366 : i1 to vector<16xi1>
    %masked_cumsum3A_3368 = tpu.scan <sum>, %convert_element_type3A_3365 masked %broadcast_in_dim3A_3367 : vector<16xi32>, vector<16xi1> -> vector<16xi32>
    %sub3A_3369 = arith.subi %masked_cumsum3A_3368, %convert_element_type3A_3365 : vector<16xi32>
    %add3A_3370 = vector.broadcast %add3A_2939 : i32 to vector<16xi32>
    %add3A_3371 = arith.addi %sub3A_3369, %add3A_3370 : vector<16xi32>
    %reduce_sum3A_3372 = arith.constant true
    %reduce_sum3A_3373 = vector.broadcast %reduce_sum3A_3372 : i1 to vector<16xi1>
    %reduce_sum3A_3374 = tpu.scan <sum>, %convert_element_type3A_3365 masked %reduce_sum3A_3373 : vector<16xi32>, vector<16xi1> -> vector<16xi32>
    %reduce_sum3A_3375 = vector.extract %reduce_sum3A_3374[15] : i32 from vector<16xi32>
    %add3A_3376 = arith.addi %add3A_2939, %reduce_sum3A_3375 : i32
    %jit3A_3377 = arith.constant 0.000000e+00 : f32
    %broadcast_in_dim3A_3378 = vector.broadcast %jit3A_3377 : f32 to vector<16xf32>
    %select_n3A_3379 = arith.select %eq3A_3360, %div3A_3216, %broadcast_in_dim3A_3378 : vector<16xi1>, vector<16xf32>
    %jit3A_3380 = arith.constant 0.000000e+00 : f32
    %broadcast_in_dim3A_3381 = vector.broadcast %jit3A_3380 : f32 to vector<16xf32>
    %select_n3A_3382 = arith.select %eq3A_3363, %div3A_3217, %broadcast_in_dim3A_3381 : vector<16xi1>, vector<16xf32>
    %add3A_3383 = arith.addf %select_n3A_3379, %select_n3A_3382 : vector<16xf32>
    %jit3A_3384 = arith.constant 1048576 : i32
    %broadcast_in_dim3A_3385 = vector.broadcast %jit3A_3384 : i32 to vector<16xi32>
    %select_n3A_3386 = arith.select %or3A_3364, %add3A_3371, %broadcast_in_dim3A_3385 : vector<16xi1>, vector<16xi32>
    %add3A_3387 = arith.constant 4 : i32
    %add3A_3388 = vector.broadcast %add3A_3387 : i32 to vector<16xi32>
    %add3A_3389 = arith.addi %add3A_3066, %add3A_3388 : vector<16xi32>
    tpu.vector_store_idx %arg7[%add3A_3389], %select_n3A_3386 : memref<1024xi32, #tpu.memory_space<vmem>>[vector<16xi32>], vector<16xi32>,
    %add3A_3390 = arith.constant 4 : i32
    %add3A_3391 = vector.broadcast %add3A_3390 : i32 to vector<16xi32>
    %add3A_3392 = arith.addi %add3A_3066, %add3A_3391 : vector<16xi32>
    tpu.vector_store_idx %arg8[%add3A_3392], %add3A_3383 : memref<1024xf32, #tpu.memory_space<vmem>>[vector<16xi32>], vector<16xf32>,
    %eq3A_3393 = arith.constant 5 : i32
    %eq3A_3394 = vector.broadcast %eq3A_3393 : i32 to vector<16xi32>
    %eq3A_3395 = arith.cmpi eq, %select_n3A_3134, %eq3A_3394 : vector<16xi32>
    %eq3A_3396 = arith.constant 5 : i32
    %eq3A_3397 = vector.broadcast %eq3A_3396 : i32 to vector<16xi32>
    %eq3A_3398 = arith.cmpi eq, %select_n3A_3210, %eq3A_3397 : vector<16xi32>
    %or3A_3399 = arith.ori %eq3A_3395, %eq3A_3398 : vector<16xi1>
    %convert_element_type3A_3400 = arith.extui %or3A_3399 : vector<16xi1> to vector<16xi32>
    %broadcast_in_dim3A_3401 = arith.constant true
    %broadcast_in_dim3A_3402 = vector.broadcast %broadcast_in_dim3A_3401 : i1 to vector<16xi1>
    %masked_cumsum3A_3403 = tpu.scan <sum>, %convert_element_type3A_3400 masked %broadcast_in_dim3A_3402 : vector<16xi32>, vector<16xi1> -> vector<16xi32>
    %sub3A_3404 = arith.subi %masked_cumsum3A_3403, %convert_element_type3A_3400 : vector<16xi32>
    %add3A_3405 = vector.broadcast %add3A_2974 : i32 to vector<16xi32>
    %add3A_3406 = arith.addi %sub3A_3404, %add3A_3405 : vector<16xi32>
    %reduce_sum3A_3407 = arith.constant true
    %reduce_sum3A_3408 = vector.broadcast %reduce_sum3A_3407 : i1 to vector<16xi1>
    %reduce_sum3A_3409 = tpu.scan <sum>, %convert_element_type3A_3400 masked %reduce_sum3A_3408 : vector<16xi32>, vector<16xi1> -> vector<16xi32>
    %reduce_sum3A_3410 = vector.extract %reduce_sum3A_3409[15] : i32 from vector<16xi32>
    %add3A_3411 = arith.addi %add3A_2974, %reduce_sum3A_3410 : i32
    %jit3A_3412 = arith.constant 0.000000e+00 : f32
    %broadcast_in_dim3A_3413 = vector.broadcast %jit3A_3412 : f32 to vector<16xf32>
    %select_n3A_3414 = arith.select %eq3A_3395, %div3A_3216, %broadcast_in_dim3A_3413 : vector<16xi1>, vector<16xf32>
    %jit3A_3415 = arith.constant 0.000000e+00 : f32
    %broadcast_in_dim3A_3416 = vector.broadcast %jit3A_3415 : f32 to vector<16xf32>
    %select_n3A_3417 = arith.select %eq3A_3398, %div3A_3217, %broadcast_in_dim3A_3416 : vector<16xi1>, vector<16xf32>
    %add3A_3418 = arith.addf %select_n3A_3414, %select_n3A_3417 : vector<16xf32>
    %jit3A_3419 = arith.constant 1048576 : i32
    %broadcast_in_dim3A_3420 = vector.broadcast %jit3A_3419 : i32 to vector<16xi32>
    %select_n3A_3421 = arith.select %or3A_3399, %add3A_3406, %broadcast_in_dim3A_3420 : vector<16xi1>, vector<16xi32>
    %add3A_3422 = arith.constant 5 : i32
    %add3A_3423 = vector.broadcast %add3A_3422 : i32 to vector<16xi32>
    %add3A_3424 = arith.addi %add3A_3066, %add3A_3423 : vector<16xi32>
    tpu.vector_store_idx %arg7[%add3A_3424], %select_n3A_3421 : memref<1024xi32, #tpu.memory_space<vmem>>[vector<16xi32>], vector<16xi32>,
    %add3A_3425 = arith.constant 5 : i32
    %add3A_3426 = vector.broadcast %add3A_3425 : i32 to vector<16xi32>
    %add3A_3427 = arith.addi %add3A_3066, %add3A_3426 : vector<16xi32>
    tpu.vector_store_idx %arg8[%add3A_3427], %add3A_3418 : memref<1024xf32, #tpu.memory_space<vmem>>[vector<16xi32>], vector<16xf32>,
    %eq3A_3428 = arith.constant 6 : i32
    %eq3A_3429 = vector.broadcast %eq3A_3428 : i32 to vector<16xi32>
    %eq3A_3430 = arith.cmpi eq, %select_n3A_3134, %eq3A_3429 : vector<16xi32>
    %eq3A_3431 = arith.constant 6 : i32
    %eq3A_3432 = vector.broadcast %eq3A_3431 : i32 to vector<16xi32>
    %eq3A_3433 = arith.cmpi eq, %select_n3A_3210, %eq3A_3432 : vector<16xi32>
    %or3A_3434 = arith.ori %eq3A_3430, %eq3A_3433 : vector<16xi1>
    %convert_element_type3A_3435 = arith.extui %or3A_3434 : vector<16xi1> to vector<16xi32>
    %broadcast_in_dim3A_3436 = arith.constant true
    %broadcast_in_dim3A_3437 = vector.broadcast %broadcast_in_dim3A_3436 : i1 to vector<16xi1>
    %masked_cumsum3A_3438 = tpu.scan <sum>, %convert_element_type3A_3435 masked %broadcast_in_dim3A_3437 : vector<16xi32>, vector<16xi1> -> vector<16xi32>
    %sub3A_3439 = arith.subi %masked_cumsum3A_3438, %convert_element_type3A_3435 : vector<16xi32>
    %add3A_3440 = vector.broadcast %add3A_3009 : i32 to vector<16xi32>
    %add3A_3441 = arith.addi %sub3A_3439, %add3A_3440 : vector<16xi32>
    %reduce_sum3A_3442 = arith.constant true
    %reduce_sum3A_3443 = vector.broadcast %reduce_sum3A_3442 : i1 to vector<16xi1>
    %reduce_sum3A_3444 = tpu.scan <sum>, %convert_element_type3A_3435 masked %reduce_sum3A_3443 : vector<16xi32>, vector<16xi1> -> vector<16xi32>
    %reduce_sum3A_3445 = vector.extract %reduce_sum3A_3444[15] : i32 from vector<16xi32>
    %add3A_3446 = arith.addi %add3A_3009, %reduce_sum3A_3445 : i32
    %jit3A_3447 = arith.constant 0.000000e+00 : f32
    %broadcast_in_dim3A_3448 = vector.broadcast %jit3A_3447 : f32 to vector<16xf32>
    %select_n3A_3449 = arith.select %eq3A_3430, %div3A_3216, %broadcast_in_dim3A_3448 : vector<16xi1>, vector<16xf32>
    %jit3A_3450 = arith.constant 0.000000e+00 : f32
    %broadcast_in_dim3A_3451 = vector.broadcast %jit3A_3450 : f32 to vector<16xf32>
    %select_n3A_3452 = arith.select %eq3A_3433, %div3A_3217, %broadcast_in_dim3A_3451 : vector<16xi1>, vector<16xf32>
    %add3A_3453 = arith.addf %select_n3A_3449, %select_n3A_3452 : vector<16xf32>
    %jit3A_3454 = arith.constant 1048576 : i32
    %broadcast_in_dim3A_3455 = vector.broadcast %jit3A_3454 : i32 to vector<16xi32>
    %select_n3A_3456 = arith.select %or3A_3434, %add3A_3441, %broadcast_in_dim3A_3455 : vector<16xi1>, vector<16xi32>
    %add3A_3457 = arith.constant 6 : i32
    %add3A_3458 = vector.broadcast %add3A_3457 : i32 to vector<16xi32>
    %add3A_3459 = arith.addi %add3A_3066, %add3A_3458 : vector<16xi32>
    tpu.vector_store_idx %arg7[%add3A_3459], %select_n3A_3456 : memref<1024xi32, #tpu.memory_space<vmem>>[vector<16xi32>], vector<16xi32>,
    %add3A_3460 = arith.constant 6 : i32
    %add3A_3461 = vector.broadcast %add3A_3460 : i32 to vector<16xi32>
    %add3A_3462 = arith.addi %add3A_3066, %add3A_3461 : vector<16xi32>
    tpu.vector_store_idx %arg8[%add3A_3462], %add3A_3453 : memref<1024xf32, #tpu.memory_space<vmem>>[vector<16xi32>], vector<16xf32>,
    %eq3A_3463 = arith.constant 7 : i32
    %eq3A_3464 = vector.broadcast %eq3A_3463 : i32 to vector<16xi32>
    %eq3A_3465 = arith.cmpi eq, %select_n3A_3134, %eq3A_3464 : vector<16xi32>
    %eq3A_3466 = arith.constant 7 : i32
    %eq3A_3467 = vector.broadcast %eq3A_3466 : i32 to vector<16xi32>
    %eq3A_3468 = arith.cmpi eq, %select_n3A_3210, %eq3A_3467 : vector<16xi32>
    %or3A_3469 = arith.ori %eq3A_3465, %eq3A_3468 : vector<16xi1>
    %convert_element_type3A_3470 = arith.extui %or3A_3469 : vector<16xi1> to vector<16xi32>
    %broadcast_in_dim3A_3471 = arith.constant true
    %broadcast_in_dim3A_3472 = vector.broadcast %broadcast_in_dim3A_3471 : i1 to vector<16xi1>
    %masked_cumsum3A_3473 = tpu.scan <sum>, %convert_element_type3A_3470 masked %broadcast_in_dim3A_3472 : vector<16xi32>, vector<16xi1> -> vector<16xi32>
    %sub3A_3474 = arith.subi %masked_cumsum3A_3473, %convert_element_type3A_3470 : vector<16xi32>
    %add3A_3475 = vector.broadcast %add3A_3044 : i32 to vector<16xi32>
    %add3A_3476 = arith.addi %sub3A_3474, %add3A_3475 : vector<16xi32>
    %reduce_sum3A_3477 = arith.constant true
    %reduce_sum3A_3478 = vector.broadcast %reduce_sum3A_3477 : i1 to vector<16xi1>
    %reduce_sum3A_3479 = tpu.scan <sum>, %convert_element_type3A_3470 masked %reduce_sum3A_3478 : vector<16xi32>, vector<16xi1> -> vector<16xi32>
    %reduce_sum3A_3480 = vector.extract %reduce_sum3A_3479[15] : i32 from vector<16xi32>
    %add3A_3481 = arith.addi %add3A_3044, %reduce_sum3A_3480 : i32
    %jit3A_3482 = arith.constant 0.000000e+00 : f32
    %broadcast_in_dim3A_3483 = vector.broadcast %jit3A_3482 : f32 to vector<16xf32>
    %select_n3A_3484 = arith.select %eq3A_3465, %div3A_3216, %broadcast_in_dim3A_3483 : vector<16xi1>, vector<16xf32>
    %jit3A_3485 = arith.constant 0.000000e+00 : f32
    %broadcast_in_dim3A_3486 = vector.broadcast %jit3A_3485 : f32 to vector<16xf32>
    %select_n3A_3487 = arith.select %eq3A_3468, %div3A_3217, %broadcast_in_dim3A_3486 : vector<16xi1>, vector<16xf32>
    %add3A_3488 = arith.addf %select_n3A_3484, %select_n3A_3487 : vector<16xf32>
    %jit3A_3489 = arith.constant 1048576 : i32
    %broadcast_in_dim3A_3490 = vector.broadcast %jit3A_3489 : i32 to vector<16xi32>
    %select_n3A_3491 = arith.select %or3A_3469, %add3A_3476, %broadcast_in_dim3A_3490 : vector<16xi1>, vector<16xi32>
    %add3A_3492 = arith.constant 7 : i32
    %add3A_3493 = vector.broadcast %add3A_3492 : i32 to vector<16xi32>
    %add3A_3494 = arith.addi %add3A_3066, %add3A_3493 : vector<16xi32>
    tpu.vector_store_idx %arg7[%add3A_3494], %select_n3A_3491 : memref<1024xi32, #tpu.memory_space<vmem>>[vector<16xi32>], vector<16xi32>,
    %add3A_3495 = arith.constant 7 : i32
    %add3A_3496 = vector.broadcast %add3A_3495 : i32 to vector<16xi32>
    %add3A_3497 = arith.addi %add3A_3066, %add3A_3496 : vector<16xi32>
    tpu.vector_store_idx %arg8[%add3A_3497], %add3A_3488 : memref<1024xf32, #tpu.memory_space<vmem>>[vector<16xi32>], vector<16xf32>,
    %broadcast_in_dim3A_3498 = arith.constant 0 : i32
    %broadcast_in_dim3A_3499 = vector.broadcast %broadcast_in_dim3A_3498 : i32 to vector<16xi32>
    %eq3A_3500 = arith.constant 0 : i32
    %eq3A_3501 = vector.broadcast %eq3A_3500 : i32 to vector<16xi32>
    %eq3A_3502 = arith.cmpi eq, %iota3A, %eq3A_3501 : vector<16xi32>
    %broadcast_in_dim3A_3503 = vector.broadcast %add3A_3236 : i32 to vector<16xi32>
    %select_n3A_3504 = arith.select %eq3A_3502, %broadcast_in_dim3A_3503, %broadcast_in_dim3A_3499 : vector<16xi1>, vector<16xi32>
    %eq3A_3505 = arith.constant 1 : i32
    %eq3A_3506 = vector.broadcast %eq3A_3505 : i32 to vector<16xi32>
    %eq3A_3507 = arith.cmpi eq, %iota3A, %eq3A_3506 : vector<16xi32>
    %broadcast_in_dim3A_3508 = vector.broadcast %add3A_3271 : i32 to vector<16xi32>
    %select_n3A_3509 = arith.select %eq3A_3507, %broadcast_in_dim3A_3508, %select_n3A_3504 : vector<16xi1>, vector<16xi32>
    %eq3A_3510 = arith.constant 2 : i32
    %eq3A_3511 = vector.broadcast %eq3A_3510 : i32 to vector<16xi32>
    %eq3A_3512 = arith.cmpi eq, %iota3A, %eq3A_3511 : vector<16xi32>
    %broadcast_in_dim3A_3513 = vector.broadcast %add3A_3306 : i32 to vector<16xi32>
    %select_n3A_3514 = arith.select %eq3A_3512, %broadcast_in_dim3A_3513, %select_n3A_3509 : vector<16xi1>, vector<16xi32>
    %eq3A_3515 = arith.constant 3 : i32
    %eq3A_3516 = vector.broadcast %eq3A_3515 : i32 to vector<16xi32>
    %eq3A_3517 = arith.cmpi eq, %iota3A, %eq3A_3516 : vector<16xi32>
    %broadcast_in_dim3A_3518 = vector.broadcast %add3A_3341 : i32 to vector<16xi32>
    %select_n3A_3519 = arith.select %eq3A_3517, %broadcast_in_dim3A_3518, %select_n3A_3514 : vector<16xi1>, vector<16xi32>
    %eq3A_3520 = arith.constant 4 : i32
    %eq3A_3521 = vector.broadcast %eq3A_3520 : i32 to vector<16xi32>
    %eq3A_3522 = arith.cmpi eq, %iota3A, %eq3A_3521 : vector<16xi32>
    %broadcast_in_dim3A_3523 = vector.broadcast %add3A_3376 : i32 to vector<16xi32>
    %select_n3A_3524 = arith.select %eq3A_3522, %broadcast_in_dim3A_3523, %select_n3A_3519 : vector<16xi1>, vector<16xi32>
    %eq3A_3525 = arith.constant 5 : i32
    %eq3A_3526 = vector.broadcast %eq3A_3525 : i32 to vector<16xi32>
    %eq3A_3527 = arith.cmpi eq, %iota3A, %eq3A_3526 : vector<16xi32>
    %broadcast_in_dim3A_3528 = vector.broadcast %add3A_3411 : i32 to vector<16xi32>
    %select_n3A_3529 = arith.select %eq3A_3527, %broadcast_in_dim3A_3528, %select_n3A_3524 : vector<16xi1>, vector<16xi32>
    %eq3A_3530 = arith.constant 6 : i32
    %eq3A_3531 = vector.broadcast %eq3A_3530 : i32 to vector<16xi32>
    %eq3A_3532 = arith.cmpi eq, %iota3A, %eq3A_3531 : vector<16xi32>
    %broadcast_in_dim3A_3533 = vector.broadcast %add3A_3446 : i32 to vector<16xi32>
    %select_n3A_3534 = arith.select %eq3A_3532, %broadcast_in_dim3A_3533, %select_n3A_3529 : vector<16xi1>, vector<16xi32>
    %eq3A_3535 = arith.constant 7 : i32
    %eq3A_3536 = vector.broadcast %eq3A_3535 : i32 to vector<16xi32>
    %eq3A_3537 = arith.cmpi eq, %iota3A, %eq3A_3536 : vector<16xi32>
    %broadcast_in_dim3A_3538 = vector.broadcast %add3A_3481 : i32 to vector<16xi32>
    %select_n3A_3539 = arith.select %eq3A_3537, %broadcast_in_dim3A_3538, %select_n3A_3534 : vector<16xi1>, vector<16xi32>
    %swap3A = arith.constant 0 : index
    %swap3A_3540 = tpu.vector_load %arg9[%swap3A] {strides = array<i32>} : memref<16xi32, #tpu.memory_space<vmem>>, vector<16xi32>,
    tpu.vector_store %arg9[%swap3A], %select_n3A_3539 {strides = array<i32>} : memref<16xi32, #tpu.memory_space<vmem>>, vector<16xi32>,
    "tpu.region"() ({
      %run_scoped3A = tpu.sem_alloc : memref<!tpu.dma_semaphore, #tpu.memory_space<semaphore_mem>>
      %dma_start3A = arith.constant 0 : i32
      %dma_start3A_3541 = tpu.memref_slice %arg5[%arg1, %dma_start3A] : memref<16x16xi32, #tpu.memory_space<hbm>> -> memref<1x16xi32, #tpu.memory_space<hbm>>
      %dma_start3A_3542 = tpu.memref_squeeze %dma_start3A_3541 : memref<1x16xi32, #tpu.memory_space<hbm>> -> memref<16xi32, #tpu.memory_space<hbm>>
      %dma_start3A_3543 = arith.constant 0 : i32
      %dma_start3A_3544 = tpu.memref_slice %arg5[%arg1, %dma_start3A_3543] : memref<16x16xi32, #tpu.memory_space<hbm>> -> memref<1x16xi32, #tpu.memory_space<hbm>>
      %dma_start3A_3545 = tpu.memref_squeeze %dma_start3A_3544 : memref<1x16xi32, #tpu.memory_space<hbm>> -> memref<16xi32, #tpu.memory_space<hbm>>
      tpu.enqueue_dma source(%arg9 : memref<16xi32, #tpu.memory_space<vmem>>) target(%dma_start3A_3545 : memref<16xi32, #tpu.memory_space<hbm>>) target_semaphore(%run_scoped3A : memref<!tpu.dma_semaphore, #tpu.memory_space<semaphore_mem>>)
      %dma_wait3A = arith.constant 0 : i32
      %dma_wait3A_3546 = tpu.memref_slice %arg5[%arg1, %dma_wait3A] : memref<16x16xi32, #tpu.memory_space<hbm>> -> memref<1x16xi32, #tpu.memory_space<hbm>>
      %dma_wait3A_3547 = tpu.memref_squeeze %dma_wait3A_3546 : memref<1x16xi32, #tpu.memory_space<hbm>> -> memref<16xi32, #tpu.memory_space<hbm>>
      %dma_wait3A_3548 = arith.constant 0 : i32
      %dma_wait3A_3549 = tpu.memref_slice %arg5[%arg1, %dma_wait3A_3548] : memref<16x16xi32, #tpu.memory_space<hbm>> -> memref<1x16xi32, #tpu.memory_space<hbm>>
      %dma_wait3A_3550 = tpu.memref_squeeze %dma_wait3A_3549 : memref<1x16xi32, #tpu.memory_space<hbm>> -> memref<16xi32, #tpu.memory_space<hbm>>
      tpu.wait_dma2 semaphore(%run_scoped3A : memref<!tpu.dma_semaphore, #tpu.memory_space<semaphore_mem>>) src(%arg9 : memref<16xi32, #tpu.memory_space<vmem>>) dst(%dma_wait3A_3550 : memref<16xi32, #tpu.memory_space<hbm>>)
      tpu.yield
    }) : () -> ()
    "tpu.region"() ({
      %run_scoped3A = tpu.sem_alloc : memref<!tpu.dma_semaphore, #tpu.memory_space<semaphore_mem>>
      %dma_start3A = tpu.memref_slice %arg3[%mul3A_0] : memref<16384xi32, #tpu.memory_space<hbm>> -> memref<1024xi32, #tpu.memory_space<hbm>>
      %dma_start3A_3541 = tpu.memref_slice %arg3[%mul3A_0] : memref<16384xi32, #tpu.memory_space<hbm>> -> memref<1024xi32, #tpu.memory_space<hbm>>
      tpu.enqueue_dma source(%arg7 : memref<1024xi32, #tpu.memory_space<vmem>>) target(%dma_start3A_3541 : memref<1024xi32, #tpu.memory_space<hbm>>) target_semaphore(%run_scoped3A : memref<!tpu.dma_semaphore, #tpu.memory_space<semaphore_mem>>)
      %dma_wait3A = tpu.memref_slice %arg3[%mul3A_0] : memref<16384xi32, #tpu.memory_space<hbm>> -> memref<1024xi32, #tpu.memory_space<hbm>>
      %dma_wait3A_3542 = tpu.memref_slice %arg3[%mul3A_0] : memref<16384xi32, #tpu.memory_space<hbm>> -> memref<1024xi32, #tpu.memory_space<hbm>>
      tpu.wait_dma2 semaphore(%run_scoped3A : memref<!tpu.dma_semaphore, #tpu.memory_space<semaphore_mem>>) src(%arg7 : memref<1024xi32, #tpu.memory_space<vmem>>) dst(%dma_wait3A_3542 : memref<1024xi32, #tpu.memory_space<hbm>>)
      tpu.yield
    }) : () -> ()
    "tpu.region"() ({
      %run_scoped3A = tpu.sem_alloc : memref<!tpu.dma_semaphore, #tpu.memory_space<semaphore_mem>>
      %dma_start3A = tpu.memref_slice %arg4[%mul3A_0] : memref<16384xf32, #tpu.memory_space<hbm>> -> memref<1024xf32, #tpu.memory_space<hbm>>
      %dma_start3A_3541 = tpu.memref_slice %arg4[%mul3A_0] : memref<16384xf32, #tpu.memory_space<hbm>> -> memref<1024xf32, #tpu.memory_space<hbm>>
      tpu.enqueue_dma source(%arg8 : memref<1024xf32, #tpu.memory_space<vmem>>) target(%dma_start3A_3541 : memref<1024xf32, #tpu.memory_space<hbm>>) target_semaphore(%run_scoped3A : memref<!tpu.dma_semaphore, #tpu.memory_space<semaphore_mem>>)
      %dma_wait3A = tpu.memref_slice %arg4[%mul3A_0] : memref<16384xf32, #tpu.memory_space<hbm>> -> memref<1024xf32, #tpu.memory_space<hbm>>
      %dma_wait3A_3542 = tpu.memref_slice %arg4[%mul3A_0] : memref<16384xf32, #tpu.memory_space<hbm>> -> memref<1024xf32, #tpu.memory_space<hbm>>
      tpu.wait_dma2 semaphore(%run_scoped3A : memref<!tpu.dma_semaphore, #tpu.memory_space<semaphore_mem>>) src(%arg8 : memref<1024xf32, #tpu.memory_space<vmem>>) dst(%dma_wait3A_3542 : memref<1024xf32, #tpu.memory_space<hbm>>)
      tpu.yield
    }) : () -> ()
    return
  }
}

module attributes {stable_mosaic.version = 14 : i64} {
  func.func @_tc1_body(%arg0: i32, %arg1: memref<256x1024xf32, #tpu.memory_space<vmem>>, %arg2: memref<1024x1024xf32, #tpu.memory_space<vmem>>, %arg3: memref<1x1024xf32, #tpu.memory_space<vmem>>, %arg4: memref<1024x8xf32, #tpu.memory_space<vmem>>, %arg5: memref<1x8xf32, #tpu.memory_space<vmem>>, %arg6: memref<1024x512xf32, #tpu.memory_space<vmem>>, %arg7: memref<1x512xf32, #tpu.memory_space<vmem>>, %arg8: memref<512x1xf32, #tpu.memory_space<vmem>>, %arg9: memref<1x1xf32, #tpu.memory_space<vmem>>, %arg10: memref<256x8xf32, #tpu.memory_space<vmem>>, %arg11: memref<256x1xf32, #tpu.memory_space<vmem>>, %arg12: memref<1x8xf32, #tpu.memory_space<vmem>>, %arg13: memref<1x8xf32, #tpu.memory_space<vmem>>) attributes {dimension_semantics = [#tpu.dimension_semantics<arbitrary>], iteration_bounds = array<i64: 8>, scalar_prefetch = 0 : i64, scratch_operands = 1 : i64, tpu.core_type = #tpu.core_type<tc>, window_params = [{transform_indices = @transform_0, window_bounds = array<i64: 256, 1024>}, {pipeline_mode = #tpu.pipeline_mode<synchronous>, transform_indices = @transform_1, window_bounds = array<i64: 1024, 1024>}, {pipeline_mode = #tpu.pipeline_mode<synchronous>, transform_indices = @transform_2, window_bounds = array<i64: 1, 1024>}, {pipeline_mode = #tpu.pipeline_mode<synchronous>, transform_indices = @transform_3, window_bounds = array<i64: 1024, 8>}, {pipeline_mode = #tpu.pipeline_mode<synchronous>, transform_indices = @transform_4, window_bounds = array<i64: 1, 8>}, {pipeline_mode = #tpu.pipeline_mode<synchronous>, transform_indices = @transform_5, window_bounds = array<i64: 1024, 512>}, {pipeline_mode = #tpu.pipeline_mode<synchronous>, transform_indices = @transform_6, window_bounds = array<i64: 1, 512>}, {pipeline_mode = #tpu.pipeline_mode<synchronous>, transform_indices = @transform_7, window_bounds = array<i64: 512, 1>}, {pipeline_mode = #tpu.pipeline_mode<synchronous>, transform_indices = @transform_8, window_bounds = array<i64: 1, 1>}, {transform_indices = @transform_9, window_bounds = array<i64: 256, 8>}, {transform_indices = @transform_10, window_bounds = array<i64: 256, 1>}, {pipeline_mode = #tpu.pipeline_mode<synchronous>, transform_indices = @transform_11, window_bounds = array<i64: 1, 8>}]} {
    %eq3A = arith.constant 0 : i32
    %eq3A_0 = arith.cmpi eq, %arg0, %eq3A : i32
    %convert_element_type3A = arith.extui %eq3A_0 : i1 to i32
    %cond3A = arith.constant 0 : i32
    %cond3A_1 = arith.cmpi ne, %convert_element_type3A, %cond3A : i32
    scf.if %cond3A_1 {
      %broadcast_in_dim3A_134 = arith.constant 0.000000e+00 : f32
      %broadcast_in_dim3A_135 = vector.broadcast %broadcast_in_dim3A_134 : f32 to vector<1x8xf32>
      %swap3A_136 = arith.constant 0 : index
      %swap3A_137 = arith.constant 0 : index
      %swap3A_138 = vector.load %arg13[%swap3A_136, %swap3A_137] : memref<1x8xf32, #tpu.memory_space<vmem>>, vector<1x8xf32>
      tpu.vector_store %arg13[%swap3A_136, %swap3A_137], %broadcast_in_dim3A_135 {strides = array<i32>} : memref<1x8xf32, #tpu.memory_space<vmem>>, vector<1x8xf32>,
    } else {
    }
    %get3A = arith.constant 0 : index
    %get3A_2 = arith.constant 0 : index
    %get3A_3 = vector.load %arg1[%get3A, %get3A_2] : memref<256x1024xf32, #tpu.memory_space<vmem>>, vector<256x1024xf32>
    %get3A_4 = arith.constant 0 : index
    %get3A_5 = arith.constant 0 : index
    %get3A_6 = vector.load %arg2[%get3A_4, %get3A_5] : memref<1024x1024xf32, #tpu.memory_space<vmem>>, vector<1024x1024xf32>
    %slice3A = vector.extract_strided_slice %get3A_3 {offsets = [0, 0], sizes = [256, 256], strides = [1, 1]} : vector<256x1024xf32> to vector<256x256xf32>
    %slice3A_7 = vector.extract_strided_slice %get3A_6 {offsets = [0, 0], sizes = [256, 1024], strides = [1, 1]} : vector<1024x1024xf32> to vector<256x1024xf32>
    %dot_general3A = arith.constant dense<0.000000e+00> : vector<256x1024xf32>
    %dot_general3A_8 = tpu.matmul %slice3A, %slice3A_7, %dot_general3A {dimension_numbers = #tpu.dot_dimension_numbers<[1], [0], [0], [1], [0, 0, 1, 1], [], []>, transpose_lhs_hint = false} : vector<256x256xf32>, vector<256x1024xf32>, vector<256x1024xf32> -> vector<256x1024xf32>
    %slice3A_9 = vector.extract_strided_slice %get3A_3 {offsets = [0, 256], sizes = [256, 256], strides = [1, 1]} : vector<256x1024xf32> to vector<256x256xf32>
    %slice3A_10 = vector.extract_strided_slice %get3A_6 {offsets = [256, 0], sizes = [256, 1024], strides = [1, 1]} : vector<1024x1024xf32> to vector<256x1024xf32>
    %dot_general3A_11 = arith.constant dense<0.000000e+00> : vector<256x1024xf32>
    %dot_general3A_12 = tpu.matmul %slice3A_9, %slice3A_10, %dot_general3A_11 {dimension_numbers = #tpu.dot_dimension_numbers<[1], [0], [0], [1], [0, 0, 1, 1], [], []>, transpose_lhs_hint = false} : vector<256x256xf32>, vector<256x1024xf32>, vector<256x1024xf32> -> vector<256x1024xf32>
    %add3A = arith.addf %dot_general3A_8, %dot_general3A_12 : vector<256x1024xf32>
    %slice3A_13 = vector.extract_strided_slice %get3A_3 {offsets = [0, 512], sizes = [256, 256], strides = [1, 1]} : vector<256x1024xf32> to vector<256x256xf32>
    %slice3A_14 = vector.extract_strided_slice %get3A_6 {offsets = [512, 0], sizes = [256, 1024], strides = [1, 1]} : vector<1024x1024xf32> to vector<256x1024xf32>
    %dot_general3A_15 = arith.constant dense<0.000000e+00> : vector<256x1024xf32>
    %dot_general3A_16 = tpu.matmul %slice3A_13, %slice3A_14, %dot_general3A_15 {dimension_numbers = #tpu.dot_dimension_numbers<[1], [0], [0], [1], [0, 0, 1, 1], [], []>, transpose_lhs_hint = false} : vector<256x256xf32>, vector<256x1024xf32>, vector<256x1024xf32> -> vector<256x1024xf32>
    %add3A_17 = arith.addf %add3A, %dot_general3A_16 : vector<256x1024xf32>
    %slice3A_18 = vector.extract_strided_slice %get3A_3 {offsets = [0, 768], sizes = [256, 256], strides = [1, 1]} : vector<256x1024xf32> to vector<256x256xf32>
    %slice3A_19 = vector.extract_strided_slice %get3A_6 {offsets = [768, 0], sizes = [256, 1024], strides = [1, 1]} : vector<1024x1024xf32> to vector<256x1024xf32>
    %dot_general3A_20 = arith.constant dense<0.000000e+00> : vector<256x1024xf32>
    %dot_general3A_21 = tpu.matmul %slice3A_18, %slice3A_19, %dot_general3A_20 {dimension_numbers = #tpu.dot_dimension_numbers<[1], [0], [0], [1], [0, 0, 1, 1], [], []>, transpose_lhs_hint = false} : vector<256x256xf32>, vector<256x1024xf32>, vector<256x1024xf32> -> vector<256x1024xf32>
    %add3A_22 = arith.addf %add3A_17, %dot_general3A_21 : vector<256x1024xf32>
    %get3A_23 = arith.constant 0 : index
    %get3A_24 = arith.constant 0 : index
    %get3A_25 = vector.load %arg3[%get3A_23, %get3A_24] : memref<1x1024xf32, #tpu.memory_space<vmem>>, vector<1x1024xf32>
    %add3A_26 = vector.broadcast %get3A_25 : vector<1x1024xf32> to vector<256x1024xf32>
    %add3A_27 = arith.addf %add3A_22, %add3A_26 : vector<256x1024xf32>
    %max3A = arith.constant 0.000000e+00 : f32
    %max3A_28 = vector.broadcast %max3A : f32 to vector<256x1024xf32>
    %max3A_29 = arith.maximumf %add3A_27, %max3A_28 : vector<256x1024xf32>
    %get3A_30 = arith.constant 0 : index
    %get3A_31 = arith.constant 0 : index
    %get3A_32 = vector.load %arg4[%get3A_30, %get3A_31] : memref<1024x8xf32, #tpu.memory_space<vmem>>, vector<1024x8xf32>
    %slice3A_33 = vector.extract_strided_slice %max3A_29 {offsets = [0, 0], sizes = [256, 256], strides = [1, 1]} : vector<256x1024xf32> to vector<256x256xf32>
    %slice3A_34 = vector.extract_strided_slice %get3A_32 {offsets = [0, 0], sizes = [256, 8], strides = [1, 1]} : vector<1024x8xf32> to vector<256x8xf32>
    %dot_general3A_35 = arith.constant dense<0.000000e+00> : vector<256x8xf32>
    %dot_general3A_36 = tpu.matmul %slice3A_33, %slice3A_34, %dot_general3A_35 {dimension_numbers = #tpu.dot_dimension_numbers<[1], [0], [0], [1], [0, 0, 1, 1], [], []>, transpose_lhs_hint = false} : vector<256x256xf32>, vector<256x8xf32>, vector<256x8xf32> -> vector<256x8xf32>
    %slice3A_37 = vector.extract_strided_slice %max3A_29 {offsets = [0, 256], sizes = [256, 256], strides = [1, 1]} : vector<256x1024xf32> to vector<256x256xf32>
    %slice3A_38 = vector.extract_strided_slice %get3A_32 {offsets = [256, 0], sizes = [256, 8], strides = [1, 1]} : vector<1024x8xf32> to vector<256x8xf32>
    %dot_general3A_39 = arith.constant dense<0.000000e+00> : vector<256x8xf32>
    %dot_general3A_40 = tpu.matmul %slice3A_37, %slice3A_38, %dot_general3A_39 {dimension_numbers = #tpu.dot_dimension_numbers<[1], [0], [0], [1], [0, 0, 1, 1], [], []>, transpose_lhs_hint = false} : vector<256x256xf32>, vector<256x8xf32>, vector<256x8xf32> -> vector<256x8xf32>
    %add3A_41 = arith.addf %dot_general3A_36, %dot_general3A_40 : vector<256x8xf32>
    %slice3A_42 = vector.extract_strided_slice %max3A_29 {offsets = [0, 512], sizes = [256, 256], strides = [1, 1]} : vector<256x1024xf32> to vector<256x256xf32>
    %slice3A_43 = vector.extract_strided_slice %get3A_32 {offsets = [512, 0], sizes = [256, 8], strides = [1, 1]} : vector<1024x8xf32> to vector<256x8xf32>
    %dot_general3A_44 = arith.constant dense<0.000000e+00> : vector<256x8xf32>
    %dot_general3A_45 = tpu.matmul %slice3A_42, %slice3A_43, %dot_general3A_44 {dimension_numbers = #tpu.dot_dimension_numbers<[1], [0], [0], [1], [0, 0, 1, 1], [], []>, transpose_lhs_hint = false} : vector<256x256xf32>, vector<256x8xf32>, vector<256x8xf32> -> vector<256x8xf32>
    %add3A_46 = arith.addf %add3A_41, %dot_general3A_45 : vector<256x8xf32>
    %slice3A_47 = vector.extract_strided_slice %max3A_29 {offsets = [0, 768], sizes = [256, 256], strides = [1, 1]} : vector<256x1024xf32> to vector<256x256xf32>
    %slice3A_48 = vector.extract_strided_slice %get3A_32 {offsets = [768, 0], sizes = [256, 8], strides = [1, 1]} : vector<1024x8xf32> to vector<256x8xf32>
    %dot_general3A_49 = arith.constant dense<0.000000e+00> : vector<256x8xf32>
    %dot_general3A_50 = tpu.matmul %slice3A_47, %slice3A_48, %dot_general3A_49 {dimension_numbers = #tpu.dot_dimension_numbers<[1], [0], [0], [1], [0, 0, 1, 1], [], []>, transpose_lhs_hint = false} : vector<256x256xf32>, vector<256x8xf32>, vector<256x8xf32> -> vector<256x8xf32>
    %add3A_51 = arith.addf %add3A_46, %dot_general3A_50 : vector<256x8xf32>
    %get3A_52 = arith.constant 0 : index
    %get3A_53 = arith.constant 0 : index
    %get3A_54 = vector.load %arg5[%get3A_52, %get3A_53] : memref<1x8xf32, #tpu.memory_space<vmem>>, vector<1x8xf32>
    %add3A_55 = vector.broadcast %get3A_54 : vector<1x8xf32> to vector<256x8xf32>
    %add3A_56 = arith.addf %add3A_51, %add3A_55 : vector<256x8xf32>
    %reduce_max3A = arith.constant dense<0xFF800000> : vector<256xf32>
    %reduce_max3A_57 = vector.multi_reduction <maximumf>, %add3A_56, %reduce_max3A [1] : vector<256x8xf32> to vector<256xf32>
    %broadcast_in_dim3A = vector.shape_cast %reduce_max3A_57 : vector<256xf32> to vector<256x1xf32>
    %sub3A = vector.broadcast %broadcast_in_dim3A : vector<256x1xf32> to vector<256x8xf32>
    %sub3A_58 = arith.subf %add3A_56, %sub3A : vector<256x8xf32>
    %exp3A = math.exp %sub3A_58 : vector<256x8xf32>
    %reduce_sum3A = arith.constant dense<0.000000e+00> : vector<256xf32>
    %reduce_sum3A_59 = vector.multi_reduction <add>, %exp3A, %reduce_sum3A [1] : vector<256x8xf32> to vector<256xf32>
    %broadcast_in_dim3A_60 = vector.shape_cast %reduce_sum3A_59 : vector<256xf32> to vector<256x1xf32>
    %div3A = vector.broadcast %broadcast_in_dim3A_60 : vector<256x1xf32> to vector<256x8xf32>
    %div3A_61 = arith.divf %exp3A, %div3A : vector<256x8xf32>
    %swap3A = arith.constant 0 : index
    %swap3A_62 = arith.constant 0 : index
    %swap3A_63 = vector.load %arg10[%swap3A, %swap3A_62] : memref<256x8xf32, #tpu.memory_space<vmem>>, vector<256x8xf32>
    tpu.vector_store %arg10[%swap3A, %swap3A_62], %div3A_61 {strides = array<i32>} : memref<256x8xf32, #tpu.memory_space<vmem>>, vector<256x8xf32>,
    %get3A_64 = arith.constant 0 : index
    %get3A_65 = arith.constant 0 : index
    %get3A_66 = vector.load %arg6[%get3A_64, %get3A_65] : memref<1024x512xf32, #tpu.memory_space<vmem>>, vector<1024x512xf32>
    %slice3A_67 = vector.extract_strided_slice %get3A_3 {offsets = [0, 0], sizes = [256, 256], strides = [1, 1]} : vector<256x1024xf32> to vector<256x256xf32>
    %slice3A_68 = vector.extract_strided_slice %get3A_66 {offsets = [0, 0], sizes = [256, 512], strides = [1, 1]} : vector<1024x512xf32> to vector<256x512xf32>
    %dot_general3A_69 = arith.constant dense<0.000000e+00> : vector<256x512xf32>
    %dot_general3A_70 = tpu.matmul %slice3A_67, %slice3A_68, %dot_general3A_69 {dimension_numbers = #tpu.dot_dimension_numbers<[1], [0], [0], [1], [0, 0, 1, 1], [], []>, transpose_lhs_hint = false} : vector<256x256xf32>, vector<256x512xf32>, vector<256x512xf32> -> vector<256x512xf32>
    %slice3A_71 = vector.extract_strided_slice %get3A_3 {offsets = [0, 256], sizes = [256, 256], strides = [1, 1]} : vector<256x1024xf32> to vector<256x256xf32>
    %slice3A_72 = vector.extract_strided_slice %get3A_66 {offsets = [256, 0], sizes = [256, 512], strides = [1, 1]} : vector<1024x512xf32> to vector<256x512xf32>
    %dot_general3A_73 = arith.constant dense<0.000000e+00> : vector<256x512xf32>
    %dot_general3A_74 = tpu.matmul %slice3A_71, %slice3A_72, %dot_general3A_73 {dimension_numbers = #tpu.dot_dimension_numbers<[1], [0], [0], [1], [0, 0, 1, 1], [], []>, transpose_lhs_hint = false} : vector<256x256xf32>, vector<256x512xf32>, vector<256x512xf32> -> vector<256x512xf32>
    %add3A_75 = arith.addf %dot_general3A_70, %dot_general3A_74 : vector<256x512xf32>
    %slice3A_76 = vector.extract_strided_slice %get3A_3 {offsets = [0, 512], sizes = [256, 256], strides = [1, 1]} : vector<256x1024xf32> to vector<256x256xf32>
    %slice3A_77 = vector.extract_strided_slice %get3A_66 {offsets = [512, 0], sizes = [256, 512], strides = [1, 1]} : vector<1024x512xf32> to vector<256x512xf32>
    %dot_general3A_78 = arith.constant dense<0.000000e+00> : vector<256x512xf32>
    %dot_general3A_79 = tpu.matmul %slice3A_76, %slice3A_77, %dot_general3A_78 {dimension_numbers = #tpu.dot_dimension_numbers<[1], [0], [0], [1], [0, 0, 1, 1], [], []>, transpose_lhs_hint = false} : vector<256x256xf32>, vector<256x512xf32>, vector<256x512xf32> -> vector<256x512xf32>
    %add3A_80 = arith.addf %add3A_75, %dot_general3A_79 : vector<256x512xf32>
    %slice3A_81 = vector.extract_strided_slice %get3A_3 {offsets = [0, 768], sizes = [256, 256], strides = [1, 1]} : vector<256x1024xf32> to vector<256x256xf32>
    %slice3A_82 = vector.extract_strided_slice %get3A_66 {offsets = [768, 0], sizes = [256, 512], strides = [1, 1]} : vector<1024x512xf32> to vector<256x512xf32>
    %dot_general3A_83 = arith.constant dense<0.000000e+00> : vector<256x512xf32>
    %dot_general3A_84 = tpu.matmul %slice3A_81, %slice3A_82, %dot_general3A_83 {dimension_numbers = #tpu.dot_dimension_numbers<[1], [0], [0], [1], [0, 0, 1, 1], [], []>, transpose_lhs_hint = false} : vector<256x256xf32>, vector<256x512xf32>, vector<256x512xf32> -> vector<256x512xf32>
    %add3A_85 = arith.addf %add3A_80, %dot_general3A_84 : vector<256x512xf32>
    %get3A_86 = arith.constant 0 : index
    %get3A_87 = arith.constant 0 : index
    %get3A_88 = vector.load %arg7[%get3A_86, %get3A_87] : memref<1x512xf32, #tpu.memory_space<vmem>>, vector<1x512xf32>
    %add3A_89 = vector.broadcast %get3A_88 : vector<1x512xf32> to vector<256x512xf32>
    %add3A_90 = arith.addf %add3A_85, %add3A_89 : vector<256x512xf32>
    %max3A_91 = arith.constant 0.000000e+00 : f32
    %max3A_92 = vector.broadcast %max3A_91 : f32 to vector<256x512xf32>
    %max3A_93 = arith.maximumf %add3A_90, %max3A_92 : vector<256x512xf32>
    %get3A_94 = arith.constant 0 : index
    %get3A_95 = arith.constant 0 : index
    %get3A_96 = vector.load %arg8[%get3A_94, %get3A_95] : memref<512x1xf32, #tpu.memory_space<vmem>>, vector<512x1xf32>
    %slice3A_97 = vector.extract_strided_slice %max3A_93 {offsets = [0, 0], sizes = [256, 256], strides = [1, 1]} : vector<256x512xf32> to vector<256x256xf32>
    %slice3A_98 = vector.extract_strided_slice %get3A_96 {offsets = [0, 0], sizes = [256, 1], strides = [1, 1]} : vector<512x1xf32> to vector<256x1xf32>
    %dot_general3A_99 = arith.constant dense<0.000000e+00> : vector<256x1xf32>
    %dot_general3A_100 = tpu.matmul %slice3A_97, %slice3A_98, %dot_general3A_99 {dimension_numbers = #tpu.dot_dimension_numbers<[1], [0], [0], [1], [0, 0, 1, 1], [], []>, transpose_lhs_hint = false} : vector<256x256xf32>, vector<256x1xf32>, vector<256x1xf32> -> vector<256x1xf32>
    %slice3A_101 = vector.extract_strided_slice %max3A_93 {offsets = [0, 256], sizes = [256, 256], strides = [1, 1]} : vector<256x512xf32> to vector<256x256xf32>
    %slice3A_102 = vector.extract_strided_slice %get3A_96 {offsets = [256, 0], sizes = [256, 1], strides = [1, 1]} : vector<512x1xf32> to vector<256x1xf32>
    %dot_general3A_103 = arith.constant dense<0.000000e+00> : vector<256x1xf32>
    %dot_general3A_104 = tpu.matmul %slice3A_101, %slice3A_102, %dot_general3A_103 {dimension_numbers = #tpu.dot_dimension_numbers<[1], [0], [0], [1], [0, 0, 1, 1], [], []>, transpose_lhs_hint = false} : vector<256x256xf32>, vector<256x1xf32>, vector<256x1xf32> -> vector<256x1xf32>
    %add3A_105 = arith.addf %dot_general3A_100, %dot_general3A_104 : vector<256x1xf32>
    %get3A_106 = arith.constant 0 : index
    %get3A_107 = arith.constant 0 : index
    %get3A_108 = vector.load %arg9[%get3A_106, %get3A_107] : memref<1x1xf32, #tpu.memory_space<vmem>>, vector<1x1xf32>
    %add3A_109 = vector.broadcast %get3A_108 : vector<1x1xf32> to vector<256x1xf32>
    %add3A_110 = arith.addf %add3A_105, %add3A_109 : vector<256x1xf32>
    %logistic3A = arith.negf %add3A_110 : vector<256x1xf32>
    %logistic3A_111 = math.exp %logistic3A : vector<256x1xf32>
    %logistic3A_112 = arith.constant 1.000000e+00 : f32
    %logistic3A_113 = vector.broadcast %logistic3A_112 : f32 to vector<256x1xf32>
    %logistic3A_114 = arith.addf %logistic3A_113, %logistic3A_111 : vector<256x1xf32>
    %logistic3A_115 = arith.divf %logistic3A_113, %logistic3A_114 : vector<256x1xf32>
    %swap3A_116 = arith.constant 0 : index
    %swap3A_117 = arith.constant 0 : index
    %swap3A_118 = vector.load %arg11[%swap3A_116, %swap3A_117] : memref<256x1xf32, #tpu.memory_space<vmem>>, vector<256x1xf32>
    tpu.vector_store %arg11[%swap3A_116, %swap3A_117], %logistic3A_115 {strides = array<i32>} : memref<256x1xf32, #tpu.memory_space<vmem>>, vector<256x1xf32>,
    %get3A_119 = arith.constant 0 : index
    %get3A_120 = arith.constant 0 : index
    %get3A_121 = vector.load %arg13[%get3A_119, %get3A_120] : memref<1x8xf32, #tpu.memory_space<vmem>>, vector<1x8xf32>
    %reduce_sum3A_122 = arith.constant dense<0.000000e+00> : vector<8xf32>
    %reduce_sum3A_123 = vector.multi_reduction <add>, %div3A_61, %reduce_sum3A_122 [0] : vector<256x8xf32> to vector<8xf32>
    %broadcast_in_dim3A_124 = vector.shape_cast %reduce_sum3A_123 : vector<8xf32> to vector<1x8xf32>
    %add3A_125 = arith.addf %get3A_121, %broadcast_in_dim3A_124 : vector<1x8xf32>
    %swap3A_126 = arith.constant 0 : index
    %swap3A_127 = arith.constant 0 : index
    %swap3A_128 = vector.load %arg13[%swap3A_126, %swap3A_127] : memref<1x8xf32, #tpu.memory_space<vmem>>, vector<1x8xf32>
    tpu.vector_store %arg13[%swap3A_126, %swap3A_127], %add3A_125 {strides = array<i32>} : memref<1x8xf32, #tpu.memory_space<vmem>>, vector<1x8xf32>,
    %eq3A_129 = arith.constant 7 : i32
    %eq3A_130 = arith.cmpi eq, %arg0, %eq3A_129 : i32
    %convert_element_type3A_131 = arith.extui %eq3A_130 : i1 to i32
    %cond3A_132 = arith.constant 0 : i32
    %cond3A_133 = arith.cmpi ne, %convert_element_type3A_131, %cond3A_132 : i32
    scf.if %cond3A_133 {
      %get3A_134 = arith.constant 0 : index
      %get3A_135 = arith.constant 0 : index
      %get3A_136 = vector.load %arg13[%get3A_134, %get3A_135] : memref<1x8xf32, #tpu.memory_space<vmem>>, vector<1x8xf32>
      %swap3A_137 = arith.constant 0 : index
      %swap3A_138 = arith.constant 0 : index
      %swap3A_139 = vector.load %arg12[%swap3A_137, %swap3A_138] : memref<1x8xf32, #tpu.memory_space<vmem>>, vector<1x8xf32>
      tpu.vector_store %arg12[%swap3A_137, %swap3A_138], %get3A_136 {strides = array<i32>} : memref<1x8xf32, #tpu.memory_space<vmem>>, vector<1x8xf32>,
    } else {
    }
    return
  }
  func.func @transform_0(%arg0: i32) -> (i32, i32) {
    %c0_i32 = arith.constant 0 : i32
    %c0_i32_0 = arith.constant 0 : i32
    return %arg0, %c0_i32 : i32, i32
  }
  func.func @transform_1(%arg0: i32) -> (i32, i32) {
    %c0_i32 = arith.constant 0 : i32
    %c0_i32_0 = arith.constant 0 : i32
    %c0_i32_1 = arith.constant 0 : i32
    return %c0_i32, %c0_i32_0 : i32, i32
  }
  func.func @transform_2(%arg0: i32) -> (i32, i32) {
    %c0_i32 = arith.constant 0 : i32
    %c0_i32_0 = arith.constant 0 : i32
    %c0_i32_1 = arith.constant 0 : i32
    return %c0_i32, %c0_i32_0 : i32, i32
  }
  func.func @transform_3(%arg0: i32) -> (i32, i32) {
    %c0_i32 = arith.constant 0 : i32
    %c0_i32_0 = arith.constant 0 : i32
    %c0_i32_1 = arith.constant 0 : i32
    return %c0_i32, %c0_i32_0 : i32, i32
  }
  func.func @transform_4(%arg0: i32) -> (i32, i32) {
    %c0_i32 = arith.constant 0 : i32
    %c0_i32_0 = arith.constant 0 : i32
    %c0_i32_1 = arith.constant 0 : i32
    return %c0_i32, %c0_i32_0 : i32, i32
  }
  func.func @transform_5(%arg0: i32) -> (i32, i32) {
    %c0_i32 = arith.constant 0 : i32
    %c0_i32_0 = arith.constant 0 : i32
    %c0_i32_1 = arith.constant 0 : i32
    return %c0_i32, %c0_i32_0 : i32, i32
  }
  func.func @transform_6(%arg0: i32) -> (i32, i32) {
    %c0_i32 = arith.constant 0 : i32
    %c0_i32_0 = arith.constant 0 : i32
    %c0_i32_1 = arith.constant 0 : i32
    return %c0_i32, %c0_i32_0 : i32, i32
  }
  func.func @transform_7(%arg0: i32) -> (i32, i32) {
    %c0_i32 = arith.constant 0 : i32
    %c0_i32_0 = arith.constant 0 : i32
    %c0_i32_1 = arith.constant 0 : i32
    return %c0_i32, %c0_i32_0 : i32, i32
  }
  func.func @transform_8(%arg0: i32) -> (i32, i32) {
    %c0_i32 = arith.constant 0 : i32
    %c0_i32_0 = arith.constant 0 : i32
    %c0_i32_1 = arith.constant 0 : i32
    return %c0_i32, %c0_i32_0 : i32, i32
  }
  func.func @transform_9(%arg0: i32) -> (i32, i32) {
    %c0_i32 = arith.constant 0 : i32
    %c0_i32_0 = arith.constant 0 : i32
    return %arg0, %c0_i32 : i32, i32
  }
  func.func @transform_10(%arg0: i32) -> (i32, i32) {
    %c0_i32 = arith.constant 0 : i32
    %c0_i32_0 = arith.constant 0 : i32
    return %arg0, %c0_i32 : i32, i32
  }
  func.func @transform_11(%arg0: i32) -> (i32, i32) {
    %c0_i32 = arith.constant 0 : i32
    %c0_i32_0 = arith.constant 0 : i32
    %c0_i32_1 = arith.constant 0 : i32
    return %c0_i32, %c0_i32_0 : i32, i32
  }
}

module attributes {stable_mosaic.version = 14 : i64} {
  func.func @_tc2_body(%arg0: i32, %arg1: memref<256x8xi32, #tpu.memory_space<vmem>>, %arg2: memref<256x8xf32, #tpu.memory_space<vmem>>, %arg3: memref<256x1xf32, #tpu.memory_space<vmem>>, %arg4: memref<1x8xf32, #tpu.memory_space<vmem>>, %arg5: memref<16x16xi32, #tpu.memory_space<vmem>>, %arg6: memref<256x8x768xf32, #tpu.memory_space<vmem>>, %arg7: memref<256x8x768xf32, #tpu.memory_space<vmem>>, %arg8: memref<1x1xf32, #tpu.memory_space<vmem>>) attributes {dimension_semantics = [#tpu.dimension_semantics<arbitrary>], iteration_bounds = array<i64: 8>, scalar_prefetch = 0 : i64, scratch_operands = 0 : i64, tpu.core_type = #tpu.core_type<tc>, window_params = [{transform_indices = @transform_0, window_bounds = array<i64: 256, 8>}, {transform_indices = @transform_1, window_bounds = array<i64: 256, 8>}, {transform_indices = @transform_2, window_bounds = array<i64: 256, 1>}, {pipeline_mode = #tpu.pipeline_mode<synchronous>, transform_indices = @transform_3, window_bounds = array<i64: 1, 8>}, {pipeline_mode = #tpu.pipeline_mode<synchronous>, transform_indices = @transform_4, window_bounds = array<i64: 16, 16>}, {transform_indices = @transform_5, window_bounds = array<i64: 256, 8, 768>}, {transform_indices = @transform_6, window_bounds = array<i64: 256, 8, 768>}, {pipeline_mode = #tpu.pipeline_mode<synchronous>, transform_indices = @transform_7, window_bounds = array<i64: 1, 1>}]} {
    %get3A = arith.constant 0 : index
    %get3A_0 = arith.constant 0 : index
    %get3A_1 = vector.load %arg5[%get3A, %get3A_0] : memref<16x16xi32, #tpu.memory_space<vmem>>, vector<16x16xi32>
    %convert_element_type3A = arith.sitofp %get3A_1 : vector<16x16xi32> to vector<16x16xf32>
    %broadcast_in_dim3A = arith.constant 0.000000e+00 : f32
    %broadcast_in_dim3A_2 = vector.broadcast %broadcast_in_dim3A : f32 to vector<1x16xf32>
    %broadcast_in_dim3A_3 = arith.constant 0.000000e+00 : f32
    %broadcast_in_dim3A_4 = vector.broadcast %broadcast_in_dim3A_3 : f32 to vector<1x16xf32>
    %slice3A = vector.extract_strided_slice %convert_element_type3A {offsets = [0, 0], sizes = [1, 16], strides = [1, 1]} : vector<16x16xf32> to vector<1x16xf32>
    %mul3A = arith.constant 2 : i32
    %mul3A_5 = arith.muli %mul3A, %arg0 : i32
    %gt3A = arith.constant 0 : i32
    %gt3A_6 = arith.cmpi sgt, %mul3A_5, %gt3A : i32
    %convert_element_type3A_7 = arith.extui %gt3A_6 : i1 to i32
    %convert_element_type3A_8 = arith.sitofp %convert_element_type3A_7 : i32 to f32
    %mul3A_9 = vector.broadcast %convert_element_type3A_8 : f32 to vector<1x16xf32>
    %mul3A_10 = arith.mulf %slice3A, %mul3A_9 : vector<1x16xf32>
    %add3A = arith.addf %broadcast_in_dim3A_2, %mul3A_10 : vector<1x16xf32>
    %mul3A_11 = arith.constant 2 : i32
    %mul3A_12 = arith.muli %mul3A_11, %arg0 : i32
    %add3A_13 = arith.constant 1 : i32
    %add3A_14 = arith.addi %mul3A_12, %add3A_13 : i32
    %gt3A_15 = arith.constant 0 : i32
    %gt3A_16 = arith.cmpi sgt, %add3A_14, %gt3A_15 : i32
    %convert_element_type3A_17 = arith.extui %gt3A_16 : i1 to i32
    %convert_element_type3A_18 = arith.sitofp %convert_element_type3A_17 : i32 to f32
    %mul3A_19 = vector.broadcast %convert_element_type3A_18 : f32 to vector<1x16xf32>
    %mul3A_20 = arith.mulf %slice3A, %mul3A_19 : vector<1x16xf32>
    %add3A_21 = arith.addf %broadcast_in_dim3A_4, %mul3A_20 : vector<1x16xf32>
    %slice3A_22 = vector.extract_strided_slice %convert_element_type3A {offsets = [1, 0], sizes = [1, 16], strides = [1, 1]} : vector<16x16xf32> to vector<1x16xf32>
    %mul3A_23 = arith.constant 2 : i32
    %mul3A_24 = arith.muli %mul3A_23, %arg0 : i32
    %gt3A_25 = arith.constant 1 : i32
    %gt3A_26 = arith.cmpi sgt, %mul3A_24, %gt3A_25 : i32
    %convert_element_type3A_27 = arith.extui %gt3A_26 : i1 to i32
    %convert_element_type3A_28 = arith.sitofp %convert_element_type3A_27 : i32 to f32
    %mul3A_29 = vector.broadcast %convert_element_type3A_28 : f32 to vector<1x16xf32>
    %mul3A_30 = arith.mulf %slice3A_22, %mul3A_29 : vector<1x16xf32>
    %add3A_31 = arith.addf %add3A, %mul3A_30 : vector<1x16xf32>
    %mul3A_32 = arith.constant 2 : i32
    %mul3A_33 = arith.muli %mul3A_32, %arg0 : i32
    %add3A_34 = arith.constant 1 : i32
    %add3A_35 = arith.addi %mul3A_33, %add3A_34 : i32
    %gt3A_36 = arith.constant 1 : i32
    %gt3A_37 = arith.cmpi sgt, %add3A_35, %gt3A_36 : i32
    %convert_element_type3A_38 = arith.extui %gt3A_37 : i1 to i32
    %convert_element_type3A_39 = arith.sitofp %convert_element_type3A_38 : i32 to f32
    %mul3A_40 = vector.broadcast %convert_element_type3A_39 : f32 to vector<1x16xf32>
    %mul3A_41 = arith.mulf %slice3A_22, %mul3A_40 : vector<1x16xf32>
    %add3A_42 = arith.addf %add3A_21, %mul3A_41 : vector<1x16xf32>
    %slice3A_43 = vector.extract_strided_slice %convert_element_type3A {offsets = [2, 0], sizes = [1, 16], strides = [1, 1]} : vector<16x16xf32> to vector<1x16xf32>
    %mul3A_44 = arith.constant 2 : i32
    %mul3A_45 = arith.muli %mul3A_44, %arg0 : i32
    %gt3A_46 = arith.constant 2 : i32
    %gt3A_47 = arith.cmpi sgt, %mul3A_45, %gt3A_46 : i32
    %convert_element_type3A_48 = arith.extui %gt3A_47 : i1 to i32
    %convert_element_type3A_49 = arith.sitofp %convert_element_type3A_48 : i32 to f32
    %mul3A_50 = vector.broadcast %convert_element_type3A_49 : f32 to vector<1x16xf32>
    %mul3A_51 = arith.mulf %slice3A_43, %mul3A_50 : vector<1x16xf32>
    %add3A_52 = arith.addf %add3A_31, %mul3A_51 : vector<1x16xf32>
    %mul3A_53 = arith.constant 2 : i32
    %mul3A_54 = arith.muli %mul3A_53, %arg0 : i32
    %add3A_55 = arith.constant 1 : i32
    %add3A_56 = arith.addi %mul3A_54, %add3A_55 : i32
    %gt3A_57 = arith.constant 2 : i32
    %gt3A_58 = arith.cmpi sgt, %add3A_56, %gt3A_57 : i32
    %convert_element_type3A_59 = arith.extui %gt3A_58 : i1 to i32
    %convert_element_type3A_60 = arith.sitofp %convert_element_type3A_59 : i32 to f32
    %mul3A_61 = vector.broadcast %convert_element_type3A_60 : f32 to vector<1x16xf32>
    %mul3A_62 = arith.mulf %slice3A_43, %mul3A_61 : vector<1x16xf32>
    %add3A_63 = arith.addf %add3A_42, %mul3A_62 : vector<1x16xf32>
    %slice3A_64 = vector.extract_strided_slice %convert_element_type3A {offsets = [3, 0], sizes = [1, 16], strides = [1, 1]} : vector<16x16xf32> to vector<1x16xf32>
    %mul3A_65 = arith.constant 2 : i32
    %mul3A_66 = arith.muli %mul3A_65, %arg0 : i32
    %gt3A_67 = arith.constant 3 : i32
    %gt3A_68 = arith.cmpi sgt, %mul3A_66, %gt3A_67 : i32
    %convert_element_type3A_69 = arith.extui %gt3A_68 : i1 to i32
    %convert_element_type3A_70 = arith.sitofp %convert_element_type3A_69 : i32 to f32
    %mul3A_71 = vector.broadcast %convert_element_type3A_70 : f32 to vector<1x16xf32>
    %mul3A_72 = arith.mulf %slice3A_64, %mul3A_71 : vector<1x16xf32>
    %add3A_73 = arith.addf %add3A_52, %mul3A_72 : vector<1x16xf32>
    %mul3A_74 = arith.constant 2 : i32
    %mul3A_75 = arith.muli %mul3A_74, %arg0 : i32
    %add3A_76 = arith.constant 1 : i32
    %add3A_77 = arith.addi %mul3A_75, %add3A_76 : i32
    %gt3A_78 = arith.constant 3 : i32
    %gt3A_79 = arith.cmpi sgt, %add3A_77, %gt3A_78 : i32
    %convert_element_type3A_80 = arith.extui %gt3A_79 : i1 to i32
    %convert_element_type3A_81 = arith.sitofp %convert_element_type3A_80 : i32 to f32
    %mul3A_82 = vector.broadcast %convert_element_type3A_81 : f32 to vector<1x16xf32>
    %mul3A_83 = arith.mulf %slice3A_64, %mul3A_82 : vector<1x16xf32>
    %add3A_84 = arith.addf %add3A_63, %mul3A_83 : vector<1x16xf32>
    %slice3A_85 = vector.extract_strided_slice %convert_element_type3A {offsets = [4, 0], sizes = [1, 16], strides = [1, 1]} : vector<16x16xf32> to vector<1x16xf32>
    %mul3A_86 = arith.constant 2 : i32
    %mul3A_87 = arith.muli %mul3A_86, %arg0 : i32
    %gt3A_88 = arith.constant 4 : i32
    %gt3A_89 = arith.cmpi sgt, %mul3A_87, %gt3A_88 : i32
    %convert_element_type3A_90 = arith.extui %gt3A_89 : i1 to i32
    %convert_element_type3A_91 = arith.sitofp %convert_element_type3A_90 : i32 to f32
    %mul3A_92 = vector.broadcast %convert_element_type3A_91 : f32 to vector<1x16xf32>
    %mul3A_93 = arith.mulf %slice3A_85, %mul3A_92 : vector<1x16xf32>
    %add3A_94 = arith.addf %add3A_73, %mul3A_93 : vector<1x16xf32>
    %mul3A_95 = arith.constant 2 : i32
    %mul3A_96 = arith.muli %mul3A_95, %arg0 : i32
    %add3A_97 = arith.constant 1 : i32
    %add3A_98 = arith.addi %mul3A_96, %add3A_97 : i32
    %gt3A_99 = arith.constant 4 : i32
    %gt3A_100 = arith.cmpi sgt, %add3A_98, %gt3A_99 : i32
    %convert_element_type3A_101 = arith.extui %gt3A_100 : i1 to i32
    %convert_element_type3A_102 = arith.sitofp %convert_element_type3A_101 : i32 to f32
    %mul3A_103 = vector.broadcast %convert_element_type3A_102 : f32 to vector<1x16xf32>
    %mul3A_104 = arith.mulf %slice3A_85, %mul3A_103 : vector<1x16xf32>
    %add3A_105 = arith.addf %add3A_84, %mul3A_104 : vector<1x16xf32>
    %slice3A_106 = vector.extract_strided_slice %convert_element_type3A {offsets = [5, 0], sizes = [1, 16], strides = [1, 1]} : vector<16x16xf32> to vector<1x16xf32>
    %mul3A_107 = arith.constant 2 : i32
    %mul3A_108 = arith.muli %mul3A_107, %arg0 : i32
    %gt3A_109 = arith.constant 5 : i32
    %gt3A_110 = arith.cmpi sgt, %mul3A_108, %gt3A_109 : i32
    %convert_element_type3A_111 = arith.extui %gt3A_110 : i1 to i32
    %convert_element_type3A_112 = arith.sitofp %convert_element_type3A_111 : i32 to f32
    %mul3A_113 = vector.broadcast %convert_element_type3A_112 : f32 to vector<1x16xf32>
    %mul3A_114 = arith.mulf %slice3A_106, %mul3A_113 : vector<1x16xf32>
    %add3A_115 = arith.addf %add3A_94, %mul3A_114 : vector<1x16xf32>
    %mul3A_116 = arith.constant 2 : i32
    %mul3A_117 = arith.muli %mul3A_116, %arg0 : i32
    %add3A_118 = arith.constant 1 : i32
    %add3A_119 = arith.addi %mul3A_117, %add3A_118 : i32
    %gt3A_120 = arith.constant 5 : i32
    %gt3A_121 = arith.cmpi sgt, %add3A_119, %gt3A_120 : i32
    %convert_element_type3A_122 = arith.extui %gt3A_121 : i1 to i32
    %convert_element_type3A_123 = arith.sitofp %convert_element_type3A_122 : i32 to f32
    %mul3A_124 = vector.broadcast %convert_element_type3A_123 : f32 to vector<1x16xf32>
    %mul3A_125 = arith.mulf %slice3A_106, %mul3A_124 : vector<1x16xf32>
    %add3A_126 = arith.addf %add3A_105, %mul3A_125 : vector<1x16xf32>
    %slice3A_127 = vector.extract_strided_slice %convert_element_type3A {offsets = [6, 0], sizes = [1, 16], strides = [1, 1]} : vector<16x16xf32> to vector<1x16xf32>
    %mul3A_128 = arith.constant 2 : i32
    %mul3A_129 = arith.muli %mul3A_128, %arg0 : i32
    %gt3A_130 = arith.constant 6 : i32
    %gt3A_131 = arith.cmpi sgt, %mul3A_129, %gt3A_130 : i32
    %convert_element_type3A_132 = arith.extui %gt3A_131 : i1 to i32
    %convert_element_type3A_133 = arith.sitofp %convert_element_type3A_132 : i32 to f32
    %mul3A_134 = vector.broadcast %convert_element_type3A_133 : f32 to vector<1x16xf32>
    %mul3A_135 = arith.mulf %slice3A_127, %mul3A_134 : vector<1x16xf32>
    %add3A_136 = arith.addf %add3A_115, %mul3A_135 : vector<1x16xf32>
    %mul3A_137 = arith.constant 2 : i32
    %mul3A_138 = arith.muli %mul3A_137, %arg0 : i32
    %add3A_139 = arith.constant 1 : i32
    %add3A_140 = arith.addi %mul3A_138, %add3A_139 : i32
    %gt3A_141 = arith.constant 6 : i32
    %gt3A_142 = arith.cmpi sgt, %add3A_140, %gt3A_141 : i32
    %convert_element_type3A_143 = arith.extui %gt3A_142 : i1 to i32
    %convert_element_type3A_144 = arith.sitofp %convert_element_type3A_143 : i32 to f32
    %mul3A_145 = vector.broadcast %convert_element_type3A_144 : f32 to vector<1x16xf32>
    %mul3A_146 = arith.mulf %slice3A_127, %mul3A_145 : vector<1x16xf32>
    %add3A_147 = arith.addf %add3A_126, %mul3A_146 : vector<1x16xf32>
    %slice3A_148 = vector.extract_strided_slice %convert_element_type3A {offsets = [7, 0], sizes = [1, 16], strides = [1, 1]} : vector<16x16xf32> to vector<1x16xf32>
    %mul3A_149 = arith.constant 2 : i32
    %mul3A_150 = arith.muli %mul3A_149, %arg0 : i32
    %gt3A_151 = arith.constant 7 : i32
    %gt3A_152 = arith.cmpi sgt, %mul3A_150, %gt3A_151 : i32
    %convert_element_type3A_153 = arith.extui %gt3A_152 : i1 to i32
    %convert_element_type3A_154 = arith.sitofp %convert_element_type3A_153 : i32 to f32
    %mul3A_155 = vector.broadcast %convert_element_type3A_154 : f32 to vector<1x16xf32>
    %mul3A_156 = arith.mulf %slice3A_148, %mul3A_155 : vector<1x16xf32>
    %add3A_157 = arith.addf %add3A_136, %mul3A_156 : vector<1x16xf32>
    %mul3A_158 = arith.constant 2 : i32
    %mul3A_159 = arith.muli %mul3A_158, %arg0 : i32
    %add3A_160 = arith.constant 1 : i32
    %add3A_161 = arith.addi %mul3A_159, %add3A_160 : i32
    %gt3A_162 = arith.constant 7 : i32
    %gt3A_163 = arith.cmpi sgt, %add3A_161, %gt3A_162 : i32
    %convert_element_type3A_164 = arith.extui %gt3A_163 : i1 to i32
    %convert_element_type3A_165 = arith.sitofp %convert_element_type3A_164 : i32 to f32
    %mul3A_166 = vector.broadcast %convert_element_type3A_165 : f32 to vector<1x16xf32>
    %mul3A_167 = arith.mulf %slice3A_148, %mul3A_166 : vector<1x16xf32>
    %add3A_168 = arith.addf %add3A_147, %mul3A_167 : vector<1x16xf32>
    %slice3A_169 = vector.extract_strided_slice %convert_element_type3A {offsets = [8, 0], sizes = [1, 16], strides = [1, 1]} : vector<16x16xf32> to vector<1x16xf32>
    %mul3A_170 = arith.constant 2 : i32
    %mul3A_171 = arith.muli %mul3A_170, %arg0 : i32
    %gt3A_172 = arith.constant 8 : i32
    %gt3A_173 = arith.cmpi sgt, %mul3A_171, %gt3A_172 : i32
    %convert_element_type3A_174 = arith.extui %gt3A_173 : i1 to i32
    %convert_element_type3A_175 = arith.sitofp %convert_element_type3A_174 : i32 to f32
    %mul3A_176 = vector.broadcast %convert_element_type3A_175 : f32 to vector<1x16xf32>
    %mul3A_177 = arith.mulf %slice3A_169, %mul3A_176 : vector<1x16xf32>
    %add3A_178 = arith.addf %add3A_157, %mul3A_177 : vector<1x16xf32>
    %mul3A_179 = arith.constant 2 : i32
    %mul3A_180 = arith.muli %mul3A_179, %arg0 : i32
    %add3A_181 = arith.constant 1 : i32
    %add3A_182 = arith.addi %mul3A_180, %add3A_181 : i32
    %gt3A_183 = arith.constant 8 : i32
    %gt3A_184 = arith.cmpi sgt, %add3A_182, %gt3A_183 : i32
    %convert_element_type3A_185 = arith.extui %gt3A_184 : i1 to i32
    %convert_element_type3A_186 = arith.sitofp %convert_element_type3A_185 : i32 to f32
    %mul3A_187 = vector.broadcast %convert_element_type3A_186 : f32 to vector<1x16xf32>
    %mul3A_188 = arith.mulf %slice3A_169, %mul3A_187 : vector<1x16xf32>
    %add3A_189 = arith.addf %add3A_168, %mul3A_188 : vector<1x16xf32>
    %slice3A_190 = vector.extract_strided_slice %convert_element_type3A {offsets = [9, 0], sizes = [1, 16], strides = [1, 1]} : vector<16x16xf32> to vector<1x16xf32>
    %mul3A_191 = arith.constant 2 : i32
    %mul3A_192 = arith.muli %mul3A_191, %arg0 : i32
    %gt3A_193 = arith.constant 9 : i32
    %gt3A_194 = arith.cmpi sgt, %mul3A_192, %gt3A_193 : i32
    %convert_element_type3A_195 = arith.extui %gt3A_194 : i1 to i32
    %convert_element_type3A_196 = arith.sitofp %convert_element_type3A_195 : i32 to f32
    %mul3A_197 = vector.broadcast %convert_element_type3A_196 : f32 to vector<1x16xf32>
    %mul3A_198 = arith.mulf %slice3A_190, %mul3A_197 : vector<1x16xf32>
    %add3A_199 = arith.addf %add3A_178, %mul3A_198 : vector<1x16xf32>
    %mul3A_200 = arith.constant 2 : i32
    %mul3A_201 = arith.muli %mul3A_200, %arg0 : i32
    %add3A_202 = arith.constant 1 : i32
    %add3A_203 = arith.addi %mul3A_201, %add3A_202 : i32
    %gt3A_204 = arith.constant 9 : i32
    %gt3A_205 = arith.cmpi sgt, %add3A_203, %gt3A_204 : i32
    %convert_element_type3A_206 = arith.extui %gt3A_205 : i1 to i32
    %convert_element_type3A_207 = arith.sitofp %convert_element_type3A_206 : i32 to f32
    %mul3A_208 = vector.broadcast %convert_element_type3A_207 : f32 to vector<1x16xf32>
    %mul3A_209 = arith.mulf %slice3A_190, %mul3A_208 : vector<1x16xf32>
    %add3A_210 = arith.addf %add3A_189, %mul3A_209 : vector<1x16xf32>
    %slice3A_211 = vector.extract_strided_slice %convert_element_type3A {offsets = [10, 0], sizes = [1, 16], strides = [1, 1]} : vector<16x16xf32> to vector<1x16xf32>
    %mul3A_212 = arith.constant 2 : i32
    %mul3A_213 = arith.muli %mul3A_212, %arg0 : i32
    %gt3A_214 = arith.constant 10 : i32
    %gt3A_215 = arith.cmpi sgt, %mul3A_213, %gt3A_214 : i32
    %convert_element_type3A_216 = arith.extui %gt3A_215 : i1 to i32
    %convert_element_type3A_217 = arith.sitofp %convert_element_type3A_216 : i32 to f32
    %mul3A_218 = vector.broadcast %convert_element_type3A_217 : f32 to vector<1x16xf32>
    %mul3A_219 = arith.mulf %slice3A_211, %mul3A_218 : vector<1x16xf32>
    %add3A_220 = arith.addf %add3A_199, %mul3A_219 : vector<1x16xf32>
    %mul3A_221 = arith.constant 2 : i32
    %mul3A_222 = arith.muli %mul3A_221, %arg0 : i32
    %add3A_223 = arith.constant 1 : i32
    %add3A_224 = arith.addi %mul3A_222, %add3A_223 : i32
    %gt3A_225 = arith.constant 10 : i32
    %gt3A_226 = arith.cmpi sgt, %add3A_224, %gt3A_225 : i32
    %convert_element_type3A_227 = arith.extui %gt3A_226 : i1 to i32
    %convert_element_type3A_228 = arith.sitofp %convert_element_type3A_227 : i32 to f32
    %mul3A_229 = vector.broadcast %convert_element_type3A_228 : f32 to vector<1x16xf32>
    %mul3A_230 = arith.mulf %slice3A_211, %mul3A_229 : vector<1x16xf32>
    %add3A_231 = arith.addf %add3A_210, %mul3A_230 : vector<1x16xf32>
    %slice3A_232 = vector.extract_strided_slice %convert_element_type3A {offsets = [11, 0], sizes = [1, 16], strides = [1, 1]} : vector<16x16xf32> to vector<1x16xf32>
    %mul3A_233 = arith.constant 2 : i32
    %mul3A_234 = arith.muli %mul3A_233, %arg0 : i32
    %gt3A_235 = arith.constant 11 : i32
    %gt3A_236 = arith.cmpi sgt, %mul3A_234, %gt3A_235 : i32
    %convert_element_type3A_237 = arith.extui %gt3A_236 : i1 to i32
    %convert_element_type3A_238 = arith.sitofp %convert_element_type3A_237 : i32 to f32
    %mul3A_239 = vector.broadcast %convert_element_type3A_238 : f32 to vector<1x16xf32>
    %mul3A_240 = arith.mulf %slice3A_232, %mul3A_239 : vector<1x16xf32>
    %add3A_241 = arith.addf %add3A_220, %mul3A_240 : vector<1x16xf32>
    %mul3A_242 = arith.constant 2 : i32
    %mul3A_243 = arith.muli %mul3A_242, %arg0 : i32
    %add3A_244 = arith.constant 1 : i32
    %add3A_245 = arith.addi %mul3A_243, %add3A_244 : i32
    %gt3A_246 = arith.constant 11 : i32
    %gt3A_247 = arith.cmpi sgt, %add3A_245, %gt3A_246 : i32
    %convert_element_type3A_248 = arith.extui %gt3A_247 : i1 to i32
    %convert_element_type3A_249 = arith.sitofp %convert_element_type3A_248 : i32 to f32
    %mul3A_250 = vector.broadcast %convert_element_type3A_249 : f32 to vector<1x16xf32>
    %mul3A_251 = arith.mulf %slice3A_232, %mul3A_250 : vector<1x16xf32>
    %add3A_252 = arith.addf %add3A_231, %mul3A_251 : vector<1x16xf32>
    %slice3A_253 = vector.extract_strided_slice %convert_element_type3A {offsets = [12, 0], sizes = [1, 16], strides = [1, 1]} : vector<16x16xf32> to vector<1x16xf32>
    %mul3A_254 = arith.constant 2 : i32
    %mul3A_255 = arith.muli %mul3A_254, %arg0 : i32
    %gt3A_256 = arith.constant 12 : i32
    %gt3A_257 = arith.cmpi sgt, %mul3A_255, %gt3A_256 : i32
    %convert_element_type3A_258 = arith.extui %gt3A_257 : i1 to i32
    %convert_element_type3A_259 = arith.sitofp %convert_element_type3A_258 : i32 to f32
    %mul3A_260 = vector.broadcast %convert_element_type3A_259 : f32 to vector<1x16xf32>
    %mul3A_261 = arith.mulf %slice3A_253, %mul3A_260 : vector<1x16xf32>
    %add3A_262 = arith.addf %add3A_241, %mul3A_261 : vector<1x16xf32>
    %mul3A_263 = arith.constant 2 : i32
    %mul3A_264 = arith.muli %mul3A_263, %arg0 : i32
    %add3A_265 = arith.constant 1 : i32
    %add3A_266 = arith.addi %mul3A_264, %add3A_265 : i32
    %gt3A_267 = arith.constant 12 : i32
    %gt3A_268 = arith.cmpi sgt, %add3A_266, %gt3A_267 : i32
    %convert_element_type3A_269 = arith.extui %gt3A_268 : i1 to i32
    %convert_element_type3A_270 = arith.sitofp %convert_element_type3A_269 : i32 to f32
    %mul3A_271 = vector.broadcast %convert_element_type3A_270 : f32 to vector<1x16xf32>
    %mul3A_272 = arith.mulf %slice3A_253, %mul3A_271 : vector<1x16xf32>
    %add3A_273 = arith.addf %add3A_252, %mul3A_272 : vector<1x16xf32>
    %slice3A_274 = vector.extract_strided_slice %convert_element_type3A {offsets = [13, 0], sizes = [1, 16], strides = [1, 1]} : vector<16x16xf32> to vector<1x16xf32>
    %mul3A_275 = arith.constant 2 : i32
    %mul3A_276 = arith.muli %mul3A_275, %arg0 : i32
    %gt3A_277 = arith.constant 13 : i32
    %gt3A_278 = arith.cmpi sgt, %mul3A_276, %gt3A_277 : i32
    %convert_element_type3A_279 = arith.extui %gt3A_278 : i1 to i32
    %convert_element_type3A_280 = arith.sitofp %convert_element_type3A_279 : i32 to f32
    %mul3A_281 = vector.broadcast %convert_element_type3A_280 : f32 to vector<1x16xf32>
    %mul3A_282 = arith.mulf %slice3A_274, %mul3A_281 : vector<1x16xf32>
    %add3A_283 = arith.addf %add3A_262, %mul3A_282 : vector<1x16xf32>
    %mul3A_284 = arith.constant 2 : i32
    %mul3A_285 = arith.muli %mul3A_284, %arg0 : i32
    %add3A_286 = arith.constant 1 : i32
    %add3A_287 = arith.addi %mul3A_285, %add3A_286 : i32
    %gt3A_288 = arith.constant 13 : i32
    %gt3A_289 = arith.cmpi sgt, %add3A_287, %gt3A_288 : i32
    %convert_element_type3A_290 = arith.extui %gt3A_289 : i1 to i32
    %convert_element_type3A_291 = arith.sitofp %convert_element_type3A_290 : i32 to f32
    %mul3A_292 = vector.broadcast %convert_element_type3A_291 : f32 to vector<1x16xf32>
    %mul3A_293 = arith.mulf %slice3A_274, %mul3A_292 : vector<1x16xf32>
    %add3A_294 = arith.addf %add3A_273, %mul3A_293 : vector<1x16xf32>
    %slice3A_295 = vector.extract_strided_slice %convert_element_type3A {offsets = [14, 0], sizes = [1, 16], strides = [1, 1]} : vector<16x16xf32> to vector<1x16xf32>
    %mul3A_296 = arith.constant 2 : i32
    %mul3A_297 = arith.muli %mul3A_296, %arg0 : i32
    %gt3A_298 = arith.constant 14 : i32
    %gt3A_299 = arith.cmpi sgt, %mul3A_297, %gt3A_298 : i32
    %convert_element_type3A_300 = arith.extui %gt3A_299 : i1 to i32
    %convert_element_type3A_301 = arith.sitofp %convert_element_type3A_300 : i32 to f32
    %mul3A_302 = vector.broadcast %convert_element_type3A_301 : f32 to vector<1x16xf32>
    %mul3A_303 = arith.mulf %slice3A_295, %mul3A_302 : vector<1x16xf32>
    %add3A_304 = arith.addf %add3A_283, %mul3A_303 : vector<1x16xf32>
    %mul3A_305 = arith.constant 2 : i32
    %mul3A_306 = arith.muli %mul3A_305, %arg0 : i32
    %add3A_307 = arith.constant 1 : i32
    %add3A_308 = arith.addi %mul3A_306, %add3A_307 : i32
    %gt3A_309 = arith.constant 14 : i32
    %gt3A_310 = arith.cmpi sgt, %add3A_308, %gt3A_309 : i32
    %convert_element_type3A_311 = arith.extui %gt3A_310 : i1 to i32
    %convert_element_type3A_312 = arith.sitofp %convert_element_type3A_311 : i32 to f32
    %mul3A_313 = vector.broadcast %convert_element_type3A_312 : f32 to vector<1x16xf32>
    %mul3A_314 = arith.mulf %slice3A_295, %mul3A_313 : vector<1x16xf32>
    %add3A_315 = arith.addf %add3A_294, %mul3A_314 : vector<1x16xf32>
    %slice3A_316 = vector.extract_strided_slice %convert_element_type3A {offsets = [15, 0], sizes = [1, 16], strides = [1, 1]} : vector<16x16xf32> to vector<1x16xf32>
    %mul3A_317 = arith.constant 2 : i32
    %mul3A_318 = arith.muli %mul3A_317, %arg0 : i32
    %gt3A_319 = arith.constant 15 : i32
    %gt3A_320 = arith.cmpi sgt, %mul3A_318, %gt3A_319 : i32
    %convert_element_type3A_321 = arith.extui %gt3A_320 : i1 to i32
    %convert_element_type3A_322 = arith.sitofp %convert_element_type3A_321 : i32 to f32
    %mul3A_323 = vector.broadcast %convert_element_type3A_322 : f32 to vector<1x16xf32>
    %mul3A_324 = arith.mulf %slice3A_316, %mul3A_323 : vector<1x16xf32>
    %add3A_325 = arith.addf %add3A_304, %mul3A_324 : vector<1x16xf32>
    %mul3A_326 = arith.constant 2 : i32
    %mul3A_327 = arith.muli %mul3A_326, %arg0 : i32
    %add3A_328 = arith.constant 1 : i32
    %add3A_329 = arith.addi %mul3A_327, %add3A_328 : i32
    %gt3A_330 = arith.constant 15 : i32
    %gt3A_331 = arith.cmpi sgt, %add3A_329, %gt3A_330 : i32
    %convert_element_type3A_332 = arith.extui %gt3A_331 : i1 to i32
    %convert_element_type3A_333 = arith.sitofp %convert_element_type3A_332 : i32 to f32
    %mul3A_334 = vector.broadcast %convert_element_type3A_333 : f32 to vector<1x16xf32>
    %mul3A_335 = arith.mulf %slice3A_316, %mul3A_334 : vector<1x16xf32>
    %add3A_336 = arith.addf %add3A_315, %mul3A_335 : vector<1x16xf32>
    %iota3A = tpu.iota {dimensions = array<i32: 0>} : vector<256x1xi32>
    %lt3A = arith.constant 128 : i32
    %lt3A_337 = vector.broadcast %lt3A : i32 to vector<256x1xi32>
    %lt3A_338 = arith.cmpi slt, %iota3A, %lt3A_337 : vector<256x1xi32>
    %slice3A_339 = vector.extract_strided_slice %add3A_325 {offsets = [0, 0], sizes = [1, 8], strides = [1, 1]} : vector<1x16xf32> to vector<1x8xf32>
    %slice3A_340 = vector.extract_strided_slice %add3A_336 {offsets = [0, 0], sizes = [1, 8], strides = [1, 1]} : vector<1x16xf32> to vector<1x8xf32>
    %broadcast_in_dim3A_341 = vector.shape_cast %lt3A_338 : vector<256x1xi1> to vector<256x1xi1>
    %broadcast_in_dim3A_342 = vector.broadcast %broadcast_in_dim3A_341 : vector<256x1xi1> to vector<256x8xi1>
    %broadcast_in_dim3A_343 = vector.shape_cast %slice3A_339 : vector<1x8xf32> to vector<1x8xf32>
    %broadcast_in_dim3A_344 = vector.broadcast %broadcast_in_dim3A_343 : vector<1x8xf32> to vector<256x8xf32>
    %broadcast_in_dim3A_345 = vector.shape_cast %slice3A_340 : vector<1x8xf32> to vector<1x8xf32>
    %broadcast_in_dim3A_346 = vector.broadcast %broadcast_in_dim3A_345 : vector<1x8xf32> to vector<256x8xf32>
    %select_n3A = arith.select %broadcast_in_dim3A_342, %broadcast_in_dim3A_344, %broadcast_in_dim3A_346 : vector<256x8xi1>, vector<256x8xf32>
    %get3A_347 = arith.constant 0 : index
    %get3A_348 = arith.constant 0 : index
    %get3A_349 = vector.load %arg1[%get3A_347, %get3A_348] : memref<256x8xi32, #tpu.memory_space<vmem>>, vector<256x8xi32>
    %convert_element_type3A_350 = arith.fptosi %select_n3A : vector<256x8xf32> to vector<256x8xi32>
    %add3A_351 = arith.addi %get3A_349, %convert_element_type3A_350 : vector<256x8xi32>
    %lt3A_352 = arith.constant 768 : i32
    %lt3A_353 = vector.broadcast %lt3A_352 : i32 to vector<256x8xi32>
    %lt3A_354 = arith.cmpi slt, %add3A_351, %lt3A_353 : vector<256x8xi32>
    %jit3A = arith.constant -1 : i32
    %broadcast_in_dim3A_355 = vector.broadcast %jit3A : i32 to vector<256x8xi32>
    %select_n3A_356 = arith.select %lt3A_354, %add3A_351, %broadcast_in_dim3A_355 : vector<256x8xi1>, vector<256x8xi32>
    %get3A_357 = arith.constant 0 : index
    %get3A_358 = arith.constant 0 : index
    %get3A_359 = vector.load %arg3[%get3A_357, %get3A_358] : memref<256x1xf32, #tpu.memory_space<vmem>>, vector<256x1xf32>
    %gt3A_360 = arith.constant 5.000000e-01 : f32
    %gt3A_361 = vector.broadcast %gt3A_360 : f32 to vector<256x1xf32>
    %gt3A_362 = arith.cmpf ogt, %get3A_359, %gt3A_361 : vector<256x1xf32>
    %convert_element_type3A_363 = arith.extui %gt3A_362 : vector<256x1xi1> to vector<256x1xi32>
    %convert_element_type3A_364 = arith.sitofp %convert_element_type3A_363 : vector<256x1xi32> to vector<256x1xf32>
    %add3A_365 = arith.constant 1.000000e+00 : f32
    %add3A_366 = vector.broadcast %add3A_365 : f32 to vector<256x1xf32>
    %add3A_367 = arith.addf %add3A_366, %convert_element_type3A_364 : vector<256x1xf32>
    %iota3A_368 = tpu.iota {dimensions = array<i32: 2>} : vector<256x8x768xi32>
    %broadcast_in_dim3A_369 = vector.shape_cast %select_n3A_356 : vector<256x8xi32> to vector<256x8x1xi32>
    %eq3A = vector.broadcast %broadcast_in_dim3A_369 : vector<256x8x1xi32> to vector<256x8x768xi32>
    %eq3A_370 = arith.cmpi eq, %iota3A_368, %eq3A : vector<256x8x768xi32>
    %convert_element_type3A_371 = arith.extui %eq3A_370 : vector<256x8x768xi1> to vector<256x8x768xi32>
    %convert_element_type3A_372 = arith.sitofp %convert_element_type3A_371 : vector<256x8x768xi32> to vector<256x8x768xf32>
    %swap3A = arith.constant 0 : index
    %swap3A_373 = arith.constant 0 : index
    %swap3A_374 = arith.constant 0 : index
    %swap3A_375 = vector.load %arg6[%swap3A, %swap3A_373, %swap3A_374] : memref<256x8x768xf32, #tpu.memory_space<vmem>>, vector<256x8x768xf32>
    tpu.vector_store %arg6[%swap3A, %swap3A_373, %swap3A_374], %convert_element_type3A_372 {strides = array<i32>} : memref<256x8x768xf32, #tpu.memory_space<vmem>>, vector<256x8x768xf32>,
    %get3A_376 = arith.constant 0 : index
    %get3A_377 = arith.constant 0 : index
    %get3A_378 = vector.load %arg2[%get3A_376, %get3A_377] : memref<256x8xf32, #tpu.memory_space<vmem>>, vector<256x8xf32>
    %mul3A_379 = vector.broadcast %add3A_367 : vector<256x1xf32> to vector<256x8xf32>
    %mul3A_380 = arith.mulf %get3A_378, %mul3A_379 : vector<256x8xf32>
    %broadcast_in_dim3A_381 = vector.shape_cast %mul3A_380 : vector<256x8xf32> to vector<256x8x1xf32>
    %mul3A_382 = vector.broadcast %broadcast_in_dim3A_381 : vector<256x8x1xf32> to vector<256x8x768xf32>
    %mul3A_383 = arith.mulf %convert_element_type3A_372, %mul3A_382 : vector<256x8x768xf32>
    %swap3A_384 = arith.constant 0 : index
    %swap3A_385 = arith.constant 0 : index
    %swap3A_386 = arith.constant 0 : index
    %swap3A_387 = vector.load %arg7[%swap3A_384, %swap3A_385, %swap3A_386] : memref<256x8x768xf32, #tpu.memory_space<vmem>>, vector<256x8x768xf32>
    tpu.vector_store %arg7[%swap3A_384, %swap3A_385, %swap3A_386], %mul3A_383 {strides = array<i32>} : memref<256x8x768xf32, #tpu.memory_space<vmem>>, vector<256x8x768xf32>,
    %eq3A_388 = arith.constant 7 : i32
    %eq3A_389 = arith.cmpi eq, %arg0, %eq3A_388 : i32
    %convert_element_type3A_390 = arith.extui %eq3A_389 : i1 to i32
    %cond3A = arith.constant 0 : i32
    %cond3A_391 = arith.cmpi ne, %convert_element_type3A_390, %cond3A : i32
    scf.if %cond3A_391 {
      %get3A_392 = arith.constant 0 : index
      %get3A_393 = arith.constant 0 : index
      %get3A_394 = vector.load %arg4[%get3A_392, %get3A_393] : memref<1x8xf32, #tpu.memory_space<vmem>>, vector<1x8xf32>
      %div3A = arith.constant 2.048000e+03 : f32
      %div3A_395 = vector.broadcast %div3A : f32 to vector<1x8xf32>
      %div3A_396 = arith.divf %get3A_394, %div3A_395 : vector<1x8xf32>
      %reduce_sum3A = arith.constant dense<0.000000e+00> : vector<16xf32>
      %reduce_sum3A_397 = vector.multi_reduction <add>, %convert_element_type3A, %reduce_sum3A [0] : vector<16x16xf32> to vector<16xf32>
      %broadcast_in_dim3A_398 = vector.shape_cast %reduce_sum3A_397 : vector<16xf32> to vector<1x16xf32>
      %slice3A_399 = vector.extract_strided_slice %broadcast_in_dim3A_398 {offsets = [0, 0], sizes = [1, 8], strides = [1, 1]} : vector<1x16xf32> to vector<1x8xf32>
      %div3A_400 = arith.constant 4.096000e+03 : f32
      %div3A_401 = vector.broadcast %div3A_400 : f32 to vector<1x8xf32>
      %div3A_402 = arith.divf %slice3A_399, %div3A_401 : vector<1x8xf32>
      %mul3A_403 = arith.mulf %div3A_396, %div3A_402 : vector<1x8xf32>
      %reduce_sum3A_404 = vector.shape_cast %mul3A_403 : vector<1x8xf32> to vector<1x1x8xf32>
      %reduce_sum3A_405 = arith.constant dense<0.000000e+00> : vector<1xf32>
      %reduce_sum3A_406 = vector.multi_reduction <add>, %reduce_sum3A_404, %reduce_sum3A_405 [1, 2] : vector<1x1x8xf32> to vector<1xf32>
      %reduce_sum3A_407 = vector.shape_cast %reduce_sum3A_406 : vector<1xf32> to vector<1x1x1xf32>
      %reduce_sum3A_408 = vector.extract %reduce_sum3A_407[0, 0, 0] : f32 from vector<1x1x1xf32>
      %broadcast_in_dim3A_409 = vector.broadcast %reduce_sum3A_408 : f32 to vector<1x1xf32>
      %mul3A_410 = arith.constant 8.000000e+00 : f32
      %mul3A_411 = vector.broadcast %mul3A_410 : f32 to vector<1x1xf32>
      %mul3A_412 = arith.mulf %broadcast_in_dim3A_409, %mul3A_411 : vector<1x1xf32>
      %swap3A_413 = arith.constant 0 : index
      %swap3A_414 = arith.constant 0 : index
      %swap3A_415 = vector.load %arg8[%swap3A_413, %swap3A_414] : memref<1x1xf32, #tpu.memory_space<vmem>>, vector<1x1xf32>
      tpu.vector_store %arg8[%swap3A_413, %swap3A_414], %mul3A_412 {strides = array<i32>} : memref<1x1xf32, #tpu.memory_space<vmem>>, vector<1x1xf32>,
    } else {
    }
    return
  }
  func.func @transform_0(%arg0: i32) -> (i32, i32) {
    %c0_i32 = arith.constant 0 : i32
    %c0_i32_0 = arith.constant 0 : i32
    return %arg0, %c0_i32 : i32, i32
  }
  func.func @transform_1(%arg0: i32) -> (i32, i32) {
    %c0_i32 = arith.constant 0 : i32
    %c0_i32_0 = arith.constant 0 : i32
    return %arg0, %c0_i32 : i32, i32
  }
  func.func @transform_2(%arg0: i32) -> (i32, i32) {
    %c0_i32 = arith.constant 0 : i32
    %c0_i32_0 = arith.constant 0 : i32
    return %arg0, %c0_i32 : i32, i32
  }
  func.func @transform_3(%arg0: i32) -> (i32, i32) {
    %c0_i32 = arith.constant 0 : i32
    %c0_i32_0 = arith.constant 0 : i32
    %c0_i32_1 = arith.constant 0 : i32
    return %c0_i32, %c0_i32_0 : i32, i32
  }
  func.func @transform_4(%arg0: i32) -> (i32, i32) {
    %c0_i32 = arith.constant 0 : i32
    %c0_i32_0 = arith.constant 0 : i32
    %c0_i32_1 = arith.constant 0 : i32
    return %c0_i32, %c0_i32_0 : i32, i32
  }
  func.func @transform_5(%arg0: i32) -> (i32, i32, i32) {
    %c0_i32 = arith.constant 0 : i32
    %c0_i32_0 = arith.constant 0 : i32
    %c0_i32_1 = arith.constant 0 : i32
    return %arg0, %c0_i32, %c0_i32_0 : i32, i32, i32
  }
  func.func @transform_6(%arg0: i32) -> (i32, i32, i32) {
    %c0_i32 = arith.constant 0 : i32
    %c0_i32_0 = arith.constant 0 : i32
    %c0_i32_1 = arith.constant 0 : i32
    return %arg0, %c0_i32, %c0_i32_0 : i32, i32, i32
  }
  func.func @transform_7(%arg0: i32) -> (i32, i32) {
    %c0_i32 = arith.constant 0 : i32
    %c0_i32_0 = arith.constant 0 : i32
    %c0_i32_1 = arith.constant 0 : i32
    return %c0_i32, %c0_i32_0 : i32, i32
  }
}

</mosaic_0001>

<sc_bundles>
// kernel: kernel.5.cloned.1.call-start
scs
__scs_entry_jumppad:
0x0: {  	(pc) =	sbr.rel $0x88, $3  }
0x1: {  	(tag) =	ssettag $0x0;
	lr =	simm.s32 $0x1  }
0x2: {  	[smem:$0x3F98] =	sst lr;
	_ =	strace $0xD0000000  }
0x3: {  	_ = 	snop  }
0x4: {  	_ = 	snop  }
0x5: {  	_ = 	snop  }
0x6: {  	_ = 	snop  }
0x7: {  	_ = 	snop  }
__scs_overlays_trampoline_lowered:
0x8: {  	[smem:$0x3FA7] =	sst s0  }
0x9: {  	[smem:$0x3FA8] =	sst s1  }
0xa: {  	[smem:$0x3FA9] =	sst s2  }
0xb: {  	[smem:$0x3FAA] =	sst s3  }
0xc: {  	[smem:$0x3FAB] =	sst s4  }
0xd: {  	[smem:$0x3FAC] =	sst s5  }
0xe: {  	[smem:$0x3FAD] =	sst s6  }
0xf: {  	[smem:$0x3FAE] =	sst s7  }
0x10: {  	[smem:$0x3FAF] =	sst s8  }
0x11: {  	[smem:$0x3FB0] =	sst s9;
	s0 =	simm.s32 @!p0 $0x0  }
0x12: {  	s1 =	sld [smem:$0x3F96];
	s0 =	simm.s32 @p0 $0x1  }
0x13: {  	[smem:$0x3FB1] =	sst s0;
	s0 =	simm.s32 @!p1 $0x0  }
0x14: {  	s2 =	sld [smem:$0x3F95];
	s0 =	simm.s32 @p1 $0x1  }
0x15: {  	[smem:$0x3FB2] =	sst s0;
	s0 =	simm.s32 @!p2 $0x0  }
0x16: {  	s3 =	sld [smem:$0x3FDB];
	s0 =	simm.s32 @p2 $0x1  }
0x17: {  	s4 =	simm.s32 $0x1BF5;
	[smem:$0x3FB4] =	sst s0  }
0x18: {  	s0 =	sld [smem:$0x3F97];
	_ =	swait.ge [sflag:s4], $0x0  }
0x19: {  	s7 =	sld [smem:$0x3F98]  }
0x1a: {  	s8 =	sadd.s32 $0xFFFFE003, lr  }
0x1b: {  	s9 =	sadd.s32 $0xFFFFFEF7, lr;
	s5 =	simm.s32 $0xFFFFFFFF;
	p2 =	slt.u32 s8, $0xFFFFF086  }
0x1c: {  	p1 =	slt.u32 s9, $0xF7A;
	s5 =	simm.s32 @!p2 $0x0  }
0x1d: {  	s5 =	simm.s32 @p1 $0x1;
	p0 =	seq.s32 s7, s2  }
0x1e: {  	s7 =	smul.u32 @!p0 $0xF7A, s2;
	p2 =	seq.s32 @!p0 s5, $0x0  }
0x1f: {  	s9 =	smul.u32 $0xF7A, s1;
	s8 =	simm.s32 @!p0 $0x1BF5;
	p2 =	por !p2, p0  }
0x20: {  	[sflag:s8] =	ssyncset.s32 @!p0 $0xFFFFF086;
	s6 =	sadd.s32 @!p0 s3, s7;
	s7 =	simm.s32 @!p0 $0x108  }
0x21: {  	s3 =	sadd.s32 s3, s9;
	s6 =	sadd.s32 @!p0 $0x88, s6;
	s7 =	simm.s32 @p2 $0x1082  }
0x22: {  	[simem:s7], [sflag:s8] =	dma.local @!p0 [hbm:s6], $0xF7A  }
0x23: {  	s9 =	sor.u32 $0xD0000000, s2;
	s6 =	simm.s32 $0x108;
	_ =	swait.ge @!p0 [sflag:s8], $0x0  }
0x24: {  	s3 =	sadd.s32 $0x88, s3;
	s6 =	simm.s32 @!p1 $0x1082;
	[sflag:s4] =	ssyncset.s32 $0xFFFFF086  }
0x25: {  	[simem:s6], [sflag:s4] =	dma.local [hbm:s3], $0xF7A  }
0x26: {  	[smem:$0x3F98] =	sst s1;
	(tag) =	ssettag s2;
	_ =	strace s9  }
0x27: {  	s1 =	sld [smem:$0x3FA8]  }
0x28: {  	s2 =	sld [smem:$0x3FA9]  }
0x29: {  	s4 =	sld [smem:$0x3FAB]  }
0x2a: {  	p0 =	seq.s32 s5, $0x0;
	s5 =	sld [smem:$0x3FAC]  }
0x2b: {  	s6 =	sld [smem:$0x3FAD]  }
0x2c: {  	s7 =	sld [smem:$0x3FAE]  }
0x2d: {  	s3 =	simm.s32 $0x108;
	s8 =	sld [smem:$0x3FAF]  }
0x2e: {  	s3 =	simm.s32 @!p0 $0x1082;
	s9 =	sld [smem:$0x3FB0]  }
0x2f: {  	lr =	sadd.s32 s0, s3;
	s0 =	sld [smem:$0x3FA7]  }
0x30: {  	s3 =	sld [smem:$0x3FAA]  }
0x31: {  	[smem:$0x3FB3] =	sst s10  }
0x32: {  	s10 =	sld [smem:$0x3FB1];
	_ =	sdelay $0x3  }
0x33: {  	p0 =	seq.s32 s10, $0x1;
	s10 =	sld [smem:$0x3FB3];
	_ =	sdelay $0x3  }
0x34: {  	[smem:$0x3FB3] =	sst s10  }
0x35: {  	s10 =	sld [smem:$0x3FB2];
	_ =	sdelay $0x3  }
0x36: {  	p1 =	seq.s32 s10, $0x1;
	s10 =	sld [smem:$0x3FB3];
	_ =	sdelay $0x3  }
0x37: {  	[smem:$0x3FB3] =	sst s10  }
0x38: {  	s10 =	sld [smem:$0x3FB4]  }
0x39: {  	_ = 	snop;
	(pc) =	sbr.ind lr, $3  }
0x3a: {  	_ = 	snop  }
0x3b: {  	_ = 	snop  }
0x3c: {  	p2 =	seq.s32 s10, $0x1;
	s10 =	sld [smem:$0x3FB3]  }
0x3d: {  	_ =	shalt  }
0x3e: {  	_ =	shalt  }
0x3f: {  	_ =	shalt  }
0x40: {  	_ =	shalt  }
0x41: {  	_ =	shalt  }
0x42: {  	_ =	shalt  }
0x43: {  	_ =	shalt  }
0x44: {  	_ =	shalt  }
0x45: {  	_ =	shalt  }
0x46: {  	_ =	shalt  }
0x47: {  	_ =	shalt  }
0x48: {  	_ =	shalt  }
0x49: {  	_ =	shalt  }
0x4a: {  	_ =	shalt  }
0x4b: {  	_ =	shalt  }
0x4c: {  	_ =	shalt  }
0x4d: {  	_ =	shalt  }
0x4e: {  	_ =	shalt  }
0x4f: {  	_ =	shalt  }
0x50: {  	_ =	shalt  }
0x51: {  	_ =	shalt  }
0x52: {  	_ =	shalt  }
0x53: {  	_ =	shalt  }
0x54: {  	_ =	shalt  }
0x55: {  	_ =	shalt  }
0x56: {  	_ =	shalt  }
0x57: {  	_ =	shalt  }
0x58: {  	_ =	shalt  }
0x59: {  	_ =	shalt  }
0x5a: {  	_ =	shalt  }
0x5b: {  	_ =	shalt  }
0x5c: {  	_ =	shalt  }
0x5d: {  	_ =	shalt  }
0x5e: {  	_ =	shalt  }
0x5f: {  	_ =	shalt  }
0x60: {  	_ =	shalt  }
0x61: {  	_ =	shalt  }
0x62: {  	_ =	shalt  }
0x63: {  	_ =	shalt  }
0x64: {  	_ =	shalt  }
0x65: {  	_ =	shalt  }
0x66: {  	_ =	shalt  }
0x67: {  	_ =	shalt  }
0x68: {  	_ =	shalt  }
0x69: {  	_ =	shalt  }
0x6a: {  	_ =	shalt  }
0x6b: {  	_ =	shalt  }
0x6c: {  	_ =	shalt  }
0x6d: {  	_ =	shalt  }
0x6e: {  	_ =	shalt  }
0x6f: {  	_ =	shalt  }
0x70: {  	_ =	shalt  }
0x71: {  	_ =	shalt  }
0x72: {  	_ =	shalt  }
0x73: {  	_ =	shalt  }
0x74: {  	_ =	shalt  }
0x75: {  	_ =	shalt  }
0x76: {  	_ =	shalt  }
0x77: {  	_ =	shalt  }
0x78: {  	_ =	shalt  }
0x79: {  	_ =	shalt  }
0x7a: {  	_ =	shalt  }
0x7b: {  	_ =	shalt  }
0x7c: {  	_ =	shalt  }
0x7d: {  	_ =	shalt  }
0x7e: {  	_ =	shalt  }
0x7f: {  	_ =	shalt  }
0x80: {  	_ =	shalt  }
0x81: {  	_ =	shalt  }
0x82: {  	_ =	shalt  }
0x83: {  	_ =	shalt  }
0x84: {  	_ =	shalt  }
0x85: {  	_ =	shalt  }
0x86: {  	_ =	shalt  }
0x87: {  	_ =	shalt  }
.Lfunc_end0:
.L_simem_size_0:
called_computation_lowered:
.L_overlay_start_0:
0x88: {  	s0 =	sld [smem:$0x3FD9]  }
0x89: {  	s1 =	sld [smem:$0x3FFE];
	_ =	sdelay $0x3  }
0x8a: {  	s0 =	sadd.s32 s1, s0  }
0x8b: {  	[smem:$0x3FBF] =	sst s0  }
0x8c: {  	_ = 	snop  }
0x8d: {  	s0 =	sld [smem:$0x3FD0];
	_ =	sdelay $0x2  }
0x8e: {  	s13 =	simm.s32 $0xA;
	s2 =	simm.s32 $0x10  }
0x8f: {  	[smem:s2], [sflag:s13] =	dma.local [hbm:s0], $0x1  }
0x90: {  	_ =	swait.eq [sflag:s13], $0x1  }
0x91: {  	[sflag:s13] =	ssyncset.done $0x0  }
0x92: {  	s14 =	sld [smem:$0x10];
	[sflag:s13] =	ssyncadd.s32 $0xFFFFFFFF  }
0x93: {  	s15 =	sld [smem:$0x11];
	(tm) =	ssettm $0x1  }
0x94: {  	s16 =	sld [smem:$0x3FFB];
	_ =	sdelay $0x3  }
0x95: {  	_ =	strace s16  }
0x96: {  	s2 =	sld [smem:$0x3FFC];
	_ =	sdelay $0x3  }
0x97: {  	_ =	strace s2  }
0x98: {  	s2 =	sld [smem:$0x3FFD];
	_ =	sdelay $0x3  }
0x99: {  	_ =	strace s2  }
0x9a: {  	_ =	strace $0x8FFFFFFF  }
0x9b: {  	s17 =	sld [smem:$0x3FDB];
	_ =	sdelay $0x1  }
0x9c: {  	s3 =	simm.s32 $_scs_section_size  }
0x9d: {  	s4 =	simm.s32 $_size__tile_overlayer_lowered;
	s5 =	simm.s32 $_tile_overlayer_lowered  }
0x9e: {  	s20 =	simm.s32 $0x1BFF;
	s19 =	sshll.u32 s5, $0x1;
	s2 =	sadd.s32 s3, s17  }
0x9f: {  	s6 =	simm.s32 $0x0;
	s18 =	sshll.u32 s4, $0x1;
	s4 =	sadd.s32 s19, s2  }
0xa0: {  	[timem:s6], [sflag:s20] =	dma.local [hbm:s4], s18  }
0xa1: {  	_ =	swait.ge [sflag:s20], s18  }
0xa2: {  	s3 =	ssub.s32 $0x0, s18;
	[sflag:s20] =	ssyncset.done $0x0  }
0xa3: {  	[sflag:s20] =	ssyncadd.s32 s3;
	_ =	sdelay $0x1  }
0xa4: {  	s21 =	simm.s32 $0x1B8B  }
0xa5: {  	_ =	swait.ge [sflag:s21], $0x1  }
0xa6: {  	[sflag:s21] =	ssyncset.done $0x0  }
0xa7: {  	s23 =	simm.s32 $0x1B8E;
	s22 =	sld [smem:$0x3FFE];
	[sflag:s21] =	ssyncadd.s32 $0xFFFFFFFF  }
0xa8: {  	s24 =	simm.s32 $execute0_lowered;
	[smem:$0x3FD2] =	sst s23  }
0xa9: {  	s4 =	sshll.u32 s24, $0x1;
	_ =	strace $0x80000046;
	[dreg:$0x1] =	wrdreg $0xFFFFFFFF  }
0xaa: {  	s25 =	simm.s32 $_size_execute0_lowered;
	s2 =	sadd.s32 s2, s4;
	[dreg:$0x0] =	wrdreg $0x0  }
0xab: {  	s4 =	sshll.u32 s25, $0x1;
	[dreg:$0x2] =	wrdreg s2  }
0xac: {  	[dreg:$0x3] =	wrdreg s4  }
0xad: {  	[dreg:$0x4] =	wrdreg $0xC0  }
0xae: {  	_ =	task [dreg:s6], $0x5FFFF  }
0xaf: {  	[dreg:$0x1] =	wrdreg $0xFFFFFFFF  }
0xb0: {  	[dreg:$0x0] =	wrdreg $0x60  }
0xb1: {  	[dreg:$0x2] =	wrdreg s15  }
0xb2: {  	[dreg:$0x3] =	wrdreg s14  }
0xb3: {  	[dreg:$0x4] =	wrdreg s22  }
0xb4: {  	[dreg:$0x5] =	wrdreg $0x9  }
0xb5: {  	_ =	task.clear_ibuf [dreg:s6], $0x6FFFF;
	_ =	strace $0x90000046  }
0xb6: {  	s26 =	simm.s32 $0x9;
	_ =	strace $0x80000048  }
0xb7: {  	_ =	swait.ge [sflag:s26], $0x1  }
0xb8: {  	[sflag:s26] =	ssyncadd.s32 $0xFFFFFFFF  }
0xb9: {  	_ =	strace $0x90000048  }
0xba: {  	_ =	sfence  }
0xbb: {  	s28 =	sld [smem:$0x0];
	_ =	sdelay $0x1  }
0xbc: {  	s29 =	srdreg.scid  }
0xbd: {  	s30 =	sshll.u32 s29, $0xD;
	s31 =	sshrl.u32 s29, $0x2  }
0xbe: {  	s1 =	sand.u32 $0x1, s29;
	s2 =	sand.u32 $0x4000, s30;
	s0 =	sadd.s32 s31, s28  }
0xbf: {  	s1 =	sor.u32 s2, s1;
	s0 =	sshll.u32 s0, $0x11  }
0xc0: {  	s0 =	sor.u32 s0, s1  }
0xc1: {  	s0 =	sadd.s32 $0x8F2B, s0  }
0xc2: {  	[sflag:s0] =	ssyncadd.remote.s32 $0x1  }
0xc3: {  	_ =	sfence.sel $0xFFFF  }
0xc4: {  	[dreg:$0x0] =	wrdreg $0xFFFFFFFF;
	(pc) =	sbr.abs _section_cstart, $3  }
0xc5: {  	[dreg:$0x1] =	wrdreg $0xFFFFFFFF  }
0xc6: {  	_ =	task.clear_ibuf [dreg:s6], $0x2FFFF;
	_ =	strace $0x9FFFFFFF  }
0xc7: {  	(tm) =	ssettm $0x7FFFFFFF  }
tec
execute0_lowered:
.L_overlay_start_1:
0x0: {  	(tag) =	ssettag $0x1  }
0x1: {  	s5 =	rddreg [dreg:$0x0]  }
0x2: {  	s4 =	rddreg [dreg:$0x1]  }
0x3: {  	s3 =	rddreg [dreg:$0x2];
	s2 =	simm.s32 $0x0;
	s1 =	stileid.u32  }
0x4: {  	v0 =	vlaneseq.u32;
	[smem:$0x7FF] =	sst s2;
	s6 =	sshll.u32 s1, $0x7  }
0x5: {  	s0 =	rddreg [dreg:$0x3];
	v1 =	vmul.u32 $0x8, v0;
	_ =	strace $0x80000047;
	s5 =	sadd.s32 s5, s6  }
0x6: {  	[tilespmem:s2], [sflag:$0x1] =	stream.linear.gather [hbm4b:s5+s2], $0x400, $0x38;
	[tilespmem:$0xC80] =	vst v63  }
0x7: {  	s5 =	simm.s32 $0x1;
	v5 =	vor.u32 $0x1, v1  }
0x8: {  	_ =	swait.ge [sflag:s5], $0x400  }
0x9: {  	v6 =	vor.u32 $0x2, v1;
	[sflag:s5] =	ssyncset.done $0x0  }
0xa: {  	[sflag:s5] =	ssyncadd.s32 $0xFFFFFC00  }
0xb: {  	v7 =	vor.u32 $0x3, v1;
	v2 =	vld.idx.msk [tilespmem:v1+s2+$0x0], $0xffff  }
0xc: {  	v3 =	vld.idx.msk [tilespmem:v5+s2+$0x0], $0xffff  }
0xd: {  	v8 =	vor.u32 $0x4, v1  }
0xe: {  	v4 =	vld.idx.msk [tilespmem:v6+s2+$0x0], $0xffff  }
0xf: {  	v12 =	vor.u32 $0x5, v1  }
0x10: {  	v9 =	vld.idx.msk [tilespmem:v7+s2+$0x0], $0xffff  }
0x11: {  	v11 =	vor.u32 $0x6, v1;
	vm0 =	vgt.f32 v3, v2  }
0x12: {  	v13 =	vld.idx.msk [tilespmem:v8+s2+$0x0], $0xffff;
	v39 =	vsel vm0, v3, v2  }
0x13: {  	v10 =	vor.u32 $0x7, v1;
	vm1 =	vgt.f32 v4, v39  }
0x14: {  	v14 =	vld.idx.msk [tilespmem:v12+s2+$0x0], $0xffff;
	v0 =	vsel vm1, v4, v39  }
0x15: {  	vm2 =	vgt.f32 v9, v0  }
0x16: {  	v15 =	vld.idx.msk [tilespmem:v11+s2+$0x0], $0xffff;
	v16 =	vsel vm2, v9, v0  }
0x17: {  	v0 =	vimm.s32 $0x0;
	vm3 =	vgt.f32 v13, v16  }
0x18: {  	v17 =	vld.idx.msk [tilespmem:v10+s2+$0x0], $0xffff;
	v18 =	vsel vm0, $0x1, v0;
	v16 =	vsel vm3, v13, v16  }
0x19: {  	v18 =	vsel vm1, $0x2, v18;
	vm15 =	vgt.f32 v14, v16  }
0x1a: {  	v18 =	vsel vm2, $0x3, v18;
	v16 =	vsel vm15, v14, v16  }
0x1b: {  	v18 =	vsel vm3, $0x4, v18;
	vm2 =	vgt.f32 v15, v16  }
0x1c: {  	v18 =	vsel vm15, $0x5, v18;
	v16 =	vsel vm2, v15, v16  }
0x1d: {  	v18 =	vsel vm2, $0x6, v18;
	vm3 =	vgt.f32 v17, v16  }
0x1e: {  	v18 =	vsel vm3, $0x7, v18  }
0x1f: {  	vm5 =	vgt.f32 v2, $-1.000000000e+00;
	vm4 =	vne.s32 v18, $0x0  }
0x20: {  	vm0 =	vmand vm5, vm4  }
0x21: {  	v2 =	vnsel vm0, $0xBF800000, v2  }
0x22: {  	vm6 =	vne.s32 v18, $0x1;
	vm7 =	vgt.f32 v3, v2  }
0x23: {  	vm0 =	vmand vm6, vm7  }
0x24: {  	v2 =	vsel vm0, v3, v2  }
0x25: {  	vm8 =	vne.s32 v18, $0x2;
	vm4 =	vgt.f32 v4, v2  }
0x26: {  	vm6 =	vmand vm8, vm4  }
0x27: {  	v2 =	vsel vm6, v4, v2  }
0x28: {  	vm9 =	vne.s32 v18, $0x3;
	vm10 =	vgt.f32 v9, v2  }
0x29: {  	vm7 =	vmand vm9, vm10  }
0x2a: {  	v2 =	vsel vm7, v9, v2  }
0x2b: {  	vm11 =	vne.s32 v18, $0x4;
	vm12 =	vgt.f32 v13, v2  }
0x2c: {  	vm8 =	vmand vm11, vm12  }
0x2d: {  	v2 =	vsel vm8, v13, v2  }
0x2e: {  	vm13 =	vne.s32 v18, $0x5;
	vm14 =	vgt.f32 v14, v2  }
0x2f: {  	vm9 =	vmand vm13, vm14  }
0x30: {  	v2 =	vsel vm9, v14, v2  }
0x31: {  	vm15 =	vne.s32 v18, $0x6;
	vm10 =	vgt.f32 v15, v2  }
0x32: {  	vm4 =	vmand vm15, vm10  }
0x33: {  	v2 =	vsel vm4, v15, v2  }
0x34: {  	vm5 =	vmneg vm3;
	vm11 =	vgt.f32 v17, v2  }
0x35: {  	vm1 =	vmand vm11, vm5  }
0x36: {  	v41 =	vsel vm3, v17, v16;
	v2 =	vsel vm1, v17, v2  }
0x37: {  	v43 =	vsel vm0, $0x1, v0;
	v42 =	vadd.f32 v2, v41  }
0x38: {  	v9 =	vsel vm6, $0x2, v43  }
0x39: {  	v9 =	vsel vm7, $0x3, v9;
	v4 =	vadd.f32 $9.999999930e-09, v42  }
0x3a: {  	v9 =	vsel vm8, $0x4, v9  }
0x3b: {  	v44 =	vsel vm9, $0x5, v9;
	(erf) = vrcp.f32 v4  }
0x3c: {  	v4 =	vsel vm4, $0x6, v44  }
0x3d: {  	v4 =	vsel vm1, $0x7, v4  }
0x3e: {  	vm12 =	veq.s32 v18, $0x0;
	vm13 =	veq.s32 v4, $0x0  }
0x3f: {  	vm7 =	vmor vm12, vm13  }
0x40: {  	v45 =	vsel vm7, $0x1, v0  }
0x41: {  	vm8 =	veq.s32 v18, $0x1;
	vm9 =	veq.s32 v4, $0x1;
	(xrf0) =	vadd.scan.msk.s32 $0xffff, v45  }
0x42: {  	vm10 =	vmor vm8, vm9  }
0x43: {  	v46 =	vsel vm10, $0x1, v0  }
0x44: {  	v40 =	vimm.s32 $0x0;
	vm6 =	veq.s32 v18, $0x2;
	vm15 =	veq.s32 v18, $0x3;
	(xrf0) =	vadd.scan.msk.s32 $0xffff, v46;
	v47 =	vpop (erf)  }
0x45: {  	v3 =	vsel vm11, $0xFFFFFFFF, v40;
	vm14 =	vmneg vm1;
	v48 =	vmul.f32 v47, v41  }
0x46: {  	vm5 =	vmand vm5, vm2;
	vm14 =	vmand vm14, vm4;
	v14 =	vmul.f32 v47, v2  }
0x47: {  	[tilespmem:$0x1FF20] =	vst v3;
	vm0 =	veq.s32 v4, $0x3;
	v2, _, _ =	vpop (xrf0);
	v3 =	vnsel vm12, $0x0, v48;
	vm12 =	veq.s32 v4, $0x2  }
0x48: {  	v49 =	vnsel vm13, $0x0, v14;
	v9 =	vsub.s32 v2, v45;
	vm11 =	vmor vm6, vm12  }
0x49: {  	v19 =	vnsel vm8, $0x0, v48;
	v20 =	vnsel vm9, $0x0, v14;
	v50 =	vsel vm11, $0x1, v0  }
0x4a: {  	v16 =	vadd.f32 v49, v3;
	v9 =	vnsel vm7, $0x100000, v9;
	vm7 =	vmor vm15, vm0;
	v3, _, _ =	vpop (xrf0);
	(xrf0) =	vadd.scan.msk.s32 $0xffff, v50  }
0x4b: {  	vm8 =	veq.s32 v18, $0x4;
	vm9 =	veq.s32 v4, $0x4;
	v51 =	vsel vm7, $0x1, v0  }
0x4c: {  	vm13 =	veq.s32 v4, $0x5;
	v22 =	vnsel vm12, $0x0, v14;
	v13 =	vsub.s32 v3, v46;
	(xrf0) =	vadd.scan.msk.s32 $0xffff, v51  }
0x4d: {  	v57 =	vld [tilespmem:$0x1FF20];
	vm12 =	veq.s32 v18, $0x5;
	v13 =	vnsel vm10, $0x100000, v13;
	vm10 =	vmor vm8, vm9  }
0x4e: {  	s7 =	simm.s32 $0x400;
	v21 =	vnsel vm6, $0x0, v48;
	vm6 =	vmor vm12, vm13;
	v52 =	vsel vm10, $0x1, v0  }
0x4f: {  	s8 =	simm.s32 $0x800;
	vm4 =	vmor vm5, vm14;
	[tilespmem:v1+s7+$0x0] =	vst.idx.msk $0xffff, v9;
	v54 =	vsel vm6, $0x1, v0;
	(xrf0) =	vadd.scan.msk.s32 $0xffff, v52  }
0x50: {  	v56 =	vsel vm4, $0x1, v0;
	v53 =	vadd.f32 v20, v19;
	[tilespmem:v1+s8+$0x0] =	vst.idx.msk $0xffff, v16;
	(xrf0) =	vadd.scan.msk.s32 $0xffff, v54;
	v4, _, _ =	vpop (xrf0)  }
0x51: {  	v58 =	vnsel vm15, $0x0, v48;
	v59 =	vnsel vm0, $0x0, v14;
	[tilespmem:v5+s7+$0x0] =	vst.idx.msk $0xffff, v13;
	v17 =	vsub.s32 v4, v50  }
0x52: {  	v55 =	vadd.f32 v22, v21;
	[tilespmem:v5+s8+$0x0] =	vst.idx.msk $0xffff, v53;
	v5, _, _ =	vpop (xrf0);
	v17 =	vnsel vm11, $0x100000, v17;
	vm11 =	vnez.u8 v57  }
0x53: {  	(xrf0) =	vadd.scan.msk.s32 $0xffff, v56;
	v9 =	vsub.s32 v5, v51;
	vm2 =	vmor vm3, vm11;
	[tilespmem:v6+s7+$0x0] =	vst.idx.msk $0xffff, v17  }
0x54: {  	v61 =	vadd.f32 v59, v58;
	v9 =	vnsel vm7, $0x100000, v9;
	v60 =	vsel vm2, $0x1, v0;
	[tilespmem:v6+s8+$0x0] =	vst.idx.msk $0xffff, v55  }
0x55: {  	v6, _, _ =	vpop (xrf0);
	(xrf0) =	vadd.scan.msk.s32 $0xffff, v60;
	[tilespmem:v7+s7+$0x0] =	vst.idx.msk $0xffff, v9  }
0x56: {  	v62 =	vnsel vm8, $0x0, v48;
	v63 =	vnsel vm9, $0x0, v14;
	v23 =	vsub.s32 v6, v52;
	[tilespmem:v7+s8+$0x0] =	vst.idx.msk $0xffff, v61;
	v7, _, _ =	vpop (xrf0)  }
0x57: {  	v24 =	vadd.f32 v63, v62;
	v9 =	vnsel vm10, $0x100000, v23;
	v27 =	vsub.s32 v7, v54  }
0x58: {  	v26 =	vnsel vm13, $0x0, v14;
	v25 =	vnsel vm12, $0x0, v48;
	[tilespmem:v8+s7+$0x0] =	vst.idx.msk $0xffff, v9;
	v9 =	vnsel vm6, $0x100000, v27  }
0x59: {  	v29 =	vnsel vm5, $0x0, v48;
	v28 =	vadd.f32 v26, v25;
	[tilespmem:v8+s8+$0x0] =	vst.idx.msk $0xffff, v24;
	v8, _, _ =	vpop (xrf0)  }
0x5a: {  	v30 =	vnsel vm14, $0x0, v14;
	v33 =	vnsel vm3, $0x0, v48;
	[tilespmem:v12+s7+$0x0] =	vst.idx.msk $0xffff, v9;
	v18 =	vsub.s32 v8, v56  }
0x5b: {  	v20 =	vor.u32 $0x80, v1;
	v16 =	vadd.f32 v30, v29;
	[tilespmem:v12+s8+$0x0] =	vst.idx.msk $0xffff, v28;
	v31 =	vnsel vm4, $0x100000, v18;
	v9, _, _ =	vpop (xrf0)  }
0x5c: {  	v14 =	vnsel vm1, $0x0, v14;
	v17 =	vor.u32 $0x81, v1;
	[tilespmem:v11+s7+$0x0] =	vst.idx.msk $0xffff, v31;
	v32 =	vsub.s32 v9, v60  }
0x5d: {  	v34 =	vadd.f32 v14, v33;
	[tilespmem:v11+s8+$0x0] =	vst.idx.msk $0xffff, v16;
	v35 =	vnsel vm2, $0x100000, v32  }
0x5e: {  	v15 =	vor.u32 $0x82, v1;
	[tilespmem:v10+s7+$0x0] =	vst.idx.msk $0xffff, v35  }
0x5f: {  	[tilespmem:v10+s8+$0x0] =	vst.idx.msk $0xffff, v34  }
0x60: {  	v14 =	vor.u32 $0x83, v1;
	v16 =	vld.idx.msk [tilespmem:v20+s2+$0x0], $0xffff  }
0x61: {  	v36 =	vld.idx.msk [tilespmem:v17+s2+$0x0], $0xffff  }
0x62: {  	v13 =	vor.u32 $0x84, v1  }
0x63: {  	v37 =	vld.idx.msk [tilespmem:v15+s2+$0x0], $0xffff  }
0x64: {  	v12 =	vor.u32 $0x85, v1  }
0x65: {  	v38 =	vld.idx.msk [tilespmem:v14+s2+$0x0], $0xffff  }
0x66: {  	v11 =	vor.u32 $0x86, v1;
	vm14 =	vgt.f32 v36, v16  }
0x67: {  	v39 =	vld.idx.msk [tilespmem:v13+s2+$0x0], $0xffff;
	v23 =	vsel vm14, v36, v16  }
0x68: {  	v10 =	vor.u32 $0x87, v1;
	vm15 =	vgt.f32 v37, v23  }
0x69: {  	v24 =	vld.idx.msk [tilespmem:v12+s2+$0x0], $0xffff;
	v23 =	vsel vm15, v37, v23  }
0x6a: {  	vm6 =	vgt.f32 v38, v23  }
0x6b: {  	v25 =	vld.idx.msk [tilespmem:v11+s2+$0x0], $0xffff;
	v23 =	vsel vm6, v38, v23  }
0x6c: {  	vm7 =	vgt.f32 v39, v23  }
0x6d: {  	v26 =	vld.idx.msk [tilespmem:v10+s2+$0x0], $0xffff;
	v27 =	vsel vm14, $0x1, v0;
	v23 =	vsel vm7, v39, v23  }
0x6e: {  	v27 =	vsel vm15, $0x2, v27;
	vm8 =	vgt.f32 v24, v23  }
0x6f: {  	v27 =	vsel vm6, $0x3, v27;
	v23 =	vsel vm8, v24, v23  }
0x70: {  	v27 =	vsel vm7, $0x4, v27;
	vm2 =	vgt.f32 v25, v23  }
0x71: {  	v27 =	vsel vm8, $0x5, v27;
	v23 =	vsel vm2, v25, v23  }
0x72: {  	v27 =	vsel vm2, $0x6, v27;
	vm0 =	vgt.f32 v26, v23  }
0x73: {  	v27 =	vsel vm0, $0x7, v27  }
0x74: {  	vm10 =	vgt.f32 v16, $-1.000000000e+00;
	vm9 =	vne.s32 v27, $0x0  }
0x75: {  	vm1 =	vmand vm10, vm9  }
0x76: {  	v16 =	vnsel vm1, $0xBF800000, v16  }
0x77: {  	vm11 =	vne.s32 v27, $0x1;
	vm12 =	vgt.f32 v36, v16  }
0x78: {  	vm6 =	vmand vm11, vm12  }
0x79: {  	v16 =	vsel vm6, v36, v16  }
0x7a: {  	vm13 =	vne.s32 v27, $0x2;
	vm14 =	vgt.f32 v37, v16  }
0x7b: {  	vm7 =	vmand vm13, vm14  }
0x7c: {  	v16 =	vsel vm7, v37, v16  }
0x7d: {  	vm15 =	vne.s32 v27, $0x3;
	vm8 =	vgt.f32 v38, v16  }
0x7e: {  	vm8 =	vmand vm15, vm8  }
0x7f: {  	v16 =	vsel vm8, v38, v16  }
0x80: {  	vm9 =	vne.s32 v27, $0x4;
	vm10 =	vgt.f32 v39, v16  }
0x81: {  	vm9 =	vmand vm9, vm10  }
0x82: {  	v16 =	vsel vm9, v39, v16  }
0x83: {  	vm11 =	vne.s32 v27, $0x5;
	vm12 =	vgt.f32 v24, v16  }
0x84: {  	vm13 =	vmand vm11, vm12  }
0x85: {  	v16 =	vsel vm13, v24, v16  }
0x86: {  	vm14 =	vne.s32 v27, $0x6;
	vm15 =	vgt.f32 v25, v16  }
0x87: {  	vm4 =	vmand vm14, vm15  }
0x88: {  	v16 =	vsel vm4, v25, v16  }
0x89: {  	vm5 =	vmneg vm0;
	vm3 =	vgt.f32 v26, v16  }
0x8a: {  	v42 =	vsel vm6, $0x1, v0;
	vm1 =	vmand vm3, vm5  }
0x8b: {  	v41 =	vsel vm0, v26, v23;
	v44 =	vsel vm7, $0x2, v42;
	v43 =	vsel vm1, v26, v16  }
0x8c: {  	v16 =	vsel vm8, $0x3, v44;
	v45 =	vadd.f32 v43, v41  }
0x8d: {  	v16 =	vsel vm9, $0x4, v16  }
0x8e: {  	v16 =	vsel vm13, $0x5, v16;
	v19 =	vadd.f32 $9.999999930e-09, v45  }
0x8f: {  	v16 =	vsel vm4, $0x6, v16  }
0x90: {  	v40 =	vimm.s32 $0x0;
	v46 =	vsel vm1, $0x7, v16;
	(erf) = vrcp.f32 v19  }
0x91: {  	v18 =	vsel vm0, $0xFFFFFFFF, v40;
	vm6 =	veq.s32 v27, $0x0;
	vm15 =	veq.s32 v46, $0x0  }
0x92: {  	vm9 =	veq.s32 v27, $0x1;
	vm14 =	veq.s32 v46, $0x1;
	vm0 =	vmor vm6, vm15  }
0x93: {  	vm8 =	vmor vm9, vm14;
	v47 =	vsel vm0, $0x1, v0  }
0x94: {  	v49 =	vbroadcast v2, $0xF;
	v48 =	vsel vm8, $0x1, v0;
	(xrf0) =	vadd.scan.msk.s32 $0xffff, v47  }
0x95: {  	v59 =	vbroadcast v4, $0xF;
	vm7 =	veq.s32 v27, $0x2;
	vm13 =	veq.s32 v46, $0x2;
	(xrf0) =	vadd.scan.msk.s32 $0xffff, v48  }
0x96: {  	v54 =	vbroadcast v3, $0xF;
	v31 =	vbroadcast v5, $0xF;
	vm10 =	vmor vm7, vm13  }
0x97: {  	v40 =	vbroadcast v6, $0xF;
	v50 =	vsel vm0, $0xFFFFFFFF, v0;
	v51 =	vsel vm10, $0x1, v0  }
0x98: {  	[tilespmem:$0x1FF30] =	vst v18;
	vm11 =	veq.s32 v27, $0x3;
	v18 =	vadd.s32 v50, v49;
	(xrf0) =	vadd.scan.msk.s32 $0xffff, v51  }
0x99: {  	vm5 =	vmand vm5, vm2;
	v45 =	vbroadcast v7, $0xF;
	v56 =	vsel vm8, $0xFFFFFFFF, v0;
	v19 =	vpop (erf)  }
0x9a: {  	vm12 =	veq.s32 v46, $0x3;
	v30 =	vsel vm10, $0xFFFFFFFF, v0;
	v21 =	vadd.s32 v56, v54;
	v16, _, _ =	vpop (xrf0)  }
0x9b: {  	v25 =	vmul.f32 v19, v41;
	v26 =	vmul.f32 v19, v43;
	v52 =	vadd.s32 v16, v18;
	v18, _, _ =	vpop (xrf0)  }
0x9c: {  	v28 =	vnsel vm0, $0x100000, v52;
	v58 =	vadd.s32 v18, v21;
	v21 =	vadd.s32 v30, v59  }
0x9d: {  	v44 =	vld [tilespmem:$0x1FF30];
	v53 =	vnsel vm6, $0x0, v25;
	v55 =	vnsel vm15, $0x0, v26;
	vm6 =	vmor vm11, vm12  }
0x9e: {  	v19, _, _ =	vpop (xrf0);
	v60 =	vnsel vm9, $0x0, v25;
	v29 =	vnsel vm14, $0x0, v26;
	v61 =	vnsel vm8, $0x100000, v58  }
0x9f: {  	v21 =	vadd.s32 v19, v21;
	vm8 =	veq.s32 v27, $0x4;
	vm9 =	veq.s32 v46, $0x4  }
0xa0: {  	v62 =	vnsel vm7, $0x0, v25;
	v63 =	vnsel vm13, $0x0, v26;
	vm13 =	veq.s32 v27, $0x5  }
0xa1: {  	vm14 =	veq.s32 v46, $0x5;
	v36 =	vnsel vm11, $0x0, v25;
	v57 =	vsel vm6, $0x1, v0  }
0xa2: {  	v37 =	vnsel vm12, $0x0, v26;
	vm11 =	vmneg vm1;
	vm15 =	vnez.u8 v44;
	(xrf0) =	vadd.scan.msk.s32 $0xffff, v57  }
0xa3: {  	v58 =	vbroadcast v9, $0xF;
	v23 =	vadd.f32 v55, v53;
	v24 =	vadd.f32 v29, v60  }
0xa4: {  	[tilespmem:v20+s7+$0x0] =	vst.idx.msk $0xffff, v28;
	vm7 =	vmor vm8, vm9;
	v32 =	vsel vm6, $0xFFFFFFFF, v0;
	v28 =	vadd.f32 v63, v62  }
0xa5: {  	v34 =	vnsel vm10, $0x100000, v21;
	vm10 =	vmor vm13, vm14;
	v33 =	vsel vm7, $0x1, v0  }
0xa6: {  	v38 =	vadd.f32 v37, v36;
	vm12 =	vmand vm11, vm4;
	v47 =	vnsel vm8, $0x0, v25;
	(xrf0) =	vadd.scan.msk.s32 $0xffff, v33  }
0xa7: {  	v48 =	vnsel vm9, $0x0, v26;
	v51 =	vnsel vm13, $0x0, v25;
	v39 =	vsel vm10, $0x1, v0  }
0xa8: {  	v31 =	vadd.s32 v32, v31;
	vm4 =	vmor vm5, vm12;
	[tilespmem:v20+s8+$0x0] =	vst.idx.msk $0xffff, v23;
	(xrf0) =	vadd.scan.msk.s32 $0xffff, v39;
	v21, _, _ =	vpop (xrf0)  }
0xa9: {  	v52 =	vnsel vm14, $0x0, v26;
	v43 =	vsel vm4, $0x1, v0;
	[tilespmem:v17+s7+$0x0] =	vst.idx.msk $0xffff, v61;
	v35 =	vadd.s32 v21, v31  }
0xaa: {  	[tilespmem:v17+s8+$0x0] =	vst.idx.msk $0xffff, v24;
	(xrf0) =	vadd.scan.msk.s32 $0xffff, v43;
	v20 =	vnsel vm6, $0x100000, v35;
	vm6 =	vmor vm15, vm3  }
0xab: {  	v53 =	vbroadcast v8, $0xF;
	v41 =	vsel vm7, $0xFFFFFFFF, v0;
	[tilespmem:v15+s7+$0x0] =	vst.idx.msk $0xffff, v34;
	v46 =	vsel vm6, $0x1, v0  }
0xac: {  	v60 =	vnsel vm5, $0x0, v25;
	v42 =	vadd.s32 v41, v40;
	[tilespmem:v15+s8+$0x0] =	vst.idx.msk $0xffff, v28;
	v22, _, _ =	vpop (xrf0);
	(xrf0) =	vadd.scan.msk.s32 $0xffff, v46  }
0xad: {  	v49 =	vsel vm10, $0xFFFFFFFF, v0;
	v50 =	vadd.f32 v48, v47;
	v15 =	vadd.s32 v22, v42;
	[tilespmem:v14+s7+$0x0] =	vst.idx.msk $0xffff, v20  }
0xae: {  	v55 =	vsel vm4, $0xFFFFFFFF, v0;
	v24 =	vadd.s32 v49, v45;
	v23, _, _ =	vpop (xrf0);
	v15 =	vnsel vm7, $0x100000, v15;
	[tilespmem:v14+s8+$0x0] =	vst.idx.msk $0xffff, v38  }
0xaf: {  	v33 =	vnsel vm15, $0x0, v25;
	v57 =	vadd.s32 v55, v53;
	v54 =	vadd.s32 v23, v24;
	[tilespmem:v13+s7+$0x0] =	vst.idx.msk $0xffff, v15  }
0xb0: {  	v61 =	vnsel vm12, $0x0, v26;
	v59, _, _ =	vpop (xrf0);
	v14 =	vadd.f32 v52, v51;
	v56 =	vnsel vm10, $0x100000, v54;
	[tilespmem:v13+s8+$0x0] =	vst.idx.msk $0xffff, v50  }
0xb1: {  	v62 =	vsel vm6, $0xFFFFFFFF, v0;
	v20 =	vor.u32 $0x100, v1;
	v15 =	vadd.s32 v59, v57;
	[tilespmem:v12+s7+$0x0] =	vst.idx.msk $0xffff, v56  }
0xb2: {  	v17 =	vadd.s32 v62, v58;
	v13 =	vadd.f32 v61, v60;
	v31 =	vnsel vm4, $0x100000, v15;
	[tilespmem:v12+s8+$0x0] =	vst.idx.msk $0xffff, v14;
	v63, _, _ =	vpop (xrf0)  }
0xb3: {  	v34 =	vnsel vm1, $0x0, v26;
	[tilespmem:v11+s7+$0x0] =	vst.idx.msk $0xffff, v31;
	v32 =	vadd.s32 v63, v17;
	v17 =	vor.u32 $0x101, v1  }
0xb4: {  	v35 =	vadd.f32 v34, v33;
	[tilespmem:v11+s8+$0x0] =	vst.idx.msk $0xffff, v13;
	v36 =	vnsel vm6, $0x100000, v32  }
0xb5: {  	v37 =	vor.u32 $0x102, v1;
	[tilespmem:v10+s7+$0x0] =	vst.idx.msk $0xffff, v36  }
0xb6: {  	[tilespmem:v10+s8+$0x0] =	vst.idx.msk $0xffff, v35  }
0xb7: {  	v14 =	vor.u32 $0x103, v1;
	v38 =	vld.idx.msk [tilespmem:v20+s2+$0x0], $0xffff  }
0xb8: {  	v39 =	vld.idx.msk [tilespmem:v17+s2+$0x0], $0xffff  }
0xb9: {  	v13 =	vor.u32 $0x104, v1  }
0xba: {  	v40 =	vld.idx.msk [tilespmem:v37+s2+$0x0], $0xffff  }
0xbb: {  	v12 =	vor.u32 $0x105, v1  }
0xbc: {  	v41 =	vld.idx.msk [tilespmem:v14+s2+$0x0], $0xffff  }
0xbd: {  	v11 =	vor.u32 $0x106, v1;
	vm10 =	vgt.f32 v39, v38  }
0xbe: {  	v30 =	vld.idx.msk [tilespmem:v13+s2+$0x0], $0xffff;
	v42 =	vsel vm10, v39, v38  }
0xbf: {  	v10 =	vor.u32 $0x107, v1;
	vm11 =	vgt.f32 v40, v42  }
0xc0: {  	v43 =	vld.idx.msk [tilespmem:v12+s2+$0x0], $0xffff;
	v31 =	vsel vm11, v40, v42  }
0xc1: {  	vm12 =	vgt.f32 v41, v31  }
0xc2: {  	v44 =	vld.idx.msk [tilespmem:v11+s2+$0x0], $0xffff;
	v31 =	vsel vm12, v41, v31  }
0xc3: {  	vm13 =	vgt.f32 v30, v31  }
0xc4: {  	v34 =	vld.idx.msk [tilespmem:v10+s2+$0x0], $0xffff;
	v35 =	vsel vm10, $0x1, v0;
	v31 =	vsel vm13, v30, v31  }
0xc5: {  	v35 =	vsel vm11, $0x2, v35;
	vm14 =	vgt.f32 v43, v31  }
0xc6: {  	v35 =	vsel vm12, $0x3, v35;
	v31 =	vsel vm14, v43, v31  }
0xc7: {  	v35 =	vsel vm13, $0x4, v35;
	vm2 =	vgt.f32 v44, v31  }
0xc8: {  	v35 =	vsel vm14, $0x5, v35;
	v31 =	vsel vm2, v44, v31  }
0xc9: {  	v35 =	vsel vm2, $0x6, v35;
	vm0 =	vgt.f32 v34, v31  }
0xca: {  	v35 =	vsel vm0, $0x7, v35  }
0xcb: {  	vm6 =	vgt.f32 v38, $-1.000000000e+00;
	vm15 =	vne.s32 v35, $0x0  }
0xcc: {  	vm1 =	vmand vm6, vm15  }
0xcd: {  	v25 =	vnsel vm1, $0xBF800000, v38  }
0xce: {  	vm7 =	vne.s32 v35, $0x1;
	vm8 =	vgt.f32 v39, v25  }
0xcf: {  	vm6 =	vmand vm7, vm8  }
0xd0: {  	v25 =	vsel vm6, v39, v25  }
0xd1: {  	vm9 =	vne.s32 v35, $0x2;
	vm10 =	vgt.f32 v40, v25  }
0xd2: {  	vm7 =	vmand vm9, vm10  }
0xd3: {  	v25 =	vsel vm7, v40, v25  }
0xd4: {  	vm11 =	vne.s32 v35, $0x3;
	vm12 =	vgt.f32 v41, v25  }
0xd5: {  	(v2sf) =	vpush v2, $0xF;
	vm8 =	vmand vm11, vm12  }
0xd6: {  	(v2sf) =	vpush v3, $0xF;
	v25 =	vsel vm8, v41, v25  }
0xd7: {  	(v2sf) =	vpush v4, $0xF;
	vm13 =	vne.s32 v35, $0x4;
	vm14 =	vgt.f32 v30, v25  }
0xd8: {  	(v2sf) =	vpush v5, $0xF;
	vm15 =	vmand vm13, vm14  }
0xd9: {  	(v2sf) =	vpush v6, $0xF;
	v45 =	vsel vm15, v30, v25  }
0xda: {  	(v2sf) =	vpush v7, $0xF;
	vm10 =	vne.s32 v35, $0x5;
	vm11 =	vgt.f32 v43, v45  }
0xdb: {  	(v2sf) =	vpush v8, $0xF;
	vm12 =	vmand vm10, vm11  }
0xdc: {  	(v2sf) =	vpush v9, $0xF;
	v2 =	vsel vm12, v43, v45  }
0xdd: {  	(v2sf) =	vpush v16, $0xF;
	vm13 =	vne.s32 v35, $0x6;
	vm14 =	vgt.f32 v44, v2  }
0xde: {  	(v2sf) =	vpush v18, $0xF;
	v48 =	vsel vm6, $0x1, v0;
	vm4 =	vmand vm13, vm14  }
0xdf: {  	(v2sf) =	vpush v19, $0xF;
	v4 =	vsel vm7, $0x2, v48;
	v2 =	vsel vm4, v44, v2  }
0xe0: {  	vm5 =	vmneg vm0;
	v4 =	vsel vm8, $0x3, v4;
	vm3 =	vgt.f32 v34, v2  }
0xe1: {  	v4 =	vsel vm15, $0x4, v4;
	vm1 =	vmand vm3, vm5  }
0xe2: {  	v47 =	vsel vm0, v34, v31;
	v4 =	vsel vm12, $0x5, v4;
	v2 =	vsel vm1, v34, v2  }
0xe3: {  	v4 =	vsel vm4, $0x6, v4;
	v49 =	vadd.f32 v2, v47  }
0xe4: {  	s9 =	spop (v2sf);
	v4 =	vsel vm1, $0x7, v4  }
0xe5: {  	s10 =	spop (v2sf);
	vm12 =	veq.s32 v35, $0x0;
	vm6 =	veq.s32 v4, $0x0;
	v5 =	vadd.f32 $9.999999930e-09, v49  }
0xe6: {  	s11 =	spop (v2sf);
	vm9 =	veq.s32 v35, $0x1;
	vm11 =	veq.s32 v4, $0x1;
	vm7 =	vmor vm12, vm6  }
0xe7: {  	s12 =	spop (v2sf);
	vm8 =	vmor vm9, vm11;
	v50 =	vsel vm7, $0x1, v0;
	(erf) = vrcp.f32 v5  }
0xe8: {  	s13 =	spop (v2sf);
	(v2sf) =	vpush v21, $0xF;
	v46 =	vimm.s32 $0x0;
	v51 =	vsel vm8, $0x1, v0;
	(xrf0) =	vadd.scan.msk.s32 $0xffff, v50  }
0xe9: {  	s14 =	spop (v2sf);
	v3 =	vsel vm0, $0xFFFFFFFF, v46;
	vm0 =	veq.s32 v35, $0x2;
	vm10 =	veq.s32 v4, $0x2;
	(xrf0) =	vadd.scan.msk.s32 $0xffff, v51  }
0xea: {  	s15 =	spop (v2sf);
	(v2sf) =	vpush v22, $0xF;
	vm15 =	vmor vm0, vm10  }
0xeb: {  	s16 =	spop (v2sf);
	(v2sf) =	vpush v23, $0xF;
	v57 =	vsel vm15, $0x1, v0  }
0xec: {  	(v2sf) =	vpush v59, $0xF;
	s17 =	spop (v2sf);
	(xrf0) =	vadd.scan.msk.s32 $0xffff, v57  }
0xed: {  	s21 =	spop (v2sf);
	(v2sf) =	vpush v63, $0xF  }
0xee: {  	s10 =	sadd.s32 s10, s21;
	s22 =	spop (v2sf);
	vm13 =	veq.s32 v35, $0x3;
	vm5 =	vmand vm5, vm2;
	v56 =	vsel vm8, $0xFFFFFFFF, v0;
	v7, _, _ =	vpop (xrf0)  }
0xef: {  	s9 =	sadd.s32 s9, s17;
	s11 =	sadd.s32 s11, s22;
	v53 =	vsel vm7, $0xFFFFFFFF, v0;
	v63 =	vsel vm15, $0xFFFFFFFF, v0;
	v16 =	vadd.s32 s10, v56;
	v8, _, _ =	vpop (xrf0)  }
0xf0: {  	vm14 =	veq.s32 v4, $0x3;
	v22 =	vadd.s32 s11, v63;
	v5 =	vadd.s32 s9, v53;
	v52 =	vpop (erf)  }
0xf1: {  	[tilespmem:$0x1FF40] =	vst v3;
	v5 =	vadd.s32 v7, v5;
	v58 =	vadd.s32 v8, v16;
	v3 =	vmul.f32 v52, v47  }
0xf2: {  	v5 =	vnsel vm7, $0x100000, v5;
	v16, _, _ =	vpop (xrf0);
	v9 =	vnsel vm8, $0x100000, v58;
	v2 =	vmul.f32 v52, v2  }
0xf3: {  	v34 =	vld [tilespmem:$0x1FF40];
	vm8 =	veq.s32 v35, $0x5;
	v25 =	vadd.s32 v16, v22;
	v54 =	vnsel vm12, $0x0, v3  }
0xf4: {  	v55 =	vnsel vm6, $0x0, v2;
	vm6 =	vmor vm13, vm14;
	v59 =	vnsel vm9, $0x0, v3  }
0xf5: {  	v60 =	vnsel vm11, $0x0, v2;
	vm11 =	veq.s32 v35, $0x4;
	vm12 =	veq.s32 v4, $0x4  }
0xf6: {  	v23 =	vnsel vm0, $0x0, v3;
	vm9 =	veq.s32 v4, $0x5;
	v26 =	vnsel vm10, $0x0, v2  }
0xf7: {  	v4 =	vnsel vm15, $0x100000, v25;
	vm15 =	vmneg vm1;
	v30 =	vnsel vm13, $0x0, v3  }
0xf8: {  	v31 =	vnsel vm14, $0x0, v2;
	vm13 =	vnez.u8 v34;
	v61 =	vsel vm6, $0x1, v0  }
0xf9: {  	v41 =	vnsel vm8, $0x0, v3;
	v47 =	vnsel vm5, $0x0, v3;
	vm7 =	vmor vm11, vm12;
	(xrf0) =	vadd.scan.msk.s32 $0xffff, v61  }
0xfa: {  	v6 =	vadd.f32 v55, v54;
	v62 =	vadd.f32 v60, v59;
	v24 =	vsel vm7, $0x1, v0  }
0xfb: {  	vm10 =	vmor vm8, vm9;
	v27 =	vadd.f32 v26, v23;
	v28 =	vsel vm6, $0xFFFFFFFF, v0;
	(xrf0) =	vadd.scan.msk.s32 $0xffff, v24  }
0xfc: {  	[tilespmem:v20+s7+$0x0] =	vst.idx.msk $0xffff, v5;
	vm15 =	vmand vm15, vm4;
	vm14 =	vmor vm13, vm3;
	v29 =	vsel vm10, $0x1, v0  }
0xfd: {  	s23 =	spop (v2sf);
	v38 =	vnsel vm12, $0x0, v2;
	vm4 =	vmor vm5, vm15;
	[tilespmem:v20+s8+$0x0] =	vst.idx.msk $0xffff, v6;
	(xrf0) =	vadd.scan.msk.s32 $0xffff, v29  }
0xfe: {  	s12 =	sadd.s32 s12, s23;
	v42 =	vnsel vm9, $0x0, v2;
	v55 =	vor.u32 $0x180, v1;
	v33 =	vsel vm4, $0x1, v0;
	[tilespmem:v17+s7+$0x0] =	vst.idx.msk $0xffff, v9  }
0xff: {  	s24 =	spop (v2sf);
	v32 =	vsel vm7, $0xFFFFFFFF, v0;
	v6 =	vadd.s32 s12, v28;
	[tilespmem:v17+s8+$0x0] =	vst.idx.msk $0xffff, v62;
	(xrf0) =	vadd.scan.msk.s32 $0xffff, v33;
	v18, _, _ =	vpop (xrf0)  }
0x100: {  	s13 =	sadd.s32 s13, s24;
	v35 =	vsel vm14, $0x1, v0;
	v9 =	vadd.f32 v31, v30;
	[tilespmem:v37+s7+$0x0] =	vst.idx.msk $0xffff, v4;
	v6 =	vadd.s32 v18, v6  }
0x101: {  	s25 =	spop (v2sf);
	v4 =	vadd.s32 s13, v32;
	[tilespmem:v37+s8+$0x0] =	vst.idx.msk $0xffff, v27;
	(xrf0) =	vadd.scan.msk.s32 $0xffff, v35;
	v17, _, _ =	vpop (xrf0);
	v6 =	vnsel vm6, $0x100000, v6  }
0x102: {  	s14 =	sadd.s32 s14, s25;
	v36 =	vsel vm10, $0xFFFFFFFF, v0;
	v37 =	vnsel vm11, $0x0, v3;
	v4 =	vadd.s32 v17, v4;
	[tilespmem:v14+s7+$0x0] =	vst.idx.msk $0xffff, v6  }
0x103: {  	s26 =	spop (v2sf);
	v20 =	vadd.s32 s14, v36;
	v5 =	vadd.f32 v38, v37;
	v39, _, _ =	vpop (xrf0);
	v4 =	vnsel vm7, $0x100000, v4;
	[tilespmem:v14+s8+$0x0] =	vst.idx.msk $0xffff, v9  }
0x104: {  	s15 =	sadd.s32 s15, s26;
	v44 =	vadd.f32 v42, v41;
	v43 =	vsel vm4, $0xFFFFFFFF, v0;
	v40 =	vadd.s32 v39, v20;
	[tilespmem:v13+s7+$0x0] =	vst.idx.msk $0xffff, v4  }
0x105: {  	s28 =	spop (v2sf);
	v48 =	vnsel vm15, $0x0, v2;
	v45 =	vadd.s32 s15, v43;
	v46, _, _ =	vpop (xrf0);
	v6 =	vnsel vm10, $0x100000, v40;
	[tilespmem:v13+s8+$0x0] =	vst.idx.msk $0xffff, v5  }
0x106: {  	s16 =	sadd.s32 s16, s28;
	v49 =	vsel vm14, $0xFFFFFFFF, v0;
	v2 =	vnsel vm1, $0x0, v2;
	v50 =	vadd.s32 v46, v45;
	[tilespmem:v12+s7+$0x0] =	vst.idx.msk $0xffff, v6  }
0x107: {  	v52 =	vadd.s32 s16, v49;
	v53 =	vnsel vm4, $0x100000, v50;
	v5 =	vadd.f32 v48, v47;
	v51, _, _ =	vpop (xrf0);
	[tilespmem:v12+s8+$0x0] =	vst.idx.msk $0xffff, v44  }
0x108: {  	v3 =	vnsel vm13, $0x0, v3;
	v54 =	vadd.s32 v51, v52;
	v12 =	vor.u32 $0x181, v1;
	[tilespmem:v11+s7+$0x0] =	vst.idx.msk $0xffff, v53  }
0x109: {  	v2 =	vadd.f32 v2, v3;
	v56 =	vnsel vm14, $0x100000, v54;
	[tilespmem:v11+s8+$0x0] =	vst.idx.msk $0xffff, v5  }
0x10a: {  	v9 =	vor.u32 $0x182, v1;
	[tilespmem:v10+s7+$0x0] =	vst.idx.msk $0xffff, v56  }
0x10b: {  	[tilespmem:v10+s8+$0x0] =	vst.idx.msk $0xffff, v2  }
0x10c: {  	v6 =	vor.u32 $0x183, v1;
	v10 =	vld.idx.msk [tilespmem:v55+s2+$0x0], $0xffff  }
0x10d: {  	v11 =	vld.idx.msk [tilespmem:v12+s2+$0x0], $0xffff  }
0x10e: {  	v5 =	vor.u32 $0x184, v1  }
0x10f: {  	v57 =	vld.idx.msk [tilespmem:v9+s2+$0x0], $0xffff  }
0x110: {  	v4 =	vor.u32 $0x185, v1  }
0x111: {  	v21 =	vld.idx.msk [tilespmem:v6+s2+$0x0], $0xffff  }
0x112: {  	v3 =	vor.u32 $0x186, v1;
	vm10 =	vgt.f32 v11, v10  }
0x113: {  	v58 =	vld.idx.msk [tilespmem:v5+s2+$0x0], $0xffff;
	v59 =	vsel vm10, v11, v10  }
0x114: {  	v2 =	vor.u32 $0x187, v1;
	vm11 =	vgt.f32 v57, v59  }
0x115: {  	v60 =	vld.idx.msk [tilespmem:v4+s2+$0x0], $0xffff;
	v23 =	vsel vm11, v57, v59  }
0x116: {  	vm12 =	vgt.f32 v21, v23  }
0x117: {  	v61 =	vld.idx.msk [tilespmem:v3+s2+$0x0], $0xffff;
	v23 =	vsel vm12, v21, v23  }
0x118: {  	vm13 =	vgt.f32 v58, v23  }
0x119: {  	v62 =	vld.idx.msk [tilespmem:v2+s2+$0x0], $0xffff;
	v63 =	vsel vm10, $0x1, v0;
	v23 =	vsel vm13, v58, v23  }
0x11a: {  	v27 =	vsel vm11, $0x2, v63;
	vm14 =	vgt.f32 v60, v23  }
0x11b: {  	v27 =	vsel vm12, $0x3, v27;
	v23 =	vsel vm14, v60, v23  }
0x11c: {  	v27 =	vsel vm13, $0x4, v27;
	vm2 =	vgt.f32 v61, v23  }
0x11d: {  	v27 =	vsel vm14, $0x5, v27;
	v23 =	vsel vm2, v61, v23  }
0x11e: {  	v27 =	vsel vm2, $0x6, v27;
	vm0 =	vgt.f32 v62, v23  }
0x11f: {  	v27 =	vsel vm0, $0x7, v27  }
0x120: {  	vm6 =	vgt.f32 v10, $-1.000000000e+00;
	vm15 =	vne.s32 v27, $0x0  }
0x121: {  	vm1 =	vmand vm6, vm15  }
0x122: {  	v10 =	vnsel vm1, $0xBF800000, v10  }
0x123: {  	vm7 =	vne.s32 v27, $0x1;
	vm8 =	vgt.f32 v11, v10  }
0x124: {  	vm6 =	vmand vm7, vm8  }
0x125: {  	v10 =	vsel vm6, v11, v10  }
0x126: {  	vm9 =	vne.s32 v27, $0x2;
	vm10 =	vgt.f32 v57, v10  }
0x127: {  	vm7 =	vmand vm9, vm10  }
0x128: {  	v10 =	vsel vm7, v57, v10  }
0x129: {  	vm11 =	vne.s32 v27, $0x3;
	vm12 =	vgt.f32 v21, v10  }
0x12a: {  	vm8 =	vmand vm11, vm12  }
0x12b: {  	v10 =	vsel vm8, v21, v10  }
0x12c: {  	vm13 =	vne.s32 v27, $0x4;
	vm14 =	vgt.f32 v58, v10  }
0x12d: {  	vm15 =	vmand vm13, vm14  }
0x12e: {  	v10 =	vsel vm15, v58, v10  }
0x12f: {  	vm10 =	vne.s32 v27, $0x5;
	vm11 =	vgt.f32 v60, v10  }
0x130: {  	(v2sf) =	vpush v7, $0xF;
	vm12 =	vmand vm10, vm11  }
0x131: {  	v10 =	vsel vm12, v60, v10  }
0x132: {  	v29 =	vimm.s32 $0x0;
	vm13 =	vne.s32 v27, $0x6;
	vm14 =	vgt.f32 v61, v10  }
0x133: {  	v11 =	vsel vm0, $0xFFFFFFFF, v29;
	v31 =	vsel vm6, $0x1, v0;
	vm4 =	vmand vm13, vm14  }
0x134: {  	(v2sf) =	vpush v8, $0xF;
	[tilespmem:$0x1FF50] =	vst v11;
	v11 =	vsel vm7, $0x2, v31;
	v10 =	vsel vm4, v61, v10  }
0x135: {  	vm5 =	vmneg vm0;
	v33 =	vsel vm8, $0x3, v11;
	vm3 =	vgt.f32 v62, v10  }
0x136: {  	(v2sf) =	vpush v16, $0xF;
	v8 =	vsel vm15, $0x4, v33;
	vm1 =	vmand vm3, vm5  }
0x137: {  	v30 =	vsel vm0, v62, v23;
	v8 =	vsel vm12, $0x5, v8;
	v10 =	vsel vm1, v62, v10  }
0x138: {  	v8 =	vsel vm4, $0x6, v8;
	v32 =	vadd.f32 v10, v30  }
0x139: {  	v35 =	vsel vm1, $0x7, v8  }
0x13a: {  	vm6 =	veq.s32 v27, $0x0;
	vm12 =	veq.s32 v35, $0x0;
	v34 =	vadd.f32 $9.999999930e-09, v32  }
0x13b: {  	vm9 =	veq.s32 v27, $0x1;
	vm11 =	veq.s32 v35, $0x1;
	vm7 =	vmor vm6, vm12  }
0x13c: {  	vm8 =	vmor vm9, vm11;
	v36 =	vsel vm7, $0x1, v0;
	(erf) = vrcp.f32 v34  }
0x13d: {  	v37 =	vsel vm8, $0x1, v0;
	(xrf0) =	vadd.scan.msk.s32 $0xffff, v36  }
0x13e: {  	(v2sf) =	vpush v18, $0xF;
	(xrf0) =	vadd.scan.msk.s32 $0xffff, v37  }
0x13f: {  	s29 =	spop (v2sf);
	(v2sf) =	vpush v17, $0xF  }
0x140: {  	s9 =	sadd.s32 s9, s29;
	(v2sf) =	vpush v39, $0xF;
	v39 =	vsel vm7, $0xFFFFFFFF, v0  }
0x141: {  	(v2sf) =	vpush v46, $0xF;
	v8 =	vadd.s32 s9, v39  }
0x142: {  	(v2sf) =	vpush v51, $0xF;
	vm0 =	veq.s32 v27, $0x2  }
0x143: {  	s30 =	spop (v2sf);
	vm13 =	veq.s32 v27, $0x3;
	vm5 =	vmand vm5, vm2;
	vm10 =	veq.s32 v35, $0x2;
	v7, _, _ =	vpop (xrf0)  }
0x144: {  	s10 =	sadd.s32 s10, s30;
	vm15 =	vmor vm0, vm10;
	v43 =	vsel vm8, $0xFFFFFFFF, v0;
	v40 =	vadd.s32 v7, v8;
	v8, _, _ =	vpop (xrf0)  }
0x145: {  	s31 =	spop (v2sf);
	vm14 =	veq.s32 v35, $0x3;
	v44 =	vsel vm15, $0x1, v0;
	v18 =	vadd.s32 s10, v43;
	v38 =	vpop (erf)  }
0x146: {  	s11 =	sadd.s32 s11, s31;
	v49 =	vsel vm15, $0xFFFFFFFF, v0;
	v45 =	vadd.s32 v8, v18;
	v16 =	vmul.f32 v38, v30  }
0x147: {  	v61 =	vld [tilespmem:$0x1FF50];
	v19 =	vadd.s32 s11, v49;
	v15 =	vnsel vm8, $0x100000, v45;
	v17 =	vmul.f32 v38, v10  }
0x148: {  	(xrf0) =	vadd.scan.msk.s32 $0xffff, v44;
	vm8 =	veq.s32 v27, $0x5;
	v10 =	vnsel vm7, $0x100000, v40;
	v41 =	vnsel vm6, $0x0, v16  }
0x149: {  	v42 =	vnsel vm12, $0x0, v17;
	vm6 =	vmor vm13, vm14;
	v46 =	vnsel vm9, $0x0, v16  }
0x14a: {  	v47 =	vnsel vm11, $0x0, v17;
	vm11 =	veq.s32 v27, $0x4;
	vm12 =	veq.s32 v35, $0x4  }
0x14b: {  	v50 =	vnsel vm0, $0x0, v16;
	vm9 =	veq.s32 v35, $0x5;
	v53 =	vnsel vm10, $0x0, v17  }
0x14c: {  	v57 =	vnsel vm13, $0x0, v16;
	v58 =	vnsel vm14, $0x0, v17;
	vm13 =	vnez.u8 v61  }
0x14d: {  	[tilespmem:v55+s7+$0x0] =	vst.idx.msk $0xffff, v10;
	v29 =	vnsel vm8, $0x0, v16;
	v35 =	vnsel vm5, $0x0, v16;
	v48 =	vsel vm6, $0x1, v0  }
0x14e: {  	v44 =	vnsel vm1, $0x0, v17;
	v14 =	vadd.f32 v42, v41;
	vm7 =	vmor vm11, vm12;
	v10, _, _ =	vpop (xrf0);
	(xrf0) =	vadd.scan.msk.s32 $0xffff, v48  }
0x14f: {  	v18 =	vadd.f32 v47, v46;
	v51 =	vsel vm7, $0x1, v0;
	v52 =	vadd.s32 v10, v19  }
0x150: {  	vm10 =	vmor vm8, vm9;
	(xrf0) =	vadd.scan.msk.s32 $0xffff, v51;
	v11 =	vnsel vm15, $0x100000, v52;
	vm15 =	vmneg vm1  }
0x151: {  	s18 =	spop (v2sf);
	v54 =	vsel vm6, $0xFFFFFFFF, v0;
	[tilespmem:v55+s8+$0x0] =	vst.idx.msk $0xffff, v14;
	v55 =	vsel vm10, $0x1, v0;
	vm15 =	vmand vm15, vm4  }
0x152: {  	s12 =	sadd.s32 s12, s18;
	vm14 =	vmor vm13, vm3;
	v25 =	vnsel vm11, $0x0, v16;
	(xrf0) =	vadd.scan.msk.s32 $0xffff, v55;
	vm4 =	vmor vm5, vm15  }
0x153: {  	v26 =	vnsel vm12, $0x0, v17;
	v14 =	vadd.s32 s12, v54;
	[tilespmem:v12+s7+$0x0] =	vst.idx.msk $0xffff, v15;
	v60 =	vsel vm4, $0x1, v0  }
0x154: {  	s19 =	spop (v2sf);
	v19 =	vadd.f32 v53, v50;
	v59 =	vsel vm7, $0xFFFFFFFF, v0;
	[tilespmem:v12+s8+$0x0] =	vst.idx.msk $0xffff, v18;
	(xrf0) =	vadd.scan.msk.s32 $0xffff, v60;
	v13, _, _ =	vpop (xrf0)  }
0x155: {  	s13 =	sadd.s32 s13, s19;
	v62 =	vsel vm14, $0x1, v0;
	v12 =	vadd.f32 v58, v57;
	[tilespmem:v9+s7+$0x0] =	vst.idx.msk $0xffff, v11;
	v56 =	vadd.s32 v13, v14  }
0x156: {  	s20 =	spop (v2sf);
	v11 =	vadd.s32 s13, v59;
	[tilespmem:v9+s8+$0x0] =	vst.idx.msk $0xffff, v19;
	(xrf0) =	vadd.scan.msk.s32 $0xffff, v62;
	v14, _, _ =	vpop (xrf0);
	v63 =	vnsel vm6, $0x100000, v56  }
0x157: {  	s14 =	sadd.s32 s14, s20;
	v30 =	vnsel vm9, $0x0, v17;
	v24 =	vsel vm10, $0xFFFFFFFF, v0;
	v11 =	vadd.s32 v14, v11;
	[tilespmem:v6+s7+$0x0] =	vst.idx.msk $0xffff, v63  }
0x158: {  	s21 =	spop (v2sf);
	v27 =	vadd.s32 s14, v24;
	v9 =	vadd.f32 v26, v25;
	v15, _, _ =	vpop (xrf0);
	v11 =	vnsel vm7, $0x100000, v11;
	[tilespmem:v6+s8+$0x0] =	vst.idx.msk $0xffff, v12  }
0x159: {  	s15 =	sadd.s32 s15, s21;
	s22 =	spop (v2sf);
	v37 =	vsel vm14, $0xFFFFFFFF, v0;
	v31 =	vsel vm4, $0xFFFFFFFF, v0;
	v28 =	vadd.s32 v15, v27;
	[tilespmem:v5+s7+$0x0] =	vst.idx.msk $0xffff, v11  }
0x15a: {  	s16 =	sadd.s32 s16, s22;
	v33 =	vadd.s32 s15, v31;
	v6 =	vadd.f32 v30, v29;
	v32 =	vnsel vm10, $0x100000, v28;
	v34, _, _ =	vpop (xrf0);
	[tilespmem:v5+s8+$0x0] =	vst.idx.msk $0xffff, v9  }
0x15b: {  	v40 =	vadd.s32 s16, v37;
	v36 =	vnsel vm15, $0x0, v17;
	v38 =	vadd.s32 v34, v33;
	[tilespmem:v4+s7+$0x0] =	vst.idx.msk $0xffff, v32  }
0x15c: {  	v12 =	vor.u32 $0x200, v1;
	v5 =	vadd.f32 v36, v35;
	v39, _, _ =	vpop (xrf0);
	v41 =	vnsel vm4, $0x100000, v38;
	[tilespmem:v4+s8+$0x0] =	vst.idx.msk $0xffff, v6  }
0x15d: {  	v43 =	vnsel vm13, $0x0, v16;
	v11 =	vor.u32 $0x201, v1;
	v42 =	vadd.s32 v39, v40;
	[tilespmem:v3+s7+$0x0] =	vst.idx.msk $0xffff, v41  }
0x15e: {  	v45 =	vadd.f32 v44, v43;
	v46 =	vnsel vm14, $0x100000, v42;
	[tilespmem:v3+s8+$0x0] =	vst.idx.msk $0xffff, v5  }
0x15f: {  	v9 =	vor.u32 $0x202, v1;
	[tilespmem:v2+s7+$0x0] =	vst.idx.msk $0xffff, v46  }
0x160: {  	[tilespmem:v2+s8+$0x0] =	vst.idx.msk $0xffff, v45  }
0x161: {  	v6 =	vor.u32 $0x203, v1;
	v47 =	vld.idx.msk [tilespmem:v12+s2+$0x0], $0xffff  }
0x162: {  	v48 =	vld.idx.msk [tilespmem:v11+s2+$0x0], $0xffff  }
0x163: {  	v5 =	vor.u32 $0x204, v1  }
0x164: {  	v49 =	vld.idx.msk [tilespmem:v9+s2+$0x0], $0xffff  }
0x165: {  	v4 =	vor.u32 $0x205, v1  }
0x166: {  	v50 =	vld.idx.msk [tilespmem:v6+s2+$0x0], $0xffff  }
0x167: {  	v3 =	vor.u32 $0x206, v1;
	vm10 =	vgt.f32 v48, v47  }
0x168: {  	v51 =	vld.idx.msk [tilespmem:v5+s2+$0x0], $0xffff;
	v52 =	vsel vm10, v48, v47  }
0x169: {  	v2 =	vor.u32 $0x207, v1;
	vm11 =	vgt.f32 v49, v52  }
0x16a: {  	v53 =	vld.idx.msk [tilespmem:v4+s2+$0x0], $0xffff;
	v23 =	vsel vm11, v49, v52  }
0x16b: {  	vm12 =	vgt.f32 v50, v23  }
0x16c: {  	v54 =	vld.idx.msk [tilespmem:v3+s2+$0x0], $0xffff;
	v23 =	vsel vm12, v50, v23  }
0x16d: {  	vm13 =	vgt.f32 v51, v23  }
0x16e: {  	v55 =	vld.idx.msk [tilespmem:v2+s2+$0x0], $0xffff;
	v56 =	vsel vm10, $0x1, v0;
	v23 =	vsel vm13, v51, v23  }
0x16f: {  	v27 =	vsel vm11, $0x2, v56;
	vm14 =	vgt.f32 v53, v23  }
0x170: {  	v27 =	vsel vm12, $0x3, v27;
	v23 =	vsel vm14, v53, v23  }
0x171: {  	v27 =	vsel vm13, $0x4, v27;
	vm2 =	vgt.f32 v54, v23  }
0x172: {  	v27 =	vsel vm14, $0x5, v27;
	v23 =	vsel vm2, v54, v23  }
0x173: {  	v27 =	vsel vm2, $0x6, v27;
	vm0 =	vgt.f32 v55, v23  }
0x174: {  	v27 =	vsel vm0, $0x7, v27  }
0x175: {  	vm6 =	vgt.f32 v47, $-1.000000000e+00;
	vm15 =	vne.s32 v27, $0x0  }
0x176: {  	vm1 =	vmand vm6, vm15  }
0x177: {  	v16 =	vnsel vm1, $0xBF800000, v47  }
0x178: {  	vm7 =	vne.s32 v27, $0x1;
	vm8 =	vgt.f32 v48, v16  }
0x179: {  	vm6 =	vmand vm7, vm8  }
0x17a: {  	v16 =	vsel vm6, v48, v16  }
0x17b: {  	vm9 =	vne.s32 v27, $0x2;
	vm10 =	vgt.f32 v49, v16  }
0x17c: {  	vm7 =	vmand vm9, vm10  }
0x17d: {  	v16 =	vsel vm7, v49, v16  }
0x17e: {  	vm11 =	vne.s32 v27, $0x3;
	vm12 =	vgt.f32 v50, v16  }
0x17f: {  	vm8 =	vmand vm11, vm12  }
0x180: {  	v16 =	vsel vm8, v50, v16  }
0x181: {  	vm13 =	vne.s32 v27, $0x4;
	vm14 =	vgt.f32 v51, v16  }
0x182: {  	vm15 =	vmand vm13, vm14  }
0x183: {  	v16 =	vsel vm15, v51, v16  }
0x184: {  	vm10 =	vne.s32 v27, $0x5;
	vm11 =	vgt.f32 v53, v16  }
0x185: {  	(v2sf) =	vpush v7, $0xF;
	v57 =	vimm.s32 $0x0;
	vm12 =	vmand vm10, vm11  }
0x186: {  	v17 =	vsel vm0, $0xFFFFFFFF, v57;
	v16 =	vsel vm12, v53, v16  }
0x187: {  	v59 =	vsel vm6, $0x1, v0;
	vm13 =	vne.s32 v27, $0x6;
	vm14 =	vgt.f32 v54, v16  }
0x188: {  	[tilespmem:$0x1FF60] =	vst v17;
	v17 =	vsel vm7, $0x2, v59;
	vm4 =	vmand vm13, vm14  }
0x189: {  	(v2sf) =	vpush v8, $0xF;
	v61 =	vsel vm8, $0x3, v17;
	v16 =	vsel vm4, v54, v16  }
0x18a: {  	vm5 =	vmneg vm0;
	v8 =	vsel vm15, $0x4, v61;
	vm3 =	vgt.f32 v55, v16  }
0x18b: {  	(v2sf) =	vpush v10, $0xF;
	v8 =	vsel vm12, $0x5, v8;
	vm1 =	vmand vm3, vm5  }
0x18c: {  	v58 =	vsel vm0, v55, v23;
	v8 =	vsel vm4, $0x6, v8;
	v16 =	vsel vm1, v55, v16  }
0x18d: {  	v63 =	vsel vm1, $0x7, v8;
	v60 =	vadd.f32 v16, v58  }
0x18e: {  	vm6 =	veq.s32 v27, $0x0;
	vm12 =	veq.s32 v63, $0x0  }
0x18f: {  	vm7 =	vmor vm6, vm12;
	v62 =	vadd.f32 $9.999999930e-09, v60  }
0x190: {  	vm9 =	veq.s32 v27, $0x1;
	vm11 =	veq.s32 v63, $0x1;
	v23 =	vsel vm7, $0x1, v0  }
0x191: {  	vm8 =	vmor vm9, vm11;
	(xrf0) =	vadd.scan.msk.s32 $0xffff, v23;
	(erf) = vrcp.f32 v62  }
0x192: {  	v24 =	vsel vm8, $0x1, v0  }
0x193: {  	vm0 =	veq.s32 v27, $0x2;
	vm10 =	veq.s32 v63, $0x2;
	(xrf0) =	vadd.scan.msk.s32 $0xffff, v24  }
0x194: {  	(v2sf) =	vpush v13, $0xF;
	s23 =	spop (v2sf);
	vm15 =	vmor vm0, vm10  }
0x195: {  	(v2sf) =	vpush v14, $0xF;
	s9 =	sadd.s32 s9, s23;
	v28 =	vsel vm7, $0xFFFFFFFF, v0;
	v33 =	vsel vm15, $0x1, v0  }
0x196: {  	(v2sf) =	vpush v15, $0xF;
	v8 =	vadd.s32 s9, v28;
	(xrf0) =	vadd.scan.msk.s32 $0xffff, v33  }
0x197: {  	(v2sf) =	vpush v34, $0xF;
	v7, _, _ =	vpop (xrf0)  }
0x198: {  	s24 =	spop (v2sf);
	(v2sf) =	vpush v39, $0xF;
	v29 =	vadd.s32 v7, v8  }
0x199: {  	s10 =	sadd.s32 s10, s24;
	vm13 =	veq.s32 v27, $0x3;
	v32 =	vsel vm8, $0xFFFFFFFF, v0;
	v8, _, _ =	vpop (xrf0);
	v10 =	vnsel vm7, $0x100000, v29  }
0x19a: {  	s25 =	spop (v2sf);
	vm5 =	vmand vm5, vm2;
	vm14 =	veq.s32 v63, $0x3;
	v15 =	vadd.s32 s10, v32;
	v25 =	vpop (erf)  }
0x19b: {  	s11 =	sadd.s32 s11, s25;
	v38 =	vsel vm15, $0xFFFFFFFF, v0;
	v34 =	vadd.s32 v8, v15;
	v26 =	vmul.f32 v25, v58  }
0x19c: {  	v19 =	vadd.s32 s11, v38;
	v14 =	vnsel vm8, $0x100000, v34;
	[tilespmem:v12+s7+$0x0] =	vst.idx.msk $0xffff, v10;
	v16 =	vmul.f32 v25, v16;
	v10, _, _ =	vpop (xrf0)  }
0x19d: {  	v50 =	vld [tilespmem:$0x1FF60];
	vm8 =	veq.s32 v27, $0x5;
	v41 =	vadd.s32 v10, v19;
	v30 =	vnsel vm6, $0x0, v26  }
0x19e: {  	v31 =	vnsel vm12, $0x0, v16;
	vm6 =	vmor vm13, vm14;
	v35 =	vnsel vm9, $0x0, v26  }
0x19f: {  	v36 =	vnsel vm11, $0x0, v16;
	vm11 =	veq.s32 v27, $0x4;
	vm12 =	veq.s32 v63, $0x4  }
0x1a0: {  	v39 =	vnsel vm0, $0x0, v26;
	vm9 =	veq.s32 v63, $0x5;
	v42 =	vnsel vm10, $0x0, v16  }
0x1a1: {  	v17 =	vnsel vm15, $0x100000, v41;
	vm15 =	vmneg vm1;
	v46 =	vnsel vm13, $0x0, v26  }
0x1a2: {  	v47 =	vnsel vm14, $0x0, v16;
	vm13 =	vnez.u8 v50;
	v37 =	vsel vm6, $0x1, v0  }
0x1a3: {  	v58 =	vnsel vm8, $0x0, v26;
	v13 =	vadd.f32 v31, v30;
	vm7 =	vmor vm11, vm12;
	(xrf0) =	vadd.scan.msk.s32 $0xffff, v37  }
0x1a4: {  	v15 =	vadd.f32 v36, v35;
	vm10 =	vmor vm8, vm9;
	v40 =	vsel vm7, $0x1, v0  }
0x1a5: {  	v43 =	vadd.f32 v42, v39;
	v44 =	vsel vm6, $0xFFFFFFFF, v0;
	vm15 =	vmand vm15, vm4;
	(xrf0) =	vadd.scan.msk.s32 $0xffff, v40  }
0x1a6: {  	vm14 =	vmor vm13, vm3;
	v54 =	vnsel vm11, $0x0, v26;
	v45 =	vsel vm10, $0x1, v0  }
0x1a7: {  	s26 =	spop (v2sf);
	v55 =	vnsel vm12, $0x0, v16;
	vm4 =	vmor vm5, vm15;
	[tilespmem:v12+s8+$0x0] =	vst.idx.msk $0xffff, v13;
	(xrf0) =	vadd.scan.msk.s32 $0xffff, v45  }
0x1a8: {  	s12 =	sadd.s32 s12, s26;
	s28 =	spop (v2sf);
	v59 =	vnsel vm9, $0x0, v16;
	v30 =	vnsel vm5, $0x0, v26;
	v49 =	vsel vm4, $0x1, v0;
	[tilespmem:v11+s7+$0x0] =	vst.idx.msk $0xffff, v14  }
0x1a9: {  	s13 =	sadd.s32 s13, s28;
	v19 =	vadd.s32 s12, v44;
	v48 =	vsel vm7, $0xFFFFFFFF, v0;
	[tilespmem:v11+s8+$0x0] =	vst.idx.msk $0xffff, v15;
	(xrf0) =	vadd.scan.msk.s32 $0xffff, v49;
	v12, _, _ =	vpop (xrf0)  }
0x1aa: {  	v51 =	vsel vm14, $0x1, v0;
	v15 =	vadd.s32 s13, v48;
	[tilespmem:v9+s7+$0x0] =	vst.idx.msk $0xffff, v17;
	v19 =	vadd.s32 v12, v19  }
0x1ab: {  	s29 =	spop (v2sf);
	v11 =	vadd.f32 v47, v46;
	[tilespmem:v9+s8+$0x0] =	vst.idx.msk $0xffff, v43;
	(xrf0) =	vadd.scan.msk.s32 $0xffff, v51;
	v14, _, _ =	vpop (xrf0);
	v19 =	vnsel vm6, $0x100000, v19  }
0x1ac: {  	s14 =	sadd.s32 s14, s29;
	v38 =	vnsel vm13, $0x0, v26;
	v53 =	vsel vm10, $0xFFFFFFFF, v0;
	v52 =	vadd.s32 v14, v15;
	[tilespmem:v6+s7+$0x0] =	vst.idx.msk $0xffff, v19  }
0x1ad: {  	s30 =	spop (v2sf);
	v56 =	vadd.s32 s14, v53;
	v9 =	vadd.f32 v55, v54;
	v15, _, _ =	vpop (xrf0);
	v57 =	vnsel vm7, $0x100000, v52;
	[tilespmem:v6+s8+$0x0] =	vst.idx.msk $0xffff, v11  }
0x1ae: {  	s15 =	sadd.s32 s15, s30;
	s31 =	spop (v2sf);
	v32 =	vsel vm14, $0xFFFFFFFF, v0;
	v60 =	vsel vm4, $0xFFFFFFFF, v0;
	v17 =	vadd.s32 v15, v56;
	[tilespmem:v5+s7+$0x0] =	vst.idx.msk $0xffff, v57  }
0x1af: {  	s16 =	sadd.s32 s16, s31;
	v62 =	vadd.s32 s15, v60;
	v63, _, _ =	vpop (xrf0);
	v6 =	vadd.f32 v59, v58;
	v61 =	vnsel vm10, $0x100000, v17;
	[tilespmem:v5+s8+$0x0] =	vst.idx.msk $0xffff, v9  }
0x1b0: {  	v31 =	vnsel vm15, $0x0, v16;
	v35 =	vadd.s32 s16, v32;
	v33 =	vadd.s32 v63, v62;
	[tilespmem:v4+s7+$0x0] =	vst.idx.msk $0xffff, v61  }
0x1b1: {  	v13 =	vor.u32 $0x280, v1;
	v36 =	vnsel vm4, $0x100000, v33;
	v5 =	vadd.f32 v31, v30;
	v34, _, _ =	vpop (xrf0);
	[tilespmem:v4+s8+$0x0] =	vst.idx.msk $0xffff, v6  }
0x1b2: {  	v39 =	vnsel vm1, $0x0, v16;
	v11 =	vor.u32 $0x281, v1;
	v37 =	vadd.s32 v34, v35;
	[tilespmem:v3+s7+$0x0] =	vst.idx.msk $0xffff, v36  }
0x1b3: {  	v40 =	vadd.f32 v39, v38;
	v41 =	vnsel vm14, $0x100000, v37;
	[tilespmem:v3+s8+$0x0] =	vst.idx.msk $0xffff, v5  }
0x1b4: {  	v9 =	vor.u32 $0x282, v1;
	[tilespmem:v2+s7+$0x0] =	vst.idx.msk $0xffff, v41  }
0x1b5: {  	[tilespmem:v2+s8+$0x0] =	vst.idx.msk $0xffff, v40  }
0x1b6: {  	v6 =	vor.u32 $0x283, v1;
	v42 =	vld.idx.msk [tilespmem:v13+s2+$0x0], $0xffff  }
0x1b7: {  	v43 =	vld.idx.msk [tilespmem:v11+s2+$0x0], $0xffff  }
0x1b8: {  	v5 =	vor.u32 $0x284, v1  }
0x1b9: {  	v44 =	vld.idx.msk [tilespmem:v9+s2+$0x0], $0xffff  }
0x1ba: {  	v4 =	vor.u32 $0x285, v1  }
0x1bb: {  	v45 =	vld.idx.msk [tilespmem:v6+s2+$0x0], $0xffff  }
0x1bc: {  	v3 =	vor.u32 $0x286, v1;
	vm10 =	vgt.f32 v43, v42  }
0x1bd: {  	v46 =	vld.idx.msk [tilespmem:v5+s2+$0x0], $0xffff;
	v47 =	vsel vm10, v43, v42  }
0x1be: {  	v2 =	vor.u32 $0x287, v1;
	vm11 =	vgt.f32 v44, v47  }
0x1bf: {  	v48 =	vld.idx.msk [tilespmem:v4+s2+$0x0], $0xffff;
	v23 =	vsel vm11, v44, v47  }
0x1c0: {  	vm12 =	vgt.f32 v45, v23  }
0x1c1: {  	v49 =	vld.idx.msk [tilespmem:v3+s2+$0x0], $0xffff;
	v23 =	vsel vm12, v45, v23  }
0x1c2: {  	vm13 =	vgt.f32 v46, v23  }
0x1c3: {  	v50 =	vld.idx.msk [tilespmem:v2+s2+$0x0], $0xffff;
	v51 =	vsel vm10, $0x1, v0;
	v23 =	vsel vm13, v46, v23  }
0x1c4: {  	v27 =	vsel vm11, $0x2, v51;
	vm14 =	vgt.f32 v48, v23  }
0x1c5: {  	v27 =	vsel vm12, $0x3, v27;
	v23 =	vsel vm14, v48, v23  }
0x1c6: {  	v27 =	vsel vm13, $0x4, v27;
	vm2 =	vgt.f32 v49, v23  }
0x1c7: {  	v27 =	vsel vm14, $0x5, v27;
	v23 =	vsel vm2, v49, v23  }
0x1c8: {  	v27 =	vsel vm2, $0x6, v27;
	vm0 =	vgt.f32 v50, v23  }
0x1c9: {  	v27 =	vsel vm0, $0x7, v27  }
0x1ca: {  	vm6 =	vgt.f32 v42, $-1.000000000e+00;
	vm15 =	vne.s32 v27, $0x0  }
0x1cb: {  	vm1 =	vmand vm6, vm15  }
0x1cc: {  	v16 =	vnsel vm1, $0xBF800000, v42  }
0x1cd: {  	vm7 =	vne.s32 v27, $0x1;
	vm8 =	vgt.f32 v43, v16  }
0x1ce: {  	vm6 =	vmand vm7, vm8  }
0x1cf: {  	v16 =	vsel vm6, v43, v16  }
0x1d0: {  	vm9 =	vne.s32 v27, $0x2;
	vm10 =	vgt.f32 v44, v16  }
0x1d1: {  	vm7 =	vmand vm9, vm10  }
0x1d2: {  	v16 =	vsel vm7, v44, v16  }
0x1d3: {  	vm11 =	vne.s32 v27, $0x3;
	vm12 =	vgt.f32 v45, v16  }
0x1d4: {  	vm8 =	vmand vm11, vm12  }
0x1d5: {  	v16 =	vsel vm8, v45, v16  }
0x1d6: {  	vm13 =	vne.s32 v27, $0x4;
	vm14 =	vgt.f32 v46, v16  }
0x1d7: {  	vm15 =	vmand vm13, vm14  }
0x1d8: {  	v16 =	vsel vm15, v46, v16  }
0x1d9: {  	vm10 =	vne.s32 v27, $0x5;
	vm11 =	vgt.f32 v48, v16  }
0x1da: {  	(v2sf) =	vpush v7, $0xF;
	v52 =	vimm.s32 $0x0;
	vm12 =	vmand vm10, vm11  }
0x1db: {  	v18 =	vsel vm0, $0xFFFFFFFF, v52;
	v54 =	vsel vm6, $0x1, v0;
	v16 =	vsel vm12, v48, v16  }
0x1dc: {  	[tilespmem:$0x1FF70] =	vst v18;
	v18 =	vsel vm7, $0x2, v54;
	vm13 =	vne.s32 v27, $0x6;
	vm14 =	vgt.f32 v49, v16  }
0x1dd: {  	(v2sf) =	vpush v8, $0xF;
	v56 =	vsel vm8, $0x3, v18;
	vm4 =	vmand vm13, vm14  }
0x1de: {  	(v2sf) =	vpush v10, $0xF;
	v8 =	vsel vm15, $0x4, v56;
	v16 =	vsel vm4, v49, v16  }
0x1df: {  	vm5 =	vmneg vm0;
	v8 =	vsel vm12, $0x5, v8;
	vm3 =	vgt.f32 v50, v16  }
0x1e0: {  	v8 =	vsel vm4, $0x6, v8;
	vm1 =	vmand vm3, vm5  }
0x1e1: {  	v53 =	vsel vm0, v50, v23;
	v16 =	vsel vm1, v50, v16;
	v58 =	vsel vm1, $0x7, v8  }
0x1e2: {  	vm6 =	veq.s32 v27, $0x0;
	v55 =	vadd.f32 v16, v53;
	vm12 =	veq.s32 v58, $0x0  }
0x1e3: {  	vm7 =	vmor vm6, vm12  }
0x1e4: {  	v57 =	vadd.f32 $9.999999930e-09, v55;
	v59 =	vsel vm7, $0x1, v0  }
0x1e5: {  	vm9 =	veq.s32 v27, $0x1;
	vm11 =	veq.s32 v58, $0x1;
	(xrf0) =	vadd.scan.msk.s32 $0xffff, v59  }
0x1e6: {  	vm8 =	vmor vm9, vm11;
	(erf) = vrcp.f32 v57  }
0x1e7: {  	vm0 =	veq.s32 v27, $0x2;
	vm10 =	veq.s32 v58, $0x2;
	v60 =	vsel vm8, $0x1, v0  }
0x1e8: {  	(v2sf) =	vpush v12, $0xF;
	vm15 =	vmor vm0, vm10;
	(xrf0) =	vadd.scan.msk.s32 $0xffff, v60  }
0x1e9: {  	s18 =	spop (v2sf);
	(v2sf) =	vpush v14, $0xF;
	v28 =	vsel vm15, $0x1, v0  }
0x1ea: {  	s9 =	sadd.s32 s9, s18;
	(v2sf) =	vpush v15, $0xF;
	v62 =	vsel vm7, $0xFFFFFFFF, v0;
	(xrf0) =	vadd.scan.msk.s32 $0xffff, v28  }
0x1eb: {  	(v2sf) =	vpush v63, $0xF;
	v8 =	vadd.s32 s9, v62;
	v7, _, _ =	vpop (xrf0)  }
0x1ec: {  	s19 =	spop (v2sf);
	(v2sf) =	vpush v34, $0xF;
	v63 =	vadd.s32 v7, v8  }
0x1ed: {  	s10 =	sadd.s32 s10, s19;
	s20 =	spop (v2sf);
	vm13 =	veq.s32 v27, $0x3;
	v26 =	vsel vm8, $0xFFFFFFFF, v0;
	v10 =	vnsel vm7, $0x100000, v63  }
0x1ee: {  	s11 =	sadd.s32 s11, s20;
	vm5 =	vmand vm5, vm2;
	v33 =	vsel vm15, $0xFFFFFFFF, v0;
	v15 =	vadd.s32 s10, v26;
	v8, _, _ =	vpop (xrf0)  }
0x1ef: {  	vm14 =	veq.s32 v58, $0x3;
	v19 =	vadd.s32 s11, v33;
	v29 =	vadd.s32 v8, v15;
	v61 =	vpop (erf)  }
0x1f0: {  	v33 =	vor.u32 $0x301, v1;
	[tilespmem:v13+s7+$0x0] =	vst.idx.msk $0xffff, v10;
	v17 =	vmul.f32 v61, v53;
	v16 =	vmul.f32 v61, v16;
	v10, _, _ =	vpop (xrf0)  }
0x1f1: {  	v14 =	vnsel vm8, $0x100000, v29;
	vm8 =	veq.s32 v27, $0x5;
	v36 =	vadd.s32 v10, v19  }
0x1f2: {  	v46 =	vld [tilespmem:$0x1FF70];
	v24 =	vnsel vm6, $0x0, v17;
	v25 =	vnsel vm12, $0x0, v16;
	vm6 =	vmor vm13, vm14  }
0x1f3: {  	v30 =	vnsel vm9, $0x0, v17;
	v31 =	vnsel vm11, $0x0, v16;
	vm11 =	veq.s32 v27, $0x4  }
0x1f4: {  	vm12 =	veq.s32 v58, $0x4;
	v34 =	vnsel vm0, $0x0, v17;
	vm9 =	veq.s32 v58, $0x5  }
0x1f5: {  	v37 =	vnsel vm10, $0x0, v16;
	v18 =	vnsel vm15, $0x100000, v36;
	vm15 =	vmneg vm1  }
0x1f6: {  	v42 =	vnsel vm13, $0x0, v17;
	v43 =	vnsel vm14, $0x0, v16;
	v32 =	vsel vm6, $0x1, v0  }
0x1f7: {  	vm13 =	vnez.u8 v46;
	v53 =	vnsel vm8, $0x0, v17;
	vm7 =	vmor vm11, vm12;
	(xrf0) =	vadd.scan.msk.s32 $0xffff, v32  }
0x1f8: {  	v59 =	vnsel vm5, $0x0, v17;
	v12 =	vadd.f32 v25, v24;
	v35 =	vsel vm7, $0x1, v0  }
0x1f9: {  	v15 =	vadd.f32 v31, v30;
	vm10 =	vmor vm8, vm9;
	v38 =	vadd.f32 v37, v34;
	(xrf0) =	vadd.scan.msk.s32 $0xffff, v35  }
0x1fa: {  	v39 =	vsel vm6, $0xFFFFFFFF, v0;
	vm15 =	vmand vm15, vm4;
	v40 =	vsel vm10, $0x1, v0  }
0x1fb: {  	s21 =	spop (v2sf);
	vm14 =	vmor vm13, vm3;
	vm4 =	vmor vm5, vm15;
	[tilespmem:v13+s8+$0x0] =	vst.idx.msk $0xffff, v12;
	(xrf0) =	vadd.scan.msk.s32 $0xffff, v40  }
0x1fc: {  	s12 =	sadd.s32 s12, s21;
	v49 =	vnsel vm11, $0x0, v17;
	v50 =	vnsel vm12, $0x0, v16;
	v45 =	vsel vm4, $0x1, v0;
	[tilespmem:v11+s7+$0x0] =	vst.idx.msk $0xffff, v14  }
0x1fd: {  	s22 =	spop (v2sf);
	v19 =	vadd.s32 s12, v39;
	v44 =	vsel vm7, $0xFFFFFFFF, v0;
	[tilespmem:v11+s8+$0x0] =	vst.idx.msk $0xffff, v15;
	(xrf0) =	vadd.scan.msk.s32 $0xffff, v45;
	v12, _, _ =	vpop (xrf0)  }
0x1fe: {  	s13 =	sadd.s32 s13, s22;
	v47 =	vsel vm14, $0x1, v0;
	v11 =	vadd.f32 v43, v42;
	[tilespmem:v9+s7+$0x0] =	vst.idx.msk $0xffff, v18;
	v41 =	vadd.s32 v12, v19  }
0x1ff: {  	s23 =	spop (v2sf);
	v18 =	vadd.s32 s13, v44;
	[tilespmem:v9+s8+$0x0] =	vst.idx.msk $0xffff, v38;
	(xrf0) =	vadd.scan.msk.s32 $0xffff, v47;
	v15, _, _ =	vpop (xrf0);
	v14 =	vnsel vm6, $0x100000, v41  }
0x200: {  	s17 =	sadd.s32 s14, s23;
	v54 =	vnsel vm9, $0x0, v16;
	v48 =	vsel vm10, $0xFFFFFFFF, v0;
	v18 =	vadd.s32 v15, v18;
	[tilespmem:v6+s7+$0x0] =	vst.idx.msk $0xffff, v14  }
0x201: {  	s24 =	spop (v2sf);
	v20 =	vadd.s32 s17, v48;
	v13 =	vadd.f32 v50, v49;
	v9, _, _ =	vpop (xrf0);
	v51 =	vnsel vm7, $0x100000, v18;
	[tilespmem:v6+s8+$0x0] =	vst.idx.msk $0xffff, v11  }
0x202: {  	s15 =	sadd.s32 s15, s24;
	v30 =	vor.u32 $0x300, v1;
	v55 =	vsel vm4, $0xFFFFFFFF, v0;
	v52 =	vadd.s32 v9, v20;
	[tilespmem:v5+s7+$0x0] =	vst.idx.msk $0xffff, v51  }
0x203: {  	s25 =	spop (v2sf);
	v57 =	vadd.s32 s15, v55;
	v58, _, _ =	vpop (xrf0);
	v6 =	vadd.f32 v54, v53;
	v56 =	vnsel vm10, $0x100000, v52;
	[tilespmem:v5+s8+$0x0] =	vst.idx.msk $0xffff, v13  }
0x204: {  	s16 =	sadd.s32 s16, s25;
	v60 =	vnsel vm15, $0x0, v16;
	v61 =	vsel vm14, $0xFFFFFFFF, v0;
	v62 =	vadd.s32 v58, v57;
	[tilespmem:v4+s7+$0x0] =	vst.idx.msk $0xffff, v56  }
0x205: {  	v27 =	vadd.s32 s16, v61;
	v28 =	vnsel vm4, $0x100000, v62;
	v5 =	vadd.f32 v60, v59;
	v63, _, _ =	vpop (xrf0);
	[tilespmem:v4+s8+$0x0] =	vst.idx.msk $0xffff, v6  }
0x206: {  	v31 =	vnsel vm13, $0x0, v17;
	v32 =	vnsel vm1, $0x0, v16;
	v29 =	vadd.s32 v63, v27;
	[tilespmem:v3+s7+$0x0] =	vst.idx.msk $0xffff, v28  }
0x207: {  	v34 =	vadd.f32 v32, v31;
	v35 =	vnsel vm14, $0x100000, v29;
	[tilespmem:v3+s8+$0x0] =	vst.idx.msk $0xffff, v5  }
0x208: {  	v11 =	vor.u32 $0x302, v1;
	[tilespmem:v2+s7+$0x0] =	vst.idx.msk $0xffff, v35  }
0x209: {  	[tilespmem:v2+s8+$0x0] =	vst.idx.msk $0xffff, v34  }
0x20a: {  	v6 =	vor.u32 $0x303, v1;
	v36 =	vld.idx.msk [tilespmem:v30+s2+$0x0], $0xffff  }
0x20b: {  	v37 =	vld.idx.msk [tilespmem:v33+s2+$0x0], $0xffff  }
0x20c: {  	v5 =	vor.u32 $0x304, v1  }
0x20d: {  	v38 =	vld.idx.msk [tilespmem:v11+s2+$0x0], $0xffff  }
0x20e: {  	v4 =	vor.u32 $0x305, v1  }
0x20f: {  	v39 =	vld.idx.msk [tilespmem:v6+s2+$0x0], $0xffff  }
0x210: {  	v3 =	vor.u32 $0x306, v1;
	vm10 =	vgt.f32 v37, v36  }
0x211: {  	v40 =	vld.idx.msk [tilespmem:v5+s2+$0x0], $0xffff;
	v41 =	vsel vm10, v37, v36  }
0x212: {  	v2 =	vor.u32 $0x307, v1;
	vm11 =	vgt.f32 v38, v41  }
0x213: {  	v42 =	vld.idx.msk [tilespmem:v4+s2+$0x0], $0xffff;
	v23 =	vsel vm11, v38, v41  }
0x214: {  	vm12 =	vgt.f32 v39, v23  }
0x215: {  	v43 =	vld.idx.msk [tilespmem:v3+s2+$0x0], $0xffff;
	v23 =	vsel vm12, v39, v23  }
0x216: {  	vm13 =	vgt.f32 v40, v23  }
0x217: {  	v44 =	vld.idx.msk [tilespmem:v2+s2+$0x0], $0xffff;
	v45 =	vsel vm10, $0x1, v0;
	v23 =	vsel vm13, v40, v23  }
0x218: {  	v27 =	vsel vm11, $0x2, v45;
	vm14 =	vgt.f32 v42, v23  }
0x219: {  	v27 =	vsel vm12, $0x3, v27;
	v23 =	vsel vm14, v42, v23  }
0x21a: {  	v27 =	vsel vm13, $0x4, v27;
	vm2 =	vgt.f32 v43, v23  }
0x21b: {  	v27 =	vsel vm14, $0x5, v27;
	v23 =	vsel vm2, v43, v23  }
0x21c: {  	v27 =	vsel vm2, $0x6, v27;
	vm0 =	vgt.f32 v44, v23  }
0x21d: {  	v27 =	vsel vm0, $0x7, v27  }
0x21e: {  	vm6 =	vgt.f32 v36, $-1.000000000e+00;
	vm15 =	vne.s32 v27, $0x0  }
0x21f: {  	vm1 =	vmand vm6, vm15  }
0x220: {  	v16 =	vnsel vm1, $0xBF800000, v36  }
0x221: {  	vm7 =	vne.s32 v27, $0x1;
	vm8 =	vgt.f32 v37, v16  }
0x222: {  	vm6 =	vmand vm7, vm8  }
0x223: {  	v16 =	vsel vm6, v37, v16  }
0x224: {  	vm9 =	vne.s32 v27, $0x2;
	vm10 =	vgt.f32 v38, v16  }
0x225: {  	vm7 =	vmand vm9, vm10  }
0x226: {  	v16 =	vsel vm7, v38, v16  }
0x227: {  	vm11 =	vne.s32 v27, $0x3;
	vm12 =	vgt.f32 v39, v16  }
0x228: {  	vm8 =	vmand vm11, vm12  }
0x229: {  	v16 =	vsel vm8, v39, v16  }
0x22a: {  	vm13 =	vne.s32 v27, $0x4;
	vm14 =	vgt.f32 v40, v16  }
0x22b: {  	vm15 =	vmand vm13, vm14  }
0x22c: {  	v16 =	vsel vm15, v40, v16  }
0x22d: {  	vm10 =	vne.s32 v27, $0x5;
	vm11 =	vgt.f32 v42, v16  }
0x22e: {  	(v2sf) =	vpush v7, $0xF;
	v46 =	vimm.s32 $0x0;
	vm12 =	vmand vm10, vm11  }
0x22f: {  	v17 =	vsel vm0, $0xFFFFFFFF, v46;
	v48 =	vsel vm6, $0x1, v0;
	v16 =	vsel vm12, v42, v16  }
0x230: {  	[tilespmem:$0x1FF80] =	vst v17;
	v17 =	vsel vm7, $0x2, v48;
	vm13 =	vne.s32 v27, $0x6;
	vm14 =	vgt.f32 v43, v16  }
0x231: {  	(v2sf) =	vpush v8, $0xF;
	v50 =	vsel vm8, $0x3, v17;
	vm4 =	vmand vm13, vm14  }
0x232: {  	(v2sf) =	vpush v10, $0xF;
	v8 =	vsel vm15, $0x4, v50;
	v16 =	vsel vm4, v43, v16  }
0x233: {  	vm5 =	vmneg vm0;
	v8 =	vsel vm12, $0x5, v8;
	vm3 =	vgt.f32 v44, v16  }
0x234: {  	v8 =	vsel vm4, $0x6, v8;
	vm1 =	vmand vm3, vm5  }
0x235: {  	v47 =	vsel vm0, v44, v23;
	v16 =	vsel vm1, v44, v16;
	v8 =	vsel vm1, $0x7, v8  }
0x236: {  	vm6 =	veq.s32 v27, $0x0;
	v49 =	vadd.f32 v16, v47;
	vm12 =	veq.s32 v8, $0x0  }
0x237: {  	vm7 =	vmor vm6, vm12  }
0x238: {  	v51 =	vadd.f32 $9.999999930e-09, v49;
	v52 =	vsel vm7, $0x1, v0  }
0x239: {  	vm9 =	veq.s32 v27, $0x1;
	vm11 =	veq.s32 v8, $0x1;
	(xrf0) =	vadd.scan.msk.s32 $0xffff, v52  }
0x23a: {  	vm8 =	vmor vm9, vm11;
	(erf) = vrcp.f32 v51  }
0x23b: {  	vm0 =	veq.s32 v27, $0x2;
	vm10 =	veq.s32 v8, $0x2;
	v53 =	vsel vm8, $0x1, v0  }
0x23c: {  	vm15 =	vmor vm0, vm10;
	(xrf0) =	vadd.scan.msk.s32 $0xffff, v53  }
0x23d: {  	(v2sf) =	vpush v12, $0xF;
	s26 =	spop (v2sf);
	v59 =	vsel vm15, $0x1, v0  }
0x23e: {  	(v2sf) =	vpush v15, $0xF;
	s18 =	sadd.s32 s9, s26;
	v55 =	vsel vm7, $0xFFFFFFFF, v0;
	(xrf0) =	vadd.scan.msk.s32 $0xffff, v59  }
0x23f: {  	(v2sf) =	vpush v9, $0xF;
	v9 =	vadd.s32 s18, v55;
	v10, _, _ =	vpop (xrf0)  }
0x240: {  	v56 =	vadd.s32 v10, v9  }
0x241: {  	s28 =	spop (v2sf);
	(v2sf) =	vpush v58, $0xF;
	v12 =	vnsel vm7, $0x100000, v56  }
0x242: {  	s9 =	sadd.s32 s10, s28;
	s29 =	spop (v2sf);
	(v2sf) =	vpush v63, $0xF;
	vm13 =	veq.s32 v27, $0x3;
	v58 =	vsel vm8, $0xFFFFFFFF, v0;
	v9, _, _ =	vpop (xrf0)  }
0x243: {  	s11 =	sadd.s32 s11, s29;
	vm5 =	vmand vm5, vm2;
	v23 =	vsel vm15, $0xFFFFFFFF, v0;
	v18 =	vadd.s32 s9, v58;
	v54 =	vpop (erf)  }
0x244: {  	v19 =	vadd.s32 s11, v23;
	[tilespmem:v30+s7+$0x0] =	vst.idx.msk $0xffff, v12;
	v7 =	vmul.f32 v54, v47;
	v17 =	vmul.f32 v54, v16;
	v12, _, _ =	vpop (xrf0)  }
0x245: {  	v35 =	vld [tilespmem:$0x1FF80];
	vm14 =	veq.s32 v8, $0x3;
	v60 =	vadd.s32 v9, v18;
	v26 =	vadd.s32 v12, v19  }
0x246: {  	v57 =	vnsel vm6, $0x0, v7;
	v16 =	vnsel vm12, $0x0, v17;
	vm6 =	vmor vm13, vm14  }
0x247: {  	v61 =	vnsel vm9, $0x0, v7;
	v62 =	vnsel vm11, $0x0, v17;
	vm11 =	veq.s32 v27, $0x4  }
0x248: {  	vm12 =	veq.s32 v8, $0x4;
	v24 =	vnsel vm0, $0x0, v7;
	vm9 =	veq.s32 v8, $0x5  }
0x249: {  	v8 =	vnsel vm15, $0x100000, v26;
	vm15 =	vmneg vm1;
	v31 =	vnsel vm13, $0x0, v7  }
0x24a: {  	v32 =	vnsel vm14, $0x0, v17;
	vm13 =	vnez.u8 v35;
	v49 =	vnsel vm5, $0x0, v7  }
0x24b: {  	v15 =	vadd.f32 v16, v57;
	v63 =	vsel vm6, $0x1, v0;
	v18 =	vadd.f32 v62, v61  }
0x24c: {  	v16 =	vnsel vm8, $0x100000, v60;
	vm7 =	vmor vm11, vm12;
	vm8 =	veq.s32 v27, $0x5;
	(xrf0) =	vadd.scan.msk.s32 $0xffff, v63  }
0x24d: {  	v27 =	vnsel vm10, $0x0, v17;
	v28 =	vsel vm6, $0xFFFFFFFF, v0;
	v25 =	vsel vm7, $0x1, v0  }
0x24e: {  	vm15 =	vmand vm15, vm4;
	vm14 =	vmor vm13, vm3;
	vm10 =	vmor vm8, vm9;
	(xrf0) =	vadd.scan.msk.s32 $0xffff, v25  }
0x24f: {  	s30 =	spop (v2sf);
	v13 =	vadd.f32 v32, v31;
	v39 =	vnsel vm11, $0x0, v7;
	v29 =	vsel vm10, $0x1, v0  }
0x250: {  	s10 =	sadd.s32 s12, s30;
	v40 =	vnsel vm12, $0x0, v17;
	vm4 =	vmor vm5, vm15;
	[tilespmem:v30+s8+$0x0] =	vst.idx.msk $0xffff, v15;
	(xrf0) =	vadd.scan.msk.s32 $0xffff, v29  }
0x251: {  	s31 =	spop (v2sf);
	v45 =	vnsel vm9, $0x0, v17;
	v15 =	vadd.s32 s10, v28;
	v34 =	vsel vm4, $0x1, v0;
	[tilespmem:v33+s7+$0x0] =	vst.idx.msk $0xffff, v16  }
0x252: {  	s13 =	sadd.s32 s13, s31;
	v19 =	vadd.f32 v27, v24;
	[tilespmem:v33+s8+$0x0] =	vst.idx.msk $0xffff, v18;
	v33 =	vsel vm7, $0xFFFFFFFF, v0;
	(xrf0) =	vadd.scan.msk.s32 $0xffff, v34;
	v14, _, _ =	vpop (xrf0)  }
0x253: {  	v36 =	vsel vm14, $0x1, v0;
	[tilespmem:v11+s7+$0x0] =	vst.idx.msk $0xffff, v8;
	v8 =	vadd.s32 s13, v33;
	v30 =	vadd.s32 v14, v15  }
0x254: {  	s19 =	spop (v2sf);
	[tilespmem:v11+s8+$0x0] =	vst.idx.msk $0xffff, v19;
	v11 =	vadd.f32 v40, v39;
	(xrf0) =	vadd.scan.msk.s32 $0xffff, v36;
	v15, _, _ =	vpop (xrf0);
	v37 =	vnsel vm6, $0x100000, v30  }
0x255: {  	s20 =	sadd.s32 s17, s19;
	v57 =	vnsel vm13, $0x0, v7;
	v38 =	vsel vm10, $0xFFFFFFFF, v0;
	v8 =	vadd.s32 v15, v8;
	[tilespmem:v6+s7+$0x0] =	vst.idx.msk $0xffff, v37  }
0x256: {  	s21 =	spop (v2sf);
	v44 =	vnsel vm8, $0x0, v7;
	v42 =	vadd.s32 s20, v38;
	v41, _, _ =	vpop (xrf0);
	v8 =	vnsel vm7, $0x100000, v8;
	[tilespmem:v6+s8+$0x0] =	vst.idx.msk $0xffff, v13  }
0x257: {  	s15 =	sadd.s32 s15, s21;
	s22 =	spop (v2sf);
	v51 =	vsel vm14, $0xFFFFFFFF, v0;
	v46 =	vsel vm4, $0xFFFFFFFF, v0;
	v43 =	vadd.s32 v41, v42;
	[tilespmem:v5+s7+$0x0] =	vst.idx.msk $0xffff, v8  }
0x258: {  	s12 =	sadd.s32 s16, s22;
	v48 =	vadd.s32 s15, v46;
	v6 =	vadd.f32 v45, v44;
	v47 =	vnsel vm10, $0x100000, v43;
	[tilespmem:v5+s8+$0x0] =	vst.idx.msk $0xffff, v11;
	v11, _, _ =	vpop (xrf0)  }
0x259: {  	v50 =	vnsel vm15, $0x0, v17;
	v54 =	vadd.s32 s12, v51;
	[tilespmem:v4+s7+$0x0] =	vst.idx.msk $0xffff, v47;
	v52 =	vadd.s32 v11, v48  }
0x25a: {  	v8 =	vor.u32 $0x380, v1;
	v5 =	vadd.f32 v50, v49;
	v53, _, _ =	vpop (xrf0);
	[tilespmem:v4+s8+$0x0] =	vst.idx.msk $0xffff, v6;
	v55 =	vnsel vm4, $0x100000, v52  }
0x25b: {  	v17 =	vnsel vm1, $0x0, v17;
	v7 =	vor.u32 $0x381, v1;
	v56 =	vadd.s32 v53, v54;
	[tilespmem:v3+s7+$0x0] =	vst.idx.msk $0xffff, v55  }
0x25c: {  	v58 =	vadd.f32 v17, v57;
	v59 =	vnsel vm14, $0x100000, v56;
	[tilespmem:v3+s8+$0x0] =	vst.idx.msk $0xffff, v5  }
0x25d: {  	v6 =	vor.u32 $0x382, v1;
	[tilespmem:v2+s7+$0x0] =	vst.idx.msk $0xffff, v59  }
0x25e: {  	[tilespmem:v2+s8+$0x0] =	vst.idx.msk $0xffff, v58  }
0x25f: {  	v5 =	vor.u32 $0x383, v1;
	v60 =	vld.idx.msk [tilespmem:v8+s2+$0x0], $0xffff  }
0x260: {  	v61 =	vld.idx.msk [tilespmem:v7+s2+$0x0], $0xffff  }
0x261: {  	v4 =	vor.u32 $0x384, v1  }
0x262: {  	v62 =	vld.idx.msk [tilespmem:v6+s2+$0x0], $0xffff  }
0x263: {  	v3 =	vor.u32 $0x385, v1  }
0x264: {  	v20 =	vld.idx.msk [tilespmem:v5+s2+$0x0], $0xffff  }
0x265: {  	v2 =	vor.u32 $0x386, v1;
	vm11 =	vgt.f32 v61, v60  }
0x266: {  	v63 =	vld.idx.msk [tilespmem:v4+s2+$0x0], $0xffff;
	v27 =	vsel vm11, v61, v60  }
0x267: {  	v1 =	vor.u32 $0x387, v1;
	vm12 =	vgt.f32 v62, v27  }
0x268: {  	v28 =	vld.idx.msk [tilespmem:v3+s2+$0x0], $0xffff;
	v22 =	vsel vm12, v62, v27  }
0x269: {  	vm13 =	vgt.f32 v20, v22  }
0x26a: {  	v29 =	vld.idx.msk [tilespmem:v2+s2+$0x0], $0xffff;
	v22 =	vsel vm13, v20, v22  }
0x26b: {  	vm14 =	vgt.f32 v63, v22  }
0x26c: {  	v30 =	vld.idx.msk [tilespmem:v1+s2+$0x0], $0xffff;
	v31 =	vsel vm11, $0x1, v0;
	v22 =	vsel vm14, v63, v22  }
0x26d: {  	v26 =	vsel vm12, $0x2, v31;
	vm15 =	vgt.f32 v28, v22  }
0x26e: {  	v26 =	vsel vm13, $0x3, v26;
	v22 =	vsel vm15, v28, v22  }
0x26f: {  	v26 =	vsel vm14, $0x4, v26;
	vm7 =	vgt.f32 v29, v22  }
0x270: {  	v26 =	vsel vm15, $0x5, v26;
	v22 =	vsel vm7, v29, v22  }
0x271: {  	v26 =	vsel vm7, $0x6, v26;
	vm8 =	vgt.f32 v30, v22  }
0x272: {  	v26 =	vsel vm8, $0x7, v26  }
0x273: {  	vm6 =	vgt.f32 v60, $-1.000000000e+00;
	vm5 =	vne.s32 v26, $0x0  }
0x274: {  	vm0 =	vmand vm6, vm5  }
0x275: {  	v17 =	vnsel vm0, $0xBF800000, v60  }
0x276: {  	vm9 =	vne.s32 v26, $0x1;
	vm10 =	vgt.f32 v61, v17  }
0x277: {  	vm0 =	vmand vm9, vm10  }
0x278: {  	v17 =	vsel vm0, v61, v17  }
0x279: {  	vm11 =	vne.s32 v26, $0x2;
	vm12 =	vgt.f32 v62, v17  }
0x27a: {  	vm1 =	vmand vm11, vm12  }
0x27b: {  	v17 =	vsel vm1, v62, v17  }
0x27c: {  	vm13 =	vne.s32 v26, $0x3;
	vm14 =	vgt.f32 v20, v17  }
0x27d: {  	vm2 =	vmand vm13, vm14  }
0x27e: {  	v17 =	vsel vm2, v20, v17  }
0x27f: {  	vm15 =	vne.s32 v26, $0x4;
	vm9 =	vgt.f32 v63, v17  }
0x280: {  	vm3 =	vmand vm15, vm9  }
0x281: {  	v17 =	vsel vm3, v63, v17  }
0x282: {  	vm10 =	vne.s32 v26, $0x5;
	vm11 =	vgt.f32 v28, v17  }
0x283: {  	vm5 =	vmand vm10, vm11  }
0x284: {  	v17 =	vsel vm5, v28, v17  }
0x285: {  	(v2sf) =	vpush v10, $0xF;
	vm12 =	vne.s32 v26, $0x6;
	vm13 =	vgt.f32 v29, v17  }
0x286: {  	(v2sf) =	vpush v9, $0xF;
	v32 =	vimm.s32 $0x0;
	vm4 =	vmand vm12, vm13  }
0x287: {  	v33 =	vimm.s32 $0x0;
	v18 =	vsel vm8, $0xFFFFFFFF, v32;
	v17 =	vsel vm4, v29, v17  }
0x288: {  	vm14 =	vmmov vm8;
	vm8 =	vmneg vm8;
	vm15 =	vgt.f32 v30, v17  }
0x289: {  	[tilespmem:$0x1FFE0] =	vst v18;
	v35 =	vsel vm0, $0x1, v0;
	v18 =	vsel vm15, $0xFFFFFFFF, v33;
	vm11 =	vmand vm15, vm8  }
0x28a: {  	v34 =	vsel vm14, v30, v22;
	[tilespmem:$0x1FF90] =	vst v18;
	v17 =	vsel vm11, v30, v17;
	v18 =	vsel vm1, $0x2, v35  }
0x28b: {  	v36 =	vadd.f32 v17, v34;
	v18 =	vsel vm2, $0x3, v18  }
0x28c: {  	v18 =	vsel vm3, $0x4, v18  }
0x28d: {  	(v2sf) =	vpush v12, $0xF;
	v19 =	vadd.f32 $9.999999930e-09, v36;
	v18 =	vsel vm5, $0x5, v18  }
0x28e: {  	v46 =	vimm.s32 $0x0;
	(v2sf) =	vpush v14, $0xF;
	v18 =	vsel vm4, $0x6, v18  }
0x28f: {  	(v2sf) =	vpush v15, $0xF;
	(erf) = vrcp.f32 v19;
	v18 =	vsel vm11, $0x7, v18  }
0x290: {  	v37 =	vimm.s32 $0x0;
	vm9 =	veq.s32 v26, $0x0;
	vm10 =	veq.s32 v18, $0x0  }
0x291: {  	(v2sf) =	vpush v41, $0xF;
	v42 =	vimm.s32 $0x0;
	vm12 =	vmor vm9, vm10  }
0x292: {  	v47 =	vimm.s32 $0x0;
	(v2sf) =	vpush v11, $0xF;
	v38 =	vsel vm12, $0x1, v0  }
0x293: {  	v48 =	vimm.s32 $0x0;
	(v2sf) =	vpush v53, $0xF;
	vm1 =	vmneg vm11;
	(xrf0) =	vadd.scan.msk.s32 $0xffff, v38  }
0x294: {  	vm6 =	veq.s32 v26, $0x2;
	vm14 =	veq.s32 v26, $0x3;
	vm1 =	vmand vm1, vm4  }
0x295: {  	vm3 =	veq.s32 v26, $0x1;
	vm0 =	vmmov vm1;
	vm5 =	veq.s32 v18, $0x1  }
0x296: {  	vm4 =	veq.s32 v26, $0x5;
	v19 =	vsel vm11, $0xFFFFFFFF, v37;
	vm2 =	vmor vm3, vm5  }
0x297: {  	s23 =	spop (v2sf);
	vm11 =	veq.s32 v26, $0x4;
	[tilespmem:$0x1FFF0] =	vst v19;
	vm13 =	veq.s32 v18, $0x3;
	v43 =	vsel vm2, $0x1, v0  }
0x298: {  	s16 =	sadd.s32 s18, s23;
	s24 =	spop (v2sf);
	v19 =	vsel vm4, $0xFFFFFFFF, v47;
	v40 =	vsel vm12, $0xFFFFFFFF, v0;
	v51 =	vsel vm2, $0xFFFFFFFF, v0;
	(xrf0) =	vadd.scan.msk.s32 $0xffff, v43;
	v39 =	vpop (erf)  }
0x299: {  	s9 =	sadd.s32 s9, s24;
	v12 =	vadd.s32 s16, v40;
	v10 =	vmul.f32 v39, v34;
	v9 =	vmul.f32 v39, v17;
	v41, _, _ =	vpop (xrf0)  }
0x29a: {  	v13 =	vadd.s32 s9, v51;
	v17 =	vsel vm13, $0xFFFFFFFF, v42;
	v12 =	vadd.s32 v41, v12  }
0x29b: {  	(v2sf) =	vpush v41, $0xF;
	v15 =	vnsel vm9, $0x0, v10;
	v16 =	vnsel vm10, $0x0, v9  }
0x29c: {  	v53 =	vld [tilespmem:$0x1FFE0];
	v12 =	vnsel vm12, $0x100000, v12;
	vm12 =	veq.s32 v18, $0x2;
	vm10 =	vmor vm14, vm13  }
0x29d: {  	v54 =	vld [tilespmem:$0x1FF90];
	vm9 =	vmand vm8, vm7;
	vm8 =	veq.s32 v18, $0x4;
	vm7 =	veq.s32 v18, $0x5  }
0x29e: {  	v55, _, _ =	vpop (xrf0);
	v57 =	vnsel vm3, $0x0, v10;
	v58 =	vnsel vm5, $0x0, v9;
	vm15 =	vmor vm6, vm12  }
0x29f: {  	v13 =	vadd.s32 v55, v13;
	v45 =	vsel vm10, $0x1, v0;
	v44 =	vsel vm15, $0x1, v0  }
0x2a0: {  	v20 =	vsel vm9, $0xFFFFFFFF, v46;
	vm13 =	vmor vm11, vm8;
	v18 =	vsel vm7, $0xFFFFFFFF, v48;
	(xrf0) =	vadd.scan.msk.s32 $0xffff, v44  }
0x2a1: {  	vm7 =	vmor vm4, vm7;
	vm4 =	vmor vm9, vm1;
	v49 =	vsel vm13, $0x1, v0;
	(xrf0) =	vadd.scan.msk.s32 $0xffff, v45  }
0x2a2: {  	vm9 =	vnez.u8 v53;
	vm1 =	vnez.u8 v54;
	v50 =	vsel vm7, $0x1, v0;
	(xrf0) =	vadd.scan.msk.s32 $0xffff, v49  }
0x2a3: {  	(v2sf) =	vpush v55, $0xF;
	v52 =	vsel vm4, $0x1, v0;
	vm9 =	vmor vm9, vm1;
	(xrf0) =	vadd.scan.msk.s32 $0xffff, v50  }
0x2a4: {  	v62 =	vnsel vm6, $0x0, v10;
	v35 =	vnsel vm14, $0x0, v10;
	v56 =	vsel vm9, $0x1, v0;
	(xrf0) =	vadd.scan.msk.s32 $0xffff, v52  }
0x2a5: {  	s25 =	spop (v2sf);
	v43 =	vnsel vm11, $0x0, v10;
	vm5 =	vcmask $0x300;
	v59 =	vnsel vm2, $0x100000, v13;
	(xrf0) =	vadd.scan.msk.s32 $0xffff, v56  }
0x2a6: {  	s26 =	spop (v2sf);
	[tilespmem:$0x1FFA0] =	vst v17;
	v32 =	vnsel vm12, $0x0, v9;
	v38 =	vsel vm10, $0xFFFFFFFF, v0;
	v15 =	vadd.f32 v16, v15;
	v60, _, _ =	vpop (xrf0)  }
0x2a7: {  	s17 =	sadd.s32 s10, s26;
	v37 =	vld [tilespmem:$0x1FFA0];
	vm6 =	vcmask $0x704;
	v61 =	vsel vm15, $0xFFFFFFFF, v0;
	v63, _, _ =	vpop (xrf0);
	(v2sf) =	vpush v60, $0xF  }
0x2a8: {  	s28 =	spop (v2sf);
	v26 =	vadd.s32 s17, v38;
	v39 =	vsel vm13, $0xFFFFFFFF, v0;
	v33, _, _ =	vpop (xrf0);
	(v2sf) =	vpush v63, $0xF  }
0x2a9: {  	s11 =	sadd.s32 s11, s25;
	s10 =	sadd.s32 s13, s28;
	s29 =	spop (v2sf);
	[tilespmem:$0x1FFC0] =	vst v18;
	v46 =	vadd.f32 v32, v62;
	v47 =	vsel vm7, $0xFFFFFFFF, v0;
	v34, _, _ =	vpop (xrf0);
	(v2sf) =	vpush v33, $0xF  }
0x2aa: {  	s13 =	sadd.s32 s20, s29;
	[tilespmem:v8+s7+$0x0] =	vst.idx.msk $0xffff, v12;
	v14 =	vadd.s32 s11, v61;
	v41 =	vadd.s32 s10, v39;
	v51 =	vld [tilespmem:$0x1FFC0];
	v36, _, _ =	vpop (xrf0);
	(v2sf) =	vpush v34, $0xF  }
0x2ab: {  	v44 =	vnsel vm8, $0x0, v9;
	[tilespmem:v8+s8+$0x0] =	vst.idx.msk $0xffff, v15;
	v15 =	vadd.s32 s13, v47;
	v61 =	vld [tilespmem:$0x1FFF0];
	(v2sf) =	vpush v36, $0xF;
	v40, _, _ =	vpop (xrf0)  }
0x2ac: {  	v45 =	vadd.f32 v58, v57;
	vm12 =	vnez.u8 v37;
	(v2sf) =	vpush v40, $0xF  }
0x2ad: {  	s30 =	spop (v2sf);
	[tilespmem:$0x1FFB0] =	vst v19;
	v57 =	vnsel vm0, $0x0, v9;
	v49 =	vadd.f32 v44, v43;
	v25 =	vnsel vm12, $0x0, v9  }
0x2ae: {  	s14 =	sadd.s32 s15, s30;
	s31 =	spop (v2sf);
	[tilespmem:$0x1FFD0] =	vst v20;
	v50 =	vld [tilespmem:$0x1FFB0];
	vm12 =	vcmask $0x1310;
	v48 =	vadd.f32 v25, v35;
	v52 =	vsel vm4, $0xFFFFFFFF, v0  }
0x2af: {  	s12 =	sadd.s32 s12, s31;
	v0 =	vsel vm9, $0xFFFFFFFF, v0;
	vm14 =	vnez.u8 v51;
	v54 =	vadd.s32 s14, v52;
	v56 =	vld [tilespmem:$0x1FFD0]  }
0x2b0: {  	[tilespmem:v7+s7+$0x0] =	vst.idx.msk $0xffff, v59;
	v0 =	vadd.s32 s12, v0;
	vm11 =	vnez.u8 v61;
	v13 =	vadd.s32 v60, v14  }
0x2b1: {  	[tilespmem:v7+s8+$0x0] =	vst.idx.msk $0xffff, v45;
	v8 =	vnsel vm14, $0x0, v9;
	v13 =	vnsel vm15, $0x100000, v13;
	v20 =	vadd.s32 v63, v26  }
0x2b2: {  	vm14 =	vcmask $0x1B18;
	v20 =	vnsel vm10, $0x100000, v20;
	v42 =	vadd.s32 v33, v41;
	[tilespmem:v6+s7+$0x0] =	vst.idx.msk $0xffff, v13  }
0x2b3: {  	vm10 =	vcmask $0xF0C;
	v16 =	vnsel vm13, $0x100000, v42;
	vm13 =	vnez.u8 v50;
	[tilespmem:v6+s8+$0x0] =	vst.idx.msk $0xffff, v46;
	s19 =	spop (v2sf)  }
0x2b4: {  	v60 =	vld [tilespmem:$0x1FFE0];
	v53 =	vadd.s32 v34, v15;
	vm15 =	vnez.u8 v56;
	v7 =	vnsel vm13, $0x0, v10;
	[tilespmem:v5+s7+$0x0] =	vst.idx.msk $0xffff, v20;
	s16 =	sadd.s32 s16, s19  }
0x2b5: {  	v55 =	vadd.s32 v36, v54;
	v13 =	vnsel vm7, $0x100000, v53;
	s20 =	spop (v2sf);
	[tilespmem:v5+s8+$0x0] =	vst.idx.msk $0xffff, v48;
	v58 =	vmov s16  }
0x2b6: {  	vm7 =	vcmask $0xB08;
	vm13 =	vcmask $0x1714;
	s9 =	sadd.s32 s9, s20;
	[tilespmem:v4+s7+$0x0] =	vst.idx.msk $0xffff, v16;
	v5 =	vnsel vm5, $0x0, v58;
	s21 =	spop (v2sf)  }
0x2b7: {  	v7 =	vadd.f32 v8, v7;
	v8 =	vnsel vm15, $0x0, v10;
	[tilespmem:v4+s8+$0x0] =	vst.idx.msk $0xffff, v49;
	v59 =	vsel vm6, s9, v5;
	s22 =	spop (v2sf);
	s11 =	sadd.s32 s11, s21  }
0x2b8: {  	v6 =	vnsel vm4, $0x100000, v55;
	v0 =	vadd.s32 v40, v0;
	[tilespmem:v3+s7+$0x0] =	vst.idx.msk $0xffff, v13;
	s23 =	spop (v2sf);
	s15 =	sadd.s32 s17, s22;
	v4 =	vsel vm7, s11, v59  }
0x2b9: {  	vm8 =	vnez.u8 v60;
	v8 =	vadd.f32 v57, v8;
	[tilespmem:v3+s8+$0x0] =	vst.idx.msk $0xffff, v7;
	s24 =	spop (v2sf);
	s9 =	sadd.s32 s10, s23;
	v4 =	vsel vm10, s15, v4  }
0x2ba: {  	v5 =	vnsel vm8, $0x0, v10;
	v3 =	vnsel vm11, $0x0, v9;
	[tilespmem:v2+s7+$0x0] =	vst.idx.msk $0xffff, v6;
	s25 =	spop (v2sf);
	s11 =	sadd.s32 s13, s24;
	v4 =	vsel vm12, s9, v4  }
0x2bb: {  	v0 =	vnsel vm9, $0x100000, v0;
	v3 =	vadd.f32 v3, v5;
	[tilespmem:v2+s8+$0x0] =	vst.idx.msk $0xffff, v8;
	s26 =	sadd.s32 s14, s25;
	s28 =	spop (v2sf);
	v62 =	vsel vm13, s11, v4  }
0x2bc: {  	s29 =	sshll.u32 s1, $0x4;
	vm15 =	vcmask $0x1F1C;
	[tilespmem:v1+s7+$0x0] =	vst.idx.msk $0xffff, v0;
	s10 =	sadd.s32 s12, s28;
	v63 =	vsel vm14, s26, v62  }
0x2bd: {  	s30 =	sadd.s32 s29, s3;
	[tilespmem:v1+s8+$0x0] =	vst.idx.msk $0xffff, v3;
	v0 =	vsel vm15, s10, v63  }
0x2be: {  	s31 =	simm.s32 $0xC00;
	s9 =	sadd.s32 $0x1E00, s30;
	[tilespmem:$0xC00] =	vst v0  }
0x2bf: {  	[hbm4b:s9+s2] =	stream.linear.scatter [tilespmem:s31], [sflag:$0x1], $0x80, $0x38;
	[tilespmem:$0xC80] =	vst v63  }
0x2c0: {  	_ =	swait.ge [sflag:s5], $0x80  }
0x2c1: {  	[sflag:s5] =	ssyncset.done $0x0  }
0x2c2: {  	s4 =	sadd.s32 s4, s6;
	[sflag:s5] =	ssyncadd.s32 $0xFFFFFF80  }
0x2c3: {  	[hbm4b:s4+s2] =	stream.linear.scatter [tilespmem:s7], [sflag:$0x1], $0x400, $0x38;
	[tilespmem:$0xC80] =	vst v63  }
0x2c4: {  	_ =	swait.ge [sflag:s5], $0x400  }
0x2c5: {  	s3 =	sadd.s32 s6, s3;
	[sflag:s5] =	ssyncset.done $0x0  }
0x2c6: {  	s3 =	sadd.s32 $0x1600, s3;
	[sflag:s5] =	ssyncadd.s32 $0xFFFFFC00  }
0x2c7: {  	[hbm4b:s3+s2] =	stream.linear.scatter [tilespmem:s8], [sflag:$0x1], $0x400, $0x38;
	[tilespmem:$0xC80] =	vst v63  }
0x2c8: {  	_ =	swait.ge [sflag:s5], $0x400  }
0x2c9: {  	[sflag:s5] =	ssyncset.done $0x0  }
0x2ca: {  	[sflag:s5] =	ssyncadd.s32 $0xFFFFFC00  }
0x2cb: {  	_ =	sfence.sel $0x180000  }
0x2cc: {  	[bflag:$0x0] =	sbarrier.arrive $0xFFFF  }
0x2cd: {  	p0 =	sne.s32 s1, $0x0;
	_ =	strace $0x90000047  }
0x2ce: {  	s0 =	sadd.s32 @!p0 $0x100000, s0;
	[bflag:$0x2] =	sbarrier.arrive $0xFFFF  }
0x2cf: {  	[sflag:s0] =	ssyncadd.tile.s32 @!p0 $0x1;
	_ =	shalt  }
.Lfunc_end2:
_tile_overlayer_lowered:
.L_overlay_start_2:
0x2d0: {  	(tag) =	ssettag $0x2  }
0x2d1: {  	s0 =	rddreg [dreg:$0x0];
	s2 =	stileid.u32  }
0x2d2: {  	s1 =	rddreg [dreg:$0x1];
	p0 =	sne.s32 s2, $0x0  }
0x2d3: {  	s3 =	rddreg [dreg:$0x2];
	[bflag:$0x3] =	sbarrier.arrive $0xFFFF;
	s2 =	simm.s32 @!p0 $0x1C01  }
0x2d4: {  	[timem:s3], [sflag:s2] =	dma.local @!p0 [hbm:s0], s1  }
0x2d5: {  	s0 =	simm.s32 @!p0 $0x1  }
0x2d6: {  	_ =	swait.ge @!p0 [sflag:s0], s1  }
0x2d7: {  	s1 =	ssub.s32 @!p0 $0x0, s1;
	[sflag:s0] =	ssyncset.done @!p0 $0x0  }
0x2d8: {  	[sflag:s0] =	ssyncadd.s32 @!p0 s1  }
0x2d9: {  	[bflag:$0x3] =	sbarrier.arrive $0xFFFF  }
0x2da: {  	_ =	shalt  }

</sc_bundles>
